<compile_context>
chip_gen: v7x
topology: tpu7x:2x2x1
jax: 0.10.2.dev20260603
libtpu: 0.0.44.dev20260713+nightly
codegen_flags: <defaults>
</compile_context>

<pallas_src>
import functools

import jax
import jax.numpy as jnp
from jax import lax
from jax.experimental import pallas as pl
from jax.experimental.pallas import tpu as pltpu
from jax.experimental.pallas import tpu_sc as plsc

VOCAB = 1000000
DIM = 64
B = 16384
L = 50

NC = 2
NS = 16
NW = NC * NS

CHUNK = 128
DT = DIM // 8
BT = B // CHUNK
UNITS = L * BT
UPW = UNITS // NW
NBUF = 4
NR = UPW // NBUF


def _gather_kernel(idx_hbm, table_hbm, out_hbm, idx_v, *rest):
    gbufs = rest[0:NBUF]
    tbufs = rest[NBUF:NBUF + 2]
    gsem = rest[NBUF + 2:2 * NBUF + 2]
    osem = rest[2 * NBUF + 2:2 * NBUF + 4]
    wid = lax.axis_index("c") * NS + lax.axis_index("s")
    ubase = wid * UPW
    pltpu.sync_copy(idx_hbm.at[pl.ds(ubase, UPW)], idx_v)

    lane = lax.iota(jnp.int32, 16)
    rr = [lane + r0 * 16 for r0 in range(CHUNK // 16)]

    for j in range(NBUF):
        pltpu.async_copy(table_hbm.at[idx_v.at[j]], gbufs[j], gsem[j])

    def do_unit(r, jj):
        j = r * NBUF + jj
        u = ubase + j
        l = u // BT
        bt = u % BT
        slot = jj
        par = jj % 2
        gbuf = gbufs[slot]
        tbuf = tbufs[par]

        pltpu.make_async_copy(
            table_hbm.at[idx_v.at[j]], gbuf, gsem[slot]).wait()

        def drain_outs(j=j):
            up = ubase + j - 2
            lp = up // BT
            btp = up % BT
            for dt in range(DT):
                pltpu.make_async_copy(
                    tbufs[par].at[pl.ds(dt * 8, 8)],
                    out_hbm.at[lp, dt, btp], osem[par]).wait()

        if jj >= 2:
            drain_outs()
        else:
            @pl.when(r > 0)
            def _():
                drain_outs()

        def trans_body(k, carry):
            dd0 = (lane + k) & 15
            for d0 in range(DIM // 16):
                dd = dd0 + d0 * 16
                vals = [plsc.load_gather(gbuf, [rr[r0], dd])
                        for r0 in range(CHUNK // 16)]
                for r0 in range(CHUNK // 16):
                    plsc.store_scatter(tbuf, [dd, rr[r0]], vals[r0])
            return carry

        lax.fori_loop(0, 16, trans_body, 0)

        for dt in range(DT):
            pltpu.async_copy(
                tbuf.at[pl.ds(dt * 8, 8)], out_hbm.at[l, dt, bt], osem[par])

        @pl.when(r < NR - 1)
        def _():
            pltpu.async_copy(
                table_hbm.at[idx_v.at[j + NBUF]], gbufs[slot], gsem[slot])

    def body(r, carry):
        for jj in range(NBUF):
            do_unit(r, jj)
        return carry

    lax.fori_loop(0, NR, body, 0)

    for j in (UPW - 2, UPW - 1):
        u = ubase + j
        l = u // BT
        bt = u % BT
        for dt in range(DT):
            pltpu.make_async_copy(
                tbufs[j % 2].at[pl.ds(dt * 8, 8)],
                out_hbm.at[l, dt, bt], osem[j % 2]).wait()


@jax.jit
def _embedding_lookup(xt_chunks, embedding):
    mesh = plsc.VectorSubcoreMesh(core_axis_name="c", subcore_axis_name="s")
    fn = functools.partial(
        pl.kernel,
        mesh=mesh,
        out_type=jax.ShapeDtypeStruct((L, DT, BT, 8, CHUNK), jnp.float32),
        scratch_types=(
            [pltpu.VMEM((UPW, CHUNK), jnp.int32)]
            + [pltpu.VMEM((CHUNK, DIM), jnp.float32) for _ in range(NBUF)]
            + [pltpu.VMEM((DIM, CHUNK), jnp.float32) for _ in range(2)]
            + [pltpu.SemaphoreType.DMA for _ in range(NBUF + 2)]
        ),
        compiler_params=pltpu.CompilerParams(
            use_tc_tiling_on_sc=False, needs_layout_passes=False),
    )(_gather_kernel)
    return fn(xt_chunks, embedding)


def kernel(x, embedding):
    xt_chunks = x.T.reshape(UNITS, CHUNK)
    out5 = _embedding_lookup(xt_chunks, embedding)
    return out5.transpose(2, 4, 0, 1, 3).reshape(B, L, DIM)

# --- scband reference (transcript-rebuilt; emitter-appended) ---
"""Pipeline reference for scband-embedding-layer-13460427505879 (READ-ONLY COPY).

The authoritative reference and input builder live on the scoring server;
editing this copy changes nothing except your own understanding.
"""

import jax, jax.numpy as jnp
import numpy as np

VOCAB = 1000000
DIM = 64
B = 16384
L = 50

def setup_inputs(seed: int = 0) -> dict:
    key = jax.random.key(seed)
    k1, k2 = jax.random.split(key)
    x = jax.random.randint(k1, (B, L), 0, VOCAB, dtype=jnp.int64 if jax.config.jax_enable_x64 else jnp.int32)
    # kaiming_uniform(a=sqrt(5)) on (vocab, dim): bound = sqrt(6 / ((1 + 5) * fan_in)), fan_in = dim
    bound = float(np.sqrt(6.0 / (6.0 * DIM)))
    embedding = jax.random.uniform(k2, (VOCAB, DIM), dtype=jnp.float32, minval=-bound, maxval=bound)
    return {"x": x, "embedding": embedding}

def reference(x, embedding):
    # EmbeddingLayer.forward: self.embedding[x]
    return jnp.take(embedding, x, axis=0)

if __name__ == "__main__":
    import jax
    _d = setup_inputs()
    print(jax.jit(kernel)(*tuple(_d.values())))

</pallas_src>

<mosaic_0001>
#map = affine_map<(d0, d1) -> (0, 0)>
#map1 = affine_map<(d0, d1) -> (0, 0, 0, 0, 0)>
module attributes {stable_mosaic.version = 14 : i64} {
  func.func @_gather_kernel(%arg0: i32, %arg1: i32, %arg2: memref<6400x128xi32, #tpu.memory_space<hbm>>, %arg3: memref<1000000x64xf32, #tpu.memory_space<hbm>>, %arg4: memref<50x8x128x8x128xf32, #tpu.memory_space<hbm>>, %arg5: memref<200x128xi32, #tpu.memory_space<vmem>>, %arg6: memref<128x64xf32, #tpu.memory_space<vmem>>, %arg7: memref<128x64xf32, #tpu.memory_space<vmem>>, %arg8: memref<128x64xf32, #tpu.memory_space<vmem>>, %arg9: memref<128x64xf32, #tpu.memory_space<vmem>>, %arg10: memref<64x128xf32, #tpu.memory_space<vmem>>, %arg11: memref<64x128xf32, #tpu.memory_space<vmem>>, %arg12: memref<!tpu.dma_semaphore, #tpu.memory_space<semaphore_mem>>, %arg13: memref<!tpu.dma_semaphore, #tpu.memory_space<semaphore_mem>>, %arg14: memref<!tpu.dma_semaphore, #tpu.memory_space<semaphore_mem>>, %arg15: memref<!tpu.dma_semaphore, #tpu.memory_space<semaphore_mem>>, %arg16: memref<!tpu.dma_semaphore, #tpu.memory_space<semaphore_mem>>, %arg17: memref<!tpu.dma_semaphore, #tpu.memory_space<semaphore_mem>>) attributes {dimension_semantics = [#tpu.dimension_semantics<core_parallel>, #tpu.dimension_semantics<subcore_parallel>], iteration_bounds = array<i64: 2, 16>, scalar_prefetch = 0 : i64, scratch_operands = 13 : i64, tpu.core_type = #tpu.core_type<sc_vector_subcore>, window_params = [{transform_indices = #map}, {transform_indices = #map}, {transform_indices = #map1}]} {
    %mul3A = arith.constant 16 : i32
    %mul3A_0 = arith.muli %arg0, %mul3A : i32
    %add3A = arith.addi %mul3A_0, %arg1 : i32
    %mul3A_1 = arith.constant 200 : i32
    %mul3A_2 = arith.muli %add3A, %mul3A_1 : i32
    "tpu.region"() ({
      %run_scoped3A = tpu.sem_alloc : memref<!tpu.dma_semaphore, #tpu.memory_space<semaphore_mem>>
      %dma_start3A_372 = arith.constant 0 : i32
      %dma_start3A_373 = tpu.memref_slice %arg2[%mul3A_2, %dma_start3A_372] : memref<6400x128xi32, #tpu.memory_space<hbm>> -> memref<200x128xi32, #tpu.memory_space<hbm>>
      %dma_start3A_374 = arith.constant 0 : i32
      %dma_start3A_375 = tpu.memref_slice %arg2[%mul3A_2, %dma_start3A_374] : memref<6400x128xi32, #tpu.memory_space<hbm>> -> memref<200x128xi32, #tpu.memory_space<hbm>>
      tpu.enqueue_dma source(%dma_start3A_375 : memref<200x128xi32, #tpu.memory_space<hbm>>) target(%arg5 : memref<200x128xi32, #tpu.memory_space<vmem>>) target_semaphore(%run_scoped3A : memref<!tpu.dma_semaphore, #tpu.memory_space<semaphore_mem>>)
      %dma_wait3A_376 = arith.constant 0 : i32
      %dma_wait3A_377 = tpu.memref_slice %arg2[%mul3A_2, %dma_wait3A_376] : memref<6400x128xi32, #tpu.memory_space<hbm>> -> memref<200x128xi32, #tpu.memory_space<hbm>>
      %dma_wait3A_378 = arith.constant 0 : i32
      %dma_wait3A_379 = tpu.memref_slice %arg2[%mul3A_2, %dma_wait3A_378] : memref<6400x128xi32, #tpu.memory_space<hbm>> -> memref<200x128xi32, #tpu.memory_space<hbm>>
      tpu.wait_dma2 semaphore(%run_scoped3A : memref<!tpu.dma_semaphore, #tpu.memory_space<semaphore_mem>>) src(%dma_wait3A_379 : memref<200x128xi32, #tpu.memory_space<hbm>>) dst(%arg5 : memref<200x128xi32, #tpu.memory_space<vmem>>)
      tpu.yield
    }) : () -> ()
    %iota3A = tpu.iota {dimensions = array<i32: 0>} : vector<16xi32>
    %add3A_3 = arith.constant 0 : i32
    %add3A_4 = vector.broadcast %add3A_3 : i32 to vector<16xi32>
    %add3A_5 = arith.addi %iota3A, %add3A_4 : vector<16xi32>
    %add3A_6 = arith.constant 16 : i32
    %add3A_7 = vector.broadcast %add3A_6 : i32 to vector<16xi32>
    %add3A_8 = arith.addi %iota3A, %add3A_7 : vector<16xi32>
    %add3A_9 = arith.constant 32 : i32
    %add3A_10 = vector.broadcast %add3A_9 : i32 to vector<16xi32>
    %add3A_11 = arith.addi %iota3A, %add3A_10 : vector<16xi32>
    %add3A_12 = arith.constant 48 : i32
    %add3A_13 = vector.broadcast %add3A_12 : i32 to vector<16xi32>
    %add3A_14 = arith.addi %iota3A, %add3A_13 : vector<16xi32>
    %add3A_15 = arith.constant 64 : i32
    %add3A_16 = vector.broadcast %add3A_15 : i32 to vector<16xi32>
    %add3A_17 = arith.addi %iota3A, %add3A_16 : vector<16xi32>
    %add3A_18 = arith.constant 80 : i32
    %add3A_19 = vector.broadcast %add3A_18 : i32 to vector<16xi32>
    %add3A_20 = arith.addi %iota3A, %add3A_19 : vector<16xi32>
    %add3A_21 = arith.constant 96 : i32
    %add3A_22 = vector.broadcast %add3A_21 : i32 to vector<16xi32>
    %add3A_23 = arith.addi %iota3A, %add3A_22 : vector<16xi32>
    %add3A_24 = arith.constant 112 : i32
    %add3A_25 = vector.broadcast %add3A_24 : i32 to vector<16xi32>
    %add3A_26 = arith.addi %iota3A, %add3A_25 : vector<16xi32>
    %dma_start3A = arith.constant 0 : i32
    %dma_start3A_27 = arith.constant 0 : i32
    %dma_start3A_28 = tpu.memref_slice %arg5[%dma_start3A, %dma_start3A_27] : memref<200x128xi32, #tpu.memory_space<vmem>> -> memref<1x128xi32, #tpu.memory_space<vmem>>
    %dma_start3A_29 = tpu.memref_squeeze %dma_start3A_28 : memref<1x128xi32, #tpu.memory_space<vmem>> -> memref<128xi32, #tpu.memory_space<vmem>>
    %dma_start3A_30 = arith.constant 0 : i32
    %dma_start3A_31 = arith.constant 0 : i32
    %dma_start3A_32 = tpu.memref_slice %arg3[%dma_start3A_30, %dma_start3A_31] : memref<1000000x64xf32, #tpu.memory_space<hbm>> -> memref<1000000x64xf32, #tpu.memory_space<hbm>>
    tpu.enqueue_indirect_dma source(%dma_start3A_32 : memref<1000000x64xf32, #tpu.memory_space<hbm>>) target(%arg6 : memref<128x64xf32, #tpu.memory_space<vmem>>) offsets(%dma_start3A_29 : memref<128xi32, #tpu.memory_space<vmem>>) semaphore(%arg12 : memref<!tpu.dma_semaphore, #tpu.memory_space<semaphore_mem>>)
    %dma_start3A_33 = arith.constant 1 : i32
    %dma_start3A_34 = arith.constant 0 : i32
    %dma_start3A_35 = tpu.memref_slice %arg5[%dma_start3A_33, %dma_start3A_34] : memref<200x128xi32, #tpu.memory_space<vmem>> -> memref<1x128xi32, #tpu.memory_space<vmem>>
    %dma_start3A_36 = tpu.memref_squeeze %dma_start3A_35 : memref<1x128xi32, #tpu.memory_space<vmem>> -> memref<128xi32, #tpu.memory_space<vmem>>
    %dma_start3A_37 = arith.constant 0 : i32
    %dma_start3A_38 = arith.constant 0 : i32
    %dma_start3A_39 = tpu.memref_slice %arg3[%dma_start3A_37, %dma_start3A_38] : memref<1000000x64xf32, #tpu.memory_space<hbm>> -> memref<1000000x64xf32, #tpu.memory_space<hbm>>
    tpu.enqueue_indirect_dma source(%dma_start3A_39 : memref<1000000x64xf32, #tpu.memory_space<hbm>>) target(%arg7 : memref<128x64xf32, #tpu.memory_space<vmem>>) offsets(%dma_start3A_36 : memref<128xi32, #tpu.memory_space<vmem>>) semaphore(%arg13 : memref<!tpu.dma_semaphore, #tpu.memory_space<semaphore_mem>>)
    %dma_start3A_40 = arith.constant 2 : i32
    %dma_start3A_41 = arith.constant 0 : i32
    %dma_start3A_42 = tpu.memref_slice %arg5[%dma_start3A_40, %dma_start3A_41] : memref<200x128xi32, #tpu.memory_space<vmem>> -> memref<1x128xi32, #tpu.memory_space<vmem>>
    %dma_start3A_43 = tpu.memref_squeeze %dma_start3A_42 : memref<1x128xi32, #tpu.memory_space<vmem>> -> memref<128xi32, #tpu.memory_space<vmem>>
    %dma_start3A_44 = arith.constant 0 : i32
    %dma_start3A_45 = arith.constant 0 : i32
    %dma_start3A_46 = tpu.memref_slice %arg3[%dma_start3A_44, %dma_start3A_45] : memref<1000000x64xf32, #tpu.memory_space<hbm>> -> memref<1000000x64xf32, #tpu.memory_space<hbm>>
    tpu.enqueue_indirect_dma source(%dma_start3A_46 : memref<1000000x64xf32, #tpu.memory_space<hbm>>) target(%arg8 : memref<128x64xf32, #tpu.memory_space<vmem>>) offsets(%dma_start3A_43 : memref<128xi32, #tpu.memory_space<vmem>>) semaphore(%arg14 : memref<!tpu.dma_semaphore, #tpu.memory_space<semaphore_mem>>)
    %dma_start3A_47 = arith.constant 3 : i32
    %dma_start3A_48 = arith.constant 0 : i32
    %dma_start3A_49 = tpu.memref_slice %arg5[%dma_start3A_47, %dma_start3A_48] : memref<200x128xi32, #tpu.memory_space<vmem>> -> memref<1x128xi32, #tpu.memory_space<vmem>>
    %dma_start3A_50 = tpu.memref_squeeze %dma_start3A_49 : memref<1x128xi32, #tpu.memory_space<vmem>> -> memref<128xi32, #tpu.memory_space<vmem>>
    %dma_start3A_51 = arith.constant 0 : i32
    %dma_start3A_52 = arith.constant 0 : i32
    %dma_start3A_53 = tpu.memref_slice %arg3[%dma_start3A_51, %dma_start3A_52] : memref<1000000x64xf32, #tpu.memory_space<hbm>> -> memref<1000000x64xf32, #tpu.memory_space<hbm>>
    tpu.enqueue_indirect_dma source(%dma_start3A_53 : memref<1000000x64xf32, #tpu.memory_space<hbm>>) target(%arg9 : memref<128x64xf32, #tpu.memory_space<vmem>>) offsets(%dma_start3A_50 : memref<128xi32, #tpu.memory_space<vmem>>) semaphore(%arg15 : memref<!tpu.dma_semaphore, #tpu.memory_space<semaphore_mem>>)
    %scan3A = arith.constant 0 : i32
    %scan3A_54 = arith.constant 0 : i32
    %scan3A_55 = arith.constant 50 : i32
    %scan3A_56 = arith.addi %scan3A_54, %scan3A_55 : i32
    %scan3A_57 = arith.constant 1 : i32
    scf.for %scan3A_372 = %scan3A_54 to %scan3A_56 step %scan3A_57  : i32 {
      %mul3A_373 = arith.constant 4 : i32
      %mul3A_374 = arith.muli %scan3A_372, %mul3A_373 : i32
      %add3A_375 = arith.constant 0 : i32
      %add3A_376 = arith.addi %mul3A_374, %add3A_375 : i32
      %add3A_377 = arith.addi %mul3A_2, %add3A_376 : i32
      %jit3A_378 = arith.constant 128 : i32
      %div3A_379 = arith.divsi %add3A_377, %jit3A_378 : i32
      %sign3A_380 = arith.constant 0 : i32
      %sign3A_381 = arith.cmpi sgt, %add3A_377, %sign3A_380 : i32
      %sign3A_382 = arith.extui %sign3A_381 : i1 to i32
      %sign3A_383 = arith.constant 0 : i32
      %sign3A_384 = arith.cmpi slt, %add3A_377, %sign3A_383 : i32
      %sign3A_385 = arith.extui %sign3A_384 : i1 to i32
      %sign3A_386 = arith.subi %sign3A_382, %sign3A_385 : i32
      %sign3A_387 = arith.constant 0 : i32
      %sign3A_388 = arith.cmpi sgt, %jit3A_378, %sign3A_387 : i32
      %sign3A_389 = arith.extui %sign3A_388 : i1 to i32
      %sign3A_390 = arith.constant 0 : i32
      %sign3A_391 = arith.cmpi slt, %jit3A_378, %sign3A_390 : i32
      %sign3A_392 = arith.extui %sign3A_391 : i1 to i32
      %sign3A_393 = arith.subi %sign3A_389, %sign3A_392 : i32
      %ne3A_394 = arith.cmpi ne, %sign3A_386, %sign3A_393 : i32
      %rem3A_395 = arith.remsi %add3A_377, %jit3A_378 : i32
      %ne3A_396 = arith.constant 0 : i32
      %ne3A_397 = arith.cmpi ne, %rem3A_395, %ne3A_396 : i32
      %and3A_398 = arith.andi %ne3A_394, %ne3A_397 : i1
      %sub3A_399 = arith.constant 1 : i32
      %sub3A_400 = arith.subi %div3A_379, %sub3A_399 : i32
      %select_n3A_401 = arith.select %and3A_398, %sub3A_400, %div3A_379 : i32
      %jit3A_402 = arith.constant 128 : i32
      %eq3A_403 = arith.constant 0 : i32
      %eq3A_404 = arith.cmpi eq, %jit3A_402, %eq3A_403 : i32
      %jit3A_405 = arith.constant 1 : i32
      %select_n3A_406 = arith.select %eq3A_404, %jit3A_405, %jit3A_402 : i32
      %rem3A_407 = arith.remsi %add3A_377, %select_n3A_406 : i32
      %ne3A_408 = arith.constant 0 : i32
      %ne3A_409 = arith.cmpi ne, %rem3A_407, %ne3A_408 : i32
      %lt3A_410 = arith.constant 0 : i32
      %lt3A_411 = arith.cmpi slt, %rem3A_407, %lt3A_410 : i32
      %lt3A_412 = arith.constant 0 : i32
      %lt3A_413 = arith.cmpi slt, %select_n3A_406, %lt3A_412 : i32
      %ne3A_414 = arith.xori %lt3A_411, %lt3A_413 : i1
      %and3A_415 = arith.andi %ne3A_414, %ne3A_409 : i1
      %add3A_416 = arith.addi %rem3A_407, %select_n3A_406 : i32
      %select_n3A_417 = arith.select %and3A_415, %add3A_416, %rem3A_407 : i32
      %dma_wait3A_418 = arith.constant 0 : i32
      %dma_wait3A_419 = tpu.memref_slice %arg5[%add3A_376, %dma_wait3A_418] : memref<200x128xi32, #tpu.memory_space<vmem>> -> memref<1x128xi32, #tpu.memory_space<vmem>>
      %dma_wait3A_420 = tpu.memref_squeeze %dma_wait3A_419 : memref<1x128xi32, #tpu.memory_space<vmem>> -> memref<128xi32, #tpu.memory_space<vmem>>
      %dma_wait3A_421 = arith.constant 0 : i32
      %dma_wait3A_422 = arith.constant 0 : i32
      %dma_wait3A_423 = tpu.memref_slice %arg3[%dma_wait3A_421, %dma_wait3A_422] : memref<1000000x64xf32, #tpu.memory_space<hbm>> -> memref<1000000x64xf32, #tpu.memory_space<hbm>>
      tpu.wait_indirect_dma semaphore(%arg12 : memref<!tpu.dma_semaphore, #tpu.memory_space<semaphore_mem>>) src(%dma_wait3A_423 : memref<1000000x64xf32, #tpu.memory_space<hbm>>) dst(%arg6 : memref<128x64xf32, #tpu.memory_space<vmem>>)
      %gt3A = arith.constant 0 : i32
      %gt3A_424 = arith.cmpi sgt, %scan3A_372, %gt3A : i32
      %convert_element_type3A = arith.extui %gt3A_424 : i1 to i32
      %cond3A = arith.constant 0 : i32
      %cond3A_425 = arith.cmpi ne, %convert_element_type3A, %cond3A : i32
      scf.if %cond3A_425 {
        %add3A_1434 = arith.addi %mul3A_2, %add3A_376 : i32
        %sub3A_1435 = arith.constant 2 : i32
        %sub3A_1436 = arith.subi %add3A_1434, %sub3A_1435 : i32
        %jit3A_1437 = arith.constant 128 : i32
        %div3A_1438 = arith.divsi %sub3A_1436, %jit3A_1437 : i32
        %sign3A_1439 = arith.constant 0 : i32
        %sign3A_1440 = arith.cmpi sgt, %sub3A_1436, %sign3A_1439 : i32
        %sign3A_1441 = arith.extui %sign3A_1440 : i1 to i32
        %sign3A_1442 = arith.constant 0 : i32
        %sign3A_1443 = arith.cmpi slt, %sub3A_1436, %sign3A_1442 : i32
        %sign3A_1444 = arith.extui %sign3A_1443 : i1 to i32
        %sign3A_1445 = arith.subi %sign3A_1441, %sign3A_1444 : i32
        %sign3A_1446 = arith.constant 0 : i32
        %sign3A_1447 = arith.cmpi sgt, %jit3A_1437, %sign3A_1446 : i32
        %sign3A_1448 = arith.extui %sign3A_1447 : i1 to i32
        %sign3A_1449 = arith.constant 0 : i32
        %sign3A_1450 = arith.cmpi slt, %jit3A_1437, %sign3A_1449 : i32
        %sign3A_1451 = arith.extui %sign3A_1450 : i1 to i32
        %sign3A_1452 = arith.subi %sign3A_1448, %sign3A_1451 : i32
        %ne3A_1453 = arith.cmpi ne, %sign3A_1445, %sign3A_1452 : i32
        %rem3A_1454 = arith.remsi %sub3A_1436, %jit3A_1437 : i32
        %ne3A_1455 = arith.constant 0 : i32
        %ne3A_1456 = arith.cmpi ne, %rem3A_1454, %ne3A_1455 : i32
        %and3A_1457 = arith.andi %ne3A_1453, %ne3A_1456 : i1
        %sub3A_1458 = arith.constant 1 : i32
        %sub3A_1459 = arith.subi %div3A_1438, %sub3A_1458 : i32
        %select_n3A_1460 = arith.select %and3A_1457, %sub3A_1459, %div3A_1438 : i32
        %jit3A_1461 = arith.constant 128 : i32
        %eq3A_1462 = arith.constant 0 : i32
        %eq3A_1463 = arith.cmpi eq, %jit3A_1461, %eq3A_1462 : i32
        %jit3A_1464 = arith.constant 1 : i32
        %select_n3A_1465 = arith.select %eq3A_1463, %jit3A_1464, %jit3A_1461 : i32
        %rem3A_1466 = arith.remsi %sub3A_1436, %select_n3A_1465 : i32
        %ne3A_1467 = arith.constant 0 : i32
        %ne3A_1468 = arith.cmpi ne, %rem3A_1466, %ne3A_1467 : i32
        %lt3A_1469 = arith.constant 0 : i32
        %lt3A_1470 = arith.cmpi slt, %rem3A_1466, %lt3A_1469 : i32
        %lt3A_1471 = arith.constant 0 : i32
        %lt3A_1472 = arith.cmpi slt, %select_n3A_1465, %lt3A_1471 : i32
        %ne3A_1473 = arith.xori %lt3A_1470, %lt3A_1472 : i1
        %and3A_1474 = arith.andi %ne3A_1473, %ne3A_1468 : i1
        %add3A_1475 = arith.addi %rem3A_1466, %select_n3A_1465 : i32
        %select_n3A_1476 = arith.select %and3A_1474, %add3A_1475, %rem3A_1466 : i32
        %dma_wait3A_1477 = arith.constant 0 : i32
        %dma_wait3A_1478 = arith.constant 0 : i32
        %dma_wait3A_1479 = arith.constant 0 : i32
        %dma_wait3A_1480 = tpu.memref_slice %arg10[%dma_wait3A_1478, %dma_wait3A_1479] : memref<64x128xf32, #tpu.memory_space<vmem>> -> memref<8x128xf32, #tpu.memory_space<vmem>>
        %dma_wait3A_1481 = arith.constant 0 : i32
        %dma_wait3A_1482 = arith.constant 0 : i32
        %dma_wait3A_1483 = tpu.memref_slice %arg4[%select_n3A_1460, %dma_wait3A_1477, %select_n3A_1476, %dma_wait3A_1481, %dma_wait3A_1482] : memref<50x8x128x8x128xf32, #tpu.memory_space<hbm>> -> memref<1x1x1x8x128xf32, #tpu.memory_space<hbm>>
        %dma_wait3A_1484 = tpu.memref_squeeze %dma_wait3A_1483 : memref<1x1x1x8x128xf32, #tpu.memory_space<hbm>> -> memref<8x128xf32, #tpu.memory_space<hbm>>
        %dma_wait3A_1485 = arith.constant 0 : i32
        %dma_wait3A_1486 = arith.constant 0 : i32
        %dma_wait3A_1487 = tpu.memref_slice %arg4[%select_n3A_1460, %dma_wait3A_1477, %select_n3A_1476, %dma_wait3A_1485, %dma_wait3A_1486] : memref<50x8x128x8x128xf32, #tpu.memory_space<hbm>> -> memref<1x1x1x8x128xf32, #tpu.memory_space<hbm>>
        %dma_wait3A_1488 = tpu.memref_squeeze %dma_wait3A_1487 : memref<1x1x1x8x128xf32, #tpu.memory_space<hbm>> -> memref<8x128xf32, #tpu.memory_space<hbm>>
        %dma_wait3A_1489 = arith.constant 0 : i32
        %dma_wait3A_1490 = arith.constant 0 : i32
        %dma_wait3A_1491 = tpu.memref_slice %arg10[%dma_wait3A_1489, %dma_wait3A_1490] : memref<64x128xf32, #tpu.memory_space<vmem>> -> memref<8x128xf32, #tpu.memory_space<vmem>>
        tpu.wait_dma2 semaphore(%arg16 : memref<!tpu.dma_semaphore, #tpu.memory_space<semaphore_mem>>) src(%dma_wait3A_1491 : memref<8x128xf32, #tpu.memory_space<vmem>>) dst(%dma_wait3A_1488 : memref<8x128xf32, #tpu.memory_space<hbm>>)
        %dma_wait3A_1492 = arith.constant 1 : i32
        %dma_wait3A_1493 = arith.constant 8 : i32
        %dma_wait3A_1494 = arith.constant 0 : i32
        %dma_wait3A_1495 = tpu.memref_slice %arg10[%dma_wait3A_1493, %dma_wait3A_1494] : memref<64x128xf32, #tpu.memory_space<vmem>> -> memref<8x128xf32, #tpu.memory_space<vmem>>
        %dma_wait3A_1496 = arith.constant 0 : i32
        %dma_wait3A_1497 = arith.constant 0 : i32
        %dma_wait3A_1498 = tpu.memref_slice %arg4[%select_n3A_1460, %dma_wait3A_1492, %select_n3A_1476, %dma_wait3A_1496, %dma_wait3A_1497] : memref<50x8x128x8x128xf32, #tpu.memory_space<hbm>> -> memref<1x1x1x8x128xf32, #tpu.memory_space<hbm>>
        %dma_wait3A_1499 = tpu.memref_squeeze %dma_wait3A_1498 : memref<1x1x1x8x128xf32, #tpu.memory_space<hbm>> -> memref<8x128xf32, #tpu.memory_space<hbm>>
        %dma_wait3A_1500 = arith.constant 0 : i32
        %dma_wait3A_1501 = arith.constant 0 : i32
        %dma_wait3A_1502 = tpu.memref_slice %arg4[%select_n3A_1460, %dma_wait3A_1492, %select_n3A_1476, %dma_wait3A_1500, %dma_wait3A_1501] : memref<50x8x128x8x128xf32, #tpu.memory_space<hbm>> -> memref<1x1x1x8x128xf32, #tpu.memory_space<hbm>>
        %dma_wait3A_1503 = tpu.memref_squeeze %dma_wait3A_1502 : memref<1x1x1x8x128xf32, #tpu.memory_space<hbm>> -> memref<8x128xf32, #tpu.memory_space<hbm>>
        %dma_wait3A_1504 = arith.constant 8 : i32
        %dma_wait3A_1505 = arith.constant 0 : i32
        %dma_wait3A_1506 = tpu.memref_slice %arg10[%dma_wait3A_1504, %dma_wait3A_1505] : memref<64x128xf32, #tpu.memory_space<vmem>> -> memref<8x128xf32, #tpu.memory_space<vmem>>
        tpu.wait_dma2 semaphore(%arg16 : memref<!tpu.dma_semaphore, #tpu.memory_space<semaphore_mem>>) src(%dma_wait3A_1506 : memref<8x128xf32, #tpu.memory_space<vmem>>) dst(%dma_wait3A_1503 : memref<8x128xf32, #tpu.memory_space<hbm>>)
        %dma_wait3A_1507 = arith.constant 2 : i32
        %dma_wait3A_1508 = arith.constant 16 : i32
        %dma_wait3A_1509 = arith.constant 0 : i32
        %dma_wait3A_1510 = tpu.memref_slice %arg10[%dma_wait3A_1508, %dma_wait3A_1509] : memref<64x128xf32, #tpu.memory_space<vmem>> -> memref<8x128xf32, #tpu.memory_space<vmem>>
        %dma_wait3A_1511 = arith.constant 0 : i32
        %dma_wait3A_1512 = arith.constant 0 : i32
        %dma_wait3A_1513 = tpu.memref_slice %arg4[%select_n3A_1460, %dma_wait3A_1507, %select_n3A_1476, %dma_wait3A_1511, %dma_wait3A_1512] : memref<50x8x128x8x128xf32, #tpu.memory_space<hbm>> -> memref<1x1x1x8x128xf32, #tpu.memory_space<hbm>>
        %dma_wait3A_1514 = tpu.memref_squeeze %dma_wait3A_1513 : memref<1x1x1x8x128xf32, #tpu.memory_space<hbm>> -> memref<8x128xf32, #tpu.memory_space<hbm>>
        %dma_wait3A_1515 = arith.constant 0 : i32
        %dma_wait3A_1516 = arith.constant 0 : i32
        %dma_wait3A_1517 = tpu.memref_slice %arg4[%select_n3A_1460, %dma_wait3A_1507, %select_n3A_1476, %dma_wait3A_1515, %dma_wait3A_1516] : memref<50x8x128x8x128xf32, #tpu.memory_space<hbm>> -> memref<1x1x1x8x128xf32, #tpu.memory_space<hbm>>
        %dma_wait3A_1518 = tpu.memref_squeeze %dma_wait3A_1517 : memref<1x1x1x8x128xf32, #tpu.memory_space<hbm>> -> memref<8x128xf32, #tpu.memory_space<hbm>>
        %dma_wait3A_1519 = arith.constant 16 : i32
        %dma_wait3A_1520 = arith.constant 0 : i32
        %dma_wait3A_1521 = tpu.memref_slice %arg10[%dma_wait3A_1519, %dma_wait3A_1520] : memref<64x128xf32, #tpu.memory_space<vmem>> -> memref<8x128xf32, #tpu.memory_space<vmem>>
        tpu.wait_dma2 semaphore(%arg16 : memref<!tpu.dma_semaphore, #tpu.memory_space<semaphore_mem>>) src(%dma_wait3A_1521 : memref<8x128xf32, #tpu.memory_space<vmem>>) dst(%dma_wait3A_1518 : memref<8x128xf32, #tpu.memory_space<hbm>>)
        %dma_wait3A_1522 = arith.constant 3 : i32
        %dma_wait3A_1523 = arith.constant 24 : i32
        %dma_wait3A_1524 = arith.constant 0 : i32
        %dma_wait3A_1525 = tpu.memref_slice %arg10[%dma_wait3A_1523, %dma_wait3A_1524] : memref<64x128xf32, #tpu.memory_space<vmem>> -> memref<8x128xf32, #tpu.memory_space<vmem>>
        %dma_wait3A_1526 = arith.constant 0 : i32
        %dma_wait3A_1527 = arith.constant 0 : i32
        %dma_wait3A_1528 = tpu.memref_slice %arg4[%select_n3A_1460, %dma_wait3A_1522, %select_n3A_1476, %dma_wait3A_1526, %dma_wait3A_1527] : memref<50x8x128x8x128xf32, #tpu.memory_space<hbm>> -> memref<1x1x1x8x128xf32, #tpu.memory_space<hbm>>
        %dma_wait3A_1529 = tpu.memref_squeeze %dma_wait3A_1528 : memref<1x1x1x8x128xf32, #tpu.memory_space<hbm>> -> memref<8x128xf32, #tpu.memory_space<hbm>>
        %dma_wait3A_1530 = arith.constant 0 : i32
        %dma_wait3A_1531 = arith.constant 0 : i32
        %dma_wait3A_1532 = tpu.memref_slice %arg4[%select_n3A_1460, %dma_wait3A_1522, %select_n3A_1476, %dma_wait3A_1530, %dma_wait3A_1531] : memref<50x8x128x8x128xf32, #tpu.memory_space<hbm>> -> memref<1x1x1x8x128xf32, #tpu.memory_space<hbm>>
        %dma_wait3A_1533 = tpu.memref_squeeze %dma_wait3A_1532 : memref<1x1x1x8x128xf32, #tpu.memory_space<hbm>> -> memref<8x128xf32, #tpu.memory_space<hbm>>
        %dma_wait3A_1534 = arith.constant 24 : i32
        %dma_wait3A_1535 = arith.constant 0 : i32
        %dma_wait3A_1536 = tpu.memref_slice %arg10[%dma_wait3A_1534, %dma_wait3A_1535] : memref<64x128xf32, #tpu.memory_space<vmem>> -> memref<8x128xf32, #tpu.memory_space<vmem>>
        tpu.wait_dma2 semaphore(%arg16 : memref<!tpu.dma_semaphore, #tpu.memory_space<semaphore_mem>>) src(%dma_wait3A_1536 : memref<8x128xf32, #tpu.memory_space<vmem>>) dst(%dma_wait3A_1533 : memref<8x128xf32, #tpu.memory_space<hbm>>)
        %dma_wait3A_1537 = arith.constant 4 : i32
        %dma_wait3A_1538 = arith.constant 32 : i32
        %dma_wait3A_1539 = arith.constant 0 : i32
        %dma_wait3A_1540 = tpu.memref_slice %arg10[%dma_wait3A_1538, %dma_wait3A_1539] : memref<64x128xf32, #tpu.memory_space<vmem>> -> memref<8x128xf32, #tpu.memory_space<vmem>>
        %dma_wait3A_1541 = arith.constant 0 : i32
        %dma_wait3A_1542 = arith.constant 0 : i32
        %dma_wait3A_1543 = tpu.memref_slice %arg4[%select_n3A_1460, %dma_wait3A_1537, %select_n3A_1476, %dma_wait3A_1541, %dma_wait3A_1542] : memref<50x8x128x8x128xf32, #tpu.memory_space<hbm>> -> memref<1x1x1x8x128xf32, #tpu.memory_space<hbm>>
        %dma_wait3A_1544 = tpu.memref_squeeze %dma_wait3A_1543 : memref<1x1x1x8x128xf32, #tpu.memory_space<hbm>> -> memref<8x128xf32, #tpu.memory_space<hbm>>
        %dma_wait3A_1545 = arith.constant 0 : i32
        %dma_wait3A_1546 = arith.constant 0 : i32
        %dma_wait3A_1547 = tpu.memref_slice %arg4[%select_n3A_1460, %dma_wait3A_1537, %select_n3A_1476, %dma_wait3A_1545, %dma_wait3A_1546] : memref<50x8x128x8x128xf32, #tpu.memory_space<hbm>> -> memref<1x1x1x8x128xf32, #tpu.memory_space<hbm>>
        %dma_wait3A_1548 = tpu.memref_squeeze %dma_wait3A_1547 : memref<1x1x1x8x128xf32, #tpu.memory_space<hbm>> -> memref<8x128xf32, #tpu.memory_space<hbm>>
        %dma_wait3A_1549 = arith.constant 32 : i32
        %dma_wait3A_1550 = arith.constant 0 : i32
        %dma_wait3A_1551 = tpu.memref_slice %arg10[%dma_wait3A_1549, %dma_wait3A_1550] : memref<64x128xf32, #tpu.memory_space<vmem>> -> memref<8x128xf32, #tpu.memory_space<vmem>>
        tpu.wait_dma2 semaphore(%arg16 : memref<!tpu.dma_semaphore, #tpu.memory_space<semaphore_mem>>) src(%dma_wait3A_1551 : memref<8x128xf32, #tpu.memory_space<vmem>>) dst(%dma_wait3A_1548 : memref<8x128xf32, #tpu.memory_space<hbm>>)
        %dma_wait3A_1552 = arith.constant 5 : i32
        %dma_wait3A_1553 = arith.constant 40 : i32
        %dma_wait3A_1554 = arith.constant 0 : i32
        %dma_wait3A_1555 = tpu.memref_slice %arg10[%dma_wait3A_1553, %dma_wait3A_1554] : memref<64x128xf32, #tpu.memory_space<vmem>> -> memref<8x128xf32, #tpu.memory_space<vmem>>
        %dma_wait3A_1556 = arith.constant 0 : i32
        %dma_wait3A_1557 = arith.constant 0 : i32
        %dma_wait3A_1558 = tpu.memref_slice %arg4[%select_n3A_1460, %dma_wait3A_1552, %select_n3A_1476, %dma_wait3A_1556, %dma_wait3A_1557] : memref<50x8x128x8x128xf32, #tpu.memory_space<hbm>> -> memref<1x1x1x8x128xf32, #tpu.memory_space<hbm>>
        %dma_wait3A_1559 = tpu.memref_squeeze %dma_wait3A_1558 : memref<1x1x1x8x128xf32, #tpu.memory_space<hbm>> -> memref<8x128xf32, #tpu.memory_space<hbm>>
        %dma_wait3A_1560 = arith.constant 0 : i32
        %dma_wait3A_1561 = arith.constant 0 : i32
        %dma_wait3A_1562 = tpu.memref_slice %arg4[%select_n3A_1460, %dma_wait3A_1552, %select_n3A_1476, %dma_wait3A_1560, %dma_wait3A_1561] : memref<50x8x128x8x128xf32, #tpu.memory_space<hbm>> -> memref<1x1x1x8x128xf32, #tpu.memory_space<hbm>>
        %dma_wait3A_1563 = tpu.memref_squeeze %dma_wait3A_1562 : memref<1x1x1x8x128xf32, #tpu.memory_space<hbm>> -> memref<8x128xf32, #tpu.memory_space<hbm>>
        %dma_wait3A_1564 = arith.constant 40 : i32
        %dma_wait3A_1565 = arith.constant 0 : i32
        %dma_wait3A_1566 = tpu.memref_slice %arg10[%dma_wait3A_1564, %dma_wait3A_1565] : memref<64x128xf32, #tpu.memory_space<vmem>> -> memref<8x128xf32, #tpu.memory_space<vmem>>
        tpu.wait_dma2 semaphore(%arg16 : memref<!tpu.dma_semaphore, #tpu.memory_space<semaphore_mem>>) src(%dma_wait3A_1566 : memref<8x128xf32, #tpu.memory_space<vmem>>) dst(%dma_wait3A_1563 : memref<8x128xf32, #tpu.memory_space<hbm>>)
        %dma_wait3A_1567 = arith.constant 6 : i32
        %dma_wait3A_1568 = arith.constant 48 : i32
        %dma_wait3A_1569 = arith.constant 0 : i32
        %dma_wait3A_1570 = tpu.memref_slice %arg10[%dma_wait3A_1568, %dma_wait3A_1569] : memref<64x128xf32, #tpu.memory_space<vmem>> -> memref<8x128xf32, #tpu.memory_space<vmem>>
        %dma_wait3A_1571 = arith.constant 0 : i32
        %dma_wait3A_1572 = arith.constant 0 : i32
        %dma_wait3A_1573 = tpu.memref_slice %arg4[%select_n3A_1460, %dma_wait3A_1567, %select_n3A_1476, %dma_wait3A_1571, %dma_wait3A_1572] : memref<50x8x128x8x128xf32, #tpu.memory_space<hbm>> -> memref<1x1x1x8x128xf32, #tpu.memory_space<hbm>>
        %dma_wait3A_1574 = tpu.memref_squeeze %dma_wait3A_1573 : memref<1x1x1x8x128xf32, #tpu.memory_space<hbm>> -> memref<8x128xf32, #tpu.memory_space<hbm>>
        %dma_wait3A_1575 = arith.constant 0 : i32
        %dma_wait3A_1576 = arith.constant 0 : i32
        %dma_wait3A_1577 = tpu.memref_slice %arg4[%select_n3A_1460, %dma_wait3A_1567, %select_n3A_1476, %dma_wait3A_1575, %dma_wait3A_1576] : memref<50x8x128x8x128xf32, #tpu.memory_space<hbm>> -> memref<1x1x1x8x128xf32, #tpu.memory_space<hbm>>
        %dma_wait3A_1578 = tpu.memref_squeeze %dma_wait3A_1577 : memref<1x1x1x8x128xf32, #tpu.memory_space<hbm>> -> memref<8x128xf32, #tpu.memory_space<hbm>>
        %dma_wait3A_1579 = arith.constant 48 : i32
        %dma_wait3A_1580 = arith.constant 0 : i32
        %dma_wait3A_1581 = tpu.memref_slice %arg10[%dma_wait3A_1579, %dma_wait3A_1580] : memref<64x128xf32, #tpu.memory_space<vmem>> -> memref<8x128xf32, #tpu.memory_space<vmem>>
        tpu.wait_dma2 semaphore(%arg16 : memref<!tpu.dma_semaphore, #tpu.memory_space<semaphore_mem>>) src(%dma_wait3A_1581 : memref<8x128xf32, #tpu.memory_space<vmem>>) dst(%dma_wait3A_1578 : memref<8x128xf32, #tpu.memory_space<hbm>>)
        %dma_wait3A_1582 = arith.constant 7 : i32
        %dma_wait3A_1583 = arith.constant 56 : i32
        %dma_wait3A_1584 = arith.constant 0 : i32
        %dma_wait3A_1585 = tpu.memref_slice %arg10[%dma_wait3A_1583, %dma_wait3A_1584] : memref<64x128xf32, #tpu.memory_space<vmem>> -> memref<8x128xf32, #tpu.memory_space<vmem>>
        %dma_wait3A_1586 = arith.constant 0 : i32
        %dma_wait3A_1587 = arith.constant 0 : i32
        %dma_wait3A_1588 = tpu.memref_slice %arg4[%select_n3A_1460, %dma_wait3A_1582, %select_n3A_1476, %dma_wait3A_1586, %dma_wait3A_1587] : memref<50x8x128x8x128xf32, #tpu.memory_space<hbm>> -> memref<1x1x1x8x128xf32, #tpu.memory_space<hbm>>
        %dma_wait3A_1589 = tpu.memref_squeeze %dma_wait3A_1588 : memref<1x1x1x8x128xf32, #tpu.memory_space<hbm>> -> memref<8x128xf32, #tpu.memory_space<hbm>>
        %dma_wait3A_1590 = arith.constant 0 : i32
        %dma_wait3A_1591 = arith.constant 0 : i32
        %dma_wait3A_1592 = tpu.memref_slice %arg4[%select_n3A_1460, %dma_wait3A_1582, %select_n3A_1476, %dma_wait3A_1590, %dma_wait3A_1591] : memref<50x8x128x8x128xf32, #tpu.memory_space<hbm>> -> memref<1x1x1x8x128xf32, #tpu.memory_space<hbm>>
        %dma_wait3A_1593 = tpu.memref_squeeze %dma_wait3A_1592 : memref<1x1x1x8x128xf32, #tpu.memory_space<hbm>> -> memref<8x128xf32, #tpu.memory_space<hbm>>
        %dma_wait3A_1594 = arith.constant 56 : i32
        %dma_wait3A_1595 = arith.constant 0 : i32
        %dma_wait3A_1596 = tpu.memref_slice %arg10[%dma_wait3A_1594, %dma_wait3A_1595] : memref<64x128xf32, #tpu.memory_space<vmem>> -> memref<8x128xf32, #tpu.memory_space<vmem>>
        tpu.wait_dma2 semaphore(%arg16 : memref<!tpu.dma_semaphore, #tpu.memory_space<semaphore_mem>>) src(%dma_wait3A_1596 : memref<8x128xf32, #tpu.memory_space<vmem>>) dst(%dma_wait3A_1593 : memref<8x128xf32, #tpu.memory_space<hbm>>)
      } else {
      }
      %scan3A_426 = arith.constant 0 : i32
      %scan3A_427 = arith.constant 0 : i32
      %scan3A_428 = arith.constant 16 : i32
      %scan3A_429 = arith.addi %scan3A_427, %scan3A_428 : i32
      %scan3A_430 = arith.constant 1 : i32
      scf.for %scan3A_1434 = %scan3A_427 to %scan3A_429 step %scan3A_430  : i32 {
        %add3A_1435 = vector.broadcast %scan3A_1434 : i32 to vector<16xi32>
        %add3A_1436 = arith.addi %iota3A, %add3A_1435 : vector<16xi32>
        %and3A_1437 = arith.constant 15 : i32
        %and3A_1438 = vector.broadcast %and3A_1437 : i32 to vector<16xi32>
        %and3A_1439 = arith.andi %add3A_1436, %and3A_1438 : vector<16xi32>
        %add3A_1440 = arith.constant 0 : i32
        %add3A_1441 = vector.broadcast %add3A_1440 : i32 to vector<16xi32>
        %add3A_1442 = arith.addi %and3A_1439, %add3A_1441 : vector<16xi32>
        %gather3A = tpu.vector_load_idx %arg6[%add3A_5, %add3A_1442] : memref<128x64xf32, #tpu.memory_space<vmem>>[vector<16xi32>, vector<16xi32>], vector<16xf32>,
        %gather3A_1443 = tpu.vector_load_idx %arg6[%add3A_8, %add3A_1442] : memref<128x64xf32, #tpu.memory_space<vmem>>[vector<16xi32>, vector<16xi32>], vector<16xf32>,
        %gather3A_1444 = tpu.vector_load_idx %arg6[%add3A_11, %add3A_1442] : memref<128x64xf32, #tpu.memory_space<vmem>>[vector<16xi32>, vector<16xi32>], vector<16xf32>,
        %gather3A_1445 = tpu.vector_load_idx %arg6[%add3A_14, %add3A_1442] : memref<128x64xf32, #tpu.memory_space<vmem>>[vector<16xi32>, vector<16xi32>], vector<16xf32>,
        %gather3A_1446 = tpu.vector_load_idx %arg6[%add3A_17, %add3A_1442] : memref<128x64xf32, #tpu.memory_space<vmem>>[vector<16xi32>, vector<16xi32>], vector<16xf32>,
        %gather3A_1447 = tpu.vector_load_idx %arg6[%add3A_20, %add3A_1442] : memref<128x64xf32, #tpu.memory_space<vmem>>[vector<16xi32>, vector<16xi32>], vector<16xf32>,
        %gather3A_1448 = tpu.vector_load_idx %arg6[%add3A_23, %add3A_1442] : memref<128x64xf32, #tpu.memory_space<vmem>>[vector<16xi32>, vector<16xi32>], vector<16xf32>,
        %gather3A_1449 = tpu.vector_load_idx %arg6[%add3A_26, %add3A_1442] : memref<128x64xf32, #tpu.memory_space<vmem>>[vector<16xi32>, vector<16xi32>], vector<16xf32>,
        tpu.vector_store_idx %arg10[%add3A_1442, %add3A_5], %gather3A : memref<64x128xf32, #tpu.memory_space<vmem>>[vector<16xi32>, vector<16xi32>], vector<16xf32>,
        tpu.vector_store_idx %arg10[%add3A_1442, %add3A_8], %gather3A_1443 : memref<64x128xf32, #tpu.memory_space<vmem>>[vector<16xi32>, vector<16xi32>], vector<16xf32>,
        tpu.vector_store_idx %arg10[%add3A_1442, %add3A_11], %gather3A_1444 : memref<64x128xf32, #tpu.memory_space<vmem>>[vector<16xi32>, vector<16xi32>], vector<16xf32>,
        tpu.vector_store_idx %arg10[%add3A_1442, %add3A_14], %gather3A_1445 : memref<64x128xf32, #tpu.memory_space<vmem>>[vector<16xi32>, vector<16xi32>], vector<16xf32>,
        tpu.vector_store_idx %arg10[%add3A_1442, %add3A_17], %gather3A_1446 : memref<64x128xf32, #tpu.memory_space<vmem>>[vector<16xi32>, vector<16xi32>], vector<16xf32>,
        tpu.vector_store_idx %arg10[%add3A_1442, %add3A_20], %gather3A_1447 : memref<64x128xf32, #tpu.memory_space<vmem>>[vector<16xi32>, vector<16xi32>], vector<16xf32>,
        tpu.vector_store_idx %arg10[%add3A_1442, %add3A_23], %gather3A_1448 : memref<64x128xf32, #tpu.memory_space<vmem>>[vector<16xi32>, vector<16xi32>], vector<16xf32>,
        tpu.vector_store_idx %arg10[%add3A_1442, %add3A_26], %gather3A_1449 : memref<64x128xf32, #tpu.memory_space<vmem>>[vector<16xi32>, vector<16xi32>], vector<16xf32>,
        %add3A_1450 = arith.constant 16 : i32
        %add3A_1451 = vector.broadcast %add3A_1450 : i32 to vector<16xi32>
        %add3A_1452 = arith.addi %and3A_1439, %add3A_1451 : vector<16xi32>
        %gather3A_1453 = tpu.vector_load_idx %arg6[%add3A_5, %add3A_1452] : memref<128x64xf32, #tpu.memory_space<vmem>>[vector<16xi32>, vector<16xi32>], vector<16xf32>,
        %gather3A_1454 = tpu.vector_load_idx %arg6[%add3A_8, %add3A_1452] : memref<128x64xf32, #tpu.memory_space<vmem>>[vector<16xi32>, vector<16xi32>], vector<16xf32>,
        %gather3A_1455 = tpu.vector_load_idx %arg6[%add3A_11, %add3A_1452] : memref<128x64xf32, #tpu.memory_space<vmem>>[vector<16xi32>, vector<16xi32>], vector<16xf32>,
        %gather3A_1456 = tpu.vector_load_idx %arg6[%add3A_14, %add3A_1452] : memref<128x64xf32, #tpu.memory_space<vmem>>[vector<16xi32>, vector<16xi32>], vector<16xf32>,
        %gather3A_1457 = tpu.vector_load_idx %arg6[%add3A_17, %add3A_1452] : memref<128x64xf32, #tpu.memory_space<vmem>>[vector<16xi32>, vector<16xi32>], vector<16xf32>,
        %gather3A_1458 = tpu.vector_load_idx %arg6[%add3A_20, %add3A_1452] : memref<128x64xf32, #tpu.memory_space<vmem>>[vector<16xi32>, vector<16xi32>], vector<16xf32>,
        %gather3A_1459 = tpu.vector_load_idx %arg6[%add3A_23, %add3A_1452] : memref<128x64xf32, #tpu.memory_space<vmem>>[vector<16xi32>, vector<16xi32>], vector<16xf32>,
        %gather3A_1460 = tpu.vector_load_idx %arg6[%add3A_26, %add3A_1452] : memref<128x64xf32, #tpu.memory_space<vmem>>[vector<16xi32>, vector<16xi32>], vector<16xf32>,
        tpu.vector_store_idx %arg10[%add3A_1452, %add3A_5], %gather3A_1453 : memref<64x128xf32, #tpu.memory_space<vmem>>[vector<16xi32>, vector<16xi32>], vector<16xf32>,
        tpu.vector_store_idx %arg10[%add3A_1452, %add3A_8], %gather3A_1454 : memref<64x128xf32, #tpu.memory_space<vmem>>[vector<16xi32>, vector<16xi32>], vector<16xf32>,
        tpu.vector_store_idx %arg10[%add3A_1452, %add3A_11], %gather3A_1455 : memref<64x128xf32, #tpu.memory_space<vmem>>[vector<16xi32>, vector<16xi32>], vector<16xf32>,
        tpu.vector_store_idx %arg10[%add3A_1452, %add3A_14], %gather3A_1456 : memref<64x128xf32, #tpu.memory_space<vmem>>[vector<16xi32>, vector<16xi32>], vector<16xf32>,
        tpu.vector_store_idx %arg10[%add3A_1452, %add3A_17], %gather3A_1457 : memref<64x128xf32, #tpu.memory_space<vmem>>[vector<16xi32>, vector<16xi32>], vector<16xf32>,
        tpu.vector_store_idx %arg10[%add3A_1452, %add3A_20], %gather3A_1458 : memref<64x128xf32, #tpu.memory_space<vmem>>[vector<16xi32>, vector<16xi32>], vector<16xf32>,
        tpu.vector_store_idx %arg10[%add3A_1452, %add3A_23], %gather3A_1459 : memref<64x128xf32, #tpu.memory_space<vmem>>[vector<16xi32>, vector<16xi32>], vector<16xf32>,
        tpu.vector_store_idx %arg10[%add3A_1452, %add3A_26], %gather3A_1460 : memref<64x128xf32, #tpu.memory_space<vmem>>[vector<16xi32>, vector<16xi32>], vector<16xf32>,
        %add3A_1461 = arith.constant 32 : i32
        %add3A_1462 = vector.broadcast %add3A_1461 : i32 to vector<16xi32>
        %add3A_1463 = arith.addi %and3A_1439, %add3A_1462 : vector<16xi32>
        %gather3A_1464 = tpu.vector_load_idx %arg6[%add3A_5, %add3A_1463] : memref<128x64xf32, #tpu.memory_space<vmem>>[vector<16xi32>, vector<16xi32>], vector<16xf32>,
        %gather3A_1465 = tpu.vector_load_idx %arg6[%add3A_8, %add3A_1463] : memref<128x64xf32, #tpu.memory_space<vmem>>[vector<16xi32>, vector<16xi32>], vector<16xf32>,
        %gather3A_1466 = tpu.vector_load_idx %arg6[%add3A_11, %add3A_1463] : memref<128x64xf32, #tpu.memory_space<vmem>>[vector<16xi32>, vector<16xi32>], vector<16xf32>,
        %gather3A_1467 = tpu.vector_load_idx %arg6[%add3A_14, %add3A_1463] : memref<128x64xf32, #tpu.memory_space<vmem>>[vector<16xi32>, vector<16xi32>], vector<16xf32>,
        %gather3A_1468 = tpu.vector_load_idx %arg6[%add3A_17, %add3A_1463] : memref<128x64xf32, #tpu.memory_space<vmem>>[vector<16xi32>, vector<16xi32>], vector<16xf32>,
        %gather3A_1469 = tpu.vector_load_idx %arg6[%add3A_20, %add3A_1463] : memref<128x64xf32, #tpu.memory_space<vmem>>[vector<16xi32>, vector<16xi32>], vector<16xf32>,
        %gather3A_1470 = tpu.vector_load_idx %arg6[%add3A_23, %add3A_1463] : memref<128x64xf32, #tpu.memory_space<vmem>>[vector<16xi32>, vector<16xi32>], vector<16xf32>,
        %gather3A_1471 = tpu.vector_load_idx %arg6[%add3A_26, %add3A_1463] : memref<128x64xf32, #tpu.memory_space<vmem>>[vector<16xi32>, vector<16xi32>], vector<16xf32>,
        tpu.vector_store_idx %arg10[%add3A_1463, %add3A_5], %gather3A_1464 : memref<64x128xf32, #tpu.memory_space<vmem>>[vector<16xi32>, vector<16xi32>], vector<16xf32>,
        tpu.vector_store_idx %arg10[%add3A_1463, %add3A_8], %gather3A_1465 : memref<64x128xf32, #tpu.memory_space<vmem>>[vector<16xi32>, vector<16xi32>], vector<16xf32>,
        tpu.vector_store_idx %arg10[%add3A_1463, %add3A_11], %gather3A_1466 : memref<64x128xf32, #tpu.memory_space<vmem>>[vector<16xi32>, vector<16xi32>], vector<16xf32>,
        tpu.vector_store_idx %arg10[%add3A_1463, %add3A_14], %gather3A_1467 : memref<64x128xf32, #tpu.memory_space<vmem>>[vector<16xi32>, vector<16xi32>], vector<16xf32>,
        tpu.vector_store_idx %arg10[%add3A_1463, %add3A_17], %gather3A_1468 : memref<64x128xf32, #tpu.memory_space<vmem>>[vector<16xi32>, vector<16xi32>], vector<16xf32>,
        tpu.vector_store_idx %arg10[%add3A_1463, %add3A_20], %gather3A_1469 : memref<64x128xf32, #tpu.memory_space<vmem>>[vector<16xi32>, vector<16xi32>], vector<16xf32>,
        tpu.vector_store_idx %arg10[%add3A_1463, %add3A_23], %gather3A_1470 : memref<64x128xf32, #tpu.memory_space<vmem>>[vector<16xi32>, vector<16xi32>], vector<16xf32>,
        tpu.vector_store_idx %arg10[%add3A_1463, %add3A_26], %gather3A_1471 : memref<64x128xf32, #tpu.memory_space<vmem>>[vector<16xi32>, vector<16xi32>], vector<16xf32>,
        %add3A_1472 = arith.constant 48 : i32
        %add3A_1473 = vector.broadcast %add3A_1472 : i32 to vector<16xi32>
        %add3A_1474 = arith.addi %and3A_1439, %add3A_1473 : vector<16xi32>
        %gather3A_1475 = tpu.vector_load_idx %arg6[%add3A_5, %add3A_1474] : memref<128x64xf32, #tpu.memory_space<vmem>>[vector<16xi32>, vector<16xi32>], vector<16xf32>,
        %gather3A_1476 = tpu.vector_load_idx %arg6[%add3A_8, %add3A_1474] : memref<128x64xf32, #tpu.memory_space<vmem>>[vector<16xi32>, vector<16xi32>], vector<16xf32>,
        %gather3A_1477 = tpu.vector_load_idx %arg6[%add3A_11, %add3A_1474] : memref<128x64xf32, #tpu.memory_space<vmem>>[vector<16xi32>, vector<16xi32>], vector<16xf32>,
        %gather3A_1478 = tpu.vector_load_idx %arg6[%add3A_14, %add3A_1474] : memref<128x64xf32, #tpu.memory_space<vmem>>[vector<16xi32>, vector<16xi32>], vector<16xf32>,
        %gather3A_1479 = tpu.vector_load_idx %arg6[%add3A_17, %add3A_1474] : memref<128x64xf32, #tpu.memory_space<vmem>>[vector<16xi32>, vector<16xi32>], vector<16xf32>,
        %gather3A_1480 = tpu.vector_load_idx %arg6[%add3A_20, %add3A_1474] : memref<128x64xf32, #tpu.memory_space<vmem>>[vector<16xi32>, vector<16xi32>], vector<16xf32>,
        %gather3A_1481 = tpu.vector_load_idx %arg6[%add3A_23, %add3A_1474] : memref<128x64xf32, #tpu.memory_space<vmem>>[vector<16xi32>, vector<16xi32>], vector<16xf32>,
        %gather3A_1482 = tpu.vector_load_idx %arg6[%add3A_26, %add3A_1474] : memref<128x64xf32, #tpu.memory_space<vmem>>[vector<16xi32>, vector<16xi32>], vector<16xf32>,
        tpu.vector_store_idx %arg10[%add3A_1474, %add3A_5], %gather3A_1475 : memref<64x128xf32, #tpu.memory_space<vmem>>[vector<16xi32>, vector<16xi32>], vector<16xf32>,
        tpu.vector_store_idx %arg10[%add3A_1474, %add3A_8], %gather3A_1476 : memref<64x128xf32, #tpu.memory_space<vmem>>[vector<16xi32>, vector<16xi32>], vector<16xf32>,
        tpu.vector_store_idx %arg10[%add3A_1474, %add3A_11], %gather3A_1477 : memref<64x128xf32, #tpu.memory_space<vmem>>[vector<16xi32>, vector<16xi32>], vector<16xf32>,
        tpu.vector_store_idx %arg10[%add3A_1474, %add3A_14], %gather3A_1478 : memref<64x128xf32, #tpu.memory_space<vmem>>[vector<16xi32>, vector<16xi32>], vector<16xf32>,
        tpu.vector_store_idx %arg10[%add3A_1474, %add3A_17], %gather3A_1479 : memref<64x128xf32, #tpu.memory_space<vmem>>[vector<16xi32>, vector<16xi32>], vector<16xf32>,
        tpu.vector_store_idx %arg10[%add3A_1474, %add3A_20], %gather3A_1480 : memref<64x128xf32, #tpu.memory_space<vmem>>[vector<16xi32>, vector<16xi32>], vector<16xf32>,
        tpu.vector_store_idx %arg10[%add3A_1474, %add3A_23], %gather3A_1481 : memref<64x128xf32, #tpu.memory_space<vmem>>[vector<16xi32>, vector<16xi32>], vector<16xf32>,
        tpu.vector_store_idx %arg10[%add3A_1474, %add3A_26], %gather3A_1482 : memref<64x128xf32, #tpu.memory_space<vmem>>[vector<16xi32>, vector<16xi32>], vector<16xf32>,
      }
      %scan3A_431 = arith.constant 16 : i32
      %dma_start3A_432 = arith.constant 0 : i32
      %dma_start3A_433 = arith.constant 0 : i32
      %dma_start3A_434 = arith.constant 0 : i32
      %dma_start3A_435 = tpu.memref_slice %arg10[%dma_start3A_433, %dma_start3A_434] : memref<64x128xf32, #tpu.memory_space<vmem>> -> memref<8x128xf32, #tpu.memory_space<vmem>>
      %dma_start3A_436 = arith.constant 0 : i32
      %dma_start3A_437 = arith.constant 0 : i32
      %dma_start3A_438 = tpu.memref_slice %arg4[%select_n3A_401, %dma_start3A_432, %select_n3A_417, %dma_start3A_436, %dma_start3A_437] : memref<50x8x128x8x128xf32, #tpu.memory_space<hbm>> -> memref<1x1x1x8x128xf32, #tpu.memory_space<hbm>>
      %dma_start3A_439 = tpu.memref_squeeze %dma_start3A_438 : memref<1x1x1x8x128xf32, #tpu.memory_space<hbm>> -> memref<8x128xf32, #tpu.memory_space<hbm>>
      %dma_start3A_440 = arith.constant 0 : i32
      %dma_start3A_441 = arith.constant 0 : i32
      %dma_start3A_442 = tpu.memref_slice %arg4[%select_n3A_401, %dma_start3A_432, %select_n3A_417, %dma_start3A_440, %dma_start3A_441] : memref<50x8x128x8x128xf32, #tpu.memory_space<hbm>> -> memref<1x1x1x8x128xf32, #tpu.memory_space<hbm>>
      %dma_start3A_443 = tpu.memref_squeeze %dma_start3A_442 : memref<1x1x1x8x128xf32, #tpu.memory_space<hbm>> -> memref<8x128xf32, #tpu.memory_space<hbm>>
      %dma_start3A_444 = arith.constant 0 : i32
      %dma_start3A_445 = arith.constant 0 : i32
      %dma_start3A_446 = tpu.memref_slice %arg10[%dma_start3A_444, %dma_start3A_445] : memref<64x128xf32, #tpu.memory_space<vmem>> -> memref<8x128xf32, #tpu.memory_space<vmem>>
      tpu.enqueue_dma source(%dma_start3A_446 : memref<8x128xf32, #tpu.memory_space<vmem>>) target(%dma_start3A_443 : memref<8x128xf32, #tpu.memory_space<hbm>>) target_semaphore(%arg16 : memref<!tpu.dma_semaphore, #tpu.memory_space<semaphore_mem>>)
      %dma_start3A_447 = arith.constant 1 : i32
      %dma_start3A_448 = arith.constant 8 : i32
      %dma_start3A_449 = arith.constant 0 : i32
      %dma_start3A_450 = tpu.memref_slice %arg10[%dma_start3A_448, %dma_start3A_449] : memref<64x128xf32, #tpu.memory_space<vmem>> -> memref<8x128xf32, #tpu.memory_space<vmem>>
      %dma_start3A_451 = arith.constant 0 : i32
      %dma_start3A_452 = arith.constant 0 : i32
      %dma_start3A_453 = tpu.memref_slice %arg4[%select_n3A_401, %dma_start3A_447, %select_n3A_417, %dma_start3A_451, %dma_start3A_452] : memref<50x8x128x8x128xf32, #tpu.memory_space<hbm>> -> memref<1x1x1x8x128xf32, #tpu.memory_space<hbm>>
      %dma_start3A_454 = tpu.memref_squeeze %dma_start3A_453 : memref<1x1x1x8x128xf32, #tpu.memory_space<hbm>> -> memref<8x128xf32, #tpu.memory_space<hbm>>
      %dma_start3A_455 = arith.constant 0 : i32
      %dma_start3A_456 = arith.constant 0 : i32
      %dma_start3A_457 = tpu.memref_slice %arg4[%select_n3A_401, %dma_start3A_447, %select_n3A_417, %dma_start3A_455, %dma_start3A_456] : memref<50x8x128x8x128xf32, #tpu.memory_space<hbm>> -> memref<1x1x1x8x128xf32, #tpu.memory_space<hbm>>
      %dma_start3A_458 = tpu.memref_squeeze %dma_start3A_457 : memref<1x1x1x8x128xf32, #tpu.memory_space<hbm>> -> memref<8x128xf32, #tpu.memory_space<hbm>>
      %dma_start3A_459 = arith.constant 8 : i32
      %dma_start3A_460 = arith.constant 0 : i32
      %dma_start3A_461 = tpu.memref_slice %arg10[%dma_start3A_459, %dma_start3A_460] : memref<64x128xf32, #tpu.memory_space<vmem>> -> memref<8x128xf32, #tpu.memory_space<vmem>>
      tpu.enqueue_dma source(%dma_start3A_461 : memref<8x128xf32, #tpu.memory_space<vmem>>) target(%dma_start3A_458 : memref<8x128xf32, #tpu.memory_space<hbm>>) target_semaphore(%arg16 : memref<!tpu.dma_semaphore, #tpu.memory_space<semaphore_mem>>)
      %dma_start3A_462 = arith.constant 2 : i32
      %dma_start3A_463 = arith.constant 16 : i32
      %dma_start3A_464 = arith.constant 0 : i32
      %dma_start3A_465 = tpu.memref_slice %arg10[%dma_start3A_463, %dma_start3A_464] : memref<64x128xf32, #tpu.memory_space<vmem>> -> memref<8x128xf32, #tpu.memory_space<vmem>>
      %dma_start3A_466 = arith.constant 0 : i32
      %dma_start3A_467 = arith.constant 0 : i32
      %dma_start3A_468 = tpu.memref_slice %arg4[%select_n3A_401, %dma_start3A_462, %select_n3A_417, %dma_start3A_466, %dma_start3A_467] : memref<50x8x128x8x128xf32, #tpu.memory_space<hbm>> -> memref<1x1x1x8x128xf32, #tpu.memory_space<hbm>>
      %dma_start3A_469 = tpu.memref_squeeze %dma_start3A_468 : memref<1x1x1x8x128xf32, #tpu.memory_space<hbm>> -> memref<8x128xf32, #tpu.memory_space<hbm>>
      %dma_start3A_470 = arith.constant 0 : i32
      %dma_start3A_471 = arith.constant 0 : i32
      %dma_start3A_472 = tpu.memref_slice %arg4[%select_n3A_401, %dma_start3A_462, %select_n3A_417, %dma_start3A_470, %dma_start3A_471] : memref<50x8x128x8x128xf32, #tpu.memory_space<hbm>> -> memref<1x1x1x8x128xf32, #tpu.memory_space<hbm>>
      %dma_start3A_473 = tpu.memref_squeeze %dma_start3A_472 : memref<1x1x1x8x128xf32, #tpu.memory_space<hbm>> -> memref<8x128xf32, #tpu.memory_space<hbm>>
      %dma_start3A_474 = arith.constant 16 : i32
      %dma_start3A_475 = arith.constant 0 : i32
      %dma_start3A_476 = tpu.memref_slice %arg10[%dma_start3A_474, %dma_start3A_475] : memref<64x128xf32, #tpu.memory_space<vmem>> -> memref<8x128xf32, #tpu.memory_space<vmem>>
      tpu.enqueue_dma source(%dma_start3A_476 : memref<8x128xf32, #tpu.memory_space<vmem>>) target(%dma_start3A_473 : memref<8x128xf32, #tpu.memory_space<hbm>>) target_semaphore(%arg16 : memref<!tpu.dma_semaphore, #tpu.memory_space<semaphore_mem>>)
      %dma_start3A_477 = arith.constant 3 : i32
      %dma_start3A_478 = arith.constant 24 : i32
      %dma_start3A_479 = arith.constant 0 : i32
      %dma_start3A_480 = tpu.memref_slice %arg10[%dma_start3A_478, %dma_start3A_479] : memref<64x128xf32, #tpu.memory_space<vmem>> -> memref<8x128xf32, #tpu.memory_space<vmem>>
      %dma_start3A_481 = arith.constant 0 : i32
      %dma_start3A_482 = arith.constant 0 : i32
      %dma_start3A_483 = tpu.memref_slice %arg4[%select_n3A_401, %dma_start3A_477, %select_n3A_417, %dma_start3A_481, %dma_start3A_482] : memref<50x8x128x8x128xf32, #tpu.memory_space<hbm>> -> memref<1x1x1x8x128xf32, #tpu.memory_space<hbm>>
      %dma_start3A_484 = tpu.memref_squeeze %dma_start3A_483 : memref<1x1x1x8x128xf32, #tpu.memory_space<hbm>> -> memref<8x128xf32, #tpu.memory_space<hbm>>
      %dma_start3A_485 = arith.constant 0 : i32
      %dma_start3A_486 = arith.constant 0 : i32
      %dma_start3A_487 = tpu.memref_slice %arg4[%select_n3A_401, %dma_start3A_477, %select_n3A_417, %dma_start3A_485, %dma_start3A_486] : memref<50x8x128x8x128xf32, #tpu.memory_space<hbm>> -> memref<1x1x1x8x128xf32, #tpu.memory_space<hbm>>
      %dma_start3A_488 = tpu.memref_squeeze %dma_start3A_487 : memref<1x1x1x8x128xf32, #tpu.memory_space<hbm>> -> memref<8x128xf32, #tpu.memory_space<hbm>>
      %dma_start3A_489 = arith.constant 24 : i32
      %dma_start3A_490 = arith.constant 0 : i32
      %dma_start3A_491 = tpu.memref_slice %arg10[%dma_start3A_489, %dma_start3A_490] : memref<64x128xf32, #tpu.memory_space<vmem>> -> memref<8x128xf32, #tpu.memory_space<vmem>>
      tpu.enqueue_dma source(%dma_start3A_491 : memref<8x128xf32, #tpu.memory_space<vmem>>) target(%dma_start3A_488 : memref<8x128xf32, #tpu.memory_space<hbm>>) target_semaphore(%arg16 : memref<!tpu.dma_semaphore, #tpu.memory_space<semaphore_mem>>)
      %dma_start3A_492 = arith.constant 4 : i32
      %dma_start3A_493 = arith.constant 32 : i32
      %dma_start3A_494 = arith.constant 0 : i32
      %dma_start3A_495 = tpu.memref_slice %arg10[%dma_start3A_493, %dma_start3A_494] : memref<64x128xf32, #tpu.memory_space<vmem>> -> memref<8x128xf32, #tpu.memory_space<vmem>>
      %dma_start3A_496 = arith.constant 0 : i32
      %dma_start3A_497 = arith.constant 0 : i32
      %dma_start3A_498 = tpu.memref_slice %arg4[%select_n3A_401, %dma_start3A_492, %select_n3A_417, %dma_start3A_496, %dma_start3A_497] : memref<50x8x128x8x128xf32, #tpu.memory_space<hbm>> -> memref<1x1x1x8x128xf32, #tpu.memory_space<hbm>>
      %dma_start3A_499 = tpu.memref_squeeze %dma_start3A_498 : memref<1x1x1x8x128xf32, #tpu.memory_space<hbm>> -> memref<8x128xf32, #tpu.memory_space<hbm>>
      %dma_start3A_500 = arith.constant 0 : i32
      %dma_start3A_501 = arith.constant 0 : i32
      %dma_start3A_502 = tpu.memref_slice %arg4[%select_n3A_401, %dma_start3A_492, %select_n3A_417, %dma_start3A_500, %dma_start3A_501] : memref<50x8x128x8x128xf32, #tpu.memory_space<hbm>> -> memref<1x1x1x8x128xf32, #tpu.memory_space<hbm>>
      %dma_start3A_503 = tpu.memref_squeeze %dma_start3A_502 : memref<1x1x1x8x128xf32, #tpu.memory_space<hbm>> -> memref<8x128xf32, #tpu.memory_space<hbm>>
      %dma_start3A_504 = arith.constant 32 : i32
      %dma_start3A_505 = arith.constant 0 : i32
      %dma_start3A_506 = tpu.memref_slice %arg10[%dma_start3A_504, %dma_start3A_505] : memref<64x128xf32, #tpu.memory_space<vmem>> -> memref<8x128xf32, #tpu.memory_space<vmem>>
      tpu.enqueue_dma source(%dma_start3A_506 : memref<8x128xf32, #tpu.memory_space<vmem>>) target(%dma_start3A_503 : memref<8x128xf32, #tpu.memory_space<hbm>>) target_semaphore(%arg16 : memref<!tpu.dma_semaphore, #tpu.memory_space<semaphore_mem>>)
      %dma_start3A_507 = arith.constant 5 : i32
      %dma_start3A_508 = arith.constant 40 : i32
      %dma_start3A_509 = arith.constant 0 : i32
      %dma_start3A_510 = tpu.memref_slice %arg10[%dma_start3A_508, %dma_start3A_509] : memref<64x128xf32, #tpu.memory_space<vmem>> -> memref<8x128xf32, #tpu.memory_space<vmem>>
      %dma_start3A_511 = arith.constant 0 : i32
      %dma_start3A_512 = arith.constant 0 : i32
      %dma_start3A_513 = tpu.memref_slice %arg4[%select_n3A_401, %dma_start3A_507, %select_n3A_417, %dma_start3A_511, %dma_start3A_512] : memref<50x8x128x8x128xf32, #tpu.memory_space<hbm>> -> memref<1x1x1x8x128xf32, #tpu.memory_space<hbm>>
      %dma_start3A_514 = tpu.memref_squeeze %dma_start3A_513 : memref<1x1x1x8x128xf32, #tpu.memory_space<hbm>> -> memref<8x128xf32, #tpu.memory_space<hbm>>
      %dma_start3A_515 = arith.constant 0 : i32
      %dma_start3A_516 = arith.constant 0 : i32
      %dma_start3A_517 = tpu.memref_slice %arg4[%select_n3A_401, %dma_start3A_507, %select_n3A_417, %dma_start3A_515, %dma_start3A_516] : memref<50x8x128x8x128xf32, #tpu.memory_space<hbm>> -> memref<1x1x1x8x128xf32, #tpu.memory_space<hbm>>
      %dma_start3A_518 = tpu.memref_squeeze %dma_start3A_517 : memref<1x1x1x8x128xf32, #tpu.memory_space<hbm>> -> memref<8x128xf32, #tpu.memory_space<hbm>>
      %dma_start3A_519 = arith.constant 40 : i32
      %dma_start3A_520 = arith.constant 0 : i32
      %dma_start3A_521 = tpu.memref_slice %arg10[%dma_start3A_519, %dma_start3A_520] : memref<64x128xf32, #tpu.memory_space<vmem>> -> memref<8x128xf32, #tpu.memory_space<vmem>>
      tpu.enqueue_dma source(%dma_start3A_521 : memref<8x128xf32, #tpu.memory_space<vmem>>) target(%dma_start3A_518 : memref<8x128xf32, #tpu.memory_space<hbm>>) target_semaphore(%arg16 : memref<!tpu.dma_semaphore, #tpu.memory_space<semaphore_mem>>)
      %dma_start3A_522 = arith.constant 6 : i32
      %dma_start3A_523 = arith.constant 48 : i32
      %dma_start3A_524 = arith.constant 0 : i32
      %dma_start3A_525 = tpu.memref_slice %arg10[%dma_start3A_523, %dma_start3A_524] : memref<64x128xf32, #tpu.memory_space<vmem>> -> memref<8x128xf32, #tpu.memory_space<vmem>>
      %dma_start3A_526 = arith.constant 0 : i32
      %dma_start3A_527 = arith.constant 0 : i32
      %dma_start3A_528 = tpu.memref_slice %arg4[%select_n3A_401, %dma_start3A_522, %select_n3A_417, %dma_start3A_526, %dma_start3A_527] : memref<50x8x128x8x128xf32, #tpu.memory_space<hbm>> -> memref<1x1x1x8x128xf32, #tpu.memory_space<hbm>>
      %dma_start3A_529 = tpu.memref_squeeze %dma_start3A_528 : memref<1x1x1x8x128xf32, #tpu.memory_space<hbm>> -> memref<8x128xf32, #tpu.memory_space<hbm>>
      %dma_start3A_530 = arith.constant 0 : i32
      %dma_start3A_531 = arith.constant 0 : i32
      %dma_start3A_532 = tpu.memref_slice %arg4[%select_n3A_401, %dma_start3A_522, %select_n3A_417, %dma_start3A_530, %dma_start3A_531] : memref<50x8x128x8x128xf32, #tpu.memory_space<hbm>> -> memref<1x1x1x8x128xf32, #tpu.memory_space<hbm>>
      %dma_start3A_533 = tpu.memref_squeeze %dma_start3A_532 : memref<1x1x1x8x128xf32, #tpu.memory_space<hbm>> -> memref<8x128xf32, #tpu.memory_space<hbm>>
      %dma_start3A_534 = arith.constant 48 : i32
      %dma_start3A_535 = arith.constant 0 : i32
      %dma_start3A_536 = tpu.memref_slice %arg10[%dma_start3A_534, %dma_start3A_535] : memref<64x128xf32, #tpu.memory_space<vmem>> -> memref<8x128xf32, #tpu.memory_space<vmem>>
      tpu.enqueue_dma source(%dma_start3A_536 : memref<8x128xf32, #tpu.memory_space<vmem>>) target(%dma_start3A_533 : memref<8x128xf32, #tpu.memory_space<hbm>>) target_semaphore(%arg16 : memref<!tpu.dma_semaphore, #tpu.memory_space<semaphore_mem>>)
      %dma_start3A_537 = arith.constant 7 : i32
      %dma_start3A_538 = arith.constant 56 : i32
      %dma_start3A_539 = arith.constant 0 : i32
      %dma_start3A_540 = tpu.memref_slice %arg10[%dma_start3A_538, %dma_start3A_539] : memref<64x128xf32, #tpu.memory_space<vmem>> -> memref<8x128xf32, #tpu.memory_space<vmem>>
      %dma_start3A_541 = arith.constant 0 : i32
      %dma_start3A_542 = arith.constant 0 : i32
      %dma_start3A_543 = tpu.memref_slice %arg4[%select_n3A_401, %dma_start3A_537, %select_n3A_417, %dma_start3A_541, %dma_start3A_542] : memref<50x8x128x8x128xf32, #tpu.memory_space<hbm>> -> memref<1x1x1x8x128xf32, #tpu.memory_space<hbm>>
      %dma_start3A_544 = tpu.memref_squeeze %dma_start3A_543 : memref<1x1x1x8x128xf32, #tpu.memory_space<hbm>> -> memref<8x128xf32, #tpu.memory_space<hbm>>
      %dma_start3A_545 = arith.constant 0 : i32
      %dma_start3A_546 = arith.constant 0 : i32
      %dma_start3A_547 = tpu.memref_slice %arg4[%select_n3A_401, %dma_start3A_537, %select_n3A_417, %dma_start3A_545, %dma_start3A_546] : memref<50x8x128x8x128xf32, #tpu.memory_space<hbm>> -> memref<1x1x1x8x128xf32, #tpu.memory_space<hbm>>
      %dma_start3A_548 = tpu.memref_squeeze %dma_start3A_547 : memref<1x1x1x8x128xf32, #tpu.memory_space<hbm>> -> memref<8x128xf32, #tpu.memory_space<hbm>>
      %dma_start3A_549 = arith.constant 56 : i32
      %dma_start3A_550 = arith.constant 0 : i32
      %dma_start3A_551 = tpu.memref_slice %arg10[%dma_start3A_549, %dma_start3A_550] : memref<64x128xf32, #tpu.memory_space<vmem>> -> memref<8x128xf32, #tpu.memory_space<vmem>>
      tpu.enqueue_dma source(%dma_start3A_551 : memref<8x128xf32, #tpu.memory_space<vmem>>) target(%dma_start3A_548 : memref<8x128xf32, #tpu.memory_space<hbm>>) target_semaphore(%arg16 : memref<!tpu.dma_semaphore, #tpu.memory_space<semaphore_mem>>)
      %lt3A_552 = arith.constant 49 : i32
      %lt3A_553 = arith.cmpi slt, %scan3A_372, %lt3A_552 : i32
      %convert_element_type3A_554 = arith.extui %lt3A_553 : i1 to i32
      %cond3A_555 = arith.constant 0 : i32
      %cond3A_556 = arith.cmpi ne, %convert_element_type3A_554, %cond3A_555 : i32
      scf.if %cond3A_556 {
        %add3A_1434 = arith.constant 4 : i32
        %add3A_1435 = arith.addi %add3A_376, %add3A_1434 : i32
        %dma_start3A_1436 = arith.constant 0 : i32
        %dma_start3A_1437 = tpu.memref_slice %arg5[%add3A_1435, %dma_start3A_1436] : memref<200x128xi32, #tpu.memory_space<vmem>> -> memref<1x128xi32, #tpu.memory_space<vmem>>
        %dma_start3A_1438 = tpu.memref_squeeze %dma_start3A_1437 : memref<1x128xi32, #tpu.memory_space<vmem>> -> memref<128xi32, #tpu.memory_space<vmem>>
        %dma_start3A_1439 = arith.constant 0 : i32
        %dma_start3A_1440 = arith.constant 0 : i32
        %dma_start3A_1441 = tpu.memref_slice %arg3[%dma_start3A_1439, %dma_start3A_1440] : memref<1000000x64xf32, #tpu.memory_space<hbm>> -> memref<1000000x64xf32, #tpu.memory_space<hbm>>
        tpu.enqueue_indirect_dma source(%dma_start3A_1441 : memref<1000000x64xf32, #tpu.memory_space<hbm>>) target(%arg6 : memref<128x64xf32, #tpu.memory_space<vmem>>) offsets(%dma_start3A_1438 : memref<128xi32, #tpu.memory_space<vmem>>) semaphore(%arg12 : memref<!tpu.dma_semaphore, #tpu.memory_space<semaphore_mem>>)
      } else {
      }
      %mul3A_557 = arith.constant 4 : i32
      %mul3A_558 = arith.muli %scan3A_372, %mul3A_557 : i32
      %add3A_559 = arith.constant 1 : i32
      %add3A_560 = arith.addi %mul3A_558, %add3A_559 : i32
      %add3A_561 = arith.addi %mul3A_2, %add3A_560 : i32
      %jit3A_562 = arith.constant 128 : i32
      %div3A_563 = arith.divsi %add3A_561, %jit3A_562 : i32
      %sign3A_564 = arith.constant 0 : i32
      %sign3A_565 = arith.cmpi sgt, %add3A_561, %sign3A_564 : i32
      %sign3A_566 = arith.extui %sign3A_565 : i1 to i32
      %sign3A_567 = arith.constant 0 : i32
      %sign3A_568 = arith.cmpi slt, %add3A_561, %sign3A_567 : i32
      %sign3A_569 = arith.extui %sign3A_568 : i1 to i32
      %sign3A_570 = arith.subi %sign3A_566, %sign3A_569 : i32
      %sign3A_571 = arith.constant 0 : i32
      %sign3A_572 = arith.cmpi sgt, %jit3A_562, %sign3A_571 : i32
      %sign3A_573 = arith.extui %sign3A_572 : i1 to i32
      %sign3A_574 = arith.constant 0 : i32
      %sign3A_575 = arith.cmpi slt, %jit3A_562, %sign3A_574 : i32
      %sign3A_576 = arith.extui %sign3A_575 : i1 to i32
      %sign3A_577 = arith.subi %sign3A_573, %sign3A_576 : i32
      %ne3A_578 = arith.cmpi ne, %sign3A_570, %sign3A_577 : i32
      %rem3A_579 = arith.remsi %add3A_561, %jit3A_562 : i32
      %ne3A_580 = arith.constant 0 : i32
      %ne3A_581 = arith.cmpi ne, %rem3A_579, %ne3A_580 : i32
      %and3A_582 = arith.andi %ne3A_578, %ne3A_581 : i1
      %sub3A_583 = arith.constant 1 : i32
      %sub3A_584 = arith.subi %div3A_563, %sub3A_583 : i32
      %select_n3A_585 = arith.select %and3A_582, %sub3A_584, %div3A_563 : i32
      %jit3A_586 = arith.constant 128 : i32
      %eq3A_587 = arith.constant 0 : i32
      %eq3A_588 = arith.cmpi eq, %jit3A_586, %eq3A_587 : i32
      %jit3A_589 = arith.constant 1 : i32
      %select_n3A_590 = arith.select %eq3A_588, %jit3A_589, %jit3A_586 : i32
      %rem3A_591 = arith.remsi %add3A_561, %select_n3A_590 : i32
      %ne3A_592 = arith.constant 0 : i32
      %ne3A_593 = arith.cmpi ne, %rem3A_591, %ne3A_592 : i32
      %lt3A_594 = arith.constant 0 : i32
      %lt3A_595 = arith.cmpi slt, %rem3A_591, %lt3A_594 : i32
      %lt3A_596 = arith.constant 0 : i32
      %lt3A_597 = arith.cmpi slt, %select_n3A_590, %lt3A_596 : i32
      %ne3A_598 = arith.xori %lt3A_595, %lt3A_597 : i1
      %and3A_599 = arith.andi %ne3A_598, %ne3A_593 : i1
      %add3A_600 = arith.addi %rem3A_591, %select_n3A_590 : i32
      %select_n3A_601 = arith.select %and3A_599, %add3A_600, %rem3A_591 : i32
      %dma_wait3A_602 = arith.constant 0 : i32
      %dma_wait3A_603 = tpu.memref_slice %arg5[%add3A_560, %dma_wait3A_602] : memref<200x128xi32, #tpu.memory_space<vmem>> -> memref<1x128xi32, #tpu.memory_space<vmem>>
      %dma_wait3A_604 = tpu.memref_squeeze %dma_wait3A_603 : memref<1x128xi32, #tpu.memory_space<vmem>> -> memref<128xi32, #tpu.memory_space<vmem>>
      %dma_wait3A_605 = arith.constant 0 : i32
      %dma_wait3A_606 = arith.constant 0 : i32
      %dma_wait3A_607 = tpu.memref_slice %arg3[%dma_wait3A_605, %dma_wait3A_606] : memref<1000000x64xf32, #tpu.memory_space<hbm>> -> memref<1000000x64xf32, #tpu.memory_space<hbm>>
      tpu.wait_indirect_dma semaphore(%arg13 : memref<!tpu.dma_semaphore, #tpu.memory_space<semaphore_mem>>) src(%dma_wait3A_607 : memref<1000000x64xf32, #tpu.memory_space<hbm>>) dst(%arg7 : memref<128x64xf32, #tpu.memory_space<vmem>>)
      %gt3A_608 = arith.constant 0 : i32
      %gt3A_609 = arith.cmpi sgt, %scan3A_372, %gt3A_608 : i32
      %convert_element_type3A_610 = arith.extui %gt3A_609 : i1 to i32
      %cond3A_611 = arith.constant 0 : i32
      %cond3A_612 = arith.cmpi ne, %convert_element_type3A_610, %cond3A_611 : i32
      scf.if %cond3A_612 {
        %add3A_1434 = arith.addi %mul3A_2, %add3A_560 : i32
        %sub3A_1435 = arith.constant 2 : i32
        %sub3A_1436 = arith.subi %add3A_1434, %sub3A_1435 : i32
        %jit3A_1437 = arith.constant 128 : i32
        %div3A_1438 = arith.divsi %sub3A_1436, %jit3A_1437 : i32
        %sign3A_1439 = arith.constant 0 : i32
        %sign3A_1440 = arith.cmpi sgt, %sub3A_1436, %sign3A_1439 : i32
        %sign3A_1441 = arith.extui %sign3A_1440 : i1 to i32
        %sign3A_1442 = arith.constant 0 : i32
        %sign3A_1443 = arith.cmpi slt, %sub3A_1436, %sign3A_1442 : i32
        %sign3A_1444 = arith.extui %sign3A_1443 : i1 to i32
        %sign3A_1445 = arith.subi %sign3A_1441, %sign3A_1444 : i32
        %sign3A_1446 = arith.constant 0 : i32
        %sign3A_1447 = arith.cmpi sgt, %jit3A_1437, %sign3A_1446 : i32
        %sign3A_1448 = arith.extui %sign3A_1447 : i1 to i32
        %sign3A_1449 = arith.constant 0 : i32
        %sign3A_1450 = arith.cmpi slt, %jit3A_1437, %sign3A_1449 : i32
        %sign3A_1451 = arith.extui %sign3A_1450 : i1 to i32
        %sign3A_1452 = arith.subi %sign3A_1448, %sign3A_1451 : i32
        %ne3A_1453 = arith.cmpi ne, %sign3A_1445, %sign3A_1452 : i32
        %rem3A_1454 = arith.remsi %sub3A_1436, %jit3A_1437 : i32
        %ne3A_1455 = arith.constant 0 : i32
        %ne3A_1456 = arith.cmpi ne, %rem3A_1454, %ne3A_1455 : i32
        %and3A_1457 = arith.andi %ne3A_1453, %ne3A_1456 : i1
        %sub3A_1458 = arith.constant 1 : i32
        %sub3A_1459 = arith.subi %div3A_1438, %sub3A_1458 : i32
        %select_n3A_1460 = arith.select %and3A_1457, %sub3A_1459, %div3A_1438 : i32
        %jit3A_1461 = arith.constant 128 : i32
        %eq3A_1462 = arith.constant 0 : i32
        %eq3A_1463 = arith.cmpi eq, %jit3A_1461, %eq3A_1462 : i32
        %jit3A_1464 = arith.constant 1 : i32
        %select_n3A_1465 = arith.select %eq3A_1463, %jit3A_1464, %jit3A_1461 : i32
        %rem3A_1466 = arith.remsi %sub3A_1436, %select_n3A_1465 : i32
        %ne3A_1467 = arith.constant 0 : i32
        %ne3A_1468 = arith.cmpi ne, %rem3A_1466, %ne3A_1467 : i32
        %lt3A_1469 = arith.constant 0 : i32
        %lt3A_1470 = arith.cmpi slt, %rem3A_1466, %lt3A_1469 : i32
        %lt3A_1471 = arith.constant 0 : i32
        %lt3A_1472 = arith.cmpi slt, %select_n3A_1465, %lt3A_1471 : i32
        %ne3A_1473 = arith.xori %lt3A_1470, %lt3A_1472 : i1
        %and3A_1474 = arith.andi %ne3A_1473, %ne3A_1468 : i1
        %add3A_1475 = arith.addi %rem3A_1466, %select_n3A_1465 : i32
        %select_n3A_1476 = arith.select %and3A_1474, %add3A_1475, %rem3A_1466 : i32
        %dma_wait3A_1477 = arith.constant 0 : i32
        %dma_wait3A_1478 = arith.constant 0 : i32
        %dma_wait3A_1479 = arith.constant 0 : i32
        %dma_wait3A_1480 = tpu.memref_slice %arg11[%dma_wait3A_1478, %dma_wait3A_1479] : memref<64x128xf32, #tpu.memory_space<vmem>> -> memref<8x128xf32, #tpu.memory_space<vmem>>
        %dma_wait3A_1481 = arith.constant 0 : i32
        %dma_wait3A_1482 = arith.constant 0 : i32
        %dma_wait3A_1483 = tpu.memref_slice %arg4[%select_n3A_1460, %dma_wait3A_1477, %select_n3A_1476, %dma_wait3A_1481, %dma_wait3A_1482] : memref<50x8x128x8x128xf32, #tpu.memory_space<hbm>> -> memref<1x1x1x8x128xf32, #tpu.memory_space<hbm>>
        %dma_wait3A_1484 = tpu.memref_squeeze %dma_wait3A_1483 : memref<1x1x1x8x128xf32, #tpu.memory_space<hbm>> -> memref<8x128xf32, #tpu.memory_space<hbm>>
        %dma_wait3A_1485 = arith.constant 0 : i32
        %dma_wait3A_1486 = arith.constant 0 : i32
        %dma_wait3A_1487 = tpu.memref_slice %arg4[%select_n3A_1460, %dma_wait3A_1477, %select_n3A_1476, %dma_wait3A_1485, %dma_wait3A_1486] : memref<50x8x128x8x128xf32, #tpu.memory_space<hbm>> -> memref<1x1x1x8x128xf32, #tpu.memory_space<hbm>>
        %dma_wait3A_1488 = tpu.memref_squeeze %dma_wait3A_1487 : memref<1x1x1x8x128xf32, #tpu.memory_space<hbm>> -> memref<8x128xf32, #tpu.memory_space<hbm>>
        %dma_wait3A_1489 = arith.constant 0 : i32
        %dma_wait3A_1490 = arith.constant 0 : i32
        %dma_wait3A_1491 = tpu.memref_slice %arg11[%dma_wait3A_1489, %dma_wait3A_1490] : memref<64x128xf32, #tpu.memory_space<vmem>> -> memref<8x128xf32, #tpu.memory_space<vmem>>
        tpu.wait_dma2 semaphore(%arg17 : memref<!tpu.dma_semaphore, #tpu.memory_space<semaphore_mem>>) src(%dma_wait3A_1491 : memref<8x128xf32, #tpu.memory_space<vmem>>) dst(%dma_wait3A_1488 : memref<8x128xf32, #tpu.memory_space<hbm>>)
        %dma_wait3A_1492 = arith.constant 1 : i32
        %dma_wait3A_1493 = arith.constant 8 : i32
        %dma_wait3A_1494 = arith.constant 0 : i32
        %dma_wait3A_1495 = tpu.memref_slice %arg11[%dma_wait3A_1493, %dma_wait3A_1494] : memref<64x128xf32, #tpu.memory_space<vmem>> -> memref<8x128xf32, #tpu.memory_space<vmem>>
        %dma_wait3A_1496 = arith.constant 0 : i32
        %dma_wait3A_1497 = arith.constant 0 : i32
        %dma_wait3A_1498 = tpu.memref_slice %arg4[%select_n3A_1460, %dma_wait3A_1492, %select_n3A_1476, %dma_wait3A_1496, %dma_wait3A_1497] : memref<50x8x128x8x128xf32, #tpu.memory_space<hbm>> -> memref<1x1x1x8x128xf32, #tpu.memory_space<hbm>>
        %dma_wait3A_1499 = tpu.memref_squeeze %dma_wait3A_1498 : memref<1x1x1x8x128xf32, #tpu.memory_space<hbm>> -> memref<8x128xf32, #tpu.memory_space<hbm>>
        %dma_wait3A_1500 = arith.constant 0 : i32
        %dma_wait3A_1501 = arith.constant 0 : i32
        %dma_wait3A_1502 = tpu.memref_slice %arg4[%select_n3A_1460, %dma_wait3A_1492, %select_n3A_1476, %dma_wait3A_1500, %dma_wait3A_1501] : memref<50x8x128x8x128xf32, #tpu.memory_space<hbm>> -> memref<1x1x1x8x128xf32, #tpu.memory_space<hbm>>
        %dma_wait3A_1503 = tpu.memref_squeeze %dma_wait3A_1502 : memref<1x1x1x8x128xf32, #tpu.memory_space<hbm>> -> memref<8x128xf32, #tpu.memory_space<hbm>>
        %dma_wait3A_1504 = arith.constant 8 : i32
        %dma_wait3A_1505 = arith.constant 0 : i32
        %dma_wait3A_1506 = tpu.memref_slice %arg11[%dma_wait3A_1504, %dma_wait3A_1505] : memref<64x128xf32, #tpu.memory_space<vmem>> -> memref<8x128xf32, #tpu.memory_space<vmem>>
        tpu.wait_dma2 semaphore(%arg17 : memref<!tpu.dma_semaphore, #tpu.memory_space<semaphore_mem>>) src(%dma_wait3A_1506 : memref<8x128xf32, #tpu.memory_space<vmem>>) dst(%dma_wait3A_1503 : memref<8x128xf32, #tpu.memory_space<hbm>>)
        %dma_wait3A_1507 = arith.constant 2 : i32
        %dma_wait3A_1508 = arith.constant 16 : i32
        %dma_wait3A_1509 = arith.constant 0 : i32
        %dma_wait3A_1510 = tpu.memref_slice %arg11[%dma_wait3A_1508, %dma_wait3A_1509] : memref<64x128xf32, #tpu.memory_space<vmem>> -> memref<8x128xf32, #tpu.memory_space<vmem>>
        %dma_wait3A_1511 = arith.constant 0 : i32
        %dma_wait3A_1512 = arith.constant 0 : i32
        %dma_wait3A_1513 = tpu.memref_slice %arg4[%select_n3A_1460, %dma_wait3A_1507, %select_n3A_1476, %dma_wait3A_1511, %dma_wait3A_1512] : memref<50x8x128x8x128xf32, #tpu.memory_space<hbm>> -> memref<1x1x1x8x128xf32, #tpu.memory_space<hbm>>
        %dma_wait3A_1514 = tpu.memref_squeeze %dma_wait3A_1513 : memref<1x1x1x8x128xf32, #tpu.memory_space<hbm>> -> memref<8x128xf32, #tpu.memory_space<hbm>>
        %dma_wait3A_1515 = arith.constant 0 : i32
        %dma_wait3A_1516 = arith.constant 0 : i32
        %dma_wait3A_1517 = tpu.memref_slice %arg4[%select_n3A_1460, %dma_wait3A_1507, %select_n3A_1476, %dma_wait3A_1515, %dma_wait3A_1516] : memref<50x8x128x8x128xf32, #tpu.memory_space<hbm>> -> memref<1x1x1x8x128xf32, #tpu.memory_space<hbm>>
        %dma_wait3A_1518 = tpu.memref_squeeze %dma_wait3A_1517 : memref<1x1x1x8x128xf32, #tpu.memory_space<hbm>> -> memref<8x128xf32, #tpu.memory_space<hbm>>
        %dma_wait3A_1519 = arith.constant 16 : i32
        %dma_wait3A_1520 = arith.constant 0 : i32
        %dma_wait3A_1521 = tpu.memref_slice %arg11[%dma_wait3A_1519, %dma_wait3A_1520] : memref<64x128xf32, #tpu.memory_space<vmem>> -> memref<8x128xf32, #tpu.memory_space<vmem>>
        tpu.wait_dma2 semaphore(%arg17 : memref<!tpu.dma_semaphore, #tpu.memory_space<semaphore_mem>>) src(%dma_wait3A_1521 : memref<8x128xf32, #tpu.memory_space<vmem>>) dst(%dma_wait3A_1518 : memref<8x128xf32, #tpu.memory_space<hbm>>)
        %dma_wait3A_1522 = arith.constant 3 : i32
        %dma_wait3A_1523 = arith.constant 24 : i32
        %dma_wait3A_1524 = arith.constant 0 : i32
        %dma_wait3A_1525 = tpu.memref_slice %arg11[%dma_wait3A_1523, %dma_wait3A_1524] : memref<64x128xf32, #tpu.memory_space<vmem>> -> memref<8x128xf32, #tpu.memory_space<vmem>>
        %dma_wait3A_1526 = arith.constant 0 : i32
        %dma_wait3A_1527 = arith.constant 0 : i32
        %dma_wait3A_1528 = tpu.memref_slice %arg4[%select_n3A_1460, %dma_wait3A_1522, %select_n3A_1476, %dma_wait3A_1526, %dma_wait3A_1527] : memref<50x8x128x8x128xf32, #tpu.memory_space<hbm>> -> memref<1x1x1x8x128xf32, #tpu.memory_space<hbm>>
        %dma_wait3A_1529 = tpu.memref_squeeze %dma_wait3A_1528 : memref<1x1x1x8x128xf32, #tpu.memory_space<hbm>> -> memref<8x128xf32, #tpu.memory_space<hbm>>
        %dma_wait3A_1530 = arith.constant 0 : i32
        %dma_wait3A_1531 = arith.constant 0 : i32
        %dma_wait3A_1532 = tpu.memref_slice %arg4[%select_n3A_1460, %dma_wait3A_1522, %select_n3A_1476, %dma_wait3A_1530, %dma_wait3A_1531] : memref<50x8x128x8x128xf32, #tpu.memory_space<hbm>> -> memref<1x1x1x8x128xf32, #tpu.memory_space<hbm>>
        %dma_wait3A_1533 = tpu.memref_squeeze %dma_wait3A_1532 : memref<1x1x1x8x128xf32, #tpu.memory_space<hbm>> -> memref<8x128xf32, #tpu.memory_space<hbm>>
        %dma_wait3A_1534 = arith.constant 24 : i32
        %dma_wait3A_1535 = arith.constant 0 : i32
        %dma_wait3A_1536 = tpu.memref_slice %arg11[%dma_wait3A_1534, %dma_wait3A_1535] : memref<64x128xf32, #tpu.memory_space<vmem>> -> memref<8x128xf32, #tpu.memory_space<vmem>>
        tpu.wait_dma2 semaphore(%arg17 : memref<!tpu.dma_semaphore, #tpu.memory_space<semaphore_mem>>) src(%dma_wait3A_1536 : memref<8x128xf32, #tpu.memory_space<vmem>>) dst(%dma_wait3A_1533 : memref<8x128xf32, #tpu.memory_space<hbm>>)
        %dma_wait3A_1537 = arith.constant 4 : i32
        %dma_wait3A_1538 = arith.constant 32 : i32
        %dma_wait3A_1539 = arith.constant 0 : i32
        %dma_wait3A_1540 = tpu.memref_slice %arg11[%dma_wait3A_1538, %dma_wait3A_1539] : memref<64x128xf32, #tpu.memory_space<vmem>> -> memref<8x128xf32, #tpu.memory_space<vmem>>
        %dma_wait3A_1541 = arith.constant 0 : i32
        %dma_wait3A_1542 = arith.constant 0 : i32
        %dma_wait3A_1543 = tpu.memref_slice %arg4[%select_n3A_1460, %dma_wait3A_1537, %select_n3A_1476, %dma_wait3A_1541, %dma_wait3A_1542] : memref<50x8x128x8x128xf32, #tpu.memory_space<hbm>> -> memref<1x1x1x8x128xf32, #tpu.memory_space<hbm>>
        %dma_wait3A_1544 = tpu.memref_squeeze %dma_wait3A_1543 : memref<1x1x1x8x128xf32, #tpu.memory_space<hbm>> -> memref<8x128xf32, #tpu.memory_space<hbm>>
        %dma_wait3A_1545 = arith.constant 0 : i32
        %dma_wait3A_1546 = arith.constant 0 : i32
        %dma_wait3A_1547 = tpu.memref_slice %arg4[%select_n3A_1460, %dma_wait3A_1537, %select_n3A_1476, %dma_wait3A_1545, %dma_wait3A_1546] : memref<50x8x128x8x128xf32, #tpu.memory_space<hbm>> -> memref<1x1x1x8x128xf32, #tpu.memory_space<hbm>>
        %dma_wait3A_1548 = tpu.memref_squeeze %dma_wait3A_1547 : memref<1x1x1x8x128xf32, #tpu.memory_space<hbm>> -> memref<8x128xf32, #tpu.memory_space<hbm>>
        %dma_wait3A_1549 = arith.constant 32 : i32
        %dma_wait3A_1550 = arith.constant 0 : i32
        %dma_wait3A_1551 = tpu.memref_slice %arg11[%dma_wait3A_1549, %dma_wait3A_1550] : memref<64x128xf32, #tpu.memory_space<vmem>> -> memref<8x128xf32, #tpu.memory_space<vmem>>
        tpu.wait_dma2 semaphore(%arg17 : memref<!tpu.dma_semaphore, #tpu.memory_space<semaphore_mem>>) src(%dma_wait3A_1551 : memref<8x128xf32, #tpu.memory_space<vmem>>) dst(%dma_wait3A_1548 : memref<8x128xf32, #tpu.memory_space<hbm>>)
        %dma_wait3A_1552 = arith.constant 5 : i32
        %dma_wait3A_1553 = arith.constant 40 : i32
        %dma_wait3A_1554 = arith.constant 0 : i32
        %dma_wait3A_1555 = tpu.memref_slice %arg11[%dma_wait3A_1553, %dma_wait3A_1554] : memref<64x128xf32, #tpu.memory_space<vmem>> -> memref<8x128xf32, #tpu.memory_space<vmem>>
        %dma_wait3A_1556 = arith.constant 0 : i32
        %dma_wait3A_1557 = arith.constant 0 : i32
        %dma_wait3A_1558 = tpu.memref_slice %arg4[%select_n3A_1460, %dma_wait3A_1552, %select_n3A_1476, %dma_wait3A_1556, %dma_wait3A_1557] : memref<50x8x128x8x128xf32, #tpu.memory_space<hbm>> -> memref<1x1x1x8x128xf32, #tpu.memory_space<hbm>>
        %dma_wait3A_1559 = tpu.memref_squeeze %dma_wait3A_1558 : memref<1x1x1x8x128xf32, #tpu.memory_space<hbm>> -> memref<8x128xf32, #tpu.memory_space<hbm>>
        %dma_wait3A_1560 = arith.constant 0 : i32
        %dma_wait3A_1561 = arith.constant 0 : i32
        %dma_wait3A_1562 = tpu.memref_slice %arg4[%select_n3A_1460, %dma_wait3A_1552, %select_n3A_1476, %dma_wait3A_1560, %dma_wait3A_1561] : memref<50x8x128x8x128xf32, #tpu.memory_space<hbm>> -> memref<1x1x1x8x128xf32, #tpu.memory_space<hbm>>
        %dma_wait3A_1563 = tpu.memref_squeeze %dma_wait3A_1562 : memref<1x1x1x8x128xf32, #tpu.memory_space<hbm>> -> memref<8x128xf32, #tpu.memory_space<hbm>>
        %dma_wait3A_1564 = arith.constant 40 : i32
        %dma_wait3A_1565 = arith.constant 0 : i32
        %dma_wait3A_1566 = tpu.memref_slice %arg11[%dma_wait3A_1564, %dma_wait3A_1565] : memref<64x128xf32, #tpu.memory_space<vmem>> -> memref<8x128xf32, #tpu.memory_space<vmem>>
        tpu.wait_dma2 semaphore(%arg17 : memref<!tpu.dma_semaphore, #tpu.memory_space<semaphore_mem>>) src(%dma_wait3A_1566 : memref<8x128xf32, #tpu.memory_space<vmem>>) dst(%dma_wait3A_1563 : memref<8x128xf32, #tpu.memory_space<hbm>>)
        %dma_wait3A_1567 = arith.constant 6 : i32
        %dma_wait3A_1568 = arith.constant 48 : i32
        %dma_wait3A_1569 = arith.constant 0 : i32
        %dma_wait3A_1570 = tpu.memref_slice %arg11[%dma_wait3A_1568, %dma_wait3A_1569] : memref<64x128xf32, #tpu.memory_space<vmem>> -> memref<8x128xf32, #tpu.memory_space<vmem>>
        %dma_wait3A_1571 = arith.constant 0 : i32
        %dma_wait3A_1572 = arith.constant 0 : i32
        %dma_wait3A_1573 = tpu.memref_slice %arg4[%select_n3A_1460, %dma_wait3A_1567, %select_n3A_1476, %dma_wait3A_1571, %dma_wait3A_1572] : memref<50x8x128x8x128xf32, #tpu.memory_space<hbm>> -> memref<1x1x1x8x128xf32, #tpu.memory_space<hbm>>
        %dma_wait3A_1574 = tpu.memref_squeeze %dma_wait3A_1573 : memref<1x1x1x8x128xf32, #tpu.memory_space<hbm>> -> memref<8x128xf32, #tpu.memory_space<hbm>>
        %dma_wait3A_1575 = arith.constant 0 : i32
        %dma_wait3A_1576 = arith.constant 0 : i32
        %dma_wait3A_1577 = tpu.memref_slice %arg4[%select_n3A_1460, %dma_wait3A_1567, %select_n3A_1476, %dma_wait3A_1575, %dma_wait3A_1576] : memref<50x8x128x8x128xf32, #tpu.memory_space<hbm>> -> memref<1x1x1x8x128xf32, #tpu.memory_space<hbm>>
        %dma_wait3A_1578 = tpu.memref_squeeze %dma_wait3A_1577 : memref<1x1x1x8x128xf32, #tpu.memory_space<hbm>> -> memref<8x128xf32, #tpu.memory_space<hbm>>
        %dma_wait3A_1579 = arith.constant 48 : i32
        %dma_wait3A_1580 = arith.constant 0 : i32
        %dma_wait3A_1581 = tpu.memref_slice %arg11[%dma_wait3A_1579, %dma_wait3A_1580] : memref<64x128xf32, #tpu.memory_space<vmem>> -> memref<8x128xf32, #tpu.memory_space<vmem>>
        tpu.wait_dma2 semaphore(%arg17 : memref<!tpu.dma_semaphore, #tpu.memory_space<semaphore_mem>>) src(%dma_wait3A_1581 : memref<8x128xf32, #tpu.memory_space<vmem>>) dst(%dma_wait3A_1578 : memref<8x128xf32, #tpu.memory_space<hbm>>)
        %dma_wait3A_1582 = arith.constant 7 : i32
        %dma_wait3A_1583 = arith.constant 56 : i32
        %dma_wait3A_1584 = arith.constant 0 : i32
        %dma_wait3A_1585 = tpu.memref_slice %arg11[%dma_wait3A_1583, %dma_wait3A_1584] : memref<64x128xf32, #tpu.memory_space<vmem>> -> memref<8x128xf32, #tpu.memory_space<vmem>>
        %dma_wait3A_1586 = arith.constant 0 : i32
        %dma_wait3A_1587 = arith.constant 0 : i32
        %dma_wait3A_1588 = tpu.memref_slice %arg4[%select_n3A_1460, %dma_wait3A_1582, %select_n3A_1476, %dma_wait3A_1586, %dma_wait3A_1587] : memref<50x8x128x8x128xf32, #tpu.memory_space<hbm>> -> memref<1x1x1x8x128xf32, #tpu.memory_space<hbm>>
        %dma_wait3A_1589 = tpu.memref_squeeze %dma_wait3A_1588 : memref<1x1x1x8x128xf32, #tpu.memory_space<hbm>> -> memref<8x128xf32, #tpu.memory_space<hbm>>
        %dma_wait3A_1590 = arith.constant 0 : i32
        %dma_wait3A_1591 = arith.constant 0 : i32
        %dma_wait3A_1592 = tpu.memref_slice %arg4[%select_n3A_1460, %dma_wait3A_1582, %select_n3A_1476, %dma_wait3A_1590, %dma_wait3A_1591] : memref<50x8x128x8x128xf32, #tpu.memory_space<hbm>> -> memref<1x1x1x8x128xf32, #tpu.memory_space<hbm>>
        %dma_wait3A_1593 = tpu.memref_squeeze %dma_wait3A_1592 : memref<1x1x1x8x128xf32, #tpu.memory_space<hbm>> -> memref<8x128xf32, #tpu.memory_space<hbm>>
        %dma_wait3A_1594 = arith.constant 56 : i32
        %dma_wait3A_1595 = arith.constant 0 : i32
        %dma_wait3A_1596 = tpu.memref_slice %arg11[%dma_wait3A_1594, %dma_wait3A_1595] : memref<64x128xf32, #tpu.memory_space<vmem>> -> memref<8x128xf32, #tpu.memory_space<vmem>>
        tpu.wait_dma2 semaphore(%arg17 : memref<!tpu.dma_semaphore, #tpu.memory_space<semaphore_mem>>) src(%dma_wait3A_1596 : memref<8x128xf32, #tpu.memory_space<vmem>>) dst(%dma_wait3A_1593 : memref<8x128xf32, #tpu.memory_space<hbm>>)
      } else {
      }
      %scan3A_613 = arith.constant 0 : i32
      %scan3A_614 = arith.constant 0 : i32
      %scan3A_615 = arith.constant 16 : i32
      %scan3A_616 = arith.addi %scan3A_614, %scan3A_615 : i32
      %scan3A_617 = arith.constant 1 : i32
      scf.for %scan3A_1434 = %scan3A_614 to %scan3A_616 step %scan3A_617  : i32 {
        %add3A_1435 = vector.broadcast %scan3A_1434 : i32 to vector<16xi32>
        %add3A_1436 = arith.addi %iota3A, %add3A_1435 : vector<16xi32>
        %and3A_1437 = arith.constant 15 : i32
        %and3A_1438 = vector.broadcast %and3A_1437 : i32 to vector<16xi32>
        %and3A_1439 = arith.andi %add3A_1436, %and3A_1438 : vector<16xi32>
        %add3A_1440 = arith.constant 0 : i32
        %add3A_1441 = vector.broadcast %add3A_1440 : i32 to vector<16xi32>
        %add3A_1442 = arith.addi %and3A_1439, %add3A_1441 : vector<16xi32>
        %gather3A = tpu.vector_load_idx %arg7[%add3A_5, %add3A_1442] : memref<128x64xf32, #tpu.memory_space<vmem>>[vector<16xi32>, vector<16xi32>], vector<16xf32>,
        %gather3A_1443 = tpu.vector_load_idx %arg7[%add3A_8, %add3A_1442] : memref<128x64xf32, #tpu.memory_space<vmem>>[vector<16xi32>, vector<16xi32>], vector<16xf32>,
        %gather3A_1444 = tpu.vector_load_idx %arg7[%add3A_11, %add3A_1442] : memref<128x64xf32, #tpu.memory_space<vmem>>[vector<16xi32>, vector<16xi32>], vector<16xf32>,
        %gather3A_1445 = tpu.vector_load_idx %arg7[%add3A_14, %add3A_1442] : memref<128x64xf32, #tpu.memory_space<vmem>>[vector<16xi32>, vector<16xi32>], vector<16xf32>,
        %gather3A_1446 = tpu.vector_load_idx %arg7[%add3A_17, %add3A_1442] : memref<128x64xf32, #tpu.memory_space<vmem>>[vector<16xi32>, vector<16xi32>], vector<16xf32>,
        %gather3A_1447 = tpu.vector_load_idx %arg7[%add3A_20, %add3A_1442] : memref<128x64xf32, #tpu.memory_space<vmem>>[vector<16xi32>, vector<16xi32>], vector<16xf32>,
        %gather3A_1448 = tpu.vector_load_idx %arg7[%add3A_23, %add3A_1442] : memref<128x64xf32, #tpu.memory_space<vmem>>[vector<16xi32>, vector<16xi32>], vector<16xf32>,
        %gather3A_1449 = tpu.vector_load_idx %arg7[%add3A_26, %add3A_1442] : memref<128x64xf32, #tpu.memory_space<vmem>>[vector<16xi32>, vector<16xi32>], vector<16xf32>,
        tpu.vector_store_idx %arg11[%add3A_1442, %add3A_5], %gather3A : memref<64x128xf32, #tpu.memory_space<vmem>>[vector<16xi32>, vector<16xi32>], vector<16xf32>,
        tpu.vector_store_idx %arg11[%add3A_1442, %add3A_8], %gather3A_1443 : memref<64x128xf32, #tpu.memory_space<vmem>>[vector<16xi32>, vector<16xi32>], vector<16xf32>,
        tpu.vector_store_idx %arg11[%add3A_1442, %add3A_11], %gather3A_1444 : memref<64x128xf32, #tpu.memory_space<vmem>>[vector<16xi32>, vector<16xi32>], vector<16xf32>,
        tpu.vector_store_idx %arg11[%add3A_1442, %add3A_14], %gather3A_1445 : memref<64x128xf32, #tpu.memory_space<vmem>>[vector<16xi32>, vector<16xi32>], vector<16xf32>,
        tpu.vector_store_idx %arg11[%add3A_1442, %add3A_17], %gather3A_1446 : memref<64x128xf32, #tpu.memory_space<vmem>>[vector<16xi32>, vector<16xi32>], vector<16xf32>,
        tpu.vector_store_idx %arg11[%add3A_1442, %add3A_20], %gather3A_1447 : memref<64x128xf32, #tpu.memory_space<vmem>>[vector<16xi32>, vector<16xi32>], vector<16xf32>,
        tpu.vector_store_idx %arg11[%add3A_1442, %add3A_23], %gather3A_1448 : memref<64x128xf32, #tpu.memory_space<vmem>>[vector<16xi32>, vector<16xi32>], vector<16xf32>,
        tpu.vector_store_idx %arg11[%add3A_1442, %add3A_26], %gather3A_1449 : memref<64x128xf32, #tpu.memory_space<vmem>>[vector<16xi32>, vector<16xi32>], vector<16xf32>,
        %add3A_1450 = arith.constant 16 : i32
        %add3A_1451 = vector.broadcast %add3A_1450 : i32 to vector<16xi32>
        %add3A_1452 = arith.addi %and3A_1439, %add3A_1451 : vector<16xi32>
        %gather3A_1453 = tpu.vector_load_idx %arg7[%add3A_5, %add3A_1452] : memref<128x64xf32, #tpu.memory_space<vmem>>[vector<16xi32>, vector<16xi32>], vector<16xf32>,
        %gather3A_1454 = tpu.vector_load_idx %arg7[%add3A_8, %add3A_1452] : memref<128x64xf32, #tpu.memory_space<vmem>>[vector<16xi32>, vector<16xi32>], vector<16xf32>,
        %gather3A_1455 = tpu.vector_load_idx %arg7[%add3A_11, %add3A_1452] : memref<128x64xf32, #tpu.memory_space<vmem>>[vector<16xi32>, vector<16xi32>], vector<16xf32>,
        %gather3A_1456 = tpu.vector_load_idx %arg7[%add3A_14, %add3A_1452] : memref<128x64xf32, #tpu.memory_space<vmem>>[vector<16xi32>, vector<16xi32>], vector<16xf32>,
        %gather3A_1457 = tpu.vector_load_idx %arg7[%add3A_17, %add3A_1452] : memref<128x64xf32, #tpu.memory_space<vmem>>[vector<16xi32>, vector<16xi32>], vector<16xf32>,
        %gather3A_1458 = tpu.vector_load_idx %arg7[%add3A_20, %add3A_1452] : memref<128x64xf32, #tpu.memory_space<vmem>>[vector<16xi32>, vector<16xi32>], vector<16xf32>,
        %gather3A_1459 = tpu.vector_load_idx %arg7[%add3A_23, %add3A_1452] : memref<128x64xf32, #tpu.memory_space<vmem>>[vector<16xi32>, vector<16xi32>], vector<16xf32>,
        %gather3A_1460 = tpu.vector_load_idx %arg7[%add3A_26, %add3A_1452] : memref<128x64xf32, #tpu.memory_space<vmem>>[vector<16xi32>, vector<16xi32>], vector<16xf32>,
        tpu.vector_store_idx %arg11[%add3A_1452, %add3A_5], %gather3A_1453 : memref<64x128xf32, #tpu.memory_space<vmem>>[vector<16xi32>, vector<16xi32>], vector<16xf32>,
        tpu.vector_store_idx %arg11[%add3A_1452, %add3A_8], %gather3A_1454 : memref<64x128xf32, #tpu.memory_space<vmem>>[vector<16xi32>, vector<16xi32>], vector<16xf32>,
        tpu.vector_store_idx %arg11[%add3A_1452, %add3A_11], %gather3A_1455 : memref<64x128xf32, #tpu.memory_space<vmem>>[vector<16xi32>, vector<16xi32>], vector<16xf32>,
        tpu.vector_store_idx %arg11[%add3A_1452, %add3A_14], %gather3A_1456 : memref<64x128xf32, #tpu.memory_space<vmem>>[vector<16xi32>, vector<16xi32>], vector<16xf32>,
        tpu.vector_store_idx %arg11[%add3A_1452, %add3A_17], %gather3A_1457 : memref<64x128xf32, #tpu.memory_space<vmem>>[vector<16xi32>, vector<16xi32>], vector<16xf32>,
        tpu.vector_store_idx %arg11[%add3A_1452, %add3A_20], %gather3A_1458 : memref<64x128xf32, #tpu.memory_space<vmem>>[vector<16xi32>, vector<16xi32>], vector<16xf32>,
        tpu.vector_store_idx %arg11[%add3A_1452, %add3A_23], %gather3A_1459 : memref<64x128xf32, #tpu.memory_space<vmem>>[vector<16xi32>, vector<16xi32>], vector<16xf32>,
        tpu.vector_store_idx %arg11[%add3A_1452, %add3A_26], %gather3A_1460 : memref<64x128xf32, #tpu.memory_space<vmem>>[vector<16xi32>, vector<16xi32>], vector<16xf32>,
        %add3A_1461 = arith.constant 32 : i32
        %add3A_1462 = vector.broadcast %add3A_1461 : i32 to vector<16xi32>
        %add3A_1463 = arith.addi %and3A_1439, %add3A_1462 : vector<16xi32>
        %gather3A_1464 = tpu.vector_load_idx %arg7[%add3A_5, %add3A_1463] : memref<128x64xf32, #tpu.memory_space<vmem>>[vector<16xi32>, vector<16xi32>], vector<16xf32>,
        %gather3A_1465 = tpu.vector_load_idx %arg7[%add3A_8, %add3A_1463] : memref<128x64xf32, #tpu.memory_space<vmem>>[vector<16xi32>, vector<16xi32>], vector<16xf32>,
        %gather3A_1466 = tpu.vector_load_idx %arg7[%add3A_11, %add3A_1463] : memref<128x64xf32, #tpu.memory_space<vmem>>[vector<16xi32>, vector<16xi32>], vector<16xf32>,
        %gather3A_1467 = tpu.vector_load_idx %arg7[%add3A_14, %add3A_1463] : memref<128x64xf32, #tpu.memory_space<vmem>>[vector<16xi32>, vector<16xi32>], vector<16xf32>,
        %gather3A_1468 = tpu.vector_load_idx %arg7[%add3A_17, %add3A_1463] : memref<128x64xf32, #tpu.memory_space<vmem>>[vector<16xi32>, vector<16xi32>], vector<16xf32>,
        %gather3A_1469 = tpu.vector_load_idx %arg7[%add3A_20, %add3A_1463] : memref<128x64xf32, #tpu.memory_space<vmem>>[vector<16xi32>, vector<16xi32>], vector<16xf32>,
        %gather3A_1470 = tpu.vector_load_idx %arg7[%add3A_23, %add3A_1463] : memref<128x64xf32, #tpu.memory_space<vmem>>[vector<16xi32>, vector<16xi32>], vector<16xf32>,
        %gather3A_1471 = tpu.vector_load_idx %arg7[%add3A_26, %add3A_1463] : memref<128x64xf32, #tpu.memory_space<vmem>>[vector<16xi32>, vector<16xi32>], vector<16xf32>,
        tpu.vector_store_idx %arg11[%add3A_1463, %add3A_5], %gather3A_1464 : memref<64x128xf32, #tpu.memory_space<vmem>>[vector<16xi32>, vector<16xi32>], vector<16xf32>,
        tpu.vector_store_idx %arg11[%add3A_1463, %add3A_8], %gather3A_1465 : memref<64x128xf32, #tpu.memory_space<vmem>>[vector<16xi32>, vector<16xi32>], vector<16xf32>,
        tpu.vector_store_idx %arg11[%add3A_1463, %add3A_11], %gather3A_1466 : memref<64x128xf32, #tpu.memory_space<vmem>>[vector<16xi32>, vector<16xi32>], vector<16xf32>,
        tpu.vector_store_idx %arg11[%add3A_1463, %add3A_14], %gather3A_1467 : memref<64x128xf32, #tpu.memory_space<vmem>>[vector<16xi32>, vector<16xi32>], vector<16xf32>,
        tpu.vector_store_idx %arg11[%add3A_1463, %add3A_17], %gather3A_1468 : memref<64x128xf32, #tpu.memory_space<vmem>>[vector<16xi32>, vector<16xi32>], vector<16xf32>,
        tpu.vector_store_idx %arg11[%add3A_1463, %add3A_20], %gather3A_1469 : memref<64x128xf32, #tpu.memory_space<vmem>>[vector<16xi32>, vector<16xi32>], vector<16xf32>,
        tpu.vector_store_idx %arg11[%add3A_1463, %add3A_23], %gather3A_1470 : memref<64x128xf32, #tpu.memory_space<vmem>>[vector<16xi32>, vector<16xi32>], vector<16xf32>,
        tpu.vector_store_idx %arg11[%add3A_1463, %add3A_26], %gather3A_1471 : memref<64x128xf32, #tpu.memory_space<vmem>>[vector<16xi32>, vector<16xi32>], vector<16xf32>,
        %add3A_1472 = arith.constant 48 : i32
        %add3A_1473 = vector.broadcast %add3A_1472 : i32 to vector<16xi32>
        %add3A_1474 = arith.addi %and3A_1439, %add3A_1473 : vector<16xi32>
        %gather3A_1475 = tpu.vector_load_idx %arg7[%add3A_5, %add3A_1474] : memref<128x64xf32, #tpu.memory_space<vmem>>[vector<16xi32>, vector<16xi32>], vector<16xf32>,
        %gather3A_1476 = tpu.vector_load_idx %arg7[%add3A_8, %add3A_1474] : memref<128x64xf32, #tpu.memory_space<vmem>>[vector<16xi32>, vector<16xi32>], vector<16xf32>,
        %gather3A_1477 = tpu.vector_load_idx %arg7[%add3A_11, %add3A_1474] : memref<128x64xf32, #tpu.memory_space<vmem>>[vector<16xi32>, vector<16xi32>], vector<16xf32>,
        %gather3A_1478 = tpu.vector_load_idx %arg7[%add3A_14, %add3A_1474] : memref<128x64xf32, #tpu.memory_space<vmem>>[vector<16xi32>, vector<16xi32>], vector<16xf32>,
        %gather3A_1479 = tpu.vector_load_idx %arg7[%add3A_17, %add3A_1474] : memref<128x64xf32, #tpu.memory_space<vmem>>[vector<16xi32>, vector<16xi32>], vector<16xf32>,
        %gather3A_1480 = tpu.vector_load_idx %arg7[%add3A_20, %add3A_1474] : memref<128x64xf32, #tpu.memory_space<vmem>>[vector<16xi32>, vector<16xi32>], vector<16xf32>,
        %gather3A_1481 = tpu.vector_load_idx %arg7[%add3A_23, %add3A_1474] : memref<128x64xf32, #tpu.memory_space<vmem>>[vector<16xi32>, vector<16xi32>], vector<16xf32>,
        %gather3A_1482 = tpu.vector_load_idx %arg7[%add3A_26, %add3A_1474] : memref<128x64xf32, #tpu.memory_space<vmem>>[vector<16xi32>, vector<16xi32>], vector<16xf32>,
        tpu.vector_store_idx %arg11[%add3A_1474, %add3A_5], %gather3A_1475 : memref<64x128xf32, #tpu.memory_space<vmem>>[vector<16xi32>, vector<16xi32>], vector<16xf32>,
        tpu.vector_store_idx %arg11[%add3A_1474, %add3A_8], %gather3A_1476 : memref<64x128xf32, #tpu.memory_space<vmem>>[vector<16xi32>, vector<16xi32>], vector<16xf32>,
        tpu.vector_store_idx %arg11[%add3A_1474, %add3A_11], %gather3A_1477 : memref<64x128xf32, #tpu.memory_space<vmem>>[vector<16xi32>, vector<16xi32>], vector<16xf32>,
        tpu.vector_store_idx %arg11[%add3A_1474, %add3A_14], %gather3A_1478 : memref<64x128xf32, #tpu.memory_space<vmem>>[vector<16xi32>, vector<16xi32>], vector<16xf32>,
        tpu.vector_store_idx %arg11[%add3A_1474, %add3A_17], %gather3A_1479 : memref<64x128xf32, #tpu.memory_space<vmem>>[vector<16xi32>, vector<16xi32>], vector<16xf32>,
        tpu.vector_store_idx %arg11[%add3A_1474, %add3A_20], %gather3A_1480 : memref<64x128xf32, #tpu.memory_space<vmem>>[vector<16xi32>, vector<16xi32>], vector<16xf32>,
        tpu.vector_store_idx %arg11[%add3A_1474, %add3A_23], %gather3A_1481 : memref<64x128xf32, #tpu.memory_space<vmem>>[vector<16xi32>, vector<16xi32>], vector<16xf32>,
        tpu.vector_store_idx %arg11[%add3A_1474, %add3A_26], %gather3A_1482 : memref<64x128xf32, #tpu.memory_space<vmem>>[vector<16xi32>, vector<16xi32>], vector<16xf32>,
      }
      %scan3A_618 = arith.constant 16 : i32
      %dma_start3A_619 = arith.constant 0 : i32
      %dma_start3A_620 = arith.constant 0 : i32
      %dma_start3A_621 = arith.constant 0 : i32
      %dma_start3A_622 = tpu.memref_slice %arg11[%dma_start3A_620, %dma_start3A_621] : memref<64x128xf32, #tpu.memory_space<vmem>> -> memref<8x128xf32, #tpu.memory_space<vmem>>
      %dma_start3A_623 = arith.constant 0 : i32
      %dma_start3A_624 = arith.constant 0 : i32
      %dma_start3A_625 = tpu.memref_slice %arg4[%select_n3A_585, %dma_start3A_619, %select_n3A_601, %dma_start3A_623, %dma_start3A_624] : memref<50x8x128x8x128xf32, #tpu.memory_space<hbm>> -> memref<1x1x1x8x128xf32, #tpu.memory_space<hbm>>
      %dma_start3A_626 = tpu.memref_squeeze %dma_start3A_625 : memref<1x1x1x8x128xf32, #tpu.memory_space<hbm>> -> memref<8x128xf32, #tpu.memory_space<hbm>>
      %dma_start3A_627 = arith.constant 0 : i32
      %dma_start3A_628 = arith.constant 0 : i32
      %dma_start3A_629 = tpu.memref_slice %arg4[%select_n3A_585, %dma_start3A_619, %select_n3A_601, %dma_start3A_627, %dma_start3A_628] : memref<50x8x128x8x128xf32, #tpu.memory_space<hbm>> -> memref<1x1x1x8x128xf32, #tpu.memory_space<hbm>>
      %dma_start3A_630 = tpu.memref_squeeze %dma_start3A_629 : memref<1x1x1x8x128xf32, #tpu.memory_space<hbm>> -> memref<8x128xf32, #tpu.memory_space<hbm>>
      %dma_start3A_631 = arith.constant 0 : i32
      %dma_start3A_632 = arith.constant 0 : i32
      %dma_start3A_633 = tpu.memref_slice %arg11[%dma_start3A_631, %dma_start3A_632] : memref<64x128xf32, #tpu.memory_space<vmem>> -> memref<8x128xf32, #tpu.memory_space<vmem>>
      tpu.enqueue_dma source(%dma_start3A_633 : memref<8x128xf32, #tpu.memory_space<vmem>>) target(%dma_start3A_630 : memref<8x128xf32, #tpu.memory_space<hbm>>) target_semaphore(%arg17 : memref<!tpu.dma_semaphore, #tpu.memory_space<semaphore_mem>>)
      %dma_start3A_634 = arith.constant 1 : i32
      %dma_start3A_635 = arith.constant 8 : i32
      %dma_start3A_636 = arith.constant 0 : i32
      %dma_start3A_637 = tpu.memref_slice %arg11[%dma_start3A_635, %dma_start3A_636] : memref<64x128xf32, #tpu.memory_space<vmem>> -> memref<8x128xf32, #tpu.memory_space<vmem>>
      %dma_start3A_638 = arith.constant 0 : i32
      %dma_start3A_639 = arith.constant 0 : i32
      %dma_start3A_640 = tpu.memref_slice %arg4[%select_n3A_585, %dma_start3A_634, %select_n3A_601, %dma_start3A_638, %dma_start3A_639] : memref<50x8x128x8x128xf32, #tpu.memory_space<hbm>> -> memref<1x1x1x8x128xf32, #tpu.memory_space<hbm>>
      %dma_start3A_641 = tpu.memref_squeeze %dma_start3A_640 : memref<1x1x1x8x128xf32, #tpu.memory_space<hbm>> -> memref<8x128xf32, #tpu.memory_space<hbm>>
      %dma_start3A_642 = arith.constant 0 : i32
      %dma_start3A_643 = arith.constant 0 : i32
      %dma_start3A_644 = tpu.memref_slice %arg4[%select_n3A_585, %dma_start3A_634, %select_n3A_601, %dma_start3A_642, %dma_start3A_643] : memref<50x8x128x8x128xf32, #tpu.memory_space<hbm>> -> memref<1x1x1x8x128xf32, #tpu.memory_space<hbm>>
      %dma_start3A_645 = tpu.memref_squeeze %dma_start3A_644 : memref<1x1x1x8x128xf32, #tpu.memory_space<hbm>> -> memref<8x128xf32, #tpu.memory_space<hbm>>
      %dma_start3A_646 = arith.constant 8 : i32
      %dma_start3A_647 = arith.constant 0 : i32
      %dma_start3A_648 = tpu.memref_slice %arg11[%dma_start3A_646, %dma_start3A_647] : memref<64x128xf32, #tpu.memory_space<vmem>> -> memref<8x128xf32, #tpu.memory_space<vmem>>
      tpu.enqueue_dma source(%dma_start3A_648 : memref<8x128xf32, #tpu.memory_space<vmem>>) target(%dma_start3A_645 : memref<8x128xf32, #tpu.memory_space<hbm>>) target_semaphore(%arg17 : memref<!tpu.dma_semaphore, #tpu.memory_space<semaphore_mem>>)
      %dma_start3A_649 = arith.constant 2 : i32
      %dma_start3A_650 = arith.constant 16 : i32
      %dma_start3A_651 = arith.constant 0 : i32
      %dma_start3A_652 = tpu.memref_slice %arg11[%dma_start3A_650, %dma_start3A_651] : memref<64x128xf32, #tpu.memory_space<vmem>> -> memref<8x128xf32, #tpu.memory_space<vmem>>
      %dma_start3A_653 = arith.constant 0 : i32
      %dma_start3A_654 = arith.constant 0 : i32
      %dma_start3A_655 = tpu.memref_slice %arg4[%select_n3A_585, %dma_start3A_649, %select_n3A_601, %dma_start3A_653, %dma_start3A_654] : memref<50x8x128x8x128xf32, #tpu.memory_space<hbm>> -> memref<1x1x1x8x128xf32, #tpu.memory_space<hbm>>
      %dma_start3A_656 = tpu.memref_squeeze %dma_start3A_655 : memref<1x1x1x8x128xf32, #tpu.memory_space<hbm>> -> memref<8x128xf32, #tpu.memory_space<hbm>>
      %dma_start3A_657 = arith.constant 0 : i32
      %dma_start3A_658 = arith.constant 0 : i32
      %dma_start3A_659 = tpu.memref_slice %arg4[%select_n3A_585, %dma_start3A_649, %select_n3A_601, %dma_start3A_657, %dma_start3A_658] : memref<50x8x128x8x128xf32, #tpu.memory_space<hbm>> -> memref<1x1x1x8x128xf32, #tpu.memory_space<hbm>>
      %dma_start3A_660 = tpu.memref_squeeze %dma_start3A_659 : memref<1x1x1x8x128xf32, #tpu.memory_space<hbm>> -> memref<8x128xf32, #tpu.memory_space<hbm>>
      %dma_start3A_661 = arith.constant 16 : i32
      %dma_start3A_662 = arith.constant 0 : i32
      %dma_start3A_663 = tpu.memref_slice %arg11[%dma_start3A_661, %dma_start3A_662] : memref<64x128xf32, #tpu.memory_space<vmem>> -> memref<8x128xf32, #tpu.memory_space<vmem>>
      tpu.enqueue_dma source(%dma_start3A_663 : memref<8x128xf32, #tpu.memory_space<vmem>>) target(%dma_start3A_660 : memref<8x128xf32, #tpu.memory_space<hbm>>) target_semaphore(%arg17 : memref<!tpu.dma_semaphore, #tpu.memory_space<semaphore_mem>>)
      %dma_start3A_664 = arith.constant 3 : i32
      %dma_start3A_665 = arith.constant 24 : i32
      %dma_start3A_666 = arith.constant 0 : i32
      %dma_start3A_667 = tpu.memref_slice %arg11[%dma_start3A_665, %dma_start3A_666] : memref<64x128xf32, #tpu.memory_space<vmem>> -> memref<8x128xf32, #tpu.memory_space<vmem>>
      %dma_start3A_668 = arith.constant 0 : i32
      %dma_start3A_669 = arith.constant 0 : i32
      %dma_start3A_670 = tpu.memref_slice %arg4[%select_n3A_585, %dma_start3A_664, %select_n3A_601, %dma_start3A_668, %dma_start3A_669] : memref<50x8x128x8x128xf32, #tpu.memory_space<hbm>> -> memref<1x1x1x8x128xf32, #tpu.memory_space<hbm>>
      %dma_start3A_671 = tpu.memref_squeeze %dma_start3A_670 : memref<1x1x1x8x128xf32, #tpu.memory_space<hbm>> -> memref<8x128xf32, #tpu.memory_space<hbm>>
      %dma_start3A_672 = arith.constant 0 : i32
      %dma_start3A_673 = arith.constant 0 : i32
      %dma_start3A_674 = tpu.memref_slice %arg4[%select_n3A_585, %dma_start3A_664, %select_n3A_601, %dma_start3A_672, %dma_start3A_673] : memref<50x8x128x8x128xf32, #tpu.memory_space<hbm>> -> memref<1x1x1x8x128xf32, #tpu.memory_space<hbm>>
      %dma_start3A_675 = tpu.memref_squeeze %dma_start3A_674 : memref<1x1x1x8x128xf32, #tpu.memory_space<hbm>> -> memref<8x128xf32, #tpu.memory_space<hbm>>
      %dma_start3A_676 = arith.constant 24 : i32
      %dma_start3A_677 = arith.constant 0 : i32
      %dma_start3A_678 = tpu.memref_slice %arg11[%dma_start3A_676, %dma_start3A_677] : memref<64x128xf32, #tpu.memory_space<vmem>> -> memref<8x128xf32, #tpu.memory_space<vmem>>
      tpu.enqueue_dma source(%dma_start3A_678 : memref<8x128xf32, #tpu.memory_space<vmem>>) target(%dma_start3A_675 : memref<8x128xf32, #tpu.memory_space<hbm>>) target_semaphore(%arg17 : memref<!tpu.dma_semaphore, #tpu.memory_space<semaphore_mem>>)
      %dma_start3A_679 = arith.constant 4 : i32
      %dma_start3A_680 = arith.constant 32 : i32
      %dma_start3A_681 = arith.constant 0 : i32
      %dma_start3A_682 = tpu.memref_slice %arg11[%dma_start3A_680, %dma_start3A_681] : memref<64x128xf32, #tpu.memory_space<vmem>> -> memref<8x128xf32, #tpu.memory_space<vmem>>
      %dma_start3A_683 = arith.constant 0 : i32
      %dma_start3A_684 = arith.constant 0 : i32
      %dma_start3A_685 = tpu.memref_slice %arg4[%select_n3A_585, %dma_start3A_679, %select_n3A_601, %dma_start3A_683, %dma_start3A_684] : memref<50x8x128x8x128xf32, #tpu.memory_space<hbm>> -> memref<1x1x1x8x128xf32, #tpu.memory_space<hbm>>
      %dma_start3A_686 = tpu.memref_squeeze %dma_start3A_685 : memref<1x1x1x8x128xf32, #tpu.memory_space<hbm>> -> memref<8x128xf32, #tpu.memory_space<hbm>>
      %dma_start3A_687 = arith.constant 0 : i32
      %dma_start3A_688 = arith.constant 0 : i32
      %dma_start3A_689 = tpu.memref_slice %arg4[%select_n3A_585, %dma_start3A_679, %select_n3A_601, %dma_start3A_687, %dma_start3A_688] : memref<50x8x128x8x128xf32, #tpu.memory_space<hbm>> -> memref<1x1x1x8x128xf32, #tpu.memory_space<hbm>>
      %dma_start3A_690 = tpu.memref_squeeze %dma_start3A_689 : memref<1x1x1x8x128xf32, #tpu.memory_space<hbm>> -> memref<8x128xf32, #tpu.memory_space<hbm>>
      %dma_start3A_691 = arith.constant 32 : i32
      %dma_start3A_692 = arith.constant 0 : i32
      %dma_start3A_693 = tpu.memref_slice %arg11[%dma_start3A_691, %dma_start3A_692] : memref<64x128xf32, #tpu.memory_space<vmem>> -> memref<8x128xf32, #tpu.memory_space<vmem>>
      tpu.enqueue_dma source(%dma_start3A_693 : memref<8x128xf32, #tpu.memory_space<vmem>>) target(%dma_start3A_690 : memref<8x128xf32, #tpu.memory_space<hbm>>) target_semaphore(%arg17 : memref<!tpu.dma_semaphore, #tpu.memory_space<semaphore_mem>>)
      %dma_start3A_694 = arith.constant 5 : i32
      %dma_start3A_695 = arith.constant 40 : i32
      %dma_start3A_696 = arith.constant 0 : i32
      %dma_start3A_697 = tpu.memref_slice %arg11[%dma_start3A_695, %dma_start3A_696] : memref<64x128xf32, #tpu.memory_space<vmem>> -> memref<8x128xf32, #tpu.memory_space<vmem>>
      %dma_start3A_698 = arith.constant 0 : i32
      %dma_start3A_699 = arith.constant 0 : i32
      %dma_start3A_700 = tpu.memref_slice %arg4[%select_n3A_585, %dma_start3A_694, %select_n3A_601, %dma_start3A_698, %dma_start3A_699] : memref<50x8x128x8x128xf32, #tpu.memory_space<hbm>> -> memref<1x1x1x8x128xf32, #tpu.memory_space<hbm>>
      %dma_start3A_701 = tpu.memref_squeeze %dma_start3A_700 : memref<1x1x1x8x128xf32, #tpu.memory_space<hbm>> -> memref<8x128xf32, #tpu.memory_space<hbm>>
      %dma_start3A_702 = arith.constant 0 : i32
      %dma_start3A_703 = arith.constant 0 : i32
      %dma_start3A_704 = tpu.memref_slice %arg4[%select_n3A_585, %dma_start3A_694, %select_n3A_601, %dma_start3A_702, %dma_start3A_703] : memref<50x8x128x8x128xf32, #tpu.memory_space<hbm>> -> memref<1x1x1x8x128xf32, #tpu.memory_space<hbm>>
      %dma_start3A_705 = tpu.memref_squeeze %dma_start3A_704 : memref<1x1x1x8x128xf32, #tpu.memory_space<hbm>> -> memref<8x128xf32, #tpu.memory_space<hbm>>
      %dma_start3A_706 = arith.constant 40 : i32
      %dma_start3A_707 = arith.constant 0 : i32
      %dma_start3A_708 = tpu.memref_slice %arg11[%dma_start3A_706, %dma_start3A_707] : memref<64x128xf32, #tpu.memory_space<vmem>> -> memref<8x128xf32, #tpu.memory_space<vmem>>
      tpu.enqueue_dma source(%dma_start3A_708 : memref<8x128xf32, #tpu.memory_space<vmem>>) target(%dma_start3A_705 : memref<8x128xf32, #tpu.memory_space<hbm>>) target_semaphore(%arg17 : memref<!tpu.dma_semaphore, #tpu.memory_space<semaphore_mem>>)
      %dma_start3A_709 = arith.constant 6 : i32
      %dma_start3A_710 = arith.constant 48 : i32
      %dma_start3A_711 = arith.constant 0 : i32
      %dma_start3A_712 = tpu.memref_slice %arg11[%dma_start3A_710, %dma_start3A_711] : memref<64x128xf32, #tpu.memory_space<vmem>> -> memref<8x128xf32, #tpu.memory_space<vmem>>
      %dma_start3A_713 = arith.constant 0 : i32
      %dma_start3A_714 = arith.constant 0 : i32
      %dma_start3A_715 = tpu.memref_slice %arg4[%select_n3A_585, %dma_start3A_709, %select_n3A_601, %dma_start3A_713, %dma_start3A_714] : memref<50x8x128x8x128xf32, #tpu.memory_space<hbm>> -> memref<1x1x1x8x128xf32, #tpu.memory_space<hbm>>
      %dma_start3A_716 = tpu.memref_squeeze %dma_start3A_715 : memref<1x1x1x8x128xf32, #tpu.memory_space<hbm>> -> memref<8x128xf32, #tpu.memory_space<hbm>>
      %dma_start3A_717 = arith.constant 0 : i32
      %dma_start3A_718 = arith.constant 0 : i32
      %dma_start3A_719 = tpu.memref_slice %arg4[%select_n3A_585, %dma_start3A_709, %select_n3A_601, %dma_start3A_717, %dma_start3A_718] : memref<50x8x128x8x128xf32, #tpu.memory_space<hbm>> -> memref<1x1x1x8x128xf32, #tpu.memory_space<hbm>>
      %dma_start3A_720 = tpu.memref_squeeze %dma_start3A_719 : memref<1x1x1x8x128xf32, #tpu.memory_space<hbm>> -> memref<8x128xf32, #tpu.memory_space<hbm>>
      %dma_start3A_721 = arith.constant 48 : i32
      %dma_start3A_722 = arith.constant 0 : i32
      %dma_start3A_723 = tpu.memref_slice %arg11[%dma_start3A_721, %dma_start3A_722] : memref<64x128xf32, #tpu.memory_space<vmem>> -> memref<8x128xf32, #tpu.memory_space<vmem>>
      tpu.enqueue_dma source(%dma_start3A_723 : memref<8x128xf32, #tpu.memory_space<vmem>>) target(%dma_start3A_720 : memref<8x128xf32, #tpu.memory_space<hbm>>) target_semaphore(%arg17 : memref<!tpu.dma_semaphore, #tpu.memory_space<semaphore_mem>>)
      %dma_start3A_724 = arith.constant 7 : i32
      %dma_start3A_725 = arith.constant 56 : i32
      %dma_start3A_726 = arith.constant 0 : i32
      %dma_start3A_727 = tpu.memref_slice %arg11[%dma_start3A_725, %dma_start3A_726] : memref<64x128xf32, #tpu.memory_space<vmem>> -> memref<8x128xf32, #tpu.memory_space<vmem>>
      %dma_start3A_728 = arith.constant 0 : i32
      %dma_start3A_729 = arith.constant 0 : i32
      %dma_start3A_730 = tpu.memref_slice %arg4[%select_n3A_585, %dma_start3A_724, %select_n3A_601, %dma_start3A_728, %dma_start3A_729] : memref<50x8x128x8x128xf32, #tpu.memory_space<hbm>> -> memref<1x1x1x8x128xf32, #tpu.memory_space<hbm>>
      %dma_start3A_731 = tpu.memref_squeeze %dma_start3A_730 : memref<1x1x1x8x128xf32, #tpu.memory_space<hbm>> -> memref<8x128xf32, #tpu.memory_space<hbm>>
      %dma_start3A_732 = arith.constant 0 : i32
      %dma_start3A_733 = arith.constant 0 : i32
      %dma_start3A_734 = tpu.memref_slice %arg4[%select_n3A_585, %dma_start3A_724, %select_n3A_601, %dma_start3A_732, %dma_start3A_733] : memref<50x8x128x8x128xf32, #tpu.memory_space<hbm>> -> memref<1x1x1x8x128xf32, #tpu.memory_space<hbm>>
      %dma_start3A_735 = tpu.memref_squeeze %dma_start3A_734 : memref<1x1x1x8x128xf32, #tpu.memory_space<hbm>> -> memref<8x128xf32, #tpu.memory_space<hbm>>
      %dma_start3A_736 = arith.constant 56 : i32
      %dma_start3A_737 = arith.constant 0 : i32
      %dma_start3A_738 = tpu.memref_slice %arg11[%dma_start3A_736, %dma_start3A_737] : memref<64x128xf32, #tpu.memory_space<vmem>> -> memref<8x128xf32, #tpu.memory_space<vmem>>
      tpu.enqueue_dma source(%dma_start3A_738 : memref<8x128xf32, #tpu.memory_space<vmem>>) target(%dma_start3A_735 : memref<8x128xf32, #tpu.memory_space<hbm>>) target_semaphore(%arg17 : memref<!tpu.dma_semaphore, #tpu.memory_space<semaphore_mem>>)
      %lt3A_739 = arith.constant 49 : i32
      %lt3A_740 = arith.cmpi slt, %scan3A_372, %lt3A_739 : i32
      %convert_element_type3A_741 = arith.extui %lt3A_740 : i1 to i32
      %cond3A_742 = arith.constant 0 : i32
      %cond3A_743 = arith.cmpi ne, %convert_element_type3A_741, %cond3A_742 : i32
      scf.if %cond3A_743 {
        %add3A_1434 = arith.constant 4 : i32
        %add3A_1435 = arith.addi %add3A_560, %add3A_1434 : i32
        %dma_start3A_1436 = arith.constant 0 : i32
        %dma_start3A_1437 = tpu.memref_slice %arg5[%add3A_1435, %dma_start3A_1436] : memref<200x128xi32, #tpu.memory_space<vmem>> -> memref<1x128xi32, #tpu.memory_space<vmem>>
        %dma_start3A_1438 = tpu.memref_squeeze %dma_start3A_1437 : memref<1x128xi32, #tpu.memory_space<vmem>> -> memref<128xi32, #tpu.memory_space<vmem>>
        %dma_start3A_1439 = arith.constant 0 : i32
        %dma_start3A_1440 = arith.constant 0 : i32
        %dma_start3A_1441 = tpu.memref_slice %arg3[%dma_start3A_1439, %dma_start3A_1440] : memref<1000000x64xf32, #tpu.memory_space<hbm>> -> memref<1000000x64xf32, #tpu.memory_space<hbm>>
        tpu.enqueue_indirect_dma source(%dma_start3A_1441 : memref<1000000x64xf32, #tpu.memory_space<hbm>>) target(%arg7 : memref<128x64xf32, #tpu.memory_space<vmem>>) offsets(%dma_start3A_1438 : memref<128xi32, #tpu.memory_space<vmem>>) semaphore(%arg13 : memref<!tpu.dma_semaphore, #tpu.memory_space<semaphore_mem>>)
      } else {
      }
      %mul3A_744 = arith.constant 4 : i32
      %mul3A_745 = arith.muli %scan3A_372, %mul3A_744 : i32
      %add3A_746 = arith.constant 2 : i32
      %add3A_747 = arith.addi %mul3A_745, %add3A_746 : i32
      %add3A_748 = arith.addi %mul3A_2, %add3A_747 : i32
      %jit3A_749 = arith.constant 128 : i32
      %div3A_750 = arith.divsi %add3A_748, %jit3A_749 : i32
      %sign3A_751 = arith.constant 0 : i32
      %sign3A_752 = arith.cmpi sgt, %add3A_748, %sign3A_751 : i32
      %sign3A_753 = arith.extui %sign3A_752 : i1 to i32
      %sign3A_754 = arith.constant 0 : i32
      %sign3A_755 = arith.cmpi slt, %add3A_748, %sign3A_754 : i32
      %sign3A_756 = arith.extui %sign3A_755 : i1 to i32
      %sign3A_757 = arith.subi %sign3A_753, %sign3A_756 : i32
      %sign3A_758 = arith.constant 0 : i32
      %sign3A_759 = arith.cmpi sgt, %jit3A_749, %sign3A_758 : i32
      %sign3A_760 = arith.extui %sign3A_759 : i1 to i32
      %sign3A_761 = arith.constant 0 : i32
      %sign3A_762 = arith.cmpi slt, %jit3A_749, %sign3A_761 : i32
      %sign3A_763 = arith.extui %sign3A_762 : i1 to i32
      %sign3A_764 = arith.subi %sign3A_760, %sign3A_763 : i32
      %ne3A_765 = arith.cmpi ne, %sign3A_757, %sign3A_764 : i32
      %rem3A_766 = arith.remsi %add3A_748, %jit3A_749 : i32
      %ne3A_767 = arith.constant 0 : i32
      %ne3A_768 = arith.cmpi ne, %rem3A_766, %ne3A_767 : i32
      %and3A_769 = arith.andi %ne3A_765, %ne3A_768 : i1
      %sub3A_770 = arith.constant 1 : i32
      %sub3A_771 = arith.subi %div3A_750, %sub3A_770 : i32
      %select_n3A_772 = arith.select %and3A_769, %sub3A_771, %div3A_750 : i32
      %jit3A_773 = arith.constant 128 : i32
      %eq3A_774 = arith.constant 0 : i32
      %eq3A_775 = arith.cmpi eq, %jit3A_773, %eq3A_774 : i32
      %jit3A_776 = arith.constant 1 : i32
      %select_n3A_777 = arith.select %eq3A_775, %jit3A_776, %jit3A_773 : i32
      %rem3A_778 = arith.remsi %add3A_748, %select_n3A_777 : i32
      %ne3A_779 = arith.constant 0 : i32
      %ne3A_780 = arith.cmpi ne, %rem3A_778, %ne3A_779 : i32
      %lt3A_781 = arith.constant 0 : i32
      %lt3A_782 = arith.cmpi slt, %rem3A_778, %lt3A_781 : i32
      %lt3A_783 = arith.constant 0 : i32
      %lt3A_784 = arith.cmpi slt, %select_n3A_777, %lt3A_783 : i32
      %ne3A_785 = arith.xori %lt3A_782, %lt3A_784 : i1
      %and3A_786 = arith.andi %ne3A_785, %ne3A_780 : i1
      %add3A_787 = arith.addi %rem3A_778, %select_n3A_777 : i32
      %select_n3A_788 = arith.select %and3A_786, %add3A_787, %rem3A_778 : i32
      %dma_wait3A_789 = arith.constant 0 : i32
      %dma_wait3A_790 = tpu.memref_slice %arg5[%add3A_747, %dma_wait3A_789] : memref<200x128xi32, #tpu.memory_space<vmem>> -> memref<1x128xi32, #tpu.memory_space<vmem>>
      %dma_wait3A_791 = tpu.memref_squeeze %dma_wait3A_790 : memref<1x128xi32, #tpu.memory_space<vmem>> -> memref<128xi32, #tpu.memory_space<vmem>>
      %dma_wait3A_792 = arith.constant 0 : i32
      %dma_wait3A_793 = arith.constant 0 : i32
      %dma_wait3A_794 = tpu.memref_slice %arg3[%dma_wait3A_792, %dma_wait3A_793] : memref<1000000x64xf32, #tpu.memory_space<hbm>> -> memref<1000000x64xf32, #tpu.memory_space<hbm>>
      tpu.wait_indirect_dma semaphore(%arg14 : memref<!tpu.dma_semaphore, #tpu.memory_space<semaphore_mem>>) src(%dma_wait3A_794 : memref<1000000x64xf32, #tpu.memory_space<hbm>>) dst(%arg8 : memref<128x64xf32, #tpu.memory_space<vmem>>)
      %add3A_795 = arith.addi %mul3A_2, %add3A_747 : i32
      %sub3A_796 = arith.constant 2 : i32
      %sub3A_797 = arith.subi %add3A_795, %sub3A_796 : i32
      %jit3A_798 = arith.constant 128 : i32
      %div3A_799 = arith.divsi %sub3A_797, %jit3A_798 : i32
      %sign3A_800 = arith.constant 0 : i32
      %sign3A_801 = arith.cmpi sgt, %sub3A_797, %sign3A_800 : i32
      %sign3A_802 = arith.extui %sign3A_801 : i1 to i32
      %sign3A_803 = arith.constant 0 : i32
      %sign3A_804 = arith.cmpi slt, %sub3A_797, %sign3A_803 : i32
      %sign3A_805 = arith.extui %sign3A_804 : i1 to i32
      %sign3A_806 = arith.subi %sign3A_802, %sign3A_805 : i32
      %sign3A_807 = arith.constant 0 : i32
      %sign3A_808 = arith.cmpi sgt, %jit3A_798, %sign3A_807 : i32
      %sign3A_809 = arith.extui %sign3A_808 : i1 to i32
      %sign3A_810 = arith.constant 0 : i32
      %sign3A_811 = arith.cmpi slt, %jit3A_798, %sign3A_810 : i32
      %sign3A_812 = arith.extui %sign3A_811 : i1 to i32
      %sign3A_813 = arith.subi %sign3A_809, %sign3A_812 : i32
      %ne3A_814 = arith.cmpi ne, %sign3A_806, %sign3A_813 : i32
      %rem3A_815 = arith.remsi %sub3A_797, %jit3A_798 : i32
      %ne3A_816 = arith.constant 0 : i32
      %ne3A_817 = arith.cmpi ne, %rem3A_815, %ne3A_816 : i32
      %and3A_818 = arith.andi %ne3A_814, %ne3A_817 : i1
      %sub3A_819 = arith.constant 1 : i32
      %sub3A_820 = arith.subi %div3A_799, %sub3A_819 : i32
      %select_n3A_821 = arith.select %and3A_818, %sub3A_820, %div3A_799 : i32
      %jit3A_822 = arith.constant 128 : i32
      %eq3A_823 = arith.constant 0 : i32
      %eq3A_824 = arith.cmpi eq, %jit3A_822, %eq3A_823 : i32
      %jit3A_825 = arith.constant 1 : i32
      %select_n3A_826 = arith.select %eq3A_824, %jit3A_825, %jit3A_822 : i32
      %rem3A_827 = arith.remsi %sub3A_797, %select_n3A_826 : i32
      %ne3A_828 = arith.constant 0 : i32
      %ne3A_829 = arith.cmpi ne, %rem3A_827, %ne3A_828 : i32
      %lt3A_830 = arith.constant 0 : i32
      %lt3A_831 = arith.cmpi slt, %rem3A_827, %lt3A_830 : i32
      %lt3A_832 = arith.constant 0 : i32
      %lt3A_833 = arith.cmpi slt, %select_n3A_826, %lt3A_832 : i32
      %ne3A_834 = arith.xori %lt3A_831, %lt3A_833 : i1
      %and3A_835 = arith.andi %ne3A_834, %ne3A_829 : i1
      %add3A_836 = arith.addi %rem3A_827, %select_n3A_826 : i32
      %select_n3A_837 = arith.select %and3A_835, %add3A_836, %rem3A_827 : i32
      %dma_wait3A_838 = arith.constant 0 : i32
      %dma_wait3A_839 = arith.constant 0 : i32
      %dma_wait3A_840 = arith.constant 0 : i32
      %dma_wait3A_841 = tpu.memref_slice %arg10[%dma_wait3A_839, %dma_wait3A_840] : memref<64x128xf32, #tpu.memory_space<vmem>> -> memref<8x128xf32, #tpu.memory_space<vmem>>
      %dma_wait3A_842 = arith.constant 0 : i32
      %dma_wait3A_843 = arith.constant 0 : i32
      %dma_wait3A_844 = tpu.memref_slice %arg4[%select_n3A_821, %dma_wait3A_838, %select_n3A_837, %dma_wait3A_842, %dma_wait3A_843] : memref<50x8x128x8x128xf32, #tpu.memory_space<hbm>> -> memref<1x1x1x8x128xf32, #tpu.memory_space<hbm>>
      %dma_wait3A_845 = tpu.memref_squeeze %dma_wait3A_844 : memref<1x1x1x8x128xf32, #tpu.memory_space<hbm>> -> memref<8x128xf32, #tpu.memory_space<hbm>>
      %dma_wait3A_846 = arith.constant 0 : i32
      %dma_wait3A_847 = arith.constant 0 : i32
      %dma_wait3A_848 = tpu.memref_slice %arg4[%select_n3A_821, %dma_wait3A_838, %select_n3A_837, %dma_wait3A_846, %dma_wait3A_847] : memref<50x8x128x8x128xf32, #tpu.memory_space<hbm>> -> memref<1x1x1x8x128xf32, #tpu.memory_space<hbm>>
      %dma_wait3A_849 = tpu.memref_squeeze %dma_wait3A_848 : memref<1x1x1x8x128xf32, #tpu.memory_space<hbm>> -> memref<8x128xf32, #tpu.memory_space<hbm>>
      %dma_wait3A_850 = arith.constant 0 : i32
      %dma_wait3A_851 = arith.constant 0 : i32
      %dma_wait3A_852 = tpu.memref_slice %arg10[%dma_wait3A_850, %dma_wait3A_851] : memref<64x128xf32, #tpu.memory_space<vmem>> -> memref<8x128xf32, #tpu.memory_space<vmem>>
      tpu.wait_dma2 semaphore(%arg16 : memref<!tpu.dma_semaphore, #tpu.memory_space<semaphore_mem>>) src(%dma_wait3A_852 : memref<8x128xf32, #tpu.memory_space<vmem>>) dst(%dma_wait3A_849 : memref<8x128xf32, #tpu.memory_space<hbm>>)
      %dma_wait3A_853 = arith.constant 1 : i32
      %dma_wait3A_854 = arith.constant 8 : i32
      %dma_wait3A_855 = arith.constant 0 : i32
      %dma_wait3A_856 = tpu.memref_slice %arg10[%dma_wait3A_854, %dma_wait3A_855] : memref<64x128xf32, #tpu.memory_space<vmem>> -> memref<8x128xf32, #tpu.memory_space<vmem>>
      %dma_wait3A_857 = arith.constant 0 : i32
      %dma_wait3A_858 = arith.constant 0 : i32
      %dma_wait3A_859 = tpu.memref_slice %arg4[%select_n3A_821, %dma_wait3A_853, %select_n3A_837, %dma_wait3A_857, %dma_wait3A_858] : memref<50x8x128x8x128xf32, #tpu.memory_space<hbm>> -> memref<1x1x1x8x128xf32, #tpu.memory_space<hbm>>
      %dma_wait3A_860 = tpu.memref_squeeze %dma_wait3A_859 : memref<1x1x1x8x128xf32, #tpu.memory_space<hbm>> -> memref<8x128xf32, #tpu.memory_space<hbm>>
      %dma_wait3A_861 = arith.constant 0 : i32
      %dma_wait3A_862 = arith.constant 0 : i32
      %dma_wait3A_863 = tpu.memref_slice %arg4[%select_n3A_821, %dma_wait3A_853, %select_n3A_837, %dma_wait3A_861, %dma_wait3A_862] : memref<50x8x128x8x128xf32, #tpu.memory_space<hbm>> -> memref<1x1x1x8x128xf32, #tpu.memory_space<hbm>>
      %dma_wait3A_864 = tpu.memref_squeeze %dma_wait3A_863 : memref<1x1x1x8x128xf32, #tpu.memory_space<hbm>> -> memref<8x128xf32, #tpu.memory_space<hbm>>
      %dma_wait3A_865 = arith.constant 8 : i32
      %dma_wait3A_866 = arith.constant 0 : i32
      %dma_wait3A_867 = tpu.memref_slice %arg10[%dma_wait3A_865, %dma_wait3A_866] : memref<64x128xf32, #tpu.memory_space<vmem>> -> memref<8x128xf32, #tpu.memory_space<vmem>>
      tpu.wait_dma2 semaphore(%arg16 : memref<!tpu.dma_semaphore, #tpu.memory_space<semaphore_mem>>) src(%dma_wait3A_867 : memref<8x128xf32, #tpu.memory_space<vmem>>) dst(%dma_wait3A_864 : memref<8x128xf32, #tpu.memory_space<hbm>>)
      %dma_wait3A_868 = arith.constant 2 : i32
      %dma_wait3A_869 = arith.constant 16 : i32
      %dma_wait3A_870 = arith.constant 0 : i32
      %dma_wait3A_871 = tpu.memref_slice %arg10[%dma_wait3A_869, %dma_wait3A_870] : memref<64x128xf32, #tpu.memory_space<vmem>> -> memref<8x128xf32, #tpu.memory_space<vmem>>
      %dma_wait3A_872 = arith.constant 0 : i32
      %dma_wait3A_873 = arith.constant 0 : i32
      %dma_wait3A_874 = tpu.memref_slice %arg4[%select_n3A_821, %dma_wait3A_868, %select_n3A_837, %dma_wait3A_872, %dma_wait3A_873] : memref<50x8x128x8x128xf32, #tpu.memory_space<hbm>> -> memref<1x1x1x8x128xf32, #tpu.memory_space<hbm>>
      %dma_wait3A_875 = tpu.memref_squeeze %dma_wait3A_874 : memref<1x1x1x8x128xf32, #tpu.memory_space<hbm>> -> memref<8x128xf32, #tpu.memory_space<hbm>>
      %dma_wait3A_876 = arith.constant 0 : i32
      %dma_wait3A_877 = arith.constant 0 : i32
      %dma_wait3A_878 = tpu.memref_slice %arg4[%select_n3A_821, %dma_wait3A_868, %select_n3A_837, %dma_wait3A_876, %dma_wait3A_877] : memref<50x8x128x8x128xf32, #tpu.memory_space<hbm>> -> memref<1x1x1x8x128xf32, #tpu.memory_space<hbm>>
      %dma_wait3A_879 = tpu.memref_squeeze %dma_wait3A_878 : memref<1x1x1x8x128xf32, #tpu.memory_space<hbm>> -> memref<8x128xf32, #tpu.memory_space<hbm>>
      %dma_wait3A_880 = arith.constant 16 : i32
      %dma_wait3A_881 = arith.constant 0 : i32
      %dma_wait3A_882 = tpu.memref_slice %arg10[%dma_wait3A_880, %dma_wait3A_881] : memref<64x128xf32, #tpu.memory_space<vmem>> -> memref<8x128xf32, #tpu.memory_space<vmem>>
      tpu.wait_dma2 semaphore(%arg16 : memref<!tpu.dma_semaphore, #tpu.memory_space<semaphore_mem>>) src(%dma_wait3A_882 : memref<8x128xf32, #tpu.memory_space<vmem>>) dst(%dma_wait3A_879 : memref<8x128xf32, #tpu.memory_space<hbm>>)
      %dma_wait3A_883 = arith.constant 3 : i32
      %dma_wait3A_884 = arith.constant 24 : i32
      %dma_wait3A_885 = arith.constant 0 : i32
      %dma_wait3A_886 = tpu.memref_slice %arg10[%dma_wait3A_884, %dma_wait3A_885] : memref<64x128xf32, #tpu.memory_space<vmem>> -> memref<8x128xf32, #tpu.memory_space<vmem>>
      %dma_wait3A_887 = arith.constant 0 : i32
      %dma_wait3A_888 = arith.constant 0 : i32
      %dma_wait3A_889 = tpu.memref_slice %arg4[%select_n3A_821, %dma_wait3A_883, %select_n3A_837, %dma_wait3A_887, %dma_wait3A_888] : memref<50x8x128x8x128xf32, #tpu.memory_space<hbm>> -> memref<1x1x1x8x128xf32, #tpu.memory_space<hbm>>
      %dma_wait3A_890 = tpu.memref_squeeze %dma_wait3A_889 : memref<1x1x1x8x128xf32, #tpu.memory_space<hbm>> -> memref<8x128xf32, #tpu.memory_space<hbm>>
      %dma_wait3A_891 = arith.constant 0 : i32
      %dma_wait3A_892 = arith.constant 0 : i32
      %dma_wait3A_893 = tpu.memref_slice %arg4[%select_n3A_821, %dma_wait3A_883, %select_n3A_837, %dma_wait3A_891, %dma_wait3A_892] : memref<50x8x128x8x128xf32, #tpu.memory_space<hbm>> -> memref<1x1x1x8x128xf32, #tpu.memory_space<hbm>>
      %dma_wait3A_894 = tpu.memref_squeeze %dma_wait3A_893 : memref<1x1x1x8x128xf32, #tpu.memory_space<hbm>> -> memref<8x128xf32, #tpu.memory_space<hbm>>
      %dma_wait3A_895 = arith.constant 24 : i32
      %dma_wait3A_896 = arith.constant 0 : i32
      %dma_wait3A_897 = tpu.memref_slice %arg10[%dma_wait3A_895, %dma_wait3A_896] : memref<64x128xf32, #tpu.memory_space<vmem>> -> memref<8x128xf32, #tpu.memory_space<vmem>>
      tpu.wait_dma2 semaphore(%arg16 : memref<!tpu.dma_semaphore, #tpu.memory_space<semaphore_mem>>) src(%dma_wait3A_897 : memref<8x128xf32, #tpu.memory_space<vmem>>) dst(%dma_wait3A_894 : memref<8x128xf32, #tpu.memory_space<hbm>>)
      %dma_wait3A_898 = arith.constant 4 : i32
      %dma_wait3A_899 = arith.constant 32 : i32
      %dma_wait3A_900 = arith.constant 0 : i32
      %dma_wait3A_901 = tpu.memref_slice %arg10[%dma_wait3A_899, %dma_wait3A_900] : memref<64x128xf32, #tpu.memory_space<vmem>> -> memref<8x128xf32, #tpu.memory_space<vmem>>
      %dma_wait3A_902 = arith.constant 0 : i32
      %dma_wait3A_903 = arith.constant 0 : i32
      %dma_wait3A_904 = tpu.memref_slice %arg4[%select_n3A_821, %dma_wait3A_898, %select_n3A_837, %dma_wait3A_902, %dma_wait3A_903] : memref<50x8x128x8x128xf32, #tpu.memory_space<hbm>> -> memref<1x1x1x8x128xf32, #tpu.memory_space<hbm>>
      %dma_wait3A_905 = tpu.memref_squeeze %dma_wait3A_904 : memref<1x1x1x8x128xf32, #tpu.memory_space<hbm>> -> memref<8x128xf32, #tpu.memory_space<hbm>>
      %dma_wait3A_906 = arith.constant 0 : i32
      %dma_wait3A_907 = arith.constant 0 : i32
      %dma_wait3A_908 = tpu.memref_slice %arg4[%select_n3A_821, %dma_wait3A_898, %select_n3A_837, %dma_wait3A_906, %dma_wait3A_907] : memref<50x8x128x8x128xf32, #tpu.memory_space<hbm>> -> memref<1x1x1x8x128xf32, #tpu.memory_space<hbm>>
      %dma_wait3A_909 = tpu.memref_squeeze %dma_wait3A_908 : memref<1x1x1x8x128xf32, #tpu.memory_space<hbm>> -> memref<8x128xf32, #tpu.memory_space<hbm>>
      %dma_wait3A_910 = arith.constant 32 : i32
      %dma_wait3A_911 = arith.constant 0 : i32
      %dma_wait3A_912 = tpu.memref_slice %arg10[%dma_wait3A_910, %dma_wait3A_911] : memref<64x128xf32, #tpu.memory_space<vmem>> -> memref<8x128xf32, #tpu.memory_space<vmem>>
      tpu.wait_dma2 semaphore(%arg16 : memref<!tpu.dma_semaphore, #tpu.memory_space<semaphore_mem>>) src(%dma_wait3A_912 : memref<8x128xf32, #tpu.memory_space<vmem>>) dst(%dma_wait3A_909 : memref<8x128xf32, #tpu.memory_space<hbm>>)
      %dma_wait3A_913 = arith.constant 5 : i32
      %dma_wait3A_914 = arith.constant 40 : i32
      %dma_wait3A_915 = arith.constant 0 : i32
      %dma_wait3A_916 = tpu.memref_slice %arg10[%dma_wait3A_914, %dma_wait3A_915] : memref<64x128xf32, #tpu.memory_space<vmem>> -> memref<8x128xf32, #tpu.memory_space<vmem>>
      %dma_wait3A_917 = arith.constant 0 : i32
      %dma_wait3A_918 = arith.constant 0 : i32
      %dma_wait3A_919 = tpu.memref_slice %arg4[%select_n3A_821, %dma_wait3A_913, %select_n3A_837, %dma_wait3A_917, %dma_wait3A_918] : memref<50x8x128x8x128xf32, #tpu.memory_space<hbm>> -> memref<1x1x1x8x128xf32, #tpu.memory_space<hbm>>
      %dma_wait3A_920 = tpu.memref_squeeze %dma_wait3A_919 : memref<1x1x1x8x128xf32, #tpu.memory_space<hbm>> -> memref<8x128xf32, #tpu.memory_space<hbm>>
      %dma_wait3A_921 = arith.constant 0 : i32
      %dma_wait3A_922 = arith.constant 0 : i32
      %dma_wait3A_923 = tpu.memref_slice %arg4[%select_n3A_821, %dma_wait3A_913, %select_n3A_837, %dma_wait3A_921, %dma_wait3A_922] : memref<50x8x128x8x128xf32, #tpu.memory_space<hbm>> -> memref<1x1x1x8x128xf32, #tpu.memory_space<hbm>>
      %dma_wait3A_924 = tpu.memref_squeeze %dma_wait3A_923 : memref<1x1x1x8x128xf32, #tpu.memory_space<hbm>> -> memref<8x128xf32, #tpu.memory_space<hbm>>
      %dma_wait3A_925 = arith.constant 40 : i32
      %dma_wait3A_926 = arith.constant 0 : i32
      %dma_wait3A_927 = tpu.memref_slice %arg10[%dma_wait3A_925, %dma_wait3A_926] : memref<64x128xf32, #tpu.memory_space<vmem>> -> memref<8x128xf32, #tpu.memory_space<vmem>>
      tpu.wait_dma2 semaphore(%arg16 : memref<!tpu.dma_semaphore, #tpu.memory_space<semaphore_mem>>) src(%dma_wait3A_927 : memref<8x128xf32, #tpu.memory_space<vmem>>) dst(%dma_wait3A_924 : memref<8x128xf32, #tpu.memory_space<hbm>>)
      %dma_wait3A_928 = arith.constant 6 : i32
      %dma_wait3A_929 = arith.constant 48 : i32
      %dma_wait3A_930 = arith.constant 0 : i32
      %dma_wait3A_931 = tpu.memref_slice %arg10[%dma_wait3A_929, %dma_wait3A_930] : memref<64x128xf32, #tpu.memory_space<vmem>> -> memref<8x128xf32, #tpu.memory_space<vmem>>
      %dma_wait3A_932 = arith.constant 0 : i32
      %dma_wait3A_933 = arith.constant 0 : i32
      %dma_wait3A_934 = tpu.memref_slice %arg4[%select_n3A_821, %dma_wait3A_928, %select_n3A_837, %dma_wait3A_932, %dma_wait3A_933] : memref<50x8x128x8x128xf32, #tpu.memory_space<hbm>> -> memref<1x1x1x8x128xf32, #tpu.memory_space<hbm>>
      %dma_wait3A_935 = tpu.memref_squeeze %dma_wait3A_934 : memref<1x1x1x8x128xf32, #tpu.memory_space<hbm>> -> memref<8x128xf32, #tpu.memory_space<hbm>>
      %dma_wait3A_936 = arith.constant 0 : i32
      %dma_wait3A_937 = arith.constant 0 : i32
      %dma_wait3A_938 = tpu.memref_slice %arg4[%select_n3A_821, %dma_wait3A_928, %select_n3A_837, %dma_wait3A_936, %dma_wait3A_937] : memref<50x8x128x8x128xf32, #tpu.memory_space<hbm>> -> memref<1x1x1x8x128xf32, #tpu.memory_space<hbm>>
      %dma_wait3A_939 = tpu.memref_squeeze %dma_wait3A_938 : memref<1x1x1x8x128xf32, #tpu.memory_space<hbm>> -> memref<8x128xf32, #tpu.memory_space<hbm>>
      %dma_wait3A_940 = arith.constant 48 : i32
      %dma_wait3A_941 = arith.constant 0 : i32
      %dma_wait3A_942 = tpu.memref_slice %arg10[%dma_wait3A_940, %dma_wait3A_941] : memref<64x128xf32, #tpu.memory_space<vmem>> -> memref<8x128xf32, #tpu.memory_space<vmem>>
      tpu.wait_dma2 semaphore(%arg16 : memref<!tpu.dma_semaphore, #tpu.memory_space<semaphore_mem>>) src(%dma_wait3A_942 : memref<8x128xf32, #tpu.memory_space<vmem>>) dst(%dma_wait3A_939 : memref<8x128xf32, #tpu.memory_space<hbm>>)
      %dma_wait3A_943 = arith.constant 7 : i32
      %dma_wait3A_944 = arith.constant 56 : i32
      %dma_wait3A_945 = arith.constant 0 : i32
      %dma_wait3A_946 = tpu.memref_slice %arg10[%dma_wait3A_944, %dma_wait3A_945] : memref<64x128xf32, #tpu.memory_space<vmem>> -> memref<8x128xf32, #tpu.memory_space<vmem>>
      %dma_wait3A_947 = arith.constant 0 : i32
      %dma_wait3A_948 = arith.constant 0 : i32
      %dma_wait3A_949 = tpu.memref_slice %arg4[%select_n3A_821, %dma_wait3A_943, %select_n3A_837, %dma_wait3A_947, %dma_wait3A_948] : memref<50x8x128x8x128xf32, #tpu.memory_space<hbm>> -> memref<1x1x1x8x128xf32, #tpu.memory_space<hbm>>
      %dma_wait3A_950 = tpu.memref_squeeze %dma_wait3A_949 : memref<1x1x1x8x128xf32, #tpu.memory_space<hbm>> -> memref<8x128xf32, #tpu.memory_space<hbm>>
      %dma_wait3A_951 = arith.constant 0 : i32
      %dma_wait3A_952 = arith.constant 0 : i32
      %dma_wait3A_953 = tpu.memref_slice %arg4[%select_n3A_821, %dma_wait3A_943, %select_n3A_837, %dma_wait3A_951, %dma_wait3A_952] : memref<50x8x128x8x128xf32, #tpu.memory_space<hbm>> -> memref<1x1x1x8x128xf32, #tpu.memory_space<hbm>>
      %dma_wait3A_954 = tpu.memref_squeeze %dma_wait3A_953 : memref<1x1x1x8x128xf32, #tpu.memory_space<hbm>> -> memref<8x128xf32, #tpu.memory_space<hbm>>
      %dma_wait3A_955 = arith.constant 56 : i32
      %dma_wait3A_956 = arith.constant 0 : i32
      %dma_wait3A_957 = tpu.memref_slice %arg10[%dma_wait3A_955, %dma_wait3A_956] : memref<64x128xf32, #tpu.memory_space<vmem>> -> memref<8x128xf32, #tpu.memory_space<vmem>>
      tpu.wait_dma2 semaphore(%arg16 : memref<!tpu.dma_semaphore, #tpu.memory_space<semaphore_mem>>) src(%dma_wait3A_957 : memref<8x128xf32, #tpu.memory_space<vmem>>) dst(%dma_wait3A_954 : memref<8x128xf32, #tpu.memory_space<hbm>>)
      %scan3A_958 = arith.constant 0 : i32
      %scan3A_959 = arith.constant 0 : i32
      %scan3A_960 = arith.constant 16 : i32
      %scan3A_961 = arith.addi %scan3A_959, %scan3A_960 : i32
      %scan3A_962 = arith.constant 1 : i32
      scf.for %scan3A_1434 = %scan3A_959 to %scan3A_961 step %scan3A_962  : i32 {
        %add3A_1435 = vector.broadcast %scan3A_1434 : i32 to vector<16xi32>
        %add3A_1436 = arith.addi %iota3A, %add3A_1435 : vector<16xi32>
        %and3A_1437 = arith.constant 15 : i32
        %and3A_1438 = vector.broadcast %and3A_1437 : i32 to vector<16xi32>
        %and3A_1439 = arith.andi %add3A_1436, %and3A_1438 : vector<16xi32>
        %add3A_1440 = arith.constant 0 : i32
        %add3A_1441 = vector.broadcast %add3A_1440 : i32 to vector<16xi32>
        %add3A_1442 = arith.addi %and3A_1439, %add3A_1441 : vector<16xi32>
        %gather3A = tpu.vector_load_idx %arg8[%add3A_5, %add3A_1442] : memref<128x64xf32, #tpu.memory_space<vmem>>[vector<16xi32>, vector<16xi32>], vector<16xf32>,
        %gather3A_1443 = tpu.vector_load_idx %arg8[%add3A_8, %add3A_1442] : memref<128x64xf32, #tpu.memory_space<vmem>>[vector<16xi32>, vector<16xi32>], vector<16xf32>,
        %gather3A_1444 = tpu.vector_load_idx %arg8[%add3A_11, %add3A_1442] : memref<128x64xf32, #tpu.memory_space<vmem>>[vector<16xi32>, vector<16xi32>], vector<16xf32>,
        %gather3A_1445 = tpu.vector_load_idx %arg8[%add3A_14, %add3A_1442] : memref<128x64xf32, #tpu.memory_space<vmem>>[vector<16xi32>, vector<16xi32>], vector<16xf32>,
        %gather3A_1446 = tpu.vector_load_idx %arg8[%add3A_17, %add3A_1442] : memref<128x64xf32, #tpu.memory_space<vmem>>[vector<16xi32>, vector<16xi32>], vector<16xf32>,
        %gather3A_1447 = tpu.vector_load_idx %arg8[%add3A_20, %add3A_1442] : memref<128x64xf32, #tpu.memory_space<vmem>>[vector<16xi32>, vector<16xi32>], vector<16xf32>,
        %gather3A_1448 = tpu.vector_load_idx %arg8[%add3A_23, %add3A_1442] : memref<128x64xf32, #tpu.memory_space<vmem>>[vector<16xi32>, vector<16xi32>], vector<16xf32>,
        %gather3A_1449 = tpu.vector_load_idx %arg8[%add3A_26, %add3A_1442] : memref<128x64xf32, #tpu.memory_space<vmem>>[vector<16xi32>, vector<16xi32>], vector<16xf32>,
        tpu.vector_store_idx %arg10[%add3A_1442, %add3A_5], %gather3A : memref<64x128xf32, #tpu.memory_space<vmem>>[vector<16xi32>, vector<16xi32>], vector<16xf32>,
        tpu.vector_store_idx %arg10[%add3A_1442, %add3A_8], %gather3A_1443 : memref<64x128xf32, #tpu.memory_space<vmem>>[vector<16xi32>, vector<16xi32>], vector<16xf32>,
        tpu.vector_store_idx %arg10[%add3A_1442, %add3A_11], %gather3A_1444 : memref<64x128xf32, #tpu.memory_space<vmem>>[vector<16xi32>, vector<16xi32>], vector<16xf32>,
        tpu.vector_store_idx %arg10[%add3A_1442, %add3A_14], %gather3A_1445 : memref<64x128xf32, #tpu.memory_space<vmem>>[vector<16xi32>, vector<16xi32>], vector<16xf32>,
        tpu.vector_store_idx %arg10[%add3A_1442, %add3A_17], %gather3A_1446 : memref<64x128xf32, #tpu.memory_space<vmem>>[vector<16xi32>, vector<16xi32>], vector<16xf32>,
        tpu.vector_store_idx %arg10[%add3A_1442, %add3A_20], %gather3A_1447 : memref<64x128xf32, #tpu.memory_space<vmem>>[vector<16xi32>, vector<16xi32>], vector<16xf32>,
        tpu.vector_store_idx %arg10[%add3A_1442, %add3A_23], %gather3A_1448 : memref<64x128xf32, #tpu.memory_space<vmem>>[vector<16xi32>, vector<16xi32>], vector<16xf32>,
        tpu.vector_store_idx %arg10[%add3A_1442, %add3A_26], %gather3A_1449 : memref<64x128xf32, #tpu.memory_space<vmem>>[vector<16xi32>, vector<16xi32>], vector<16xf32>,
        %add3A_1450 = arith.constant 16 : i32
        %add3A_1451 = vector.broadcast %add3A_1450 : i32 to vector<16xi32>
        %add3A_1452 = arith.addi %and3A_1439, %add3A_1451 : vector<16xi32>
        %gather3A_1453 = tpu.vector_load_idx %arg8[%add3A_5, %add3A_1452] : memref<128x64xf32, #tpu.memory_space<vmem>>[vector<16xi32>, vector<16xi32>], vector<16xf32>,
        %gather3A_1454 = tpu.vector_load_idx %arg8[%add3A_8, %add3A_1452] : memref<128x64xf32, #tpu.memory_space<vmem>>[vector<16xi32>, vector<16xi32>], vector<16xf32>,
        %gather3A_1455 = tpu.vector_load_idx %arg8[%add3A_11, %add3A_1452] : memref<128x64xf32, #tpu.memory_space<vmem>>[vector<16xi32>, vector<16xi32>], vector<16xf32>,
        %gather3A_1456 = tpu.vector_load_idx %arg8[%add3A_14, %add3A_1452] : memref<128x64xf32, #tpu.memory_space<vmem>>[vector<16xi32>, vector<16xi32>], vector<16xf32>,
        %gather3A_1457 = tpu.vector_load_idx %arg8[%add3A_17, %add3A_1452] : memref<128x64xf32, #tpu.memory_space<vmem>>[vector<16xi32>, vector<16xi32>], vector<16xf32>,
        %gather3A_1458 = tpu.vector_load_idx %arg8[%add3A_20, %add3A_1452] : memref<128x64xf32, #tpu.memory_space<vmem>>[vector<16xi32>, vector<16xi32>], vector<16xf32>,
        %gather3A_1459 = tpu.vector_load_idx %arg8[%add3A_23, %add3A_1452] : memref<128x64xf32, #tpu.memory_space<vmem>>[vector<16xi32>, vector<16xi32>], vector<16xf32>,
        %gather3A_1460 = tpu.vector_load_idx %arg8[%add3A_26, %add3A_1452] : memref<128x64xf32, #tpu.memory_space<vmem>>[vector<16xi32>, vector<16xi32>], vector<16xf32>,
        tpu.vector_store_idx %arg10[%add3A_1452, %add3A_5], %gather3A_1453 : memref<64x128xf32, #tpu.memory_space<vmem>>[vector<16xi32>, vector<16xi32>], vector<16xf32>,
        tpu.vector_store_idx %arg10[%add3A_1452, %add3A_8], %gather3A_1454 : memref<64x128xf32, #tpu.memory_space<vmem>>[vector<16xi32>, vector<16xi32>], vector<16xf32>,
        tpu.vector_store_idx %arg10[%add3A_1452, %add3A_11], %gather3A_1455 : memref<64x128xf32, #tpu.memory_space<vmem>>[vector<16xi32>, vector<16xi32>], vector<16xf32>,
        tpu.vector_store_idx %arg10[%add3A_1452, %add3A_14], %gather3A_1456 : memref<64x128xf32, #tpu.memory_space<vmem>>[vector<16xi32>, vector<16xi32>], vector<16xf32>,
        tpu.vector_store_idx %arg10[%add3A_1452, %add3A_17], %gather3A_1457 : memref<64x128xf32, #tpu.memory_space<vmem>>[vector<16xi32>, vector<16xi32>], vector<16xf32>,
        tpu.vector_store_idx %arg10[%add3A_1452, %add3A_20], %gather3A_1458 : memref<64x128xf32, #tpu.memory_space<vmem>>[vector<16xi32>, vector<16xi32>], vector<16xf32>,
        tpu.vector_store_idx %arg10[%add3A_1452, %add3A_23], %gather3A_1459 : memref<64x128xf32, #tpu.memory_space<vmem>>[vector<16xi32>, vector<16xi32>], vector<16xf32>,
        tpu.vector_store_idx %arg10[%add3A_1452, %add3A_26], %gather3A_1460 : memref<64x128xf32, #tpu.memory_space<vmem>>[vector<16xi32>, vector<16xi32>], vector<16xf32>,
        %add3A_1461 = arith.constant 32 : i32
        %add3A_1462 = vector.broadcast %add3A_1461 : i32 to vector<16xi32>
        %add3A_1463 = arith.addi %and3A_1439, %add3A_1462 : vector<16xi32>
        %gather3A_1464 = tpu.vector_load_idx %arg8[%add3A_5, %add3A_1463] : memref<128x64xf32, #tpu.memory_space<vmem>>[vector<16xi32>, vector<16xi32>], vector<16xf32>,
        %gather3A_1465 = tpu.vector_load_idx %arg8[%add3A_8, %add3A_1463] : memref<128x64xf32, #tpu.memory_space<vmem>>[vector<16xi32>, vector<16xi32>], vector<16xf32>,
        %gather3A_1466 = tpu.vector_load_idx %arg8[%add3A_11, %add3A_1463] : memref<128x64xf32, #tpu.memory_space<vmem>>[vector<16xi32>, vector<16xi32>], vector<16xf32>,
        %gather3A_1467 = tpu.vector_load_idx %arg8[%add3A_14, %add3A_1463] : memref<128x64xf32, #tpu.memory_space<vmem>>[vector<16xi32>, vector<16xi32>], vector<16xf32>,
        %gather3A_1468 = tpu.vector_load_idx %arg8[%add3A_17, %add3A_1463] : memref<128x64xf32, #tpu.memory_space<vmem>>[vector<16xi32>, vector<16xi32>], vector<16xf32>,
        %gather3A_1469 = tpu.vector_load_idx %arg8[%add3A_20, %add3A_1463] : memref<128x64xf32, #tpu.memory_space<vmem>>[vector<16xi32>, vector<16xi32>], vector<16xf32>,
        %gather3A_1470 = tpu.vector_load_idx %arg8[%add3A_23, %add3A_1463] : memref<128x64xf32, #tpu.memory_space<vmem>>[vector<16xi32>, vector<16xi32>], vector<16xf32>,
        %gather3A_1471 = tpu.vector_load_idx %arg8[%add3A_26, %add3A_1463] : memref<128x64xf32, #tpu.memory_space<vmem>>[vector<16xi32>, vector<16xi32>], vector<16xf32>,
        tpu.vector_store_idx %arg10[%add3A_1463, %add3A_5], %gather3A_1464 : memref<64x128xf32, #tpu.memory_space<vmem>>[vector<16xi32>, vector<16xi32>], vector<16xf32>,
        tpu.vector_store_idx %arg10[%add3A_1463, %add3A_8], %gather3A_1465 : memref<64x128xf32, #tpu.memory_space<vmem>>[vector<16xi32>, vector<16xi32>], vector<16xf32>,
        tpu.vector_store_idx %arg10[%add3A_1463, %add3A_11], %gather3A_1466 : memref<64x128xf32, #tpu.memory_space<vmem>>[vector<16xi32>, vector<16xi32>], vector<16xf32>,
        tpu.vector_store_idx %arg10[%add3A_1463, %add3A_14], %gather3A_1467 : memref<64x128xf32, #tpu.memory_space<vmem>>[vector<16xi32>, vector<16xi32>], vector<16xf32>,
        tpu.vector_store_idx %arg10[%add3A_1463, %add3A_17], %gather3A_1468 : memref<64x128xf32, #tpu.memory_space<vmem>>[vector<16xi32>, vector<16xi32>], vector<16xf32>,
        tpu.vector_store_idx %arg10[%add3A_1463, %add3A_20], %gather3A_1469 : memref<64x128xf32, #tpu.memory_space<vmem>>[vector<16xi32>, vector<16xi32>], vector<16xf32>,
        tpu.vector_store_idx %arg10[%add3A_1463, %add3A_23], %gather3A_1470 : memref<64x128xf32, #tpu.memory_space<vmem>>[vector<16xi32>, vector<16xi32>], vector<16xf32>,
        tpu.vector_store_idx %arg10[%add3A_1463, %add3A_26], %gather3A_1471 : memref<64x128xf32, #tpu.memory_space<vmem>>[vector<16xi32>, vector<16xi32>], vector<16xf32>,
        %add3A_1472 = arith.constant 48 : i32
        %add3A_1473 = vector.broadcast %add3A_1472 : i32 to vector<16xi32>
        %add3A_1474 = arith.addi %and3A_1439, %add3A_1473 : vector<16xi32>
        %gather3A_1475 = tpu.vector_load_idx %arg8[%add3A_5, %add3A_1474] : memref<128x64xf32, #tpu.memory_space<vmem>>[vector<16xi32>, vector<16xi32>], vector<16xf32>,
        %gather3A_1476 = tpu.vector_load_idx %arg8[%add3A_8, %add3A_1474] : memref<128x64xf32, #tpu.memory_space<vmem>>[vector<16xi32>, vector<16xi32>], vector<16xf32>,
        %gather3A_1477 = tpu.vector_load_idx %arg8[%add3A_11, %add3A_1474] : memref<128x64xf32, #tpu.memory_space<vmem>>[vector<16xi32>, vector<16xi32>], vector<16xf32>,
        %gather3A_1478 = tpu.vector_load_idx %arg8[%add3A_14, %add3A_1474] : memref<128x64xf32, #tpu.memory_space<vmem>>[vector<16xi32>, vector<16xi32>], vector<16xf32>,
        %gather3A_1479 = tpu.vector_load_idx %arg8[%add3A_17, %add3A_1474] : memref<128x64xf32, #tpu.memory_space<vmem>>[vector<16xi32>, vector<16xi32>], vector<16xf32>,
        %gather3A_1480 = tpu.vector_load_idx %arg8[%add3A_20, %add3A_1474] : memref<128x64xf32, #tpu.memory_space<vmem>>[vector<16xi32>, vector<16xi32>], vector<16xf32>,
        %gather3A_1481 = tpu.vector_load_idx %arg8[%add3A_23, %add3A_1474] : memref<128x64xf32, #tpu.memory_space<vmem>>[vector<16xi32>, vector<16xi32>], vector<16xf32>,
        %gather3A_1482 = tpu.vector_load_idx %arg8[%add3A_26, %add3A_1474] : memref<128x64xf32, #tpu.memory_space<vmem>>[vector<16xi32>, vector<16xi32>], vector<16xf32>,
        tpu.vector_store_idx %arg10[%add3A_1474, %add3A_5], %gather3A_1475 : memref<64x128xf32, #tpu.memory_space<vmem>>[vector<16xi32>, vector<16xi32>], vector<16xf32>,
        tpu.vector_store_idx %arg10[%add3A_1474, %add3A_8], %gather3A_1476 : memref<64x128xf32, #tpu.memory_space<vmem>>[vector<16xi32>, vector<16xi32>], vector<16xf32>,
        tpu.vector_store_idx %arg10[%add3A_1474, %add3A_11], %gather3A_1477 : memref<64x128xf32, #tpu.memory_space<vmem>>[vector<16xi32>, vector<16xi32>], vector<16xf32>,
        tpu.vector_store_idx %arg10[%add3A_1474, %add3A_14], %gather3A_1478 : memref<64x128xf32, #tpu.memory_space<vmem>>[vector<16xi32>, vector<16xi32>], vector<16xf32>,
        tpu.vector_store_idx %arg10[%add3A_1474, %add3A_17], %gather3A_1479 : memref<64x128xf32, #tpu.memory_space<vmem>>[vector<16xi32>, vector<16xi32>], vector<16xf32>,
        tpu.vector_store_idx %arg10[%add3A_1474, %add3A_20], %gather3A_1480 : memref<64x128xf32, #tpu.memory_space<vmem>>[vector<16xi32>, vector<16xi32>], vector<16xf32>,
        tpu.vector_store_idx %arg10[%add3A_1474, %add3A_23], %gather3A_1481 : memref<64x128xf32, #tpu.memory_space<vmem>>[vector<16xi32>, vector<16xi32>], vector<16xf32>,
        tpu.vector_store_idx %arg10[%add3A_1474, %add3A_26], %gather3A_1482 : memref<64x128xf32, #tpu.memory_space<vmem>>[vector<16xi32>, vector<16xi32>], vector<16xf32>,
      }
      %scan3A_963 = arith.constant 16 : i32
      %dma_start3A_964 = arith.constant 0 : i32
      %dma_start3A_965 = arith.constant 0 : i32
      %dma_start3A_966 = arith.constant 0 : i32
      %dma_start3A_967 = tpu.memref_slice %arg10[%dma_start3A_965, %dma_start3A_966] : memref<64x128xf32, #tpu.memory_space<vmem>> -> memref<8x128xf32, #tpu.memory_space<vmem>>
      %dma_start3A_968 = arith.constant 0 : i32
      %dma_start3A_969 = arith.constant 0 : i32
      %dma_start3A_970 = tpu.memref_slice %arg4[%select_n3A_772, %dma_start3A_964, %select_n3A_788, %dma_start3A_968, %dma_start3A_969] : memref<50x8x128x8x128xf32, #tpu.memory_space<hbm>> -> memref<1x1x1x8x128xf32, #tpu.memory_space<hbm>>
      %dma_start3A_971 = tpu.memref_squeeze %dma_start3A_970 : memref<1x1x1x8x128xf32, #tpu.memory_space<hbm>> -> memref<8x128xf32, #tpu.memory_space<hbm>>
      %dma_start3A_972 = arith.constant 0 : i32
      %dma_start3A_973 = arith.constant 0 : i32
      %dma_start3A_974 = tpu.memref_slice %arg4[%select_n3A_772, %dma_start3A_964, %select_n3A_788, %dma_start3A_972, %dma_start3A_973] : memref<50x8x128x8x128xf32, #tpu.memory_space<hbm>> -> memref<1x1x1x8x128xf32, #tpu.memory_space<hbm>>
      %dma_start3A_975 = tpu.memref_squeeze %dma_start3A_974 : memref<1x1x1x8x128xf32, #tpu.memory_space<hbm>> -> memref<8x128xf32, #tpu.memory_space<hbm>>
      %dma_start3A_976 = arith.constant 0 : i32
      %dma_start3A_977 = arith.constant 0 : i32
      %dma_start3A_978 = tpu.memref_slice %arg10[%dma_start3A_976, %dma_start3A_977] : memref<64x128xf32, #tpu.memory_space<vmem>> -> memref<8x128xf32, #tpu.memory_space<vmem>>
      tpu.enqueue_dma source(%dma_start3A_978 : memref<8x128xf32, #tpu.memory_space<vmem>>) target(%dma_start3A_975 : memref<8x128xf32, #tpu.memory_space<hbm>>) target_semaphore(%arg16 : memref<!tpu.dma_semaphore, #tpu.memory_space<semaphore_mem>>)
      %dma_start3A_979 = arith.constant 1 : i32
      %dma_start3A_980 = arith.constant 8 : i32
      %dma_start3A_981 = arith.constant 0 : i32
      %dma_start3A_982 = tpu.memref_slice %arg10[%dma_start3A_980, %dma_start3A_981] : memref<64x128xf32, #tpu.memory_space<vmem>> -> memref<8x128xf32, #tpu.memory_space<vmem>>
      %dma_start3A_983 = arith.constant 0 : i32
      %dma_start3A_984 = arith.constant 0 : i32
      %dma_start3A_985 = tpu.memref_slice %arg4[%select_n3A_772, %dma_start3A_979, %select_n3A_788, %dma_start3A_983, %dma_start3A_984] : memref<50x8x128x8x128xf32, #tpu.memory_space<hbm>> -> memref<1x1x1x8x128xf32, #tpu.memory_space<hbm>>
      %dma_start3A_986 = tpu.memref_squeeze %dma_start3A_985 : memref<1x1x1x8x128xf32, #tpu.memory_space<hbm>> -> memref<8x128xf32, #tpu.memory_space<hbm>>
      %dma_start3A_987 = arith.constant 0 : i32
      %dma_start3A_988 = arith.constant 0 : i32
      %dma_start3A_989 = tpu.memref_slice %arg4[%select_n3A_772, %dma_start3A_979, %select_n3A_788, %dma_start3A_987, %dma_start3A_988] : memref<50x8x128x8x128xf32, #tpu.memory_space<hbm>> -> memref<1x1x1x8x128xf32, #tpu.memory_space<hbm>>
      %dma_start3A_990 = tpu.memref_squeeze %dma_start3A_989 : memref<1x1x1x8x128xf32, #tpu.memory_space<hbm>> -> memref<8x128xf32, #tpu.memory_space<hbm>>
      %dma_start3A_991 = arith.constant 8 : i32
      %dma_start3A_992 = arith.constant 0 : i32
      %dma_start3A_993 = tpu.memref_slice %arg10[%dma_start3A_991, %dma_start3A_992] : memref<64x128xf32, #tpu.memory_space<vmem>> -> memref<8x128xf32, #tpu.memory_space<vmem>>
      tpu.enqueue_dma source(%dma_start3A_993 : memref<8x128xf32, #tpu.memory_space<vmem>>) target(%dma_start3A_990 : memref<8x128xf32, #tpu.memory_space<hbm>>) target_semaphore(%arg16 : memref<!tpu.dma_semaphore, #tpu.memory_space<semaphore_mem>>)
      %dma_start3A_994 = arith.constant 2 : i32
      %dma_start3A_995 = arith.constant 16 : i32
      %dma_start3A_996 = arith.constant 0 : i32
      %dma_start3A_997 = tpu.memref_slice %arg10[%dma_start3A_995, %dma_start3A_996] : memref<64x128xf32, #tpu.memory_space<vmem>> -> memref<8x128xf32, #tpu.memory_space<vmem>>
      %dma_start3A_998 = arith.constant 0 : i32
      %dma_start3A_999 = arith.constant 0 : i32
      %dma_start3A_1000 = tpu.memref_slice %arg4[%select_n3A_772, %dma_start3A_994, %select_n3A_788, %dma_start3A_998, %dma_start3A_999] : memref<50x8x128x8x128xf32, #tpu.memory_space<hbm>> -> memref<1x1x1x8x128xf32, #tpu.memory_space<hbm>>
      %dma_start3A_1001 = tpu.memref_squeeze %dma_start3A_1000 : memref<1x1x1x8x128xf32, #tpu.memory_space<hbm>> -> memref<8x128xf32, #tpu.memory_space<hbm>>
      %dma_start3A_1002 = arith.constant 0 : i32
      %dma_start3A_1003 = arith.constant 0 : i32
      %dma_start3A_1004 = tpu.memref_slice %arg4[%select_n3A_772, %dma_start3A_994, %select_n3A_788, %dma_start3A_1002, %dma_start3A_1003] : memref<50x8x128x8x128xf32, #tpu.memory_space<hbm>> -> memref<1x1x1x8x128xf32, #tpu.memory_space<hbm>>
      %dma_start3A_1005 = tpu.memref_squeeze %dma_start3A_1004 : memref<1x1x1x8x128xf32, #tpu.memory_space<hbm>> -> memref<8x128xf32, #tpu.memory_space<hbm>>
      %dma_start3A_1006 = arith.constant 16 : i32
      %dma_start3A_1007 = arith.constant 0 : i32
      %dma_start3A_1008 = tpu.memref_slice %arg10[%dma_start3A_1006, %dma_start3A_1007] : memref<64x128xf32, #tpu.memory_space<vmem>> -> memref<8x128xf32, #tpu.memory_space<vmem>>
      tpu.enqueue_dma source(%dma_start3A_1008 : memref<8x128xf32, #tpu.memory_space<vmem>>) target(%dma_start3A_1005 : memref<8x128xf32, #tpu.memory_space<hbm>>) target_semaphore(%arg16 : memref<!tpu.dma_semaphore, #tpu.memory_space<semaphore_mem>>)
      %dma_start3A_1009 = arith.constant 3 : i32
      %dma_start3A_1010 = arith.constant 24 : i32
      %dma_start3A_1011 = arith.constant 0 : i32
      %dma_start3A_1012 = tpu.memref_slice %arg10[%dma_start3A_1010, %dma_start3A_1011] : memref<64x128xf32, #tpu.memory_space<vmem>> -> memref<8x128xf32, #tpu.memory_space<vmem>>
      %dma_start3A_1013 = arith.constant 0 : i32
      %dma_start3A_1014 = arith.constant 0 : i32
      %dma_start3A_1015 = tpu.memref_slice %arg4[%select_n3A_772, %dma_start3A_1009, %select_n3A_788, %dma_start3A_1013, %dma_start3A_1014] : memref<50x8x128x8x128xf32, #tpu.memory_space<hbm>> -> memref<1x1x1x8x128xf32, #tpu.memory_space<hbm>>
      %dma_start3A_1016 = tpu.memref_squeeze %dma_start3A_1015 : memref<1x1x1x8x128xf32, #tpu.memory_space<hbm>> -> memref<8x128xf32, #tpu.memory_space<hbm>>
      %dma_start3A_1017 = arith.constant 0 : i32
      %dma_start3A_1018 = arith.constant 0 : i32
      %dma_start3A_1019 = tpu.memref_slice %arg4[%select_n3A_772, %dma_start3A_1009, %select_n3A_788, %dma_start3A_1017, %dma_start3A_1018] : memref<50x8x128x8x128xf32, #tpu.memory_space<hbm>> -> memref<1x1x1x8x128xf32, #tpu.memory_space<hbm>>
      %dma_start3A_1020 = tpu.memref_squeeze %dma_start3A_1019 : memref<1x1x1x8x128xf32, #tpu.memory_space<hbm>> -> memref<8x128xf32, #tpu.memory_space<hbm>>
      %dma_start3A_1021 = arith.constant 24 : i32
      %dma_start3A_1022 = arith.constant 0 : i32
      %dma_start3A_1023 = tpu.memref_slice %arg10[%dma_start3A_1021, %dma_start3A_1022] : memref<64x128xf32, #tpu.memory_space<vmem>> -> memref<8x128xf32, #tpu.memory_space<vmem>>
      tpu.enqueue_dma source(%dma_start3A_1023 : memref<8x128xf32, #tpu.memory_space<vmem>>) target(%dma_start3A_1020 : memref<8x128xf32, #tpu.memory_space<hbm>>) target_semaphore(%arg16 : memref<!tpu.dma_semaphore, #tpu.memory_space<semaphore_mem>>)
      %dma_start3A_1024 = arith.constant 4 : i32
      %dma_start3A_1025 = arith.constant 32 : i32
      %dma_start3A_1026 = arith.constant 0 : i32
      %dma_start3A_1027 = tpu.memref_slice %arg10[%dma_start3A_1025, %dma_start3A_1026] : memref<64x128xf32, #tpu.memory_space<vmem>> -> memref<8x128xf32, #tpu.memory_space<vmem>>
      %dma_start3A_1028 = arith.constant 0 : i32
      %dma_start3A_1029 = arith.constant 0 : i32
      %dma_start3A_1030 = tpu.memref_slice %arg4[%select_n3A_772, %dma_start3A_1024, %select_n3A_788, %dma_start3A_1028, %dma_start3A_1029] : memref<50x8x128x8x128xf32, #tpu.memory_space<hbm>> -> memref<1x1x1x8x128xf32, #tpu.memory_space<hbm>>
      %dma_start3A_1031 = tpu.memref_squeeze %dma_start3A_1030 : memref<1x1x1x8x128xf32, #tpu.memory_space<hbm>> -> memref<8x128xf32, #tpu.memory_space<hbm>>
      %dma_start3A_1032 = arith.constant 0 : i32
      %dma_start3A_1033 = arith.constant 0 : i32
      %dma_start3A_1034 = tpu.memref_slice %arg4[%select_n3A_772, %dma_start3A_1024, %select_n3A_788, %dma_start3A_1032, %dma_start3A_1033] : memref<50x8x128x8x128xf32, #tpu.memory_space<hbm>> -> memref<1x1x1x8x128xf32, #tpu.memory_space<hbm>>
      %dma_start3A_1035 = tpu.memref_squeeze %dma_start3A_1034 : memref<1x1x1x8x128xf32, #tpu.memory_space<hbm>> -> memref<8x128xf32, #tpu.memory_space<hbm>>
      %dma_start3A_1036 = arith.constant 32 : i32
      %dma_start3A_1037 = arith.constant 0 : i32
      %dma_start3A_1038 = tpu.memref_slice %arg10[%dma_start3A_1036, %dma_start3A_1037] : memref<64x128xf32, #tpu.memory_space<vmem>> -> memref<8x128xf32, #tpu.memory_space<vmem>>
      tpu.enqueue_dma source(%dma_start3A_1038 : memref<8x128xf32, #tpu.memory_space<vmem>>) target(%dma_start3A_1035 : memref<8x128xf32, #tpu.memory_space<hbm>>) target_semaphore(%arg16 : memref<!tpu.dma_semaphore, #tpu.memory_space<semaphore_mem>>)
      %dma_start3A_1039 = arith.constant 5 : i32
      %dma_start3A_1040 = arith.constant 40 : i32
      %dma_start3A_1041 = arith.constant 0 : i32
      %dma_start3A_1042 = tpu.memref_slice %arg10[%dma_start3A_1040, %dma_start3A_1041] : memref<64x128xf32, #tpu.memory_space<vmem>> -> memref<8x128xf32, #tpu.memory_space<vmem>>
      %dma_start3A_1043 = arith.constant 0 : i32
      %dma_start3A_1044 = arith.constant 0 : i32
      %dma_start3A_1045 = tpu.memref_slice %arg4[%select_n3A_772, %dma_start3A_1039, %select_n3A_788, %dma_start3A_1043, %dma_start3A_1044] : memref<50x8x128x8x128xf32, #tpu.memory_space<hbm>> -> memref<1x1x1x8x128xf32, #tpu.memory_space<hbm>>
      %dma_start3A_1046 = tpu.memref_squeeze %dma_start3A_1045 : memref<1x1x1x8x128xf32, #tpu.memory_space<hbm>> -> memref<8x128xf32, #tpu.memory_space<hbm>>
      %dma_start3A_1047 = arith.constant 0 : i32
      %dma_start3A_1048 = arith.constant 0 : i32
      %dma_start3A_1049 = tpu.memref_slice %arg4[%select_n3A_772, %dma_start3A_1039, %select_n3A_788, %dma_start3A_1047, %dma_start3A_1048] : memref<50x8x128x8x128xf32, #tpu.memory_space<hbm>> -> memref<1x1x1x8x128xf32, #tpu.memory_space<hbm>>
      %dma_start3A_1050 = tpu.memref_squeeze %dma_start3A_1049 : memref<1x1x1x8x128xf32, #tpu.memory_space<hbm>> -> memref<8x128xf32, #tpu.memory_space<hbm>>
      %dma_start3A_1051 = arith.constant 40 : i32
      %dma_start3A_1052 = arith.constant 0 : i32
      %dma_start3A_1053 = tpu.memref_slice %arg10[%dma_start3A_1051, %dma_start3A_1052] : memref<64x128xf32, #tpu.memory_space<vmem>> -> memref<8x128xf32, #tpu.memory_space<vmem>>
      tpu.enqueue_dma source(%dma_start3A_1053 : memref<8x128xf32, #tpu.memory_space<vmem>>) target(%dma_start3A_1050 : memref<8x128xf32, #tpu.memory_space<hbm>>) target_semaphore(%arg16 : memref<!tpu.dma_semaphore, #tpu.memory_space<semaphore_mem>>)
      %dma_start3A_1054 = arith.constant 6 : i32
      %dma_start3A_1055 = arith.constant 48 : i32
      %dma_start3A_1056 = arith.constant 0 : i32
      %dma_start3A_1057 = tpu.memref_slice %arg10[%dma_start3A_1055, %dma_start3A_1056] : memref<64x128xf32, #tpu.memory_space<vmem>> -> memref<8x128xf32, #tpu.memory_space<vmem>>
      %dma_start3A_1058 = arith.constant 0 : i32
      %dma_start3A_1059 = arith.constant 0 : i32
      %dma_start3A_1060 = tpu.memref_slice %arg4[%select_n3A_772, %dma_start3A_1054, %select_n3A_788, %dma_start3A_1058, %dma_start3A_1059] : memref<50x8x128x8x128xf32, #tpu.memory_space<hbm>> -> memref<1x1x1x8x128xf32, #tpu.memory_space<hbm>>
      %dma_start3A_1061 = tpu.memref_squeeze %dma_start3A_1060 : memref<1x1x1x8x128xf32, #tpu.memory_space<hbm>> -> memref<8x128xf32, #tpu.memory_space<hbm>>
      %dma_start3A_1062 = arith.constant 0 : i32
      %dma_start3A_1063 = arith.constant 0 : i32
      %dma_start3A_1064 = tpu.memref_slice %arg4[%select_n3A_772, %dma_start3A_1054, %select_n3A_788, %dma_start3A_1062, %dma_start3A_1063] : memref<50x8x128x8x128xf32, #tpu.memory_space<hbm>> -> memref<1x1x1x8x128xf32, #tpu.memory_space<hbm>>
      %dma_start3A_1065 = tpu.memref_squeeze %dma_start3A_1064 : memref<1x1x1x8x128xf32, #tpu.memory_space<hbm>> -> memref<8x128xf32, #tpu.memory_space<hbm>>
      %dma_start3A_1066 = arith.constant 48 : i32
      %dma_start3A_1067 = arith.constant 0 : i32
      %dma_start3A_1068 = tpu.memref_slice %arg10[%dma_start3A_1066, %dma_start3A_1067] : memref<64x128xf32, #tpu.memory_space<vmem>> -> memref<8x128xf32, #tpu.memory_space<vmem>>
      tpu.enqueue_dma source(%dma_start3A_1068 : memref<8x128xf32, #tpu.memory_space<vmem>>) target(%dma_start3A_1065 : memref<8x128xf32, #tpu.memory_space<hbm>>) target_semaphore(%arg16 : memref<!tpu.dma_semaphore, #tpu.memory_space<semaphore_mem>>)
      %dma_start3A_1069 = arith.constant 7 : i32
      %dma_start3A_1070 = arith.constant 56 : i32
      %dma_start3A_1071 = arith.constant 0 : i32
      %dma_start3A_1072 = tpu.memref_slice %arg10[%dma_start3A_1070, %dma_start3A_1071] : memref<64x128xf32, #tpu.memory_space<vmem>> -> memref<8x128xf32, #tpu.memory_space<vmem>>
      %dma_start3A_1073 = arith.constant 0 : i32
      %dma_start3A_1074 = arith.constant 0 : i32
      %dma_start3A_1075 = tpu.memref_slice %arg4[%select_n3A_772, %dma_start3A_1069, %select_n3A_788, %dma_start3A_1073, %dma_start3A_1074] : memref<50x8x128x8x128xf32, #tpu.memory_space<hbm>> -> memref<1x1x1x8x128xf32, #tpu.memory_space<hbm>>
      %dma_start3A_1076 = tpu.memref_squeeze %dma_start3A_1075 : memref<1x1x1x8x128xf32, #tpu.memory_space<hbm>> -> memref<8x128xf32, #tpu.memory_space<hbm>>
      %dma_start3A_1077 = arith.constant 0 : i32
      %dma_start3A_1078 = arith.constant 0 : i32
      %dma_start3A_1079 = tpu.memref_slice %arg4[%select_n3A_772, %dma_start3A_1069, %select_n3A_788, %dma_start3A_1077, %dma_start3A_1078] : memref<50x8x128x8x128xf32, #tpu.memory_space<hbm>> -> memref<1x1x1x8x128xf32, #tpu.memory_space<hbm>>
      %dma_start3A_1080 = tpu.memref_squeeze %dma_start3A_1079 : memref<1x1x1x8x128xf32, #tpu.memory_space<hbm>> -> memref<8x128xf32, #tpu.memory_space<hbm>>
      %dma_start3A_1081 = arith.constant 56 : i32
      %dma_start3A_1082 = arith.constant 0 : i32
      %dma_start3A_1083 = tpu.memref_slice %arg10[%dma_start3A_1081, %dma_start3A_1082] : memref<64x128xf32, #tpu.memory_space<vmem>> -> memref<8x128xf32, #tpu.memory_space<vmem>>
      tpu.enqueue_dma source(%dma_start3A_1083 : memref<8x128xf32, #tpu.memory_space<vmem>>) target(%dma_start3A_1080 : memref<8x128xf32, #tpu.memory_space<hbm>>) target_semaphore(%arg16 : memref<!tpu.dma_semaphore, #tpu.memory_space<semaphore_mem>>)
      %lt3A_1084 = arith.constant 49 : i32
      %lt3A_1085 = arith.cmpi slt, %scan3A_372, %lt3A_1084 : i32
      %convert_element_type3A_1086 = arith.extui %lt3A_1085 : i1 to i32
      %cond3A_1087 = arith.constant 0 : i32
      %cond3A_1088 = arith.cmpi ne, %convert_element_type3A_1086, %cond3A_1087 : i32
      scf.if %cond3A_1088 {
        %add3A_1434 = arith.constant 4 : i32
        %add3A_1435 = arith.addi %add3A_747, %add3A_1434 : i32
        %dma_start3A_1436 = arith.constant 0 : i32
        %dma_start3A_1437 = tpu.memref_slice %arg5[%add3A_1435, %dma_start3A_1436] : memref<200x128xi32, #tpu.memory_space<vmem>> -> memref<1x128xi32, #tpu.memory_space<vmem>>
        %dma_start3A_1438 = tpu.memref_squeeze %dma_start3A_1437 : memref<1x128xi32, #tpu.memory_space<vmem>> -> memref<128xi32, #tpu.memory_space<vmem>>
        %dma_start3A_1439 = arith.constant 0 : i32
        %dma_start3A_1440 = arith.constant 0 : i32
        %dma_start3A_1441 = tpu.memref_slice %arg3[%dma_start3A_1439, %dma_start3A_1440] : memref<1000000x64xf32, #tpu.memory_space<hbm>> -> memref<1000000x64xf32, #tpu.memory_space<hbm>>
        tpu.enqueue_indirect_dma source(%dma_start3A_1441 : memref<1000000x64xf32, #tpu.memory_space<hbm>>) target(%arg8 : memref<128x64xf32, #tpu.memory_space<vmem>>) offsets(%dma_start3A_1438 : memref<128xi32, #tpu.memory_space<vmem>>) semaphore(%arg14 : memref<!tpu.dma_semaphore, #tpu.memory_space<semaphore_mem>>)
      } else {
      }
      %mul3A_1089 = arith.constant 4 : i32
      %mul3A_1090 = arith.muli %scan3A_372, %mul3A_1089 : i32
      %add3A_1091 = arith.constant 3 : i32
      %add3A_1092 = arith.addi %mul3A_1090, %add3A_1091 : i32
      %add3A_1093 = arith.addi %mul3A_2, %add3A_1092 : i32
      %jit3A_1094 = arith.constant 128 : i32
      %div3A_1095 = arith.divsi %add3A_1093, %jit3A_1094 : i32
      %sign3A_1096 = arith.constant 0 : i32
      %sign3A_1097 = arith.cmpi sgt, %add3A_1093, %sign3A_1096 : i32
      %sign3A_1098 = arith.extui %sign3A_1097 : i1 to i32
      %sign3A_1099 = arith.constant 0 : i32
      %sign3A_1100 = arith.cmpi slt, %add3A_1093, %sign3A_1099 : i32
      %sign3A_1101 = arith.extui %sign3A_1100 : i1 to i32
      %sign3A_1102 = arith.subi %sign3A_1098, %sign3A_1101 : i32
      %sign3A_1103 = arith.constant 0 : i32
      %sign3A_1104 = arith.cmpi sgt, %jit3A_1094, %sign3A_1103 : i32
      %sign3A_1105 = arith.extui %sign3A_1104 : i1 to i32
      %sign3A_1106 = arith.constant 0 : i32
      %sign3A_1107 = arith.cmpi slt, %jit3A_1094, %sign3A_1106 : i32
      %sign3A_1108 = arith.extui %sign3A_1107 : i1 to i32
      %sign3A_1109 = arith.subi %sign3A_1105, %sign3A_1108 : i32
      %ne3A_1110 = arith.cmpi ne, %sign3A_1102, %sign3A_1109 : i32
      %rem3A_1111 = arith.remsi %add3A_1093, %jit3A_1094 : i32
      %ne3A_1112 = arith.constant 0 : i32
      %ne3A_1113 = arith.cmpi ne, %rem3A_1111, %ne3A_1112 : i32
      %and3A_1114 = arith.andi %ne3A_1110, %ne3A_1113 : i1
      %sub3A_1115 = arith.constant 1 : i32
      %sub3A_1116 = arith.subi %div3A_1095, %sub3A_1115 : i32
      %select_n3A_1117 = arith.select %and3A_1114, %sub3A_1116, %div3A_1095 : i32
      %jit3A_1118 = arith.constant 128 : i32
      %eq3A_1119 = arith.constant 0 : i32
      %eq3A_1120 = arith.cmpi eq, %jit3A_1118, %eq3A_1119 : i32
      %jit3A_1121 = arith.constant 1 : i32
      %select_n3A_1122 = arith.select %eq3A_1120, %jit3A_1121, %jit3A_1118 : i32
      %rem3A_1123 = arith.remsi %add3A_1093, %select_n3A_1122 : i32
      %ne3A_1124 = arith.constant 0 : i32
      %ne3A_1125 = arith.cmpi ne, %rem3A_1123, %ne3A_1124 : i32
      %lt3A_1126 = arith.constant 0 : i32
      %lt3A_1127 = arith.cmpi slt, %rem3A_1123, %lt3A_1126 : i32
      %lt3A_1128 = arith.constant 0 : i32
      %lt3A_1129 = arith.cmpi slt, %select_n3A_1122, %lt3A_1128 : i32
      %ne3A_1130 = arith.xori %lt3A_1127, %lt3A_1129 : i1
      %and3A_1131 = arith.andi %ne3A_1130, %ne3A_1125 : i1
      %add3A_1132 = arith.addi %rem3A_1123, %select_n3A_1122 : i32
      %select_n3A_1133 = arith.select %and3A_1131, %add3A_1132, %rem3A_1123 : i32
      %dma_wait3A_1134 = arith.constant 0 : i32
      %dma_wait3A_1135 = tpu.memref_slice %arg5[%add3A_1092, %dma_wait3A_1134] : memref<200x128xi32, #tpu.memory_space<vmem>> -> memref<1x128xi32, #tpu.memory_space<vmem>>
      %dma_wait3A_1136 = tpu.memref_squeeze %dma_wait3A_1135 : memref<1x128xi32, #tpu.memory_space<vmem>> -> memref<128xi32, #tpu.memory_space<vmem>>
      %dma_wait3A_1137 = arith.constant 0 : i32
      %dma_wait3A_1138 = arith.constant 0 : i32
      %dma_wait3A_1139 = tpu.memref_slice %arg3[%dma_wait3A_1137, %dma_wait3A_1138] : memref<1000000x64xf32, #tpu.memory_space<hbm>> -> memref<1000000x64xf32, #tpu.memory_space<hbm>>
      tpu.wait_indirect_dma semaphore(%arg15 : memref<!tpu.dma_semaphore, #tpu.memory_space<semaphore_mem>>) src(%dma_wait3A_1139 : memref<1000000x64xf32, #tpu.memory_space<hbm>>) dst(%arg9 : memref<128x64xf32, #tpu.memory_space<vmem>>)
      %add3A_1140 = arith.addi %mul3A_2, %add3A_1092 : i32
      %sub3A_1141 = arith.constant 2 : i32
      %sub3A_1142 = arith.subi %add3A_1140, %sub3A_1141 : i32
      %jit3A_1143 = arith.constant 128 : i32
      %div3A_1144 = arith.divsi %sub3A_1142, %jit3A_1143 : i32
      %sign3A_1145 = arith.constant 0 : i32
      %sign3A_1146 = arith.cmpi sgt, %sub3A_1142, %sign3A_1145 : i32
      %sign3A_1147 = arith.extui %sign3A_1146 : i1 to i32
      %sign3A_1148 = arith.constant 0 : i32
      %sign3A_1149 = arith.cmpi slt, %sub3A_1142, %sign3A_1148 : i32
      %sign3A_1150 = arith.extui %sign3A_1149 : i1 to i32
      %sign3A_1151 = arith.subi %sign3A_1147, %sign3A_1150 : i32
      %sign3A_1152 = arith.constant 0 : i32
      %sign3A_1153 = arith.cmpi sgt, %jit3A_1143, %sign3A_1152 : i32
      %sign3A_1154 = arith.extui %sign3A_1153 : i1 to i32
      %sign3A_1155 = arith.constant 0 : i32
      %sign3A_1156 = arith.cmpi slt, %jit3A_1143, %sign3A_1155 : i32
      %sign3A_1157 = arith.extui %sign3A_1156 : i1 to i32
      %sign3A_1158 = arith.subi %sign3A_1154, %sign3A_1157 : i32
      %ne3A_1159 = arith.cmpi ne, %sign3A_1151, %sign3A_1158 : i32
      %rem3A_1160 = arith.remsi %sub3A_1142, %jit3A_1143 : i32
      %ne3A_1161 = arith.constant 0 : i32
      %ne3A_1162 = arith.cmpi ne, %rem3A_1160, %ne3A_1161 : i32
      %and3A_1163 = arith.andi %ne3A_1159, %ne3A_1162 : i1
      %sub3A_1164 = arith.constant 1 : i32
      %sub3A_1165 = arith.subi %div3A_1144, %sub3A_1164 : i32
      %select_n3A_1166 = arith.select %and3A_1163, %sub3A_1165, %div3A_1144 : i32
      %jit3A_1167 = arith.constant 128 : i32
      %eq3A_1168 = arith.constant 0 : i32
      %eq3A_1169 = arith.cmpi eq, %jit3A_1167, %eq3A_1168 : i32
      %jit3A_1170 = arith.constant 1 : i32
      %select_n3A_1171 = arith.select %eq3A_1169, %jit3A_1170, %jit3A_1167 : i32
      %rem3A_1172 = arith.remsi %sub3A_1142, %select_n3A_1171 : i32
      %ne3A_1173 = arith.constant 0 : i32
      %ne3A_1174 = arith.cmpi ne, %rem3A_1172, %ne3A_1173 : i32
      %lt3A_1175 = arith.constant 0 : i32
      %lt3A_1176 = arith.cmpi slt, %rem3A_1172, %lt3A_1175 : i32
      %lt3A_1177 = arith.constant 0 : i32
      %lt3A_1178 = arith.cmpi slt, %select_n3A_1171, %lt3A_1177 : i32
      %ne3A_1179 = arith.xori %lt3A_1176, %lt3A_1178 : i1
      %and3A_1180 = arith.andi %ne3A_1179, %ne3A_1174 : i1
      %add3A_1181 = arith.addi %rem3A_1172, %select_n3A_1171 : i32
      %select_n3A_1182 = arith.select %and3A_1180, %add3A_1181, %rem3A_1172 : i32
      %dma_wait3A_1183 = arith.constant 0 : i32
      %dma_wait3A_1184 = arith.constant 0 : i32
      %dma_wait3A_1185 = arith.constant 0 : i32
      %dma_wait3A_1186 = tpu.memref_slice %arg11[%dma_wait3A_1184, %dma_wait3A_1185] : memref<64x128xf32, #tpu.memory_space<vmem>> -> memref<8x128xf32, #tpu.memory_space<vmem>>
      %dma_wait3A_1187 = arith.constant 0 : i32
      %dma_wait3A_1188 = arith.constant 0 : i32
      %dma_wait3A_1189 = tpu.memref_slice %arg4[%select_n3A_1166, %dma_wait3A_1183, %select_n3A_1182, %dma_wait3A_1187, %dma_wait3A_1188] : memref<50x8x128x8x128xf32, #tpu.memory_space<hbm>> -> memref<1x1x1x8x128xf32, #tpu.memory_space<hbm>>
      %dma_wait3A_1190 = tpu.memref_squeeze %dma_wait3A_1189 : memref<1x1x1x8x128xf32, #tpu.memory_space<hbm>> -> memref<8x128xf32, #tpu.memory_space<hbm>>
      %dma_wait3A_1191 = arith.constant 0 : i32
      %dma_wait3A_1192 = arith.constant 0 : i32
      %dma_wait3A_1193 = tpu.memref_slice %arg4[%select_n3A_1166, %dma_wait3A_1183, %select_n3A_1182, %dma_wait3A_1191, %dma_wait3A_1192] : memref<50x8x128x8x128xf32, #tpu.memory_space<hbm>> -> memref<1x1x1x8x128xf32, #tpu.memory_space<hbm>>
      %dma_wait3A_1194 = tpu.memref_squeeze %dma_wait3A_1193 : memref<1x1x1x8x128xf32, #tpu.memory_space<hbm>> -> memref<8x128xf32, #tpu.memory_space<hbm>>
      %dma_wait3A_1195 = arith.constant 0 : i32
      %dma_wait3A_1196 = arith.constant 0 : i32
      %dma_wait3A_1197 = tpu.memref_slice %arg11[%dma_wait3A_1195, %dma_wait3A_1196] : memref<64x128xf32, #tpu.memory_space<vmem>> -> memref<8x128xf32, #tpu.memory_space<vmem>>
      tpu.wait_dma2 semaphore(%arg17 : memref<!tpu.dma_semaphore, #tpu.memory_space<semaphore_mem>>) src(%dma_wait3A_1197 : memref<8x128xf32, #tpu.memory_space<vmem>>) dst(%dma_wait3A_1194 : memref<8x128xf32, #tpu.memory_space<hbm>>)
      %dma_wait3A_1198 = arith.constant 1 : i32
      %dma_wait3A_1199 = arith.constant 8 : i32
      %dma_wait3A_1200 = arith.constant 0 : i32
      %dma_wait3A_1201 = tpu.memref_slice %arg11[%dma_wait3A_1199, %dma_wait3A_1200] : memref<64x128xf32, #tpu.memory_space<vmem>> -> memref<8x128xf32, #tpu.memory_space<vmem>>
      %dma_wait3A_1202 = arith.constant 0 : i32
      %dma_wait3A_1203 = arith.constant 0 : i32
      %dma_wait3A_1204 = tpu.memref_slice %arg4[%select_n3A_1166, %dma_wait3A_1198, %select_n3A_1182, %dma_wait3A_1202, %dma_wait3A_1203] : memref<50x8x128x8x128xf32, #tpu.memory_space<hbm>> -> memref<1x1x1x8x128xf32, #tpu.memory_space<hbm>>
      %dma_wait3A_1205 = tpu.memref_squeeze %dma_wait3A_1204 : memref<1x1x1x8x128xf32, #tpu.memory_space<hbm>> -> memref<8x128xf32, #tpu.memory_space<hbm>>
      %dma_wait3A_1206 = arith.constant 0 : i32
      %dma_wait3A_1207 = arith.constant 0 : i32
      %dma_wait3A_1208 = tpu.memref_slice %arg4[%select_n3A_1166, %dma_wait3A_1198, %select_n3A_1182, %dma_wait3A_1206, %dma_wait3A_1207] : memref<50x8x128x8x128xf32, #tpu.memory_space<hbm>> -> memref<1x1x1x8x128xf32, #tpu.memory_space<hbm>>
      %dma_wait3A_1209 = tpu.memref_squeeze %dma_wait3A_1208 : memref<1x1x1x8x128xf32, #tpu.memory_space<hbm>> -> memref<8x128xf32, #tpu.memory_space<hbm>>
      %dma_wait3A_1210 = arith.constant 8 : i32
      %dma_wait3A_1211 = arith.constant 0 : i32
      %dma_wait3A_1212 = tpu.memref_slice %arg11[%dma_wait3A_1210, %dma_wait3A_1211] : memref<64x128xf32, #tpu.memory_space<vmem>> -> memref<8x128xf32, #tpu.memory_space<vmem>>
      tpu.wait_dma2 semaphore(%arg17 : memref<!tpu.dma_semaphore, #tpu.memory_space<semaphore_mem>>) src(%dma_wait3A_1212 : memref<8x128xf32, #tpu.memory_space<vmem>>) dst(%dma_wait3A_1209 : memref<8x128xf32, #tpu.memory_space<hbm>>)
      %dma_wait3A_1213 = arith.constant 2 : i32
      %dma_wait3A_1214 = arith.constant 16 : i32
      %dma_wait3A_1215 = arith.constant 0 : i32
      %dma_wait3A_1216 = tpu.memref_slice %arg11[%dma_wait3A_1214, %dma_wait3A_1215] : memref<64x128xf32, #tpu.memory_space<vmem>> -> memref<8x128xf32, #tpu.memory_space<vmem>>
      %dma_wait3A_1217 = arith.constant 0 : i32
      %dma_wait3A_1218 = arith.constant 0 : i32
      %dma_wait3A_1219 = tpu.memref_slice %arg4[%select_n3A_1166, %dma_wait3A_1213, %select_n3A_1182, %dma_wait3A_1217, %dma_wait3A_1218] : memref<50x8x128x8x128xf32, #tpu.memory_space<hbm>> -> memref<1x1x1x8x128xf32, #tpu.memory_space<hbm>>
      %dma_wait3A_1220 = tpu.memref_squeeze %dma_wait3A_1219 : memref<1x1x1x8x128xf32, #tpu.memory_space<hbm>> -> memref<8x128xf32, #tpu.memory_space<hbm>>
      %dma_wait3A_1221 = arith.constant 0 : i32
      %dma_wait3A_1222 = arith.constant 0 : i32
      %dma_wait3A_1223 = tpu.memref_slice %arg4[%select_n3A_1166, %dma_wait3A_1213, %select_n3A_1182, %dma_wait3A_1221, %dma_wait3A_1222] : memref<50x8x128x8x128xf32, #tpu.memory_space<hbm>> -> memref<1x1x1x8x128xf32, #tpu.memory_space<hbm>>
      %dma_wait3A_1224 = tpu.memref_squeeze %dma_wait3A_1223 : memref<1x1x1x8x128xf32, #tpu.memory_space<hbm>> -> memref<8x128xf32, #tpu.memory_space<hbm>>
      %dma_wait3A_1225 = arith.constant 16 : i32
      %dma_wait3A_1226 = arith.constant 0 : i32
      %dma_wait3A_1227 = tpu.memref_slice %arg11[%dma_wait3A_1225, %dma_wait3A_1226] : memref<64x128xf32, #tpu.memory_space<vmem>> -> memref<8x128xf32, #tpu.memory_space<vmem>>
      tpu.wait_dma2 semaphore(%arg17 : memref<!tpu.dma_semaphore, #tpu.memory_space<semaphore_mem>>) src(%dma_wait3A_1227 : memref<8x128xf32, #tpu.memory_space<vmem>>) dst(%dma_wait3A_1224 : memref<8x128xf32, #tpu.memory_space<hbm>>)
      %dma_wait3A_1228 = arith.constant 3 : i32
      %dma_wait3A_1229 = arith.constant 24 : i32
      %dma_wait3A_1230 = arith.constant 0 : i32
      %dma_wait3A_1231 = tpu.memref_slice %arg11[%dma_wait3A_1229, %dma_wait3A_1230] : memref<64x128xf32, #tpu.memory_space<vmem>> -> memref<8x128xf32, #tpu.memory_space<vmem>>
      %dma_wait3A_1232 = arith.constant 0 : i32
      %dma_wait3A_1233 = arith.constant 0 : i32
      %dma_wait3A_1234 = tpu.memref_slice %arg4[%select_n3A_1166, %dma_wait3A_1228, %select_n3A_1182, %dma_wait3A_1232, %dma_wait3A_1233] : memref<50x8x128x8x128xf32, #tpu.memory_space<hbm>> -> memref<1x1x1x8x128xf32, #tpu.memory_space<hbm>>
      %dma_wait3A_1235 = tpu.memref_squeeze %dma_wait3A_1234 : memref<1x1x1x8x128xf32, #tpu.memory_space<hbm>> -> memref<8x128xf32, #tpu.memory_space<hbm>>
      %dma_wait3A_1236 = arith.constant 0 : i32
      %dma_wait3A_1237 = arith.constant 0 : i32
      %dma_wait3A_1238 = tpu.memref_slice %arg4[%select_n3A_1166, %dma_wait3A_1228, %select_n3A_1182, %dma_wait3A_1236, %dma_wait3A_1237] : memref<50x8x128x8x128xf32, #tpu.memory_space<hbm>> -> memref<1x1x1x8x128xf32, #tpu.memory_space<hbm>>
      %dma_wait3A_1239 = tpu.memref_squeeze %dma_wait3A_1238 : memref<1x1x1x8x128xf32, #tpu.memory_space<hbm>> -> memref<8x128xf32, #tpu.memory_space<hbm>>
      %dma_wait3A_1240 = arith.constant 24 : i32
      %dma_wait3A_1241 = arith.constant 0 : i32
      %dma_wait3A_1242 = tpu.memref_slice %arg11[%dma_wait3A_1240, %dma_wait3A_1241] : memref<64x128xf32, #tpu.memory_space<vmem>> -> memref<8x128xf32, #tpu.memory_space<vmem>>
      tpu.wait_dma2 semaphore(%arg17 : memref<!tpu.dma_semaphore, #tpu.memory_space<semaphore_mem>>) src(%dma_wait3A_1242 : memref<8x128xf32, #tpu.memory_space<vmem>>) dst(%dma_wait3A_1239 : memref<8x128xf32, #tpu.memory_space<hbm>>)
      %dma_wait3A_1243 = arith.constant 4 : i32
      %dma_wait3A_1244 = arith.constant 32 : i32
      %dma_wait3A_1245 = arith.constant 0 : i32
      %dma_wait3A_1246 = tpu.memref_slice %arg11[%dma_wait3A_1244, %dma_wait3A_1245] : memref<64x128xf32, #tpu.memory_space<vmem>> -> memref<8x128xf32, #tpu.memory_space<vmem>>
      %dma_wait3A_1247 = arith.constant 0 : i32
      %dma_wait3A_1248 = arith.constant 0 : i32
      %dma_wait3A_1249 = tpu.memref_slice %arg4[%select_n3A_1166, %dma_wait3A_1243, %select_n3A_1182, %dma_wait3A_1247, %dma_wait3A_1248] : memref<50x8x128x8x128xf32, #tpu.memory_space<hbm>> -> memref<1x1x1x8x128xf32, #tpu.memory_space<hbm>>
      %dma_wait3A_1250 = tpu.memref_squeeze %dma_wait3A_1249 : memref<1x1x1x8x128xf32, #tpu.memory_space<hbm>> -> memref<8x128xf32, #tpu.memory_space<hbm>>
      %dma_wait3A_1251 = arith.constant 0 : i32
      %dma_wait3A_1252 = arith.constant 0 : i32
      %dma_wait3A_1253 = tpu.memref_slice %arg4[%select_n3A_1166, %dma_wait3A_1243, %select_n3A_1182, %dma_wait3A_1251, %dma_wait3A_1252] : memref<50x8x128x8x128xf32, #tpu.memory_space<hbm>> -> memref<1x1x1x8x128xf32, #tpu.memory_space<hbm>>
      %dma_wait3A_1254 = tpu.memref_squeeze %dma_wait3A_1253 : memref<1x1x1x8x128xf32, #tpu.memory_space<hbm>> -> memref<8x128xf32, #tpu.memory_space<hbm>>
      %dma_wait3A_1255 = arith.constant 32 : i32
      %dma_wait3A_1256 = arith.constant 0 : i32
      %dma_wait3A_1257 = tpu.memref_slice %arg11[%dma_wait3A_1255, %dma_wait3A_1256] : memref<64x128xf32, #tpu.memory_space<vmem>> -> memref<8x128xf32, #tpu.memory_space<vmem>>
      tpu.wait_dma2 semaphore(%arg17 : memref<!tpu.dma_semaphore, #tpu.memory_space<semaphore_mem>>) src(%dma_wait3A_1257 : memref<8x128xf32, #tpu.memory_space<vmem>>) dst(%dma_wait3A_1254 : memref<8x128xf32, #tpu.memory_space<hbm>>)
      %dma_wait3A_1258 = arith.constant 5 : i32
      %dma_wait3A_1259 = arith.constant 40 : i32
      %dma_wait3A_1260 = arith.constant 0 : i32
      %dma_wait3A_1261 = tpu.memref_slice %arg11[%dma_wait3A_1259, %dma_wait3A_1260] : memref<64x128xf32, #tpu.memory_space<vmem>> -> memref<8x128xf32, #tpu.memory_space<vmem>>
      %dma_wait3A_1262 = arith.constant 0 : i32
      %dma_wait3A_1263 = arith.constant 0 : i32
      %dma_wait3A_1264 = tpu.memref_slice %arg4[%select_n3A_1166, %dma_wait3A_1258, %select_n3A_1182, %dma_wait3A_1262, %dma_wait3A_1263] : memref<50x8x128x8x128xf32, #tpu.memory_space<hbm>> -> memref<1x1x1x8x128xf32, #tpu.memory_space<hbm>>
      %dma_wait3A_1265 = tpu.memref_squeeze %dma_wait3A_1264 : memref<1x1x1x8x128xf32, #tpu.memory_space<hbm>> -> memref<8x128xf32, #tpu.memory_space<hbm>>
      %dma_wait3A_1266 = arith.constant 0 : i32
      %dma_wait3A_1267 = arith.constant 0 : i32
      %dma_wait3A_1268 = tpu.memref_slice %arg4[%select_n3A_1166, %dma_wait3A_1258, %select_n3A_1182, %dma_wait3A_1266, %dma_wait3A_1267] : memref<50x8x128x8x128xf32, #tpu.memory_space<hbm>> -> memref<1x1x1x8x128xf32, #tpu.memory_space<hbm>>
      %dma_wait3A_1269 = tpu.memref_squeeze %dma_wait3A_1268 : memref<1x1x1x8x128xf32, #tpu.memory_space<hbm>> -> memref<8x128xf32, #tpu.memory_space<hbm>>
      %dma_wait3A_1270 = arith.constant 40 : i32
      %dma_wait3A_1271 = arith.constant 0 : i32
      %dma_wait3A_1272 = tpu.memref_slice %arg11[%dma_wait3A_1270, %dma_wait3A_1271] : memref<64x128xf32, #tpu.memory_space<vmem>> -> memref<8x128xf32, #tpu.memory_space<vmem>>
      tpu.wait_dma2 semaphore(%arg17 : memref<!tpu.dma_semaphore, #tpu.memory_space<semaphore_mem>>) src(%dma_wait3A_1272 : memref<8x128xf32, #tpu.memory_space<vmem>>) dst(%dma_wait3A_1269 : memref<8x128xf32, #tpu.memory_space<hbm>>)
      %dma_wait3A_1273 = arith.constant 6 : i32
      %dma_wait3A_1274 = arith.constant 48 : i32
      %dma_wait3A_1275 = arith.constant 0 : i32
      %dma_wait3A_1276 = tpu.memref_slice %arg11[%dma_wait3A_1274, %dma_wait3A_1275] : memref<64x128xf32, #tpu.memory_space<vmem>> -> memref<8x128xf32, #tpu.memory_space<vmem>>
      %dma_wait3A_1277 = arith.constant 0 : i32
      %dma_wait3A_1278 = arith.constant 0 : i32
      %dma_wait3A_1279 = tpu.memref_slice %arg4[%select_n3A_1166, %dma_wait3A_1273, %select_n3A_1182, %dma_wait3A_1277, %dma_wait3A_1278] : memref<50x8x128x8x128xf32, #tpu.memory_space<hbm>> -> memref<1x1x1x8x128xf32, #tpu.memory_space<hbm>>
      %dma_wait3A_1280 = tpu.memref_squeeze %dma_wait3A_1279 : memref<1x1x1x8x128xf32, #tpu.memory_space<hbm>> -> memref<8x128xf32, #tpu.memory_space<hbm>>
      %dma_wait3A_1281 = arith.constant 0 : i32
      %dma_wait3A_1282 = arith.constant 0 : i32
      %dma_wait3A_1283 = tpu.memref_slice %arg4[%select_n3A_1166, %dma_wait3A_1273, %select_n3A_1182, %dma_wait3A_1281, %dma_wait3A_1282] : memref<50x8x128x8x128xf32, #tpu.memory_space<hbm>> -> memref<1x1x1x8x128xf32, #tpu.memory_space<hbm>>
      %dma_wait3A_1284 = tpu.memref_squeeze %dma_wait3A_1283 : memref<1x1x1x8x128xf32, #tpu.memory_space<hbm>> -> memref<8x128xf32, #tpu.memory_space<hbm>>
      %dma_wait3A_1285 = arith.constant 48 : i32
      %dma_wait3A_1286 = arith.constant 0 : i32
      %dma_wait3A_1287 = tpu.memref_slice %arg11[%dma_wait3A_1285, %dma_wait3A_1286] : memref<64x128xf32, #tpu.memory_space<vmem>> -> memref<8x128xf32, #tpu.memory_space<vmem>>
      tpu.wait_dma2 semaphore(%arg17 : memref<!tpu.dma_semaphore, #tpu.memory_space<semaphore_mem>>) src(%dma_wait3A_1287 : memref<8x128xf32, #tpu.memory_space<vmem>>) dst(%dma_wait3A_1284 : memref<8x128xf32, #tpu.memory_space<hbm>>)
      %dma_wait3A_1288 = arith.constant 7 : i32
      %dma_wait3A_1289 = arith.constant 56 : i32
      %dma_wait3A_1290 = arith.constant 0 : i32
      %dma_wait3A_1291 = tpu.memref_slice %arg11[%dma_wait3A_1289, %dma_wait3A_1290] : memref<64x128xf32, #tpu.memory_space<vmem>> -> memref<8x128xf32, #tpu.memory_space<vmem>>
      %dma_wait3A_1292 = arith.constant 0 : i32
      %dma_wait3A_1293 = arith.constant 0 : i32
      %dma_wait3A_1294 = tpu.memref_slice %arg4[%select_n3A_1166, %dma_wait3A_1288, %select_n3A_1182, %dma_wait3A_1292, %dma_wait3A_1293] : memref<50x8x128x8x128xf32, #tpu.memory_space<hbm>> -> memref<1x1x1x8x128xf32, #tpu.memory_space<hbm>>
      %dma_wait3A_1295 = tpu.memref_squeeze %dma_wait3A_1294 : memref<1x1x1x8x128xf32, #tpu.memory_space<hbm>> -> memref<8x128xf32, #tpu.memory_space<hbm>>
      %dma_wait3A_1296 = arith.constant 0 : i32
      %dma_wait3A_1297 = arith.constant 0 : i32
      %dma_wait3A_1298 = tpu.memref_slice %arg4[%select_n3A_1166, %dma_wait3A_1288, %select_n3A_1182, %dma_wait3A_1296, %dma_wait3A_1297] : memref<50x8x128x8x128xf32, #tpu.memory_space<hbm>> -> memref<1x1x1x8x128xf32, #tpu.memory_space<hbm>>
      %dma_wait3A_1299 = tpu.memref_squeeze %dma_wait3A_1298 : memref<1x1x1x8x128xf32, #tpu.memory_space<hbm>> -> memref<8x128xf32, #tpu.memory_space<hbm>>
      %dma_wait3A_1300 = arith.constant 56 : i32
      %dma_wait3A_1301 = arith.constant 0 : i32
      %dma_wait3A_1302 = tpu.memref_slice %arg11[%dma_wait3A_1300, %dma_wait3A_1301] : memref<64x128xf32, #tpu.memory_space<vmem>> -> memref<8x128xf32, #tpu.memory_space<vmem>>
      tpu.wait_dma2 semaphore(%arg17 : memref<!tpu.dma_semaphore, #tpu.memory_space<semaphore_mem>>) src(%dma_wait3A_1302 : memref<8x128xf32, #tpu.memory_space<vmem>>) dst(%dma_wait3A_1299 : memref<8x128xf32, #tpu.memory_space<hbm>>)
      %scan3A_1303 = arith.constant 0 : i32
      %scan3A_1304 = arith.constant 0 : i32
      %scan3A_1305 = arith.constant 16 : i32
      %scan3A_1306 = arith.addi %scan3A_1304, %scan3A_1305 : i32
      %scan3A_1307 = arith.constant 1 : i32
      scf.for %scan3A_1434 = %scan3A_1304 to %scan3A_1306 step %scan3A_1307  : i32 {
        %add3A_1435 = vector.broadcast %scan3A_1434 : i32 to vector<16xi32>
        %add3A_1436 = arith.addi %iota3A, %add3A_1435 : vector<16xi32>
        %and3A_1437 = arith.constant 15 : i32
        %and3A_1438 = vector.broadcast %and3A_1437 : i32 to vector<16xi32>
        %and3A_1439 = arith.andi %add3A_1436, %and3A_1438 : vector<16xi32>
        %add3A_1440 = arith.constant 0 : i32
        %add3A_1441 = vector.broadcast %add3A_1440 : i32 to vector<16xi32>
        %add3A_1442 = arith.addi %and3A_1439, %add3A_1441 : vector<16xi32>
        %gather3A = tpu.vector_load_idx %arg9[%add3A_5, %add3A_1442] : memref<128x64xf32, #tpu.memory_space<vmem>>[vector<16xi32>, vector<16xi32>], vector<16xf32>,
        %gather3A_1443 = tpu.vector_load_idx %arg9[%add3A_8, %add3A_1442] : memref<128x64xf32, #tpu.memory_space<vmem>>[vector<16xi32>, vector<16xi32>], vector<16xf32>,
        %gather3A_1444 = tpu.vector_load_idx %arg9[%add3A_11, %add3A_1442] : memref<128x64xf32, #tpu.memory_space<vmem>>[vector<16xi32>, vector<16xi32>], vector<16xf32>,
        %gather3A_1445 = tpu.vector_load_idx %arg9[%add3A_14, %add3A_1442] : memref<128x64xf32, #tpu.memory_space<vmem>>[vector<16xi32>, vector<16xi32>], vector<16xf32>,
        %gather3A_1446 = tpu.vector_load_idx %arg9[%add3A_17, %add3A_1442] : memref<128x64xf32, #tpu.memory_space<vmem>>[vector<16xi32>, vector<16xi32>], vector<16xf32>,
        %gather3A_1447 = tpu.vector_load_idx %arg9[%add3A_20, %add3A_1442] : memref<128x64xf32, #tpu.memory_space<vmem>>[vector<16xi32>, vector<16xi32>], vector<16xf32>,
        %gather3A_1448 = tpu.vector_load_idx %arg9[%add3A_23, %add3A_1442] : memref<128x64xf32, #tpu.memory_space<vmem>>[vector<16xi32>, vector<16xi32>], vector<16xf32>,
        %gather3A_1449 = tpu.vector_load_idx %arg9[%add3A_26, %add3A_1442] : memref<128x64xf32, #tpu.memory_space<vmem>>[vector<16xi32>, vector<16xi32>], vector<16xf32>,
        tpu.vector_store_idx %arg11[%add3A_1442, %add3A_5], %gather3A : memref<64x128xf32, #tpu.memory_space<vmem>>[vector<16xi32>, vector<16xi32>], vector<16xf32>,
        tpu.vector_store_idx %arg11[%add3A_1442, %add3A_8], %gather3A_1443 : memref<64x128xf32, #tpu.memory_space<vmem>>[vector<16xi32>, vector<16xi32>], vector<16xf32>,
        tpu.vector_store_idx %arg11[%add3A_1442, %add3A_11], %gather3A_1444 : memref<64x128xf32, #tpu.memory_space<vmem>>[vector<16xi32>, vector<16xi32>], vector<16xf32>,
        tpu.vector_store_idx %arg11[%add3A_1442, %add3A_14], %gather3A_1445 : memref<64x128xf32, #tpu.memory_space<vmem>>[vector<16xi32>, vector<16xi32>], vector<16xf32>,
        tpu.vector_store_idx %arg11[%add3A_1442, %add3A_17], %gather3A_1446 : memref<64x128xf32, #tpu.memory_space<vmem>>[vector<16xi32>, vector<16xi32>], vector<16xf32>,
        tpu.vector_store_idx %arg11[%add3A_1442, %add3A_20], %gather3A_1447 : memref<64x128xf32, #tpu.memory_space<vmem>>[vector<16xi32>, vector<16xi32>], vector<16xf32>,
        tpu.vector_store_idx %arg11[%add3A_1442, %add3A_23], %gather3A_1448 : memref<64x128xf32, #tpu.memory_space<vmem>>[vector<16xi32>, vector<16xi32>], vector<16xf32>,
        tpu.vector_store_idx %arg11[%add3A_1442, %add3A_26], %gather3A_1449 : memref<64x128xf32, #tpu.memory_space<vmem>>[vector<16xi32>, vector<16xi32>], vector<16xf32>,
        %add3A_1450 = arith.constant 16 : i32
        %add3A_1451 = vector.broadcast %add3A_1450 : i32 to vector<16xi32>
        %add3A_1452 = arith.addi %and3A_1439, %add3A_1451 : vector<16xi32>
        %gather3A_1453 = tpu.vector_load_idx %arg9[%add3A_5, %add3A_1452] : memref<128x64xf32, #tpu.memory_space<vmem>>[vector<16xi32>, vector<16xi32>], vector<16xf32>,
        %gather3A_1454 = tpu.vector_load_idx %arg9[%add3A_8, %add3A_1452] : memref<128x64xf32, #tpu.memory_space<vmem>>[vector<16xi32>, vector<16xi32>], vector<16xf32>,
        %gather3A_1455 = tpu.vector_load_idx %arg9[%add3A_11, %add3A_1452] : memref<128x64xf32, #tpu.memory_space<vmem>>[vector<16xi32>, vector<16xi32>], vector<16xf32>,
        %gather3A_1456 = tpu.vector_load_idx %arg9[%add3A_14, %add3A_1452] : memref<128x64xf32, #tpu.memory_space<vmem>>[vector<16xi32>, vector<16xi32>], vector<16xf32>,
        %gather3A_1457 = tpu.vector_load_idx %arg9[%add3A_17, %add3A_1452] : memref<128x64xf32, #tpu.memory_space<vmem>>[vector<16xi32>, vector<16xi32>], vector<16xf32>,
        %gather3A_1458 = tpu.vector_load_idx %arg9[%add3A_20, %add3A_1452] : memref<128x64xf32, #tpu.memory_space<vmem>>[vector<16xi32>, vector<16xi32>], vector<16xf32>,
        %gather3A_1459 = tpu.vector_load_idx %arg9[%add3A_23, %add3A_1452] : memref<128x64xf32, #tpu.memory_space<vmem>>[vector<16xi32>, vector<16xi32>], vector<16xf32>,
        %gather3A_1460 = tpu.vector_load_idx %arg9[%add3A_26, %add3A_1452] : memref<128x64xf32, #tpu.memory_space<vmem>>[vector<16xi32>, vector<16xi32>], vector<16xf32>,
        tpu.vector_store_idx %arg11[%add3A_1452, %add3A_5], %gather3A_1453 : memref<64x128xf32, #tpu.memory_space<vmem>>[vector<16xi32>, vector<16xi32>], vector<16xf32>,
        tpu.vector_store_idx %arg11[%add3A_1452, %add3A_8], %gather3A_1454 : memref<64x128xf32, #tpu.memory_space<vmem>>[vector<16xi32>, vector<16xi32>], vector<16xf32>,
        tpu.vector_store_idx %arg11[%add3A_1452, %add3A_11], %gather3A_1455 : memref<64x128xf32, #tpu.memory_space<vmem>>[vector<16xi32>, vector<16xi32>], vector<16xf32>,
        tpu.vector_store_idx %arg11[%add3A_1452, %add3A_14], %gather3A_1456 : memref<64x128xf32, #tpu.memory_space<vmem>>[vector<16xi32>, vector<16xi32>], vector<16xf32>,
        tpu.vector_store_idx %arg11[%add3A_1452, %add3A_17], %gather3A_1457 : memref<64x128xf32, #tpu.memory_space<vmem>>[vector<16xi32>, vector<16xi32>], vector<16xf32>,
        tpu.vector_store_idx %arg11[%add3A_1452, %add3A_20], %gather3A_1458 : memref<64x128xf32, #tpu.memory_space<vmem>>[vector<16xi32>, vector<16xi32>], vector<16xf32>,
        tpu.vector_store_idx %arg11[%add3A_1452, %add3A_23], %gather3A_1459 : memref<64x128xf32, #tpu.memory_space<vmem>>[vector<16xi32>, vector<16xi32>], vector<16xf32>,
        tpu.vector_store_idx %arg11[%add3A_1452, %add3A_26], %gather3A_1460 : memref<64x128xf32, #tpu.memory_space<vmem>>[vector<16xi32>, vector<16xi32>], vector<16xf32>,
        %add3A_1461 = arith.constant 32 : i32
        %add3A_1462 = vector.broadcast %add3A_1461 : i32 to vector<16xi32>
        %add3A_1463 = arith.addi %and3A_1439, %add3A_1462 : vector<16xi32>
        %gather3A_1464 = tpu.vector_load_idx %arg9[%add3A_5, %add3A_1463] : memref<128x64xf32, #tpu.memory_space<vmem>>[vector<16xi32>, vector<16xi32>], vector<16xf32>,
        %gather3A_1465 = tpu.vector_load_idx %arg9[%add3A_8, %add3A_1463] : memref<128x64xf32, #tpu.memory_space<vmem>>[vector<16xi32>, vector<16xi32>], vector<16xf32>,
        %gather3A_1466 = tpu.vector_load_idx %arg9[%add3A_11, %add3A_1463] : memref<128x64xf32, #tpu.memory_space<vmem>>[vector<16xi32>, vector<16xi32>], vector<16xf32>,
        %gather3A_1467 = tpu.vector_load_idx %arg9[%add3A_14, %add3A_1463] : memref<128x64xf32, #tpu.memory_space<vmem>>[vector<16xi32>, vector<16xi32>], vector<16xf32>,
        %gather3A_1468 = tpu.vector_load_idx %arg9[%add3A_17, %add3A_1463] : memref<128x64xf32, #tpu.memory_space<vmem>>[vector<16xi32>, vector<16xi32>], vector<16xf32>,
        %gather3A_1469 = tpu.vector_load_idx %arg9[%add3A_20, %add3A_1463] : memref<128x64xf32, #tpu.memory_space<vmem>>[vector<16xi32>, vector<16xi32>], vector<16xf32>,
        %gather3A_1470 = tpu.vector_load_idx %arg9[%add3A_23, %add3A_1463] : memref<128x64xf32, #tpu.memory_space<vmem>>[vector<16xi32>, vector<16xi32>], vector<16xf32>,
        %gather3A_1471 = tpu.vector_load_idx %arg9[%add3A_26, %add3A_1463] : memref<128x64xf32, #tpu.memory_space<vmem>>[vector<16xi32>, vector<16xi32>], vector<16xf32>,
        tpu.vector_store_idx %arg11[%add3A_1463, %add3A_5], %gather3A_1464 : memref<64x128xf32, #tpu.memory_space<vmem>>[vector<16xi32>, vector<16xi32>], vector<16xf32>,
        tpu.vector_store_idx %arg11[%add3A_1463, %add3A_8], %gather3A_1465 : memref<64x128xf32, #tpu.memory_space<vmem>>[vector<16xi32>, vector<16xi32>], vector<16xf32>,
        tpu.vector_store_idx %arg11[%add3A_1463, %add3A_11], %gather3A_1466 : memref<64x128xf32, #tpu.memory_space<vmem>>[vector<16xi32>, vector<16xi32>], vector<16xf32>,
        tpu.vector_store_idx %arg11[%add3A_1463, %add3A_14], %gather3A_1467 : memref<64x128xf32, #tpu.memory_space<vmem>>[vector<16xi32>, vector<16xi32>], vector<16xf32>,
        tpu.vector_store_idx %arg11[%add3A_1463, %add3A_17], %gather3A_1468 : memref<64x128xf32, #tpu.memory_space<vmem>>[vector<16xi32>, vector<16xi32>], vector<16xf32>,
        tpu.vector_store_idx %arg11[%add3A_1463, %add3A_20], %gather3A_1469 : memref<64x128xf32, #tpu.memory_space<vmem>>[vector<16xi32>, vector<16xi32>], vector<16xf32>,
        tpu.vector_store_idx %arg11[%add3A_1463, %add3A_23], %gather3A_1470 : memref<64x128xf32, #tpu.memory_space<vmem>>[vector<16xi32>, vector<16xi32>], vector<16xf32>,
        tpu.vector_store_idx %arg11[%add3A_1463, %add3A_26], %gather3A_1471 : memref<64x128xf32, #tpu.memory_space<vmem>>[vector<16xi32>, vector<16xi32>], vector<16xf32>,
        %add3A_1472 = arith.constant 48 : i32
        %add3A_1473 = vector.broadcast %add3A_1472 : i32 to vector<16xi32>
        %add3A_1474 = arith.addi %and3A_1439, %add3A_1473 : vector<16xi32>
        %gather3A_1475 = tpu.vector_load_idx %arg9[%add3A_5, %add3A_1474] : memref<128x64xf32, #tpu.memory_space<vmem>>[vector<16xi32>, vector<16xi32>], vector<16xf32>,
        %gather3A_1476 = tpu.vector_load_idx %arg9[%add3A_8, %add3A_1474] : memref<128x64xf32, #tpu.memory_space<vmem>>[vector<16xi32>, vector<16xi32>], vector<16xf32>,
        %gather3A_1477 = tpu.vector_load_idx %arg9[%add3A_11, %add3A_1474] : memref<128x64xf32, #tpu.memory_space<vmem>>[vector<16xi32>, vector<16xi32>], vector<16xf32>,
        %gather3A_1478 = tpu.vector_load_idx %arg9[%add3A_14, %add3A_1474] : memref<128x64xf32, #tpu.memory_space<vmem>>[vector<16xi32>, vector<16xi32>], vector<16xf32>,
        %gather3A_1479 = tpu.vector_load_idx %arg9[%add3A_17, %add3A_1474] : memref<128x64xf32, #tpu.memory_space<vmem>>[vector<16xi32>, vector<16xi32>], vector<16xf32>,
        %gather3A_1480 = tpu.vector_load_idx %arg9[%add3A_20, %add3A_1474] : memref<128x64xf32, #tpu.memory_space<vmem>>[vector<16xi32>, vector<16xi32>], vector<16xf32>,
        %gather3A_1481 = tpu.vector_load_idx %arg9[%add3A_23, %add3A_1474] : memref<128x64xf32, #tpu.memory_space<vmem>>[vector<16xi32>, vector<16xi32>], vector<16xf32>,
        %gather3A_1482 = tpu.vector_load_idx %arg9[%add3A_26, %add3A_1474] : memref<128x64xf32, #tpu.memory_space<vmem>>[vector<16xi32>, vector<16xi32>], vector<16xf32>,
        tpu.vector_store_idx %arg11[%add3A_1474, %add3A_5], %gather3A_1475 : memref<64x128xf32, #tpu.memory_space<vmem>>[vector<16xi32>, vector<16xi32>], vector<16xf32>,
        tpu.vector_store_idx %arg11[%add3A_1474, %add3A_8], %gather3A_1476 : memref<64x128xf32, #tpu.memory_space<vmem>>[vector<16xi32>, vector<16xi32>], vector<16xf32>,
        tpu.vector_store_idx %arg11[%add3A_1474, %add3A_11], %gather3A_1477 : memref<64x128xf32, #tpu.memory_space<vmem>>[vector<16xi32>, vector<16xi32>], vector<16xf32>,
        tpu.vector_store_idx %arg11[%add3A_1474, %add3A_14], %gather3A_1478 : memref<64x128xf32, #tpu.memory_space<vmem>>[vector<16xi32>, vector<16xi32>], vector<16xf32>,
        tpu.vector_store_idx %arg11[%add3A_1474, %add3A_17], %gather3A_1479 : memref<64x128xf32, #tpu.memory_space<vmem>>[vector<16xi32>, vector<16xi32>], vector<16xf32>,
        tpu.vector_store_idx %arg11[%add3A_1474, %add3A_20], %gather3A_1480 : memref<64x128xf32, #tpu.memory_space<vmem>>[vector<16xi32>, vector<16xi32>], vector<16xf32>,
        tpu.vector_store_idx %arg11[%add3A_1474, %add3A_23], %gather3A_1481 : memref<64x128xf32, #tpu.memory_space<vmem>>[vector<16xi32>, vector<16xi32>], vector<16xf32>,
        tpu.vector_store_idx %arg11[%add3A_1474, %add3A_26], %gather3A_1482 : memref<64x128xf32, #tpu.memory_space<vmem>>[vector<16xi32>, vector<16xi32>], vector<16xf32>,
      }
      %scan3A_1308 = arith.constant 16 : i32
      %dma_start3A_1309 = arith.constant 0 : i32
      %dma_start3A_1310 = arith.constant 0 : i32
      %dma_start3A_1311 = arith.constant 0 : i32
      %dma_start3A_1312 = tpu.memref_slice %arg11[%dma_start3A_1310, %dma_start3A_1311] : memref<64x128xf32, #tpu.memory_space<vmem>> -> memref<8x128xf32, #tpu.memory_space<vmem>>
      %dma_start3A_1313 = arith.constant 0 : i32
      %dma_start3A_1314 = arith.constant 0 : i32
      %dma_start3A_1315 = tpu.memref_slice %arg4[%select_n3A_1117, %dma_start3A_1309, %select_n3A_1133, %dma_start3A_1313, %dma_start3A_1314] : memref<50x8x128x8x128xf32, #tpu.memory_space<hbm>> -> memref<1x1x1x8x128xf32, #tpu.memory_space<hbm>>
      %dma_start3A_1316 = tpu.memref_squeeze %dma_start3A_1315 : memref<1x1x1x8x128xf32, #tpu.memory_space<hbm>> -> memref<8x128xf32, #tpu.memory_space<hbm>>
      %dma_start3A_1317 = arith.constant 0 : i32
      %dma_start3A_1318 = arith.constant 0 : i32
      %dma_start3A_1319 = tpu.memref_slice %arg4[%select_n3A_1117, %dma_start3A_1309, %select_n3A_1133, %dma_start3A_1317, %dma_start3A_1318] : memref<50x8x128x8x128xf32, #tpu.memory_space<hbm>> -> memref<1x1x1x8x128xf32, #tpu.memory_space<hbm>>
      %dma_start3A_1320 = tpu.memref_squeeze %dma_start3A_1319 : memref<1x1x1x8x128xf32, #tpu.memory_space<hbm>> -> memref<8x128xf32, #tpu.memory_space<hbm>>
      %dma_start3A_1321 = arith.constant 0 : i32
      %dma_start3A_1322 = arith.constant 0 : i32
      %dma_start3A_1323 = tpu.memref_slice %arg11[%dma_start3A_1321, %dma_start3A_1322] : memref<64x128xf32, #tpu.memory_space<vmem>> -> memref<8x128xf32, #tpu.memory_space<vmem>>
      tpu.enqueue_dma source(%dma_start3A_1323 : memref<8x128xf32, #tpu.memory_space<vmem>>) target(%dma_start3A_1320 : memref<8x128xf32, #tpu.memory_space<hbm>>) target_semaphore(%arg17 : memref<!tpu.dma_semaphore, #tpu.memory_space<semaphore_mem>>)
      %dma_start3A_1324 = arith.constant 1 : i32
      %dma_start3A_1325 = arith.constant 8 : i32
      %dma_start3A_1326 = arith.constant 0 : i32
      %dma_start3A_1327 = tpu.memref_slice %arg11[%dma_start3A_1325, %dma_start3A_1326] : memref<64x128xf32, #tpu.memory_space<vmem>> -> memref<8x128xf32, #tpu.memory_space<vmem>>
      %dma_start3A_1328 = arith.constant 0 : i32
      %dma_start3A_1329 = arith.constant 0 : i32
      %dma_start3A_1330 = tpu.memref_slice %arg4[%select_n3A_1117, %dma_start3A_1324, %select_n3A_1133, %dma_start3A_1328, %dma_start3A_1329] : memref<50x8x128x8x128xf32, #tpu.memory_space<hbm>> -> memref<1x1x1x8x128xf32, #tpu.memory_space<hbm>>
      %dma_start3A_1331 = tpu.memref_squeeze %dma_start3A_1330 : memref<1x1x1x8x128xf32, #tpu.memory_space<hbm>> -> memref<8x128xf32, #tpu.memory_space<hbm>>
      %dma_start3A_1332 = arith.constant 0 : i32
      %dma_start3A_1333 = arith.constant 0 : i32
      %dma_start3A_1334 = tpu.memref_slice %arg4[%select_n3A_1117, %dma_start3A_1324, %select_n3A_1133, %dma_start3A_1332, %dma_start3A_1333] : memref<50x8x128x8x128xf32, #tpu.memory_space<hbm>> -> memref<1x1x1x8x128xf32, #tpu.memory_space<hbm>>
      %dma_start3A_1335 = tpu.memref_squeeze %dma_start3A_1334 : memref<1x1x1x8x128xf32, #tpu.memory_space<hbm>> -> memref<8x128xf32, #tpu.memory_space<hbm>>
      %dma_start3A_1336 = arith.constant 8 : i32
      %dma_start3A_1337 = arith.constant 0 : i32
      %dma_start3A_1338 = tpu.memref_slice %arg11[%dma_start3A_1336, %dma_start3A_1337] : memref<64x128xf32, #tpu.memory_space<vmem>> -> memref<8x128xf32, #tpu.memory_space<vmem>>
      tpu.enqueue_dma source(%dma_start3A_1338 : memref<8x128xf32, #tpu.memory_space<vmem>>) target(%dma_start3A_1335 : memref<8x128xf32, #tpu.memory_space<hbm>>) target_semaphore(%arg17 : memref<!tpu.dma_semaphore, #tpu.memory_space<semaphore_mem>>)
      %dma_start3A_1339 = arith.constant 2 : i32
      %dma_start3A_1340 = arith.constant 16 : i32
      %dma_start3A_1341 = arith.constant 0 : i32
      %dma_start3A_1342 = tpu.memref_slice %arg11[%dma_start3A_1340, %dma_start3A_1341] : memref<64x128xf32, #tpu.memory_space<vmem>> -> memref<8x128xf32, #tpu.memory_space<vmem>>
      %dma_start3A_1343 = arith.constant 0 : i32
      %dma_start3A_1344 = arith.constant 0 : i32
      %dma_start3A_1345 = tpu.memref_slice %arg4[%select_n3A_1117, %dma_start3A_1339, %select_n3A_1133, %dma_start3A_1343, %dma_start3A_1344] : memref<50x8x128x8x128xf32, #tpu.memory_space<hbm>> -> memref<1x1x1x8x128xf32, #tpu.memory_space<hbm>>
      %dma_start3A_1346 = tpu.memref_squeeze %dma_start3A_1345 : memref<1x1x1x8x128xf32, #tpu.memory_space<hbm>> -> memref<8x128xf32, #tpu.memory_space<hbm>>
      %dma_start3A_1347 = arith.constant 0 : i32
      %dma_start3A_1348 = arith.constant 0 : i32
      %dma_start3A_1349 = tpu.memref_slice %arg4[%select_n3A_1117, %dma_start3A_1339, %select_n3A_1133, %dma_start3A_1347, %dma_start3A_1348] : memref<50x8x128x8x128xf32, #tpu.memory_space<hbm>> -> memref<1x1x1x8x128xf32, #tpu.memory_space<hbm>>
      %dma_start3A_1350 = tpu.memref_squeeze %dma_start3A_1349 : memref<1x1x1x8x128xf32, #tpu.memory_space<hbm>> -> memref<8x128xf32, #tpu.memory_space<hbm>>
      %dma_start3A_1351 = arith.constant 16 : i32
      %dma_start3A_1352 = arith.constant 0 : i32
      %dma_start3A_1353 = tpu.memref_slice %arg11[%dma_start3A_1351, %dma_start3A_1352] : memref<64x128xf32, #tpu.memory_space<vmem>> -> memref<8x128xf32, #tpu.memory_space<vmem>>
      tpu.enqueue_dma source(%dma_start3A_1353 : memref<8x128xf32, #tpu.memory_space<vmem>>) target(%dma_start3A_1350 : memref<8x128xf32, #tpu.memory_space<hbm>>) target_semaphore(%arg17 : memref<!tpu.dma_semaphore, #tpu.memory_space<semaphore_mem>>)
      %dma_start3A_1354 = arith.constant 3 : i32
      %dma_start3A_1355 = arith.constant 24 : i32
      %dma_start3A_1356 = arith.constant 0 : i32
      %dma_start3A_1357 = tpu.memref_slice %arg11[%dma_start3A_1355, %dma_start3A_1356] : memref<64x128xf32, #tpu.memory_space<vmem>> -> memref<8x128xf32, #tpu.memory_space<vmem>>
      %dma_start3A_1358 = arith.constant 0 : i32
      %dma_start3A_1359 = arith.constant 0 : i32
      %dma_start3A_1360 = tpu.memref_slice %arg4[%select_n3A_1117, %dma_start3A_1354, %select_n3A_1133, %dma_start3A_1358, %dma_start3A_1359] : memref<50x8x128x8x128xf32, #tpu.memory_space<hbm>> -> memref<1x1x1x8x128xf32, #tpu.memory_space<hbm>>
      %dma_start3A_1361 = tpu.memref_squeeze %dma_start3A_1360 : memref<1x1x1x8x128xf32, #tpu.memory_space<hbm>> -> memref<8x128xf32, #tpu.memory_space<hbm>>
      %dma_start3A_1362 = arith.constant 0 : i32
      %dma_start3A_1363 = arith.constant 0 : i32
      %dma_start3A_1364 = tpu.memref_slice %arg4[%select_n3A_1117, %dma_start3A_1354, %select_n3A_1133, %dma_start3A_1362, %dma_start3A_1363] : memref<50x8x128x8x128xf32, #tpu.memory_space<hbm>> -> memref<1x1x1x8x128xf32, #tpu.memory_space<hbm>>
      %dma_start3A_1365 = tpu.memref_squeeze %dma_start3A_1364 : memref<1x1x1x8x128xf32, #tpu.memory_space<hbm>> -> memref<8x128xf32, #tpu.memory_space<hbm>>
      %dma_start3A_1366 = arith.constant 24 : i32
      %dma_start3A_1367 = arith.constant 0 : i32
      %dma_start3A_1368 = tpu.memref_slice %arg11[%dma_start3A_1366, %dma_start3A_1367] : memref<64x128xf32, #tpu.memory_space<vmem>> -> memref<8x128xf32, #tpu.memory_space<vmem>>
      tpu.enqueue_dma source(%dma_start3A_1368 : memref<8x128xf32, #tpu.memory_space<vmem>>) target(%dma_start3A_1365 : memref<8x128xf32, #tpu.memory_space<hbm>>) target_semaphore(%arg17 : memref<!tpu.dma_semaphore, #tpu.memory_space<semaphore_mem>>)
      %dma_start3A_1369 = arith.constant 4 : i32
      %dma_start3A_1370 = arith.constant 32 : i32
      %dma_start3A_1371 = arith.constant 0 : i32
      %dma_start3A_1372 = tpu.memref_slice %arg11[%dma_start3A_1370, %dma_start3A_1371] : memref<64x128xf32, #tpu.memory_space<vmem>> -> memref<8x128xf32, #tpu.memory_space<vmem>>
      %dma_start3A_1373 = arith.constant 0 : i32
      %dma_start3A_1374 = arith.constant 0 : i32
      %dma_start3A_1375 = tpu.memref_slice %arg4[%select_n3A_1117, %dma_start3A_1369, %select_n3A_1133, %dma_start3A_1373, %dma_start3A_1374] : memref<50x8x128x8x128xf32, #tpu.memory_space<hbm>> -> memref<1x1x1x8x128xf32, #tpu.memory_space<hbm>>
      %dma_start3A_1376 = tpu.memref_squeeze %dma_start3A_1375 : memref<1x1x1x8x128xf32, #tpu.memory_space<hbm>> -> memref<8x128xf32, #tpu.memory_space<hbm>>
      %dma_start3A_1377 = arith.constant 0 : i32
      %dma_start3A_1378 = arith.constant 0 : i32
      %dma_start3A_1379 = tpu.memref_slice %arg4[%select_n3A_1117, %dma_start3A_1369, %select_n3A_1133, %dma_start3A_1377, %dma_start3A_1378] : memref<50x8x128x8x128xf32, #tpu.memory_space<hbm>> -> memref<1x1x1x8x128xf32, #tpu.memory_space<hbm>>
      %dma_start3A_1380 = tpu.memref_squeeze %dma_start3A_1379 : memref<1x1x1x8x128xf32, #tpu.memory_space<hbm>> -> memref<8x128xf32, #tpu.memory_space<hbm>>
      %dma_start3A_1381 = arith.constant 32 : i32
      %dma_start3A_1382 = arith.constant 0 : i32
      %dma_start3A_1383 = tpu.memref_slice %arg11[%dma_start3A_1381, %dma_start3A_1382] : memref<64x128xf32, #tpu.memory_space<vmem>> -> memref<8x128xf32, #tpu.memory_space<vmem>>
      tpu.enqueue_dma source(%dma_start3A_1383 : memref<8x128xf32, #tpu.memory_space<vmem>>) target(%dma_start3A_1380 : memref<8x128xf32, #tpu.memory_space<hbm>>) target_semaphore(%arg17 : memref<!tpu.dma_semaphore, #tpu.memory_space<semaphore_mem>>)
      %dma_start3A_1384 = arith.constant 5 : i32
      %dma_start3A_1385 = arith.constant 40 : i32
      %dma_start3A_1386 = arith.constant 0 : i32
      %dma_start3A_1387 = tpu.memref_slice %arg11[%dma_start3A_1385, %dma_start3A_1386] : memref<64x128xf32, #tpu.memory_space<vmem>> -> memref<8x128xf32, #tpu.memory_space<vmem>>
      %dma_start3A_1388 = arith.constant 0 : i32
      %dma_start3A_1389 = arith.constant 0 : i32
      %dma_start3A_1390 = tpu.memref_slice %arg4[%select_n3A_1117, %dma_start3A_1384, %select_n3A_1133, %dma_start3A_1388, %dma_start3A_1389] : memref<50x8x128x8x128xf32, #tpu.memory_space<hbm>> -> memref<1x1x1x8x128xf32, #tpu.memory_space<hbm>>
      %dma_start3A_1391 = tpu.memref_squeeze %dma_start3A_1390 : memref<1x1x1x8x128xf32, #tpu.memory_space<hbm>> -> memref<8x128xf32, #tpu.memory_space<hbm>>
      %dma_start3A_1392 = arith.constant 0 : i32
      %dma_start3A_1393 = arith.constant 0 : i32
      %dma_start3A_1394 = tpu.memref_slice %arg4[%select_n3A_1117, %dma_start3A_1384, %select_n3A_1133, %dma_start3A_1392, %dma_start3A_1393] : memref<50x8x128x8x128xf32, #tpu.memory_space<hbm>> -> memref<1x1x1x8x128xf32, #tpu.memory_space<hbm>>
      %dma_start3A_1395 = tpu.memref_squeeze %dma_start3A_1394 : memref<1x1x1x8x128xf32, #tpu.memory_space<hbm>> -> memref<8x128xf32, #tpu.memory_space<hbm>>
      %dma_start3A_1396 = arith.constant 40 : i32
      %dma_start3A_1397 = arith.constant 0 : i32
      %dma_start3A_1398 = tpu.memref_slice %arg11[%dma_start3A_1396, %dma_start3A_1397] : memref<64x128xf32, #tpu.memory_space<vmem>> -> memref<8x128xf32, #tpu.memory_space<vmem>>
      tpu.enqueue_dma source(%dma_start3A_1398 : memref<8x128xf32, #tpu.memory_space<vmem>>) target(%dma_start3A_1395 : memref<8x128xf32, #tpu.memory_space<hbm>>) target_semaphore(%arg17 : memref<!tpu.dma_semaphore, #tpu.memory_space<semaphore_mem>>)
      %dma_start3A_1399 = arith.constant 6 : i32
      %dma_start3A_1400 = arith.constant 48 : i32
      %dma_start3A_1401 = arith.constant 0 : i32
      %dma_start3A_1402 = tpu.memref_slice %arg11[%dma_start3A_1400, %dma_start3A_1401] : memref<64x128xf32, #tpu.memory_space<vmem>> -> memref<8x128xf32, #tpu.memory_space<vmem>>
      %dma_start3A_1403 = arith.constant 0 : i32
      %dma_start3A_1404 = arith.constant 0 : i32
      %dma_start3A_1405 = tpu.memref_slice %arg4[%select_n3A_1117, %dma_start3A_1399, %select_n3A_1133, %dma_start3A_1403, %dma_start3A_1404] : memref<50x8x128x8x128xf32, #tpu.memory_space<hbm>> -> memref<1x1x1x8x128xf32, #tpu.memory_space<hbm>>
      %dma_start3A_1406 = tpu.memref_squeeze %dma_start3A_1405 : memref<1x1x1x8x128xf32, #tpu.memory_space<hbm>> -> memref<8x128xf32, #tpu.memory_space<hbm>>
      %dma_start3A_1407 = arith.constant 0 : i32
      %dma_start3A_1408 = arith.constant 0 : i32
      %dma_start3A_1409 = tpu.memref_slice %arg4[%select_n3A_1117, %dma_start3A_1399, %select_n3A_1133, %dma_start3A_1407, %dma_start3A_1408] : memref<50x8x128x8x128xf32, #tpu.memory_space<hbm>> -> memref<1x1x1x8x128xf32, #tpu.memory_space<hbm>>
      %dma_start3A_1410 = tpu.memref_squeeze %dma_start3A_1409 : memref<1x1x1x8x128xf32, #tpu.memory_space<hbm>> -> memref<8x128xf32, #tpu.memory_space<hbm>>
      %dma_start3A_1411 = arith.constant 48 : i32
      %dma_start3A_1412 = arith.constant 0 : i32
      %dma_start3A_1413 = tpu.memref_slice %arg11[%dma_start3A_1411, %dma_start3A_1412] : memref<64x128xf32, #tpu.memory_space<vmem>> -> memref<8x128xf32, #tpu.memory_space<vmem>>
      tpu.enqueue_dma source(%dma_start3A_1413 : memref<8x128xf32, #tpu.memory_space<vmem>>) target(%dma_start3A_1410 : memref<8x128xf32, #tpu.memory_space<hbm>>) target_semaphore(%arg17 : memref<!tpu.dma_semaphore, #tpu.memory_space<semaphore_mem>>)
      %dma_start3A_1414 = arith.constant 7 : i32
      %dma_start3A_1415 = arith.constant 56 : i32
      %dma_start3A_1416 = arith.constant 0 : i32
      %dma_start3A_1417 = tpu.memref_slice %arg11[%dma_start3A_1415, %dma_start3A_1416] : memref<64x128xf32, #tpu.memory_space<vmem>> -> memref<8x128xf32, #tpu.memory_space<vmem>>
      %dma_start3A_1418 = arith.constant 0 : i32
      %dma_start3A_1419 = arith.constant 0 : i32
      %dma_start3A_1420 = tpu.memref_slice %arg4[%select_n3A_1117, %dma_start3A_1414, %select_n3A_1133, %dma_start3A_1418, %dma_start3A_1419] : memref<50x8x128x8x128xf32, #tpu.memory_space<hbm>> -> memref<1x1x1x8x128xf32, #tpu.memory_space<hbm>>
      %dma_start3A_1421 = tpu.memref_squeeze %dma_start3A_1420 : memref<1x1x1x8x128xf32, #tpu.memory_space<hbm>> -> memref<8x128xf32, #tpu.memory_space<hbm>>
      %dma_start3A_1422 = arith.constant 0 : i32
      %dma_start3A_1423 = arith.constant 0 : i32
      %dma_start3A_1424 = tpu.memref_slice %arg4[%select_n3A_1117, %dma_start3A_1414, %select_n3A_1133, %dma_start3A_1422, %dma_start3A_1423] : memref<50x8x128x8x128xf32, #tpu.memory_space<hbm>> -> memref<1x1x1x8x128xf32, #tpu.memory_space<hbm>>
      %dma_start3A_1425 = tpu.memref_squeeze %dma_start3A_1424 : memref<1x1x1x8x128xf32, #tpu.memory_space<hbm>> -> memref<8x128xf32, #tpu.memory_space<hbm>>
      %dma_start3A_1426 = arith.constant 56 : i32
      %dma_start3A_1427 = arith.constant 0 : i32
      %dma_start3A_1428 = tpu.memref_slice %arg11[%dma_start3A_1426, %dma_start3A_1427] : memref<64x128xf32, #tpu.memory_space<vmem>> -> memref<8x128xf32, #tpu.memory_space<vmem>>
      tpu.enqueue_dma source(%dma_start3A_1428 : memref<8x128xf32, #tpu.memory_space<vmem>>) target(%dma_start3A_1425 : memref<8x128xf32, #tpu.memory_space<hbm>>) target_semaphore(%arg17 : memref<!tpu.dma_semaphore, #tpu.memory_space<semaphore_mem>>)
      %lt3A_1429 = arith.constant 49 : i32
      %lt3A_1430 = arith.cmpi slt, %scan3A_372, %lt3A_1429 : i32
      %convert_element_type3A_1431 = arith.extui %lt3A_1430 : i1 to i32
      %cond3A_1432 = arith.constant 0 : i32
      %cond3A_1433 = arith.cmpi ne, %convert_element_type3A_1431, %cond3A_1432 : i32
      scf.if %cond3A_1433 {
        %add3A_1434 = arith.constant 4 : i32
        %add3A_1435 = arith.addi %add3A_1092, %add3A_1434 : i32
        %dma_start3A_1436 = arith.constant 0 : i32
        %dma_start3A_1437 = tpu.memref_slice %arg5[%add3A_1435, %dma_start3A_1436] : memref<200x128xi32, #tpu.memory_space<vmem>> -> memref<1x128xi32, #tpu.memory_space<vmem>>
        %dma_start3A_1438 = tpu.memref_squeeze %dma_start3A_1437 : memref<1x128xi32, #tpu.memory_space<vmem>> -> memref<128xi32, #tpu.memory_space<vmem>>
        %dma_start3A_1439 = arith.constant 0 : i32
        %dma_start3A_1440 = arith.constant 0 : i32
        %dma_start3A_1441 = tpu.memref_slice %arg3[%dma_start3A_1439, %dma_start3A_1440] : memref<1000000x64xf32, #tpu.memory_space<hbm>> -> memref<1000000x64xf32, #tpu.memory_space<hbm>>
        tpu.enqueue_indirect_dma source(%dma_start3A_1441 : memref<1000000x64xf32, #tpu.memory_space<hbm>>) target(%arg9 : memref<128x64xf32, #tpu.memory_space<vmem>>) offsets(%dma_start3A_1438 : memref<128xi32, #tpu.memory_space<vmem>>) semaphore(%arg15 : memref<!tpu.dma_semaphore, #tpu.memory_space<semaphore_mem>>)
      } else {
      }
    }
    %scan3A_58 = arith.constant 50 : i32
    %add3A_59 = arith.constant 198 : i32
    %add3A_60 = arith.addi %mul3A_2, %add3A_59 : i32
    %jit3A = arith.constant 128 : i32
    %div3A = arith.divsi %add3A_60, %jit3A : i32
    %sign3A = arith.constant 0 : i32
    %sign3A_61 = arith.cmpi sgt, %add3A_60, %sign3A : i32
    %sign3A_62 = arith.extui %sign3A_61 : i1 to i32
    %sign3A_63 = arith.constant 0 : i32
    %sign3A_64 = arith.cmpi slt, %add3A_60, %sign3A_63 : i32
    %sign3A_65 = arith.extui %sign3A_64 : i1 to i32
    %sign3A_66 = arith.subi %sign3A_62, %sign3A_65 : i32
    %sign3A_67 = arith.constant 0 : i32
    %sign3A_68 = arith.cmpi sgt, %jit3A, %sign3A_67 : i32
    %sign3A_69 = arith.extui %sign3A_68 : i1 to i32
    %sign3A_70 = arith.constant 0 : i32
    %sign3A_71 = arith.cmpi slt, %jit3A, %sign3A_70 : i32
    %sign3A_72 = arith.extui %sign3A_71 : i1 to i32
    %sign3A_73 = arith.subi %sign3A_69, %sign3A_72 : i32
    %ne3A = arith.cmpi ne, %sign3A_66, %sign3A_73 : i32
    %rem3A = arith.remsi %add3A_60, %jit3A : i32
    %ne3A_74 = arith.constant 0 : i32
    %ne3A_75 = arith.cmpi ne, %rem3A, %ne3A_74 : i32
    %and3A = arith.andi %ne3A, %ne3A_75 : i1
    %sub3A = arith.constant 1 : i32
    %sub3A_76 = arith.subi %div3A, %sub3A : i32
    %select_n3A = arith.select %and3A, %sub3A_76, %div3A : i32
    %jit3A_77 = arith.constant 128 : i32
    %eq3A = arith.constant 0 : i32
    %eq3A_78 = arith.cmpi eq, %jit3A_77, %eq3A : i32
    %jit3A_79 = arith.constant 1 : i32
    %select_n3A_80 = arith.select %eq3A_78, %jit3A_79, %jit3A_77 : i32
    %rem3A_81 = arith.remsi %add3A_60, %select_n3A_80 : i32
    %ne3A_82 = arith.constant 0 : i32
    %ne3A_83 = arith.cmpi ne, %rem3A_81, %ne3A_82 : i32
    %lt3A = arith.constant 0 : i32
    %lt3A_84 = arith.cmpi slt, %rem3A_81, %lt3A : i32
    %lt3A_85 = arith.constant 0 : i32
    %lt3A_86 = arith.cmpi slt, %select_n3A_80, %lt3A_85 : i32
    %ne3A_87 = arith.xori %lt3A_84, %lt3A_86 : i1
    %and3A_88 = arith.andi %ne3A_87, %ne3A_83 : i1
    %add3A_89 = arith.addi %rem3A_81, %select_n3A_80 : i32
    %select_n3A_90 = arith.select %and3A_88, %add3A_89, %rem3A_81 : i32
    %dma_wait3A = arith.constant 0 : i32
    %dma_wait3A_91 = arith.constant 0 : i32
    %dma_wait3A_92 = arith.constant 0 : i32
    %dma_wait3A_93 = tpu.memref_slice %arg10[%dma_wait3A_91, %dma_wait3A_92] : memref<64x128xf32, #tpu.memory_space<vmem>> -> memref<8x128xf32, #tpu.memory_space<vmem>>
    %dma_wait3A_94 = arith.constant 0 : i32
    %dma_wait3A_95 = arith.constant 0 : i32
    %dma_wait3A_96 = tpu.memref_slice %arg4[%select_n3A, %dma_wait3A, %select_n3A_90, %dma_wait3A_94, %dma_wait3A_95] : memref<50x8x128x8x128xf32, #tpu.memory_space<hbm>> -> memref<1x1x1x8x128xf32, #tpu.memory_space<hbm>>
    %dma_wait3A_97 = tpu.memref_squeeze %dma_wait3A_96 : memref<1x1x1x8x128xf32, #tpu.memory_space<hbm>> -> memref<8x128xf32, #tpu.memory_space<hbm>>
    %dma_wait3A_98 = arith.constant 0 : i32
    %dma_wait3A_99 = arith.constant 0 : i32
    %dma_wait3A_100 = tpu.memref_slice %arg4[%select_n3A, %dma_wait3A, %select_n3A_90, %dma_wait3A_98, %dma_wait3A_99] : memref<50x8x128x8x128xf32, #tpu.memory_space<hbm>> -> memref<1x1x1x8x128xf32, #tpu.memory_space<hbm>>
    %dma_wait3A_101 = tpu.memref_squeeze %dma_wait3A_100 : memref<1x1x1x8x128xf32, #tpu.memory_space<hbm>> -> memref<8x128xf32, #tpu.memory_space<hbm>>
    %dma_wait3A_102 = arith.constant 0 : i32
    %dma_wait3A_103 = arith.constant 0 : i32
    %dma_wait3A_104 = tpu.memref_slice %arg10[%dma_wait3A_102, %dma_wait3A_103] : memref<64x128xf32, #tpu.memory_space<vmem>> -> memref<8x128xf32, #tpu.memory_space<vmem>>
    tpu.wait_dma2 semaphore(%arg16 : memref<!tpu.dma_semaphore, #tpu.memory_space<semaphore_mem>>) src(%dma_wait3A_104 : memref<8x128xf32, #tpu.memory_space<vmem>>) dst(%dma_wait3A_101 : memref<8x128xf32, #tpu.memory_space<hbm>>)
    %dma_wait3A_105 = arith.constant 1 : i32
    %dma_wait3A_106 = arith.constant 8 : i32
    %dma_wait3A_107 = arith.constant 0 : i32
    %dma_wait3A_108 = tpu.memref_slice %arg10[%dma_wait3A_106, %dma_wait3A_107] : memref<64x128xf32, #tpu.memory_space<vmem>> -> memref<8x128xf32, #tpu.memory_space<vmem>>
    %dma_wait3A_109 = arith.constant 0 : i32
    %dma_wait3A_110 = arith.constant 0 : i32
    %dma_wait3A_111 = tpu.memref_slice %arg4[%select_n3A, %dma_wait3A_105, %select_n3A_90, %dma_wait3A_109, %dma_wait3A_110] : memref<50x8x128x8x128xf32, #tpu.memory_space<hbm>> -> memref<1x1x1x8x128xf32, #tpu.memory_space<hbm>>
    %dma_wait3A_112 = tpu.memref_squeeze %dma_wait3A_111 : memref<1x1x1x8x128xf32, #tpu.memory_space<hbm>> -> memref<8x128xf32, #tpu.memory_space<hbm>>
    %dma_wait3A_113 = arith.constant 0 : i32
    %dma_wait3A_114 = arith.constant 0 : i32
    %dma_wait3A_115 = tpu.memref_slice %arg4[%select_n3A, %dma_wait3A_105, %select_n3A_90, %dma_wait3A_113, %dma_wait3A_114] : memref<50x8x128x8x128xf32, #tpu.memory_space<hbm>> -> memref<1x1x1x8x128xf32, #tpu.memory_space<hbm>>
    %dma_wait3A_116 = tpu.memref_squeeze %dma_wait3A_115 : memref<1x1x1x8x128xf32, #tpu.memory_space<hbm>> -> memref<8x128xf32, #tpu.memory_space<hbm>>
    %dma_wait3A_117 = arith.constant 8 : i32
    %dma_wait3A_118 = arith.constant 0 : i32
    %dma_wait3A_119 = tpu.memref_slice %arg10[%dma_wait3A_117, %dma_wait3A_118] : memref<64x128xf32, #tpu.memory_space<vmem>> -> memref<8x128xf32, #tpu.memory_space<vmem>>
    tpu.wait_dma2 semaphore(%arg16 : memref<!tpu.dma_semaphore, #tpu.memory_space<semaphore_mem>>) src(%dma_wait3A_119 : memref<8x128xf32, #tpu.memory_space<vmem>>) dst(%dma_wait3A_116 : memref<8x128xf32, #tpu.memory_space<hbm>>)
    %dma_wait3A_120 = arith.constant 2 : i32
    %dma_wait3A_121 = arith.constant 16 : i32
    %dma_wait3A_122 = arith.constant 0 : i32
    %dma_wait3A_123 = tpu.memref_slice %arg10[%dma_wait3A_121, %dma_wait3A_122] : memref<64x128xf32, #tpu.memory_space<vmem>> -> memref<8x128xf32, #tpu.memory_space<vmem>>
    %dma_wait3A_124 = arith.constant 0 : i32
    %dma_wait3A_125 = arith.constant 0 : i32
    %dma_wait3A_126 = tpu.memref_slice %arg4[%select_n3A, %dma_wait3A_120, %select_n3A_90, %dma_wait3A_124, %dma_wait3A_125] : memref<50x8x128x8x128xf32, #tpu.memory_space<hbm>> -> memref<1x1x1x8x128xf32, #tpu.memory_space<hbm>>
    %dma_wait3A_127 = tpu.memref_squeeze %dma_wait3A_126 : memref<1x1x1x8x128xf32, #tpu.memory_space<hbm>> -> memref<8x128xf32, #tpu.memory_space<hbm>>
    %dma_wait3A_128 = arith.constant 0 : i32
    %dma_wait3A_129 = arith.constant 0 : i32
    %dma_wait3A_130 = tpu.memref_slice %arg4[%select_n3A, %dma_wait3A_120, %select_n3A_90, %dma_wait3A_128, %dma_wait3A_129] : memref<50x8x128x8x128xf32, #tpu.memory_space<hbm>> -> memref<1x1x1x8x128xf32, #tpu.memory_space<hbm>>
    %dma_wait3A_131 = tpu.memref_squeeze %dma_wait3A_130 : memref<1x1x1x8x128xf32, #tpu.memory_space<hbm>> -> memref<8x128xf32, #tpu.memory_space<hbm>>
    %dma_wait3A_132 = arith.constant 16 : i32
    %dma_wait3A_133 = arith.constant 0 : i32
    %dma_wait3A_134 = tpu.memref_slice %arg10[%dma_wait3A_132, %dma_wait3A_133] : memref<64x128xf32, #tpu.memory_space<vmem>> -> memref<8x128xf32, #tpu.memory_space<vmem>>
    tpu.wait_dma2 semaphore(%arg16 : memref<!tpu.dma_semaphore, #tpu.memory_space<semaphore_mem>>) src(%dma_wait3A_134 : memref<8x128xf32, #tpu.memory_space<vmem>>) dst(%dma_wait3A_131 : memref<8x128xf32, #tpu.memory_space<hbm>>)
    %dma_wait3A_135 = arith.constant 3 : i32
    %dma_wait3A_136 = arith.constant 24 : i32
    %dma_wait3A_137 = arith.constant 0 : i32
    %dma_wait3A_138 = tpu.memref_slice %arg10[%dma_wait3A_136, %dma_wait3A_137] : memref<64x128xf32, #tpu.memory_space<vmem>> -> memref<8x128xf32, #tpu.memory_space<vmem>>
    %dma_wait3A_139 = arith.constant 0 : i32
    %dma_wait3A_140 = arith.constant 0 : i32
    %dma_wait3A_141 = tpu.memref_slice %arg4[%select_n3A, %dma_wait3A_135, %select_n3A_90, %dma_wait3A_139, %dma_wait3A_140] : memref<50x8x128x8x128xf32, #tpu.memory_space<hbm>> -> memref<1x1x1x8x128xf32, #tpu.memory_space<hbm>>
    %dma_wait3A_142 = tpu.memref_squeeze %dma_wait3A_141 : memref<1x1x1x8x128xf32, #tpu.memory_space<hbm>> -> memref<8x128xf32, #tpu.memory_space<hbm>>
    %dma_wait3A_143 = arith.constant 0 : i32
    %dma_wait3A_144 = arith.constant 0 : i32
    %dma_wait3A_145 = tpu.memref_slice %arg4[%select_n3A, %dma_wait3A_135, %select_n3A_90, %dma_wait3A_143, %dma_wait3A_144] : memref<50x8x128x8x128xf32, #tpu.memory_space<hbm>> -> memref<1x1x1x8x128xf32, #tpu.memory_space<hbm>>
    %dma_wait3A_146 = tpu.memref_squeeze %dma_wait3A_145 : memref<1x1x1x8x128xf32, #tpu.memory_space<hbm>> -> memref<8x128xf32, #tpu.memory_space<hbm>>
    %dma_wait3A_147 = arith.constant 24 : i32
    %dma_wait3A_148 = arith.constant 0 : i32
    %dma_wait3A_149 = tpu.memref_slice %arg10[%dma_wait3A_147, %dma_wait3A_148] : memref<64x128xf32, #tpu.memory_space<vmem>> -> memref<8x128xf32, #tpu.memory_space<vmem>>
    tpu.wait_dma2 semaphore(%arg16 : memref<!tpu.dma_semaphore, #tpu.memory_space<semaphore_mem>>) src(%dma_wait3A_149 : memref<8x128xf32, #tpu.memory_space<vmem>>) dst(%dma_wait3A_146 : memref<8x128xf32, #tpu.memory_space<hbm>>)
    %dma_wait3A_150 = arith.constant 4 : i32
    %dma_wait3A_151 = arith.constant 32 : i32
    %dma_wait3A_152 = arith.constant 0 : i32
    %dma_wait3A_153 = tpu.memref_slice %arg10[%dma_wait3A_151, %dma_wait3A_152] : memref<64x128xf32, #tpu.memory_space<vmem>> -> memref<8x128xf32, #tpu.memory_space<vmem>>
    %dma_wait3A_154 = arith.constant 0 : i32
    %dma_wait3A_155 = arith.constant 0 : i32
    %dma_wait3A_156 = tpu.memref_slice %arg4[%select_n3A, %dma_wait3A_150, %select_n3A_90, %dma_wait3A_154, %dma_wait3A_155] : memref<50x8x128x8x128xf32, #tpu.memory_space<hbm>> -> memref<1x1x1x8x128xf32, #tpu.memory_space<hbm>>
    %dma_wait3A_157 = tpu.memref_squeeze %dma_wait3A_156 : memref<1x1x1x8x128xf32, #tpu.memory_space<hbm>> -> memref<8x128xf32, #tpu.memory_space<hbm>>
    %dma_wait3A_158 = arith.constant 0 : i32
    %dma_wait3A_159 = arith.constant 0 : i32
    %dma_wait3A_160 = tpu.memref_slice %arg4[%select_n3A, %dma_wait3A_150, %select_n3A_90, %dma_wait3A_158, %dma_wait3A_159] : memref<50x8x128x8x128xf32, #tpu.memory_space<hbm>> -> memref<1x1x1x8x128xf32, #tpu.memory_space<hbm>>
    %dma_wait3A_161 = tpu.memref_squeeze %dma_wait3A_160 : memref<1x1x1x8x128xf32, #tpu.memory_space<hbm>> -> memref<8x128xf32, #tpu.memory_space<hbm>>
    %dma_wait3A_162 = arith.constant 32 : i32
    %dma_wait3A_163 = arith.constant 0 : i32
    %dma_wait3A_164 = tpu.memref_slice %arg10[%dma_wait3A_162, %dma_wait3A_163] : memref<64x128xf32, #tpu.memory_space<vmem>> -> memref<8x128xf32, #tpu.memory_space<vmem>>
    tpu.wait_dma2 semaphore(%arg16 : memref<!tpu.dma_semaphore, #tpu.memory_space<semaphore_mem>>) src(%dma_wait3A_164 : memref<8x128xf32, #tpu.memory_space<vmem>>) dst(%dma_wait3A_161 : memref<8x128xf32, #tpu.memory_space<hbm>>)
    %dma_wait3A_165 = arith.constant 5 : i32
    %dma_wait3A_166 = arith.constant 40 : i32
    %dma_wait3A_167 = arith.constant 0 : i32
    %dma_wait3A_168 = tpu.memref_slice %arg10[%dma_wait3A_166, %dma_wait3A_167] : memref<64x128xf32, #tpu.memory_space<vmem>> -> memref<8x128xf32, #tpu.memory_space<vmem>>
    %dma_wait3A_169 = arith.constant 0 : i32
    %dma_wait3A_170 = arith.constant 0 : i32
    %dma_wait3A_171 = tpu.memref_slice %arg4[%select_n3A, %dma_wait3A_165, %select_n3A_90, %dma_wait3A_169, %dma_wait3A_170] : memref<50x8x128x8x128xf32, #tpu.memory_space<hbm>> -> memref<1x1x1x8x128xf32, #tpu.memory_space<hbm>>
    %dma_wait3A_172 = tpu.memref_squeeze %dma_wait3A_171 : memref<1x1x1x8x128xf32, #tpu.memory_space<hbm>> -> memref<8x128xf32, #tpu.memory_space<hbm>>
    %dma_wait3A_173 = arith.constant 0 : i32
    %dma_wait3A_174 = arith.constant 0 : i32
    %dma_wait3A_175 = tpu.memref_slice %arg4[%select_n3A, %dma_wait3A_165, %select_n3A_90, %dma_wait3A_173, %dma_wait3A_174] : memref<50x8x128x8x128xf32, #tpu.memory_space<hbm>> -> memref<1x1x1x8x128xf32, #tpu.memory_space<hbm>>
    %dma_wait3A_176 = tpu.memref_squeeze %dma_wait3A_175 : memref<1x1x1x8x128xf32, #tpu.memory_space<hbm>> -> memref<8x128xf32, #tpu.memory_space<hbm>>
    %dma_wait3A_177 = arith.constant 40 : i32
    %dma_wait3A_178 = arith.constant 0 : i32
    %dma_wait3A_179 = tpu.memref_slice %arg10[%dma_wait3A_177, %dma_wait3A_178] : memref<64x128xf32, #tpu.memory_space<vmem>> -> memref<8x128xf32, #tpu.memory_space<vmem>>
    tpu.wait_dma2 semaphore(%arg16 : memref<!tpu.dma_semaphore, #tpu.memory_space<semaphore_mem>>) src(%dma_wait3A_179 : memref<8x128xf32, #tpu.memory_space<vmem>>) dst(%dma_wait3A_176 : memref<8x128xf32, #tpu.memory_space<hbm>>)
    %dma_wait3A_180 = arith.constant 6 : i32
    %dma_wait3A_181 = arith.constant 48 : i32
    %dma_wait3A_182 = arith.constant 0 : i32
    %dma_wait3A_183 = tpu.memref_slice %arg10[%dma_wait3A_181, %dma_wait3A_182] : memref<64x128xf32, #tpu.memory_space<vmem>> -> memref<8x128xf32, #tpu.memory_space<vmem>>
    %dma_wait3A_184 = arith.constant 0 : i32
    %dma_wait3A_185 = arith.constant 0 : i32
    %dma_wait3A_186 = tpu.memref_slice %arg4[%select_n3A, %dma_wait3A_180, %select_n3A_90, %dma_wait3A_184, %dma_wait3A_185] : memref<50x8x128x8x128xf32, #tpu.memory_space<hbm>> -> memref<1x1x1x8x128xf32, #tpu.memory_space<hbm>>
    %dma_wait3A_187 = tpu.memref_squeeze %dma_wait3A_186 : memref<1x1x1x8x128xf32, #tpu.memory_space<hbm>> -> memref<8x128xf32, #tpu.memory_space<hbm>>
    %dma_wait3A_188 = arith.constant 0 : i32
    %dma_wait3A_189 = arith.constant 0 : i32
    %dma_wait3A_190 = tpu.memref_slice %arg4[%select_n3A, %dma_wait3A_180, %select_n3A_90, %dma_wait3A_188, %dma_wait3A_189] : memref<50x8x128x8x128xf32, #tpu.memory_space<hbm>> -> memref<1x1x1x8x128xf32, #tpu.memory_space<hbm>>
    %dma_wait3A_191 = tpu.memref_squeeze %dma_wait3A_190 : memref<1x1x1x8x128xf32, #tpu.memory_space<hbm>> -> memref<8x128xf32, #tpu.memory_space<hbm>>
    %dma_wait3A_192 = arith.constant 48 : i32
    %dma_wait3A_193 = arith.constant 0 : i32
    %dma_wait3A_194 = tpu.memref_slice %arg10[%dma_wait3A_192, %dma_wait3A_193] : memref<64x128xf32, #tpu.memory_space<vmem>> -> memref<8x128xf32, #tpu.memory_space<vmem>>
    tpu.wait_dma2 semaphore(%arg16 : memref<!tpu.dma_semaphore, #tpu.memory_space<semaphore_mem>>) src(%dma_wait3A_194 : memref<8x128xf32, #tpu.memory_space<vmem>>) dst(%dma_wait3A_191 : memref<8x128xf32, #tpu.memory_space<hbm>>)
    %dma_wait3A_195 = arith.constant 7 : i32
    %dma_wait3A_196 = arith.constant 56 : i32
    %dma_wait3A_197 = arith.constant 0 : i32
    %dma_wait3A_198 = tpu.memref_slice %arg10[%dma_wait3A_196, %dma_wait3A_197] : memref<64x128xf32, #tpu.memory_space<vmem>> -> memref<8x128xf32, #tpu.memory_space<vmem>>
    %dma_wait3A_199 = arith.constant 0 : i32
    %dma_wait3A_200 = arith.constant 0 : i32
    %dma_wait3A_201 = tpu.memref_slice %arg4[%select_n3A, %dma_wait3A_195, %select_n3A_90, %dma_wait3A_199, %dma_wait3A_200] : memref<50x8x128x8x128xf32, #tpu.memory_space<hbm>> -> memref<1x1x1x8x128xf32, #tpu.memory_space<hbm>>
    %dma_wait3A_202 = tpu.memref_squeeze %dma_wait3A_201 : memref<1x1x1x8x128xf32, #tpu.memory_space<hbm>> -> memref<8x128xf32, #tpu.memory_space<hbm>>
    %dma_wait3A_203 = arith.constant 0 : i32
    %dma_wait3A_204 = arith.constant 0 : i32
    %dma_wait3A_205 = tpu.memref_slice %arg4[%select_n3A, %dma_wait3A_195, %select_n3A_90, %dma_wait3A_203, %dma_wait3A_204] : memref<50x8x128x8x128xf32, #tpu.memory_space<hbm>> -> memref<1x1x1x8x128xf32, #tpu.memory_space<hbm>>
    %dma_wait3A_206 = tpu.memref_squeeze %dma_wait3A_205 : memref<1x1x1x8x128xf32, #tpu.memory_space<hbm>> -> memref<8x128xf32, #tpu.memory_space<hbm>>
    %dma_wait3A_207 = arith.constant 56 : i32
    %dma_wait3A_208 = arith.constant 0 : i32
    %dma_wait3A_209 = tpu.memref_slice %arg10[%dma_wait3A_207, %dma_wait3A_208] : memref<64x128xf32, #tpu.memory_space<vmem>> -> memref<8x128xf32, #tpu.memory_space<vmem>>
    tpu.wait_dma2 semaphore(%arg16 : memref<!tpu.dma_semaphore, #tpu.memory_space<semaphore_mem>>) src(%dma_wait3A_209 : memref<8x128xf32, #tpu.memory_space<vmem>>) dst(%dma_wait3A_206 : memref<8x128xf32, #tpu.memory_space<hbm>>)
    %add3A_210 = arith.constant 199 : i32
    %add3A_211 = arith.addi %mul3A_2, %add3A_210 : i32
    %jit3A_212 = arith.constant 128 : i32
    %div3A_213 = arith.divsi %add3A_211, %jit3A_212 : i32
    %sign3A_214 = arith.constant 0 : i32
    %sign3A_215 = arith.cmpi sgt, %add3A_211, %sign3A_214 : i32
    %sign3A_216 = arith.extui %sign3A_215 : i1 to i32
    %sign3A_217 = arith.constant 0 : i32
    %sign3A_218 = arith.cmpi slt, %add3A_211, %sign3A_217 : i32
    %sign3A_219 = arith.extui %sign3A_218 : i1 to i32
    %sign3A_220 = arith.subi %sign3A_216, %sign3A_219 : i32
    %sign3A_221 = arith.constant 0 : i32
    %sign3A_222 = arith.cmpi sgt, %jit3A_212, %sign3A_221 : i32
    %sign3A_223 = arith.extui %sign3A_222 : i1 to i32
    %sign3A_224 = arith.constant 0 : i32
    %sign3A_225 = arith.cmpi slt, %jit3A_212, %sign3A_224 : i32
    %sign3A_226 = arith.extui %sign3A_225 : i1 to i32
    %sign3A_227 = arith.subi %sign3A_223, %sign3A_226 : i32
    %ne3A_228 = arith.cmpi ne, %sign3A_220, %sign3A_227 : i32
    %rem3A_229 = arith.remsi %add3A_211, %jit3A_212 : i32
    %ne3A_230 = arith.constant 0 : i32
    %ne3A_231 = arith.cmpi ne, %rem3A_229, %ne3A_230 : i32
    %and3A_232 = arith.andi %ne3A_228, %ne3A_231 : i1
    %sub3A_233 = arith.constant 1 : i32
    %sub3A_234 = arith.subi %div3A_213, %sub3A_233 : i32
    %select_n3A_235 = arith.select %and3A_232, %sub3A_234, %div3A_213 : i32
    %jit3A_236 = arith.constant 128 : i32
    %eq3A_237 = arith.constant 0 : i32
    %eq3A_238 = arith.cmpi eq, %jit3A_236, %eq3A_237 : i32
    %jit3A_239 = arith.constant 1 : i32
    %select_n3A_240 = arith.select %eq3A_238, %jit3A_239, %jit3A_236 : i32
    %rem3A_241 = arith.remsi %add3A_211, %select_n3A_240 : i32
    %ne3A_242 = arith.constant 0 : i32
    %ne3A_243 = arith.cmpi ne, %rem3A_241, %ne3A_242 : i32
    %lt3A_244 = arith.constant 0 : i32
    %lt3A_245 = arith.cmpi slt, %rem3A_241, %lt3A_244 : i32
    %lt3A_246 = arith.constant 0 : i32
    %lt3A_247 = arith.cmpi slt, %select_n3A_240, %lt3A_246 : i32
    %ne3A_248 = arith.xori %lt3A_245, %lt3A_247 : i1
    %and3A_249 = arith.andi %ne3A_248, %ne3A_243 : i1
    %add3A_250 = arith.addi %rem3A_241, %select_n3A_240 : i32
    %select_n3A_251 = arith.select %and3A_249, %add3A_250, %rem3A_241 : i32
    %dma_wait3A_252 = arith.constant 0 : i32
    %dma_wait3A_253 = arith.constant 0 : i32
    %dma_wait3A_254 = arith.constant 0 : i32
    %dma_wait3A_255 = tpu.memref_slice %arg11[%dma_wait3A_253, %dma_wait3A_254] : memref<64x128xf32, #tpu.memory_space<vmem>> -> memref<8x128xf32, #tpu.memory_space<vmem>>
    %dma_wait3A_256 = arith.constant 0 : i32
    %dma_wait3A_257 = arith.constant 0 : i32
    %dma_wait3A_258 = tpu.memref_slice %arg4[%select_n3A_235, %dma_wait3A_252, %select_n3A_251, %dma_wait3A_256, %dma_wait3A_257] : memref<50x8x128x8x128xf32, #tpu.memory_space<hbm>> -> memref<1x1x1x8x128xf32, #tpu.memory_space<hbm>>
    %dma_wait3A_259 = tpu.memref_squeeze %dma_wait3A_258 : memref<1x1x1x8x128xf32, #tpu.memory_space<hbm>> -> memref<8x128xf32, #tpu.memory_space<hbm>>
    %dma_wait3A_260 = arith.constant 0 : i32
    %dma_wait3A_261 = arith.constant 0 : i32
    %dma_wait3A_262 = tpu.memref_slice %arg4[%select_n3A_235, %dma_wait3A_252, %select_n3A_251, %dma_wait3A_260, %dma_wait3A_261] : memref<50x8x128x8x128xf32, #tpu.memory_space<hbm>> -> memref<1x1x1x8x128xf32, #tpu.memory_space<hbm>>
    %dma_wait3A_263 = tpu.memref_squeeze %dma_wait3A_262 : memref<1x1x1x8x128xf32, #tpu.memory_space<hbm>> -> memref<8x128xf32, #tpu.memory_space<hbm>>
    %dma_wait3A_264 = arith.constant 0 : i32
    %dma_wait3A_265 = arith.constant 0 : i32
    %dma_wait3A_266 = tpu.memref_slice %arg11[%dma_wait3A_264, %dma_wait3A_265] : memref<64x128xf32, #tpu.memory_space<vmem>> -> memref<8x128xf32, #tpu.memory_space<vmem>>
    tpu.wait_dma2 semaphore(%arg17 : memref<!tpu.dma_semaphore, #tpu.memory_space<semaphore_mem>>) src(%dma_wait3A_266 : memref<8x128xf32, #tpu.memory_space<vmem>>) dst(%dma_wait3A_263 : memref<8x128xf32, #tpu.memory_space<hbm>>)
    %dma_wait3A_267 = arith.constant 1 : i32
    %dma_wait3A_268 = arith.constant 8 : i32
    %dma_wait3A_269 = arith.constant 0 : i32
    %dma_wait3A_270 = tpu.memref_slice %arg11[%dma_wait3A_268, %dma_wait3A_269] : memref<64x128xf32, #tpu.memory_space<vmem>> -> memref<8x128xf32, #tpu.memory_space<vmem>>
    %dma_wait3A_271 = arith.constant 0 : i32
    %dma_wait3A_272 = arith.constant 0 : i32
    %dma_wait3A_273 = tpu.memref_slice %arg4[%select_n3A_235, %dma_wait3A_267, %select_n3A_251, %dma_wait3A_271, %dma_wait3A_272] : memref<50x8x128x8x128xf32, #tpu.memory_space<hbm>> -> memref<1x1x1x8x128xf32, #tpu.memory_space<hbm>>
    %dma_wait3A_274 = tpu.memref_squeeze %dma_wait3A_273 : memref<1x1x1x8x128xf32, #tpu.memory_space<hbm>> -> memref<8x128xf32, #tpu.memory_space<hbm>>
    %dma_wait3A_275 = arith.constant 0 : i32
    %dma_wait3A_276 = arith.constant 0 : i32
    %dma_wait3A_277 = tpu.memref_slice %arg4[%select_n3A_235, %dma_wait3A_267, %select_n3A_251, %dma_wait3A_275, %dma_wait3A_276] : memref<50x8x128x8x128xf32, #tpu.memory_space<hbm>> -> memref<1x1x1x8x128xf32, #tpu.memory_space<hbm>>
    %dma_wait3A_278 = tpu.memref_squeeze %dma_wait3A_277 : memref<1x1x1x8x128xf32, #tpu.memory_space<hbm>> -> memref<8x128xf32, #tpu.memory_space<hbm>>
    %dma_wait3A_279 = arith.constant 8 : i32
    %dma_wait3A_280 = arith.constant 0 : i32
    %dma_wait3A_281 = tpu.memref_slice %arg11[%dma_wait3A_279, %dma_wait3A_280] : memref<64x128xf32, #tpu.memory_space<vmem>> -> memref<8x128xf32, #tpu.memory_space<vmem>>
    tpu.wait_dma2 semaphore(%arg17 : memref<!tpu.dma_semaphore, #tpu.memory_space<semaphore_mem>>) src(%dma_wait3A_281 : memref<8x128xf32, #tpu.memory_space<vmem>>) dst(%dma_wait3A_278 : memref<8x128xf32, #tpu.memory_space<hbm>>)
    %dma_wait3A_282 = arith.constant 2 : i32
    %dma_wait3A_283 = arith.constant 16 : i32
    %dma_wait3A_284 = arith.constant 0 : i32
    %dma_wait3A_285 = tpu.memref_slice %arg11[%dma_wait3A_283, %dma_wait3A_284] : memref<64x128xf32, #tpu.memory_space<vmem>> -> memref<8x128xf32, #tpu.memory_space<vmem>>
    %dma_wait3A_286 = arith.constant 0 : i32
    %dma_wait3A_287 = arith.constant 0 : i32
    %dma_wait3A_288 = tpu.memref_slice %arg4[%select_n3A_235, %dma_wait3A_282, %select_n3A_251, %dma_wait3A_286, %dma_wait3A_287] : memref<50x8x128x8x128xf32, #tpu.memory_space<hbm>> -> memref<1x1x1x8x128xf32, #tpu.memory_space<hbm>>
    %dma_wait3A_289 = tpu.memref_squeeze %dma_wait3A_288 : memref<1x1x1x8x128xf32, #tpu.memory_space<hbm>> -> memref<8x128xf32, #tpu.memory_space<hbm>>
    %dma_wait3A_290 = arith.constant 0 : i32
    %dma_wait3A_291 = arith.constant 0 : i32
    %dma_wait3A_292 = tpu.memref_slice %arg4[%select_n3A_235, %dma_wait3A_282, %select_n3A_251, %dma_wait3A_290, %dma_wait3A_291] : memref<50x8x128x8x128xf32, #tpu.memory_space<hbm>> -> memref<1x1x1x8x128xf32, #tpu.memory_space<hbm>>
    %dma_wait3A_293 = tpu.memref_squeeze %dma_wait3A_292 : memref<1x1x1x8x128xf32, #tpu.memory_space<hbm>> -> memref<8x128xf32, #tpu.memory_space<hbm>>
    %dma_wait3A_294 = arith.constant 16 : i32
    %dma_wait3A_295 = arith.constant 0 : i32
    %dma_wait3A_296 = tpu.memref_slice %arg11[%dma_wait3A_294, %dma_wait3A_295] : memref<64x128xf32, #tpu.memory_space<vmem>> -> memref<8x128xf32, #tpu.memory_space<vmem>>
    tpu.wait_dma2 semaphore(%arg17 : memref<!tpu.dma_semaphore, #tpu.memory_space<semaphore_mem>>) src(%dma_wait3A_296 : memref<8x128xf32, #tpu.memory_space<vmem>>) dst(%dma_wait3A_293 : memref<8x128xf32, #tpu.memory_space<hbm>>)
    %dma_wait3A_297 = arith.constant 3 : i32
    %dma_wait3A_298 = arith.constant 24 : i32
    %dma_wait3A_299 = arith.constant 0 : i32
    %dma_wait3A_300 = tpu.memref_slice %arg11[%dma_wait3A_298, %dma_wait3A_299] : memref<64x128xf32, #tpu.memory_space<vmem>> -> memref<8x128xf32, #tpu.memory_space<vmem>>
    %dma_wait3A_301 = arith.constant 0 : i32
    %dma_wait3A_302 = arith.constant 0 : i32
    %dma_wait3A_303 = tpu.memref_slice %arg4[%select_n3A_235, %dma_wait3A_297, %select_n3A_251, %dma_wait3A_301, %dma_wait3A_302] : memref<50x8x128x8x128xf32, #tpu.memory_space<hbm>> -> memref<1x1x1x8x128xf32, #tpu.memory_space<hbm>>
    %dma_wait3A_304 = tpu.memref_squeeze %dma_wait3A_303 : memref<1x1x1x8x128xf32, #tpu.memory_space<hbm>> -> memref<8x128xf32, #tpu.memory_space<hbm>>
    %dma_wait3A_305 = arith.constant 0 : i32
    %dma_wait3A_306 = arith.constant 0 : i32
    %dma_wait3A_307 = tpu.memref_slice %arg4[%select_n3A_235, %dma_wait3A_297, %select_n3A_251, %dma_wait3A_305, %dma_wait3A_306] : memref<50x8x128x8x128xf32, #tpu.memory_space<hbm>> -> memref<1x1x1x8x128xf32, #tpu.memory_space<hbm>>
    %dma_wait3A_308 = tpu.memref_squeeze %dma_wait3A_307 : memref<1x1x1x8x128xf32, #tpu.memory_space<hbm>> -> memref<8x128xf32, #tpu.memory_space<hbm>>
    %dma_wait3A_309 = arith.constant 24 : i32
    %dma_wait3A_310 = arith.constant 0 : i32
    %dma_wait3A_311 = tpu.memref_slice %arg11[%dma_wait3A_309, %dma_wait3A_310] : memref<64x128xf32, #tpu.memory_space<vmem>> -> memref<8x128xf32, #tpu.memory_space<vmem>>
    tpu.wait_dma2 semaphore(%arg17 : memref<!tpu.dma_semaphore, #tpu.memory_space<semaphore_mem>>) src(%dma_wait3A_311 : memref<8x128xf32, #tpu.memory_space<vmem>>) dst(%dma_wait3A_308 : memref<8x128xf32, #tpu.memory_space<hbm>>)
    %dma_wait3A_312 = arith.constant 4 : i32
    %dma_wait3A_313 = arith.constant 32 : i32
    %dma_wait3A_314 = arith.constant 0 : i32
    %dma_wait3A_315 = tpu.memref_slice %arg11[%dma_wait3A_313, %dma_wait3A_314] : memref<64x128xf32, #tpu.memory_space<vmem>> -> memref<8x128xf32, #tpu.memory_space<vmem>>
    %dma_wait3A_316 = arith.constant 0 : i32
    %dma_wait3A_317 = arith.constant 0 : i32
    %dma_wait3A_318 = tpu.memref_slice %arg4[%select_n3A_235, %dma_wait3A_312, %select_n3A_251, %dma_wait3A_316, %dma_wait3A_317] : memref<50x8x128x8x128xf32, #tpu.memory_space<hbm>> -> memref<1x1x1x8x128xf32, #tpu.memory_space<hbm>>
    %dma_wait3A_319 = tpu.memref_squeeze %dma_wait3A_318 : memref<1x1x1x8x128xf32, #tpu.memory_space<hbm>> -> memref<8x128xf32, #tpu.memory_space<hbm>>
    %dma_wait3A_320 = arith.constant 0 : i32
    %dma_wait3A_321 = arith.constant 0 : i32
    %dma_wait3A_322 = tpu.memref_slice %arg4[%select_n3A_235, %dma_wait3A_312, %select_n3A_251, %dma_wait3A_320, %dma_wait3A_321] : memref<50x8x128x8x128xf32, #tpu.memory_space<hbm>> -> memref<1x1x1x8x128xf32, #tpu.memory_space<hbm>>
    %dma_wait3A_323 = tpu.memref_squeeze %dma_wait3A_322 : memref<1x1x1x8x128xf32, #tpu.memory_space<hbm>> -> memref<8x128xf32, #tpu.memory_space<hbm>>
    %dma_wait3A_324 = arith.constant 32 : i32
    %dma_wait3A_325 = arith.constant 0 : i32
    %dma_wait3A_326 = tpu.memref_slice %arg11[%dma_wait3A_324, %dma_wait3A_325] : memref<64x128xf32, #tpu.memory_space<vmem>> -> memref<8x128xf32, #tpu.memory_space<vmem>>
    tpu.wait_dma2 semaphore(%arg17 : memref<!tpu.dma_semaphore, #tpu.memory_space<semaphore_mem>>) src(%dma_wait3A_326 : memref<8x128xf32, #tpu.memory_space<vmem>>) dst(%dma_wait3A_323 : memref<8x128xf32, #tpu.memory_space<hbm>>)
    %dma_wait3A_327 = arith.constant 5 : i32
    %dma_wait3A_328 = arith.constant 40 : i32
    %dma_wait3A_329 = arith.constant 0 : i32
    %dma_wait3A_330 = tpu.memref_slice %arg11[%dma_wait3A_328, %dma_wait3A_329] : memref<64x128xf32, #tpu.memory_space<vmem>> -> memref<8x128xf32, #tpu.memory_space<vmem>>
    %dma_wait3A_331 = arith.constant 0 : i32
    %dma_wait3A_332 = arith.constant 0 : i32
    %dma_wait3A_333 = tpu.memref_slice %arg4[%select_n3A_235, %dma_wait3A_327, %select_n3A_251, %dma_wait3A_331, %dma_wait3A_332] : memref<50x8x128x8x128xf32, #tpu.memory_space<hbm>> -> memref<1x1x1x8x128xf32, #tpu.memory_space<hbm>>
    %dma_wait3A_334 = tpu.memref_squeeze %dma_wait3A_333 : memref<1x1x1x8x128xf32, #tpu.memory_space<hbm>> -> memref<8x128xf32, #tpu.memory_space<hbm>>
    %dma_wait3A_335 = arith.constant 0 : i32
    %dma_wait3A_336 = arith.constant 0 : i32
    %dma_wait3A_337 = tpu.memref_slice %arg4[%select_n3A_235, %dma_wait3A_327, %select_n3A_251, %dma_wait3A_335, %dma_wait3A_336] : memref<50x8x128x8x128xf32, #tpu.memory_space<hbm>> -> memref<1x1x1x8x128xf32, #tpu.memory_space<hbm>>
    %dma_wait3A_338 = tpu.memref_squeeze %dma_wait3A_337 : memref<1x1x1x8x128xf32, #tpu.memory_space<hbm>> -> memref<8x128xf32, #tpu.memory_space<hbm>>
    %dma_wait3A_339 = arith.constant 40 : i32
    %dma_wait3A_340 = arith.constant 0 : i32
    %dma_wait3A_341 = tpu.memref_slice %arg11[%dma_wait3A_339, %dma_wait3A_340] : memref<64x128xf32, #tpu.memory_space<vmem>> -> memref<8x128xf32, #tpu.memory_space<vmem>>
    tpu.wait_dma2 semaphore(%arg17 : memref<!tpu.dma_semaphore, #tpu.memory_space<semaphore_mem>>) src(%dma_wait3A_341 : memref<8x128xf32, #tpu.memory_space<vmem>>) dst(%dma_wait3A_338 : memref<8x128xf32, #tpu.memory_space<hbm>>)
    %dma_wait3A_342 = arith.constant 6 : i32
    %dma_wait3A_343 = arith.constant 48 : i32
    %dma_wait3A_344 = arith.constant 0 : i32
    %dma_wait3A_345 = tpu.memref_slice %arg11[%dma_wait3A_343, %dma_wait3A_344] : memref<64x128xf32, #tpu.memory_space<vmem>> -> memref<8x128xf32, #tpu.memory_space<vmem>>
    %dma_wait3A_346 = arith.constant 0 : i32
    %dma_wait3A_347 = arith.constant 0 : i32
    %dma_wait3A_348 = tpu.memref_slice %arg4[%select_n3A_235, %dma_wait3A_342, %select_n3A_251, %dma_wait3A_346, %dma_wait3A_347] : memref<50x8x128x8x128xf32, #tpu.memory_space<hbm>> -> memref<1x1x1x8x128xf32, #tpu.memory_space<hbm>>
    %dma_wait3A_349 = tpu.memref_squeeze %dma_wait3A_348 : memref<1x1x1x8x128xf32, #tpu.memory_space<hbm>> -> memref<8x128xf32, #tpu.memory_space<hbm>>
    %dma_wait3A_350 = arith.constant 0 : i32
    %dma_wait3A_351 = arith.constant 0 : i32
    %dma_wait3A_352 = tpu.memref_slice %arg4[%select_n3A_235, %dma_wait3A_342, %select_n3A_251, %dma_wait3A_350, %dma_wait3A_351] : memref<50x8x128x8x128xf32, #tpu.memory_space<hbm>> -> memref<1x1x1x8x128xf32, #tpu.memory_space<hbm>>
    %dma_wait3A_353 = tpu.memref_squeeze %dma_wait3A_352 : memref<1x1x1x8x128xf32, #tpu.memory_space<hbm>> -> memref<8x128xf32, #tpu.memory_space<hbm>>
    %dma_wait3A_354 = arith.constant 48 : i32
    %dma_wait3A_355 = arith.constant 0 : i32
    %dma_wait3A_356 = tpu.memref_slice %arg11[%dma_wait3A_354, %dma_wait3A_355] : memref<64x128xf32, #tpu.memory_space<vmem>> -> memref<8x128xf32, #tpu.memory_space<vmem>>
    tpu.wait_dma2 semaphore(%arg17 : memref<!tpu.dma_semaphore, #tpu.memory_space<semaphore_mem>>) src(%dma_wait3A_356 : memref<8x128xf32, #tpu.memory_space<vmem>>) dst(%dma_wait3A_353 : memref<8x128xf32, #tpu.memory_space<hbm>>)
    %dma_wait3A_357 = arith.constant 7 : i32
    %dma_wait3A_358 = arith.constant 56 : i32
    %dma_wait3A_359 = arith.constant 0 : i32
    %dma_wait3A_360 = tpu.memref_slice %arg11[%dma_wait3A_358, %dma_wait3A_359] : memref<64x128xf32, #tpu.memory_space<vmem>> -> memref<8x128xf32, #tpu.memory_space<vmem>>
    %dma_wait3A_361 = arith.constant 0 : i32
    %dma_wait3A_362 = arith.constant 0 : i32
    %dma_wait3A_363 = tpu.memref_slice %arg4[%select_n3A_235, %dma_wait3A_357, %select_n3A_251, %dma_wait3A_361, %dma_wait3A_362] : memref<50x8x128x8x128xf32, #tpu.memory_space<hbm>> -> memref<1x1x1x8x128xf32, #tpu.memory_space<hbm>>
    %dma_wait3A_364 = tpu.memref_squeeze %dma_wait3A_363 : memref<1x1x1x8x128xf32, #tpu.memory_space<hbm>> -> memref<8x128xf32, #tpu.memory_space<hbm>>
    %dma_wait3A_365 = arith.constant 0 : i32
    %dma_wait3A_366 = arith.constant 0 : i32
    %dma_wait3A_367 = tpu.memref_slice %arg4[%select_n3A_235, %dma_wait3A_357, %select_n3A_251, %dma_wait3A_365, %dma_wait3A_366] : memref<50x8x128x8x128xf32, #tpu.memory_space<hbm>> -> memref<1x1x1x8x128xf32, #tpu.memory_space<hbm>>
    %dma_wait3A_368 = tpu.memref_squeeze %dma_wait3A_367 : memref<1x1x1x8x128xf32, #tpu.memory_space<hbm>> -> memref<8x128xf32, #tpu.memory_space<hbm>>
    %dma_wait3A_369 = arith.constant 56 : i32
    %dma_wait3A_370 = arith.constant 0 : i32
    %dma_wait3A_371 = tpu.memref_slice %arg11[%dma_wait3A_369, %dma_wait3A_370] : memref<64x128xf32, #tpu.memory_space<vmem>> -> memref<8x128xf32, #tpu.memory_space<vmem>>
    tpu.wait_dma2 semaphore(%arg17 : memref<!tpu.dma_semaphore, #tpu.memory_space<semaphore_mem>>) src(%dma_wait3A_371 : memref<8x128xf32, #tpu.memory_space<vmem>>) dst(%dma_wait3A_368 : memref<8x128xf32, #tpu.memory_space<hbm>>)
    return
  }
}

</mosaic_0001>

<sc_bundles>
// kernel: _embedding_lookup.3.cloned.1.call-start
scs
__scs_entry_jumppad:
0x0: {  	(pc) =	sbr.rel $0x88, $3  }
0x1: {  	(tag) =	ssettag $0x0;
	lr =	simm.s32 $0x1  }
0x2: {  	[smem:$0x3F9F] =	sst lr;
	_ =	strace $0xD0000000  }
0x3: {  	_ = 	snop  }
0x4: {  	_ = 	snop  }
0x5: {  	_ = 	snop  }
0x6: {  	_ = 	snop  }
0x7: {  	_ = 	snop  }
__scs_overlays_trampoline_lowered:
0x8: {  	[smem:$0x3FAE] =	sst s0  }
0x9: {  	[smem:$0x3FAF] =	sst s1  }
0xa: {  	[smem:$0x3FB0] =	sst s2  }
0xb: {  	[smem:$0x3FB1] =	sst s3  }
0xc: {  	[smem:$0x3FB2] =	sst s4  }
0xd: {  	[smem:$0x3FB3] =	sst s5  }
0xe: {  	[smem:$0x3FB4] =	sst s6  }
0xf: {  	[smem:$0x3FB5] =	sst s7  }
0x10: {  	[smem:$0x3FB6] =	sst s8  }
0x11: {  	[smem:$0x3FB7] =	sst s9;
	s0 =	simm.s32 @!p0 $0x0  }
0x12: {  	s1 =	sld [smem:$0x3F9D];
	s0 =	simm.s32 @p0 $0x1  }
0x13: {  	[smem:$0x3FB8] =	sst s0;
	s0 =	simm.s32 @!p1 $0x0  }
0x14: {  	s2 =	sld [smem:$0x3F9C];
	s0 =	simm.s32 @p1 $0x1  }
0x15: {  	[smem:$0x3FB9] =	sst s0;
	s0 =	simm.s32 @!p2 $0x0  }
0x16: {  	s3 =	sld [smem:$0x3FDB];
	s0 =	simm.s32 @p2 $0x1  }
0x17: {  	s4 =	simm.s32 $0x1BF5;
	[smem:$0x3FBB] =	sst s0  }
0x18: {  	s0 =	sld [smem:$0x3F9E];
	_ =	swait.ge [sflag:s4], $0x0  }
0x19: {  	s7 =	sld [smem:$0x3F9F]  }
0x1a: {  	s8 =	sadd.s32 $0xFFFFE003, lr  }
0x1b: {  	s9 =	sadd.s32 $0xFFFFFEF7, lr;
	s5 =	simm.s32 $0xFFFFFFFF;
	p2 =	slt.u32 s8, $0xFFFFF086  }
0x1c: {  	p1 =	slt.u32 s9, $0xF7A;
	s5 =	simm.s32 @!p2 $0x0  }
0x1d: {  	s5 =	simm.s32 @p1 $0x1;
	p0 =	seq.s32 s7, s2  }
0x1e: {  	s7 =	smul.u32 @!p0 $0xF7A, s2;
	p2 =	seq.s32 @!p0 s5, $0x0  }
0x1f: {  	s9 =	smul.u32 $0xF7A, s1;
	s8 =	simm.s32 @!p0 $0x1BF5;
	p2 =	por !p2, p0  }
0x20: {  	[sflag:s8] =	ssyncset.s32 @!p0 $0xFFFFF086;
	s6 =	sadd.s32 @!p0 s3, s7;
	s7 =	simm.s32 @!p0 $0x108  }
0x21: {  	s3 =	sadd.s32 s3, s9;
	s6 =	sadd.s32 @!p0 $0x88, s6;
	s7 =	simm.s32 @p2 $0x1082  }
0x22: {  	[simem:s7], [sflag:s8] =	dma.local @!p0 [hbm:s6], $0xF7A  }
0x23: {  	s9 =	sor.u32 $0xD0000000, s2;
	s6 =	simm.s32 $0x108;
	_ =	swait.ge @!p0 [sflag:s8], $0x0  }
0x24: {  	s3 =	sadd.s32 $0x88, s3;
	s6 =	simm.s32 @!p1 $0x1082;
	[sflag:s4] =	ssyncset.s32 $0xFFFFF086  }
0x25: {  	[simem:s6], [sflag:s4] =	dma.local [hbm:s3], $0xF7A  }
0x26: {  	[smem:$0x3F9F] =	sst s1;
	(tag) =	ssettag s2;
	_ =	strace s9  }
0x27: {  	s1 =	sld [smem:$0x3FAF]  }
0x28: {  	s2 =	sld [smem:$0x3FB0]  }
0x29: {  	s4 =	sld [smem:$0x3FB2]  }
0x2a: {  	p0 =	seq.s32 s5, $0x0;
	s5 =	sld [smem:$0x3FB3]  }
0x2b: {  	s6 =	sld [smem:$0x3FB4]  }
0x2c: {  	s7 =	sld [smem:$0x3FB5]  }
0x2d: {  	s3 =	simm.s32 $0x108;
	s8 =	sld [smem:$0x3FB6]  }
0x2e: {  	s3 =	simm.s32 @!p0 $0x1082;
	s9 =	sld [smem:$0x3FB7]  }
0x2f: {  	lr =	sadd.s32 s0, s3;
	s0 =	sld [smem:$0x3FAE]  }
0x30: {  	s3 =	sld [smem:$0x3FB1]  }
0x31: {  	[smem:$0x3FBA] =	sst s10  }
0x32: {  	s10 =	sld [smem:$0x3FB8];
	_ =	sdelay $0x3  }
0x33: {  	p0 =	seq.s32 s10, $0x1;
	s10 =	sld [smem:$0x3FBA];
	_ =	sdelay $0x3  }
0x34: {  	[smem:$0x3FBA] =	sst s10  }
0x35: {  	s10 =	sld [smem:$0x3FB9];
	_ =	sdelay $0x3  }
0x36: {  	p1 =	seq.s32 s10, $0x1;
	s10 =	sld [smem:$0x3FBA];
	_ =	sdelay $0x3  }
0x37: {  	[smem:$0x3FBA] =	sst s10  }
0x38: {  	s10 =	sld [smem:$0x3FBB]  }
0x39: {  	_ = 	snop;
	(pc) =	sbr.ind lr, $3  }
0x3a: {  	_ = 	snop  }
0x3b: {  	_ = 	snop  }
0x3c: {  	p2 =	seq.s32 s10, $0x1;
	s10 =	sld [smem:$0x3FBA]  }
0x3d: {  	_ =	shalt  }
0x3e: {  	_ =	shalt  }
0x3f: {  	_ =	shalt  }
0x40: {  	_ =	shalt  }
0x41: {  	_ =	shalt  }
0x42: {  	_ =	shalt  }
0x43: {  	_ =	shalt  }
0x44: {  	_ =	shalt  }
0x45: {  	_ =	shalt  }
0x46: {  	_ =	shalt  }
0x47: {  	_ =	shalt  }
0x48: {  	_ =	shalt  }
0x49: {  	_ =	shalt  }
0x4a: {  	_ =	shalt  }
0x4b: {  	_ =	shalt  }
0x4c: {  	_ =	shalt  }
0x4d: {  	_ =	shalt  }
0x4e: {  	_ =	shalt  }
0x4f: {  	_ =	shalt  }
0x50: {  	_ =	shalt  }
0x51: {  	_ =	shalt  }
0x52: {  	_ =	shalt  }
0x53: {  	_ =	shalt  }
0x54: {  	_ =	shalt  }
0x55: {  	_ =	shalt  }
0x56: {  	_ =	shalt  }
0x57: {  	_ =	shalt  }
0x58: {  	_ =	shalt  }
0x59: {  	_ =	shalt  }
0x5a: {  	_ =	shalt  }
0x5b: {  	_ =	shalt  }
0x5c: {  	_ =	shalt  }
0x5d: {  	_ =	shalt  }
0x5e: {  	_ =	shalt  }
0x5f: {  	_ =	shalt  }
0x60: {  	_ =	shalt  }
0x61: {  	_ =	shalt  }
0x62: {  	_ =	shalt  }
0x63: {  	_ =	shalt  }
0x64: {  	_ =	shalt  }
0x65: {  	_ =	shalt  }
0x66: {  	_ =	shalt  }
0x67: {  	_ =	shalt  }
0x68: {  	_ =	shalt  }
0x69: {  	_ =	shalt  }
0x6a: {  	_ =	shalt  }
0x6b: {  	_ =	shalt  }
0x6c: {  	_ =	shalt  }
0x6d: {  	_ =	shalt  }
0x6e: {  	_ =	shalt  }
0x6f: {  	_ =	shalt  }
0x70: {  	_ =	shalt  }
0x71: {  	_ =	shalt  }
0x72: {  	_ =	shalt  }
0x73: {  	_ =	shalt  }
0x74: {  	_ =	shalt  }
0x75: {  	_ =	shalt  }
0x76: {  	_ =	shalt  }
0x77: {  	_ =	shalt  }
0x78: {  	_ =	shalt  }
0x79: {  	_ =	shalt  }
0x7a: {  	_ =	shalt  }
0x7b: {  	_ =	shalt  }
0x7c: {  	_ =	shalt  }
0x7d: {  	_ =	shalt  }
0x7e: {  	_ =	shalt  }
0x7f: {  	_ =	shalt  }
0x80: {  	_ =	shalt  }
0x81: {  	_ =	shalt  }
0x82: {  	_ =	shalt  }
0x83: {  	_ =	shalt  }
0x84: {  	_ =	shalt  }
0x85: {  	_ =	shalt  }
0x86: {  	_ =	shalt  }
0x87: {  	_ =	shalt  }
.Lfunc_end0:
.L_simem_size_0:
called_computation_lowered:
.L_overlay_start_0:
0x88: {  	s2 =	sld [smem:$0x3FD9]  }
0x89: {  	s3 =	sld [smem:$0x3FFE];
	_ =	sdelay $0x1  }
0x8a: {  	s1 =	srdreg.scid  }
0x8b: {  	s0 =	sand.u32 $0x1, s1  }
0x8c: {  	s17 =	sshll.u32 s0, $0xA;
	s2 =	sadd.s32 s3, s2  }
0x8d: {  	s2 =	sadd.s32 s2, s17  }
0x8e: {  	[smem:$0x3FC6] =	sst s2  }
0x8f: {  	_ = 	snop  }
0x90: {  	s2 =	sld [smem:$0x3FC9]  }
0x91: {  	s18 =	sld [smem:$0x3FD0];
	(tm) =	ssettm $0x1  }
0x92: {  	s4 =	sld [smem:$0x3FFB];
	_ =	sdelay $0x3  }
0x93: {  	_ =	strace s4  }
0x94: {  	s4 =	sld [smem:$0x3FFC];
	_ =	sdelay $0x3  }
0x95: {  	_ =	strace s4  }
0x96: {  	s4 =	sld [smem:$0x3FFD];
	_ =	sdelay $0x3  }
0x97: {  	_ =	strace s4  }
0x98: {  	_ =	strace $0x8FFFFFFF  }
0x99: {  	s19 =	sld [smem:$0x3FDB];
	_ =	sdelay $0x1  }
0x9a: {  	s5 =	simm.s32 $_scs_section_size  }
0x9b: {  	s6 =	simm.s32 $_size__tile_overlayer_lowered;
	s7 =	simm.s32 $_tile_overlayer_lowered  }
0x9c: {  	s22 =	simm.s32 $0x1BFF;
	s21 =	sshll.u32 s7, $0x1;
	s4 =	sadd.s32 s5, s19  }
0x9d: {  	s8 =	simm.s32 $0x0;
	s20 =	sshll.u32 s6, $0x1;
	s6 =	sadd.s32 s21, s4  }
0x9e: {  	[timem:s8], [sflag:s22] =	dma.local [hbm:s6], s20  }
0x9f: {  	_ =	swait.ge [sflag:s22], s20  }
0xa0: {  	s5 =	ssub.s32 $0x0, s20;
	[sflag:s22] =	ssyncset.done $0x0  }
0xa1: {  	[sflag:s22] =	ssyncadd.s32 s5;
	_ =	sdelay $0x1  }
0xa2: {  	s23 =	simm.s32 $0x1B8B  }
0xa3: {  	_ =	swait.ge [sflag:s23], $0x1  }
0xa4: {  	[sflag:s23] =	ssyncset.done $0x0  }
0xa5: {  	s25 =	simm.s32 $0x1B8E;
	s24 =	sld [smem:$0x3FFE];
	[sflag:s23] =	ssyncadd.s32 $0xFFFFFFFF  }
0xa6: {  	s26 =	simm.s32 $execute0_lowered;
	[smem:$0x3FD2] =	sst s25  }
0xa7: {  	s6 =	sshll.u32 s26, $0x1;
	_ =	strace $0x80000046;
	[dreg:$0x1] =	wrdreg $0xFFFFFFFF  }
0xa8: {  	s28 =	simm.s32 $_size_execute0_lowered;
	s4 =	sadd.s32 s4, s6;
	[dreg:$0x0] =	wrdreg $0x0  }
0xa9: {  	s6 =	sshll.u32 s28, $0x1;
	[dreg:$0x2] =	wrdreg s4  }
0xaa: {  	[dreg:$0x3] =	wrdreg s6  }
0xab: {  	[dreg:$0x4] =	wrdreg $0xC0  }
0xac: {  	_ =	task [dreg:s8], $0x5FFFF  }
0xad: {  	[dreg:$0x1] =	wrdreg $0xFFFFFFFF  }
0xae: {  	[dreg:$0x0] =	wrdreg $0x60  }
0xaf: {  	[dreg:$0x2] =	wrdreg s2  }
0xb0: {  	[dreg:$0x3] =	wrdreg s24  }
0xb1: {  	[dreg:$0x4] =	wrdreg s18  }
0xb2: {  	[dreg:$0x5] =	wrdreg $0x9  }
0xb3: {  	_ =	task.clear_ibuf [dreg:s8], $0x6FFFF;
	_ =	strace $0x90000046  }
0xb4: {  	s29 =	simm.s32 $0x9;
	_ =	strace $0x80000048  }
0xb5: {  	_ =	swait.ge [sflag:s29], $0x1  }
0xb6: {  	[sflag:s29] =	ssyncadd.s32 $0xFFFFFFFF  }
0xb7: {  	_ =	strace $0x90000048  }
0xb8: {  	_ =	sfence  }
0xb9: {  	s30 =	sld [smem:$0x0];
	_ =	sdelay $0x2  }
0xba: {  	s31 =	sshll.u32 s1, $0xD;
	s1 =	sshrl.u32 s1, $0x2  }
0xbb: {  	s3 =	sand.u32 $0x4000, s31;
	s1 =	sadd.s32 s1, s30  }
0xbc: {  	s0 =	sor.u32 s3, s0;
	s1 =	sshll.u32 s1, $0x11  }
0xbd: {  	s0 =	sor.u32 s1, s0  }
0xbe: {  	s0 =	sadd.s32 $0x8F2B, s0  }
0xbf: {  	[sflag:s0] =	ssyncadd.remote.s32 $0x1  }
0xc0: {  	_ =	sfence.sel $0xFFFF  }
0xc1: {  	[dreg:$0x0] =	wrdreg $0xFFFFFFFF;
	(pc) =	sbr.abs _section_cstart, $3  }
0xc2: {  	[dreg:$0x1] =	wrdreg $0xFFFFFFFF  }
0xc3: {  	_ =	task.clear_ibuf [dreg:s8], $0x2FFFF;
	_ =	strace $0x9FFFFFFF  }
0xc4: {  	(tm) =	ssettm $0x7FFFFFFF  }
0xc5: {  	_ =	shalt  }
tec
execute0_lowered:
.L_overlay_start_1:
0x0: {  	(tag) =	ssettag $0x1  }
0x1: {  	s0 =	rddreg [dreg:$0x0]  }
0x2: {  	s1 =	srdreg.scid;
	s4 =	rddreg [dreg:$0x1]  }
0x3: {  	s2 =	rddreg [dreg:$0x2];
	s6 =	stileid.u32;
	s3 =	simm.s32 $0x0  }
0x4: {  	s17 =	simm.s32 $0x6400;
	s18 =	simm.s32 $0x8400;
	s20 =	simm.s32 $0xA400  }
0x5: {  	s22 =	simm.s32 $0xC400;
	s24 =	simm.s32 $0xE400;
	s16 =	simm.s32 $0xE800  }
0x6: {  	s25 =	simm.s32 $0xF000;
	s23 =	simm.s32 $0x10000;
	s19 =	simm.s32 $0x10400  }
0x7: {  	s28 =	simm.s32 $0x3;
	s29 =	simm.s32 $0x5;
	s30 =	simm.s32 $0x4  }
0x8: {  	s31 =	simm.s32 $0x6;
	s1 =	sand.u32 $0x1, s1;
	[smem:$0x7FF] =	sst s3  }
0x9: {  	s4 =	sadd.s32 $0xF42800, s4;
	s8 =	sadd.s32 $0x8000, s2;
	s9 =	sadd.s32 $0xC000, s2  }
0xa: {  	s10 =	sadd.s32 $0x10000, s2;
	s11 =	sadd.s32 $0x14000, s2;
	s12 =	sadd.s32 $0x18000, s2  }
0xb: {  	v0 =	vlaneseq.u32;
	s13 =	sadd.s32 $0x1C000, s2;
	s5 =	sshll.u32 s1, $0x4;
	s1 =	ssub.s32 $0x2, s1  }
.Ltmp0:
0xc: {  	v1 =	vmul.u32 $0x40, v0;
	v9 =	vor.u32 $0x10, v0;
	v10 =	vor.u32 $0x20, v0;
	s5 =	sor.u32 s6, s5;
	s7 =	sshrl.u32 s1, $0x1;
	(pc) =	sbr.rel .LBB2_1-.Ltmp0, $4  }
0xd: {  	v11 =	vor.u32 $0x30, v0;
	v12 =	vor.u32 $0x40, v0;
	v13 =	vor.u32 $0x50, v0;
	_ =	strace $0x80000047;
	s6 =	smul.u32 $0xC80, s5;
	s1 =	ssub.s32 s1, s7  }
0xe: {  	v14 =	vor.u32 $0x60, v0;
	v15 =	vor.u32 $0x70, v0;
	v2 =	vor.u32 $0x400, v1;
	s5 =	smul.u32 $0xC8, s5;
	s7 =	sadd.s32 $0x4000, s2;
	s26 =	smax.u32 s1, $0x1  }
0xf: {  	v3 =	vor.u32 $0x800, v1;
	v4 =	vor.u32 $0xC00, v1;
	v5 =	vor.u32 $0x1000, v1;
	s1 =	simm.s32 $0x2;
	s0 =	sadd.s32 s0, s6;
	[dreg:$0x5] =	wrdreg s26  }
0x10: {  	v6 =	vor.u32 $0x1400, v1;
	v7 =	vor.u32 $0x1800, v1;
	v8 =	vor.u32 $0x1C00, v1;
	s26 =	simm.s32 $0xF800;
	s6 =	simm.s32 $0x0;
	[dreg:$0x4] =	wrdreg s0  }
.LBB2_12:
0x11: {  	_ =	swait.ge [sflag:s29], $0x400  }
0x12: {  	[sflag:s29] =	ssyncset.done $0x0  }
0x13: {  	[sflag:s29] =	ssyncadd.s32 $0xFFFFFC00  }
0x14: {  	_ =	swait.ge [sflag:s29], $0x400  }
0x15: {  	[sflag:s29] =	ssyncset.done $0x0  }
0x16: {  	[sflag:s29] =	ssyncadd.s32 $0xFFFFFC00  }
0x17: {  	_ =	swait.ge [sflag:s29], $0x400  }
0x18: {  	[sflag:s29] =	ssyncset.done $0x0  }
0x19: {  	[sflag:s29] =	ssyncadd.s32 $0xFFFFFC00  }
0x1a: {  	_ =	swait.ge [sflag:s29], $0x400  }
0x1b: {  	[sflag:s29] =	ssyncset.done $0x0  }
0x1c: {  	[sflag:s29] =	ssyncadd.s32 $0xFFFFFC00  }
0x1d: {  	_ =	swait.ge [sflag:s29], $0x400  }
0x1e: {  	[sflag:s29] =	ssyncset.done $0x0  }
0x1f: {  	[sflag:s29] =	ssyncadd.s32 $0xFFFFFC00  }
0x20: {  	_ =	swait.ge [sflag:s29], $0x400  }
0x21: {  	[sflag:s29] =	ssyncset.done $0x0  }
0x22: {  	[sflag:s29] =	ssyncadd.s32 $0xFFFFFC00  }
0x23: {  	_ =	swait.ge [sflag:s29], $0x400  }
0x24: {  	[sflag:s29] =	ssyncset.done $0x0  }
0x25: {  	[sflag:s29] =	ssyncadd.s32 $0xFFFFFC00  }
0x26: {  	_ =	swait.ge [sflag:s29], $0x400  }
0x27: {  	[sflag:s29] =	ssyncset.done $0x0  }
0x28: {  	[sflag:s29] =	ssyncadd.s32 $0xFFFFFC00  }
0x29: {  	_ =	swait.ge [sflag:s31], $0x400  }
0x2a: {  	[sflag:s31] =	ssyncset.done $0x0  }
0x2b: {  	[sflag:s31] =	ssyncadd.s32 $0xFFFFFC00  }
0x2c: {  	_ =	swait.ge [sflag:s31], $0x400  }
0x2d: {  	[sflag:s31] =	ssyncset.done $0x0  }
0x2e: {  	[sflag:s31] =	ssyncadd.s32 $0xFFFFFC00  }
0x2f: {  	_ =	swait.ge [sflag:s31], $0x400  }
0x30: {  	[sflag:s31] =	ssyncset.done $0x0  }
0x31: {  	[sflag:s31] =	ssyncadd.s32 $0xFFFFFC00  }
0x32: {  	_ =	swait.ge [sflag:s31], $0x400  }
0x33: {  	[sflag:s31] =	ssyncset.done $0x0  }
0x34: {  	[sflag:s31] =	ssyncadd.s32 $0xFFFFFC00  }
0x35: {  	_ =	swait.ge [sflag:s31], $0x400  }
0x36: {  	[sflag:s31] =	ssyncset.done $0x0  }
0x37: {  	[sflag:s31] =	ssyncadd.s32 $0xFFFFFC00  }
0x38: {  	_ =	swait.ge [sflag:s31], $0x400  }
0x39: {  	[sflag:s31] =	ssyncset.done $0x0  }
0x3a: {  	[sflag:s31] =	ssyncadd.s32 $0xFFFFFC00  }
0x3b: {  	_ =	swait.ge [sflag:s31], $0x400  }
0x3c: {  	[sflag:s31] =	ssyncset.done $0x0  }
0x3d: {  	[sflag:s31] =	ssyncadd.s32 $0xFFFFFC00  }
0x3e: {  	_ =	swait.ge [sflag:s31], $0x400  }
0x3f: {  	s6 =	rddreg [dreg:$0x6]  }
0x40: {  	s0 =	rddreg [dreg:$0x5];
	s6 =	sadd.s32 $0x1, s6  }
0x41: {  	p0 =	sne.s32 s6, s0  }
.Ltmp1:
0x42: {  	_ = 	snop;
	(pc) =	sbr.rel @!p0 .LBB2_13-.Ltmp1, $3  }
0x43: {  	_ =	sdelay $0x1  }
0x44: {  	[sflag:s31] =	ssyncset.done $0x0  }
0x45: {  	[sflag:s31] =	ssyncadd.s32 $0xFFFFFC00  }
.LBB2_1:
0x46: {  	[dreg:$0x6] =	wrdreg s6  }
0x47: {  	s0 =	rddreg [dreg:$0x4];
	s6 =	simm.s32 $0x7  }
0x48: {  	[tilespmem:s3], [sflag:$0x7] =	stream.linear.gather [hbm4b:s0+s3], $0x6400, $0x38;
	[tilespmem:$0x12400] =	vst v63  }
0x49: {  	_ =	swait.ge [sflag:s6], $0x6400  }
0x4a: {  	[sflag:s6] =	ssyncset.done $0x0  }
0x4b: {  	s14 =	simm.s32 $0x80;
	[sflag:s6] =	ssyncadd.s32 $0xFFFF9C00  }
0x4c: {  	[tilespmem:s17], [sflag:$0x1] =	stream.indirect.gather [hbm4b:s4+s14], $0x40, s3, s14, $0xb8;
	[tilespmem:$0x12400] =	vst v63  }
0x4d: {  	_ = 	snop  }
0x4e: {  	[tilespmem:s18], [sflag:$0x2] =	stream.indirect.gather [hbm4b:s4+s14], $0x40, s14, s14, $0xb8;
	[tilespmem:$0x12400] =	vst v63  }
0x4f: {  	s15 =	simm.s32 $0x100  }
0x50: {  	[tilespmem:s20], [sflag:$0x3] =	stream.indirect.gather [hbm4b:s4+s14], $0x40, s15, s14, $0xb8;
	[tilespmem:$0x12400] =	vst v63  }
0x51: {  	s21 =	simm.s32 $0x180;
	s0 =	simm.s32 $0x0  }
0x52: {  	[tilespmem:s22], [sflag:$0x4] =	stream.indirect.gather [hbm4b:s4+s14], $0x40, s21, s14, $0xb8;
	[tilespmem:$0x12400] =	vst v63  }
.LBB2_2:
0x53: {  	s6 =	simm.s32 $0x1  }
0x54: {  	_ =	swait.ge [sflag:s6], $0x2000  }
0x55: {  	p1 =	seq.s32 s0, $0x0;
	[sflag:s6] =	ssyncset.done $0x0  }
0x56: {  	[sflag:s6] =	ssyncadd.s32 $0xFFFFE000;
	s6 =	simm.s32 @!p1 $0x5  }
0x57: {  	_ =	swait.ge @!p1 [sflag:s6], $0x400  }
0x58: {  	[sflag:s6] =	ssyncset.done @!p1 $0x0  }
0x59: {  	[sflag:s6] =	ssyncadd.s32 @!p1 $0xFFFFFC00  }
0x5a: {  	_ =	swait.ge @!p1 [sflag:s6], $0x400  }
0x5b: {  	[sflag:s6] =	ssyncset.done @!p1 $0x0  }
0x5c: {  	[sflag:s6] =	ssyncadd.s32 @!p1 $0xFFFFFC00  }
0x5d: {  	_ =	swait.ge @!p1 [sflag:s6], $0x400  }
0x5e: {  	[sflag:s6] =	ssyncset.done @!p1 $0x0  }
0x5f: {  	[sflag:s6] =	ssyncadd.s32 @!p1 $0xFFFFFC00  }
0x60: {  	_ =	swait.ge @!p1 [sflag:s6], $0x400  }
0x61: {  	[sflag:s6] =	ssyncset.done @!p1 $0x0  }
0x62: {  	[sflag:s6] =	ssyncadd.s32 @!p1 $0xFFFFFC00  }
0x63: {  	_ =	swait.ge @!p1 [sflag:s6], $0x400  }
0x64: {  	[sflag:s6] =	ssyncset.done @!p1 $0x0  }
0x65: {  	[sflag:s6] =	ssyncadd.s32 @!p1 $0xFFFFFC00  }
0x66: {  	_ =	swait.ge @!p1 [sflag:s6], $0x400  }
0x67: {  	s14 =	simm.s32 $0x0;
	[sflag:s6] =	ssyncset.done @!p1 $0x0  }
0x68: {  	v16 =	vadd.s32 s14, v0;
	[sflag:s6] =	ssyncadd.s32 @!p1 $0xFFFFFC00  }
0x69: {  	v17 =	vand.u32 $0xF, v16;
	_ =	swait.ge @!p1 [sflag:s6], $0x400  }
0x6a: {  	v18 =	vor.u32 v2, v17;
	[sflag:s6] =	ssyncset.done @!p1 $0x0  }
0x6b: {  	v19 =	vor.u32 v4, v17;
	[sflag:s6] =	ssyncadd.s32 @!p1 $0xFFFFFC00  }
0x6c: {  	v20 =	vor.u32 v1, v17;
	_ =	swait.ge @!p1 [sflag:s6], $0x400  }
0x6d: {  	v21 =	vor.u32 v3, v17;
	[sflag:s6] =	ssyncset.done @!p1 $0x0  }
0x6e: {  	v22 =	vor.u32 v5, v17;
	[sflag:s6] =	ssyncadd.s32 @!p1 $0xFFFFFC00  }
0x6f: {  	v23 =	vor.u32 v6, v17;
	v18 =	vld.idx.msk [tilespmem:v18+s17+$0x0], $0xffff  }
0x70: {  	v24 =	vor.u32 v7, v17;
	v25 =	vshll.u32 v17, $0x7;
	v19 =	vld.idx.msk [tilespmem:v19+s17+$0x0], $0xffff  }
0x71: {  	v26 =	vor.u32 v8, v17;
	v27 =	vor.u32 v0, v25;
	v20 =	vld.idx.msk [tilespmem:v20+s17+$0x0], $0xffff  }
0x72: {  	v28 =	vor.u32 v9, v25;
	v21 =	vld.idx.msk [tilespmem:v21+s17+$0x0], $0xffff  }
0x73: {  	v29 =	vor.u32 v10, v25;
	v22 =	vld.idx.msk [tilespmem:v22+s17+$0x0], $0xffff  }
0x74: {  	v30 =	vor.u32 v11, v25;
	v23 =	vld.idx.msk [tilespmem:v23+s17+$0x0], $0xffff  }
0x75: {  	v31 =	vor.u32 v12, v25;
	v24 =	vld.idx.msk [tilespmem:v24+s17+$0x0], $0xffff  }
0x76: {  	v26 =	vld.idx.msk [tilespmem:v26+s17+$0x0], $0xffff;
	[tilespmem:v27+s24+$0x0] =	vst.idx.msk $0xffff, v20;
	v20 =	vor.u32 v13, v25  }
0x77: {  	v27 =	vor.u32 $0x10, v16;
	[tilespmem:v28+s24+$0x0] =	vst.idx.msk $0xffff, v18;
	v18 =	vor.u32 v14, v25  }
0x78: {  	v28 =	vand.u32 $0x1F, v27;
	[tilespmem:v29+s24+$0x0] =	vst.idx.msk $0xffff, v21;
	v21 =	vor.u32 v15, v25  }
0x79: {  	[tilespmem:v30+s24+$0x0] =	vst.idx.msk $0xffff, v19;
	v19 =	vor.u32 v3, v28  }
0x7a: {  	[tilespmem:v31+s24+$0x0] =	vst.idx.msk $0xffff, v22;
	v22 =	vor.u32 v2, v28  }
0x7b: {  	[tilespmem:v20+s24+$0x0] =	vst.idx.msk $0xffff, v23;
	v20 =	vor.u32 v1, v28  }
0x7c: {  	v23 =	vor.u32 v6, v28;
	[tilespmem:v18+s24+$0x0] =	vst.idx.msk $0xffff, v24  }
0x7d: {  	v18 =	vor.u32 v4, v28;
	[tilespmem:v21+s24+$0x0] =	vst.idx.msk $0xffff, v26  }
0x7e: {  	v24 =	vor.u32 v8, v28;
	v19 =	vld.idx.msk [tilespmem:v19+s17+$0x0], $0xffff  }
0x7f: {  	v25 =	vshll.u32 v27, $0x7;
	v21 =	vor.u32 v5, v28;
	v22 =	vld.idx.msk [tilespmem:v22+s17+$0x0], $0xffff  }
0x80: {  	v27 =	vor.u32 v0, v25;
	v26 =	vor.u32 v7, v28;
	v20 =	vld.idx.msk [tilespmem:v20+s17+$0x0], $0xffff  }
0x81: {  	v28 =	vor.u32 v9, v25;
	v23 =	vld.idx.msk [tilespmem:v23+s17+$0x0], $0xffff  }
0x82: {  	v29 =	vor.u32 v10, v25;
	v18 =	vld.idx.msk [tilespmem:v18+s17+$0x0], $0xffff  }
0x83: {  	v30 =	vor.u32 v11, v25;
	v24 =	vld.idx.msk [tilespmem:v24+s17+$0x0], $0xffff  }
0x84: {  	v31 =	vor.u32 v12, v25;
	v21 =	vld.idx.msk [tilespmem:v21+s17+$0x0], $0xffff  }
0x85: {  	v17 =	vor.u32 $0x20, v17;
	v26 =	vld.idx.msk [tilespmem:v26+s17+$0x0], $0xffff;
	[tilespmem:v27+s24+$0x0] =	vst.idx.msk $0xffff, v20;
	v20 =	vor.u32 v13, v25  }
0x86: {  	v32 =	vand.u32 $0x7, v16;
	v27 =	vand.u32 $0x28, v17;
	[tilespmem:v28+s24+$0x0] =	vst.idx.msk $0xffff, v22;
	v22 =	vor.u32 v14, v25  }
0x87: {  	[tilespmem:v29+s24+$0x0] =	vst.idx.msk $0xffff, v19;
	v19 =	vor.u32 v15, v25;
	v25 =	vor.u32 v32, v27  }
0x88: {  	[tilespmem:v30+s24+$0x0] =	vst.idx.msk $0xffff, v18;
	v18 =	vor.u32 v3, v25  }
0x89: {  	[tilespmem:v31+s24+$0x0] =	vst.idx.msk $0xffff, v21;
	v21 =	vor.u32 v2, v25  }
0x8a: {  	[tilespmem:v20+s24+$0x0] =	vst.idx.msk $0xffff, v23;
	v20 =	vor.u32 v1, v25  }
0x8b: {  	v23 =	vor.u32 v6, v25;
	[tilespmem:v22+s24+$0x0] =	vst.idx.msk $0xffff, v26  }
0x8c: {  	v22 =	vor.u32 v4, v25;
	[tilespmem:v19+s24+$0x0] =	vst.idx.msk $0xffff, v24  }
0x8d: {  	v19 =	vor.u32 v5, v25;
	v18 =	vld.idx.msk [tilespmem:v18+s17+$0x0], $0xffff  }
0x8e: {  	v17 =	vshll.u32 v17, $0x7;
	v24 =	vor.u32 v8, v25;
	v21 =	vld.idx.msk [tilespmem:v21+s17+$0x0], $0xffff  }
0x8f: {  	v26 =	vor.u32 v0, v17;
	v25 =	vor.u32 v7, v25;
	v20 =	vld.idx.msk [tilespmem:v20+s17+$0x0], $0xffff  }
0x90: {  	v27 =	vor.u32 v9, v17;
	v23 =	vld.idx.msk [tilespmem:v23+s17+$0x0], $0xffff  }
0x91: {  	v28 =	vor.u32 v10, v17;
	v22 =	vld.idx.msk [tilespmem:v22+s17+$0x0], $0xffff  }
0x92: {  	v29 =	vor.u32 v11, v17;
	v19 =	vld.idx.msk [tilespmem:v19+s17+$0x0], $0xffff  }
0x93: {  	v30 =	vor.u32 v12, v17;
	v24 =	vld.idx.msk [tilespmem:v24+s17+$0x0], $0xffff  }
0x94: {  	v25 =	vld.idx.msk [tilespmem:v25+s17+$0x0], $0xffff;
	[tilespmem:v26+s24+$0x0] =	vst.idx.msk $0xffff, v20;
	v20 =	vor.u32 v13, v17  }
0x95: {  	v16 =	vor.u32 $0x30, v16;
	[tilespmem:v27+s24+$0x0] =	vst.idx.msk $0xffff, v21;
	v21 =	vor.u32 v14, v17  }
0x96: {  	v26 =	vand.u32 $0x3F, v16;
	v17 =	vor.u32 v15, v17;
	[tilespmem:v28+s24+$0x0] =	vst.idx.msk $0xffff, v18  }
0x97: {  	v18 =	vor.u32 v3, v26;
	[tilespmem:v29+s24+$0x0] =	vst.idx.msk $0xffff, v22  }
0x98: {  	v22 =	vor.u32 v2, v26;
	[tilespmem:v30+s24+$0x0] =	vst.idx.msk $0xffff, v19  }
0x99: {  	v27 =	vor.u32 v1, v26;
	[tilespmem:v20+s24+$0x0] =	vst.idx.msk $0xffff, v23  }
0x9a: {  	v20 =	vor.u32 v4, v26;
	[tilespmem:v21+s24+$0x0] =	vst.idx.msk $0xffff, v25  }
0x9b: {  	v31 =	vor.u32 v8, v26;
	[tilespmem:v17+s24+$0x0] =	vst.idx.msk $0xffff, v24  }
0x9c: {  	v21 =	vor.u32 v5, v26;
	v19 =	vld.idx.msk [tilespmem:v18+s17+$0x0], $0xffff  }
0x9d: {  	v25 =	vor.u32 v6, v26;
	v23 =	vld.idx.msk [tilespmem:v22+s17+$0x0], $0xffff  }
0x9e: {  	v30 =	vor.u32 v7, v26;
	v17 =	vshll.u32 v16, $0x7;
	v24 =	vld.idx.msk [tilespmem:v27+s17+$0x0], $0xffff  }
0x9f: {  	v29 =	vor.u32 v0, v17;
	v22 =	vld.idx.msk [tilespmem:v20+s17+$0x0], $0xffff  }
0xa0: {  	v28 =	vor.u32 v9, v17;
	v20 =	vld.idx.msk [tilespmem:v31+s17+$0x0], $0xffff  }
0xa1: {  	s21 =	sshll.u32 s0, $0x2;
	v27 =	vor.u32 v10, v17;
	v18 =	vld.idx.msk [tilespmem:v21+s17+$0x0], $0xffff  }
0xa2: {  	s14 =	simm.s32 $0x1;
	s6 =	sadd.s32 s5, s21;
	v16 =	vor.u32 v13, v17;
	v26 =	vor.u32 v11, v17;
	v21 =	vld.idx.msk [tilespmem:v25+s17+$0x0], $0xffff;
	v25 =	vor.u32 v12, v17  }
.LBB2_3:
0xa3: {  	p0 =	sne.s32 s14, $0xF;
	v30 =	vld.idx.msk [tilespmem:v30+s17+$0x0], $0xffff;
	s15 =	smov.u32 s14;
	s14 =	sadd.s32 $0x1, s14  }
0xa4: {  	[tilespmem:v29+s24+$0x0] =	vst.idx.msk $0xffff, v24;
	v24 =	vor.u32 v14, v17  }
0xa5: {  	v29 =	vadd.s32 s15, v0;
	[tilespmem:v28+s24+$0x0] =	vst.idx.msk $0xffff, v23;
	v23 =	vor.u32 v15, v17  }
0xa6: {  	v28 =	vand.u32 $0xF, v29;
	v17 =	vor.u32 $0x10, v29;
	v31 =	vor.u32 $0x30, v29;
	[tilespmem:v27+s24+$0x0] =	vst.idx.msk $0xffff, v19  }
0xa7: {  	v27 =	vor.u32 v1, v28;
	v32 =	vor.u32 v2, v28;
	v33 =	vshll.u32 v28, $0x7;
	[tilespmem:v26+s24+$0x0] =	vst.idx.msk $0xffff, v22  }
0xa8: {  	v34 =	vand.u32 $0x1F, v17;
	v22 =	vor.u32 v4, v28;
	v26 =	vor.u32 v5, v28;
	[tilespmem:v25+s24+$0x0] =	vst.idx.msk $0xffff, v18  }
0xa9: {  	v35 =	vor.u32 v7, v28;
	v36 =	vshll.u32 v17, $0x7;
	v25 =	vor.u32 v3, v28;
	[tilespmem:v16+s24+$0x0] =	vst.idx.msk $0xffff, v21  }
0xaa: {  	v18 =	vand.u32 $0x3F, v31;
	v21 =	vor.u32 v8, v28;
	v16 =	vor.u32 $0x20, v28;
	[tilespmem:v24+s24+$0x0] =	vst.idx.msk $0xffff, v30  }
0xab: {  	v17 =	vshll.u32 v31, $0x7;
	v24 =	vand.u32 $0x28, v16;
	v19 =	vshll.u32 v16, $0x7;
	[tilespmem:v23+s24+$0x0] =	vst.idx.msk $0xffff, v20  }
0xac: {  	v16 =	vor.u32 v13, v17;
	v23 =	vor.u32 v6, v28;
	v20 =	vld.idx.msk [tilespmem:v32+s17+$0x0], $0xffff  }
0xad: {  	v28 =	vor.u32 v0, v33;
	v22 =	vld.idx.msk [tilespmem:v22+s17+$0x0], $0xffff  }
0xae: {  	v30 =	vor.u32 v9, v33;
	v27 =	vld.idx.msk [tilespmem:v27+s17+$0x0], $0xffff  }
0xaf: {  	v25 =	vld.idx.msk [tilespmem:v25+s17+$0x0], $0xffff  }
0xb0: {  	v26 =	vld.idx.msk [tilespmem:v26+s17+$0x0], $0xffff  }
0xb1: {  	v31 =	vor.u32 v10, v33;
	v23 =	vld.idx.msk [tilespmem:v23+s17+$0x0], $0xffff  }
0xb2: {  	v32 =	vld.idx.msk [tilespmem:v35+s17+$0x0], $0xffff;
	v35 =	vor.u32 v11, v33  }
0xb3: {  	v37 =	vor.u32 v12, v33;
	v21 =	vld.idx.msk [tilespmem:v21+s17+$0x0], $0xffff  }
0xb4: {  	[tilespmem:v28+s24+$0x0] =	vst.idx.msk $0xffff, v27;
	v27 =	vor.u32 v13, v33  }
0xb5: {  	[tilespmem:v30+s24+$0x0] =	vst.idx.msk $0xffff, v20;
	v20 =	vor.u32 v14, v33  }
0xb6: {  	[tilespmem:v31+s24+$0x0] =	vst.idx.msk $0xffff, v25;
	v25 =	vor.u32 v15, v33  }
0xb7: {  	[tilespmem:v35+s24+$0x0] =	vst.idx.msk $0xffff, v22;
	v22 =	vor.u32 v3, v34  }
0xb8: {  	[tilespmem:v37+s24+$0x0] =	vst.idx.msk $0xffff, v26;
	v26 =	vor.u32 v2, v34  }
0xb9: {  	[tilespmem:v27+s24+$0x0] =	vst.idx.msk $0xffff, v23;
	v23 =	vor.u32 v1, v34  }
0xba: {  	[tilespmem:v20+s24+$0x0] =	vst.idx.msk $0xffff, v32;
	v20 =	vor.u32 v4, v34  }
0xbb: {  	[tilespmem:v25+s24+$0x0] =	vst.idx.msk $0xffff, v21;
	v21 =	vor.u32 v5, v34  }
0xbc: {  	v25 =	vor.u32 v6, v34;
	v22 =	vld.idx.msk [tilespmem:v22+s17+$0x0], $0xffff  }
0xbd: {  	v27 =	vor.u32 v8, v34;
	v26 =	vld.idx.msk [tilespmem:v26+s17+$0x0], $0xffff  }
0xbe: {  	v28 =	vor.u32 v7, v34;
	v23 =	vld.idx.msk [tilespmem:v23+s17+$0x0], $0xffff  }
0xbf: {  	v30 =	vor.u32 v0, v36;
	v20 =	vld.idx.msk [tilespmem:v20+s17+$0x0], $0xffff  }
0xc0: {  	v31 =	vor.u32 v9, v36;
	v21 =	vld.idx.msk [tilespmem:v21+s17+$0x0], $0xffff  }
0xc1: {  	v32 =	vor.u32 v10, v36;
	v25 =	vld.idx.msk [tilespmem:v25+s17+$0x0], $0xffff  }
0xc2: {  	v33 =	vor.u32 v11, v36;
	v27 =	vld.idx.msk [tilespmem:v27+s17+$0x0], $0xffff  }
0xc3: {  	v34 =	vor.u32 v12, v36;
	v28 =	vld.idx.msk [tilespmem:v28+s17+$0x0], $0xffff  }
0xc4: {  	[tilespmem:v30+s24+$0x0] =	vst.idx.msk $0xffff, v23;
	v23 =	vor.u32 v13, v36  }
0xc5: {  	v29 =	vand.u32 $0x7, v29;
	[tilespmem:v31+s24+$0x0] =	vst.idx.msk $0xffff, v26;
	v26 =	vor.u32 v14, v36  }
0xc6: {  	v24 =	vor.u32 v29, v24;
	[tilespmem:v32+s24+$0x0] =	vst.idx.msk $0xffff, v22;
	v22 =	vor.u32 v15, v36  }
0xc7: {  	[tilespmem:v33+s24+$0x0] =	vst.idx.msk $0xffff, v20;
	v20 =	vor.u32 v3, v24  }
0xc8: {  	[tilespmem:v34+s24+$0x0] =	vst.idx.msk $0xffff, v21;
	v21 =	vor.u32 v2, v24  }
0xc9: {  	[tilespmem:v23+s24+$0x0] =	vst.idx.msk $0xffff, v25;
	v23 =	vor.u32 v1, v24  }
0xca: {  	v25 =	vor.u32 v4, v24;
	[tilespmem:v26+s24+$0x0] =	vst.idx.msk $0xffff, v28  }
0xcb: {  	[tilespmem:v22+s24+$0x0] =	vst.idx.msk $0xffff, v27;
	v22 =	vor.u32 v5, v24  }
0xcc: {  	v26 =	vor.u32 v6, v24;
	v20 =	vld.idx.msk [tilespmem:v20+s17+$0x0], $0xffff  }
0xcd: {  	v27 =	vor.u32 v8, v24;
	v21 =	vld.idx.msk [tilespmem:v21+s17+$0x0], $0xffff  }
0xce: {  	v24 =	vor.u32 v7, v24;
	v23 =	vld.idx.msk [tilespmem:v23+s17+$0x0], $0xffff  }
0xcf: {  	v28 =	vor.u32 v0, v19;
	v25 =	vld.idx.msk [tilespmem:v25+s17+$0x0], $0xffff  }
0xd0: {  	v29 =	vor.u32 v9, v19;
	v22 =	vld.idx.msk [tilespmem:v22+s17+$0x0], $0xffff  }
0xd1: {  	v30 =	vor.u32 v10, v19;
	v26 =	vld.idx.msk [tilespmem:v26+s17+$0x0], $0xffff  }
0xd2: {  	v31 =	vor.u32 v11, v19;
	v27 =	vld.idx.msk [tilespmem:v27+s17+$0x0], $0xffff  }
0xd3: {  	v32 =	vor.u32 v12, v19;
	v24 =	vld.idx.msk [tilespmem:v24+s17+$0x0], $0xffff  }
0xd4: {  	[tilespmem:v28+s24+$0x0] =	vst.idx.msk $0xffff, v23;
	v23 =	vor.u32 v13, v19  }
0xd5: {  	[tilespmem:v29+s24+$0x0] =	vst.idx.msk $0xffff, v21;
	v21 =	vor.u32 v14, v19  }
0xd6: {  	v19 =	vor.u32 v15, v19;
	[tilespmem:v30+s24+$0x0] =	vst.idx.msk $0xffff, v20  }
0xd7: {  	v20 =	vor.u32 v3, v18;
	[tilespmem:v31+s24+$0x0] =	vst.idx.msk $0xffff, v25  }
0xd8: {  	v25 =	vor.u32 v2, v18;
	[tilespmem:v32+s24+$0x0] =	vst.idx.msk $0xffff, v22;
	v22 =	vor.u32 v1, v18  }
0xd9: {  	[tilespmem:v23+s24+$0x0] =	vst.idx.msk $0xffff, v26  }
0xda: {  	[tilespmem:v21+s24+$0x0] =	vst.idx.msk $0xffff, v24;
	v21 =	vor.u32 v4, v18  }
0xdb: {  	v26 =	vor.u32 v5, v18;
	[tilespmem:v19+s24+$0x0] =	vst.idx.msk $0xffff, v27  }
0xdc: {  	v19 =	vld.idx.msk [tilespmem:v20+s17+$0x0], $0xffff;
	v20 =	vor.u32 v6, v18  }
0xdd: {  	v23 =	vld.idx.msk [tilespmem:v25+s17+$0x0], $0xffff;
	v25 =	vor.u32 v8, v18  }
.Ltmp2:
0xde: {  	v29 =	vor.u32 v0, v17;
	v30 =	vor.u32 v7, v18;
	v24 =	vld.idx.msk [tilespmem:v22+s17+$0x0], $0xffff;
	(pc) =	sbr.rel @p0 .LBB2_3-.Ltmp2, $4  }
0xdf: {  	v28 =	vor.u32 v9, v17;
	v22 =	vld.idx.msk [tilespmem:v21+s17+$0x0], $0xffff  }
0xe0: {  	v27 =	vor.u32 v10, v17;
	v18 =	vld.idx.msk [tilespmem:v26+s17+$0x0], $0xffff  }
0xe1: {  	v26 =	vor.u32 v11, v17;
	v21 =	vld.idx.msk [tilespmem:v20+s17+$0x0], $0xffff  }
0xe2: {  	v20 =	vld.idx.msk [tilespmem:v25+s17+$0x0], $0xffff;
	v25 =	vor.u32 v12, v17  }
0xe3: {  	_ =	sdelay $0x3  }
0xe4: {  	v30 =	vld.idx.msk [tilespmem:v30+s17+$0x0], $0xffff;
	[tilespmem:v29+s24+$0x0] =	vst.idx.msk $0xffff, v24  }
0xe5: {  	v24 =	vor.u32 v14, v17;
	[tilespmem:v28+s24+$0x0] =	vst.idx.msk $0xffff, v23  }
0xe6: {  	v17 =	vor.u32 v15, v17;
	[tilespmem:v27+s24+$0x0] =	vst.idx.msk $0xffff, v19  }
0xe7: {  	[tilespmem:v26+s24+$0x0] =	vst.idx.msk $0xffff, v22  }
0xe8: {  	s14 =	sshll.u32 s6, $0xA;
	s15 =	sshll.u32 s6, $0x7;
	[tilespmem:v25+s24+$0x0] =	vst.idx.msk $0xffff, v18  }
0xe9: {  	s14 =	sand.u32 $0xFFE0000, s14;
	s6 =	sand.u32 $0x3E00, s15;
	[tilespmem:v16+s24+$0x0] =	vst.idx.msk $0xffff, v21  }
0xea: {  	s6 =	sor.u32 s6, s14;
	[tilespmem:v24+s24+$0x0] =	vst.idx.msk $0xffff, v30  }
0xeb: {  	s14 =	sadd.s32 s2, s6;
	[tilespmem:v17+s24+$0x0] =	vst.idx.msk $0xffff, v20  }
0xec: {  	[hbm4b:s14+s3] =	stream.linear.scatter [tilespmem:s24], [sflag:$0x5], $0x400, $0x38;
	[tilespmem:$0x12400] =	vst v63  }
0xed: {  	s15 =	sadd.s32 s6, s7  }
0xee: {  	[hbm4b:s15+s3] =	stream.linear.scatter [tilespmem:s16], [sflag:$0x5], $0x400, $0x38;
	[tilespmem:$0x12400] =	vst v63  }
0xef: {  	s16 =	sadd.s32 s6, s8;
	s15 =	simm.s32 $0xEC00  }
0xf0: {  	[hbm4b:s16+s3] =	stream.linear.scatter [tilespmem:s15], [sflag:$0x5], $0x400, $0x38;
	[tilespmem:$0x12400] =	vst v63  }
0xf1: {  	s15 =	sadd.s32 s6, s9  }
0xf2: {  	[hbm4b:s15+s3] =	stream.linear.scatter [tilespmem:s25], [sflag:$0x5], $0x400, $0x38;
	[tilespmem:$0x12400] =	vst v63  }
0xf3: {  	s16 =	sadd.s32 s6, s10;
	s25 =	simm.s32 $0xF400  }
0xf4: {  	[hbm4b:s16+s3] =	stream.linear.scatter [tilespmem:s25], [sflag:$0x5], $0x400, $0x38;
	[tilespmem:$0x12400] =	vst v63  }
0xf5: {  	s15 =	sadd.s32 s6, s11  }
0xf6: {  	[hbm4b:s15+s3] =	stream.linear.scatter [tilespmem:s26], [sflag:$0x5], $0x400, $0x38;
	[tilespmem:$0x12400] =	vst v63  }
0xf7: {  	s16 =	sadd.s32 s6, s12;
	s25 =	simm.s32 $0xFC00  }
0xf8: {  	[hbm4b:s16+s3] =	stream.linear.scatter [tilespmem:s25], [sflag:$0x5], $0x400, $0x38;
	[tilespmem:$0x12400] =	vst v63  }
0xf9: {  	p0 =	seq.s32 s0, $0x31;
	s6 =	sadd.s32 s6, s13  }
0xfa: {  	[hbm4b:s6+s3] =	stream.linear.scatter [tilespmem:s23], [sflag:$0x5], $0x400, $0x38;
	[tilespmem:$0x12400] =	vst v63  }
0xfb: {  	s6 =	sshll.u32 @!p0 s0, $0x9  }
0xfc: {  	s6 =	sand.u32 @!p0 $0x3FFFFE00, s6  }
0xfd: {  	s15 =	simm.s32 @!p0 $0x80;
	s16 =	simm.s32 @!p0 $0x6400;
	s14 =	sadd.s32 @!p0 $0x200, s6  }
0xfe: {  	[tilespmem:s16], [sflag:$0x1] =	stream.indirect.gather @!p0 [hbm4b:s4+s15], $0x40, s14, s15, $0xb8;
	[tilespmem:$0x12400] =	vst v63  }
0xff: {  	_ =	swait.ge [sflag:s1], $0x2000  }
0x100: {  	[sflag:s1] =	ssyncset.done $0x0  }
0x101: {  	s14 =	simm.s32 @!p1 $0x6;
	[sflag:s1] =	ssyncadd.s32 $0xFFFFE000  }
0x102: {  	_ =	swait.ge @!p1 [sflag:s14], $0x400  }
0x103: {  	[sflag:s14] =	ssyncset.done @!p1 $0x0  }
0x104: {  	[sflag:s14] =	ssyncadd.s32 @!p1 $0xFFFFFC00  }
0x105: {  	_ =	swait.ge @!p1 [sflag:s14], $0x400  }
0x106: {  	[sflag:s14] =	ssyncset.done @!p1 $0x0  }
0x107: {  	[sflag:s14] =	ssyncadd.s32 @!p1 $0xFFFFFC00  }
0x108: {  	_ =	swait.ge @!p1 [sflag:s14], $0x400  }
0x109: {  	[sflag:s14] =	ssyncset.done @!p1 $0x0  }
0x10a: {  	[sflag:s14] =	ssyncadd.s32 @!p1 $0xFFFFFC00  }
0x10b: {  	_ =	swait.ge @!p1 [sflag:s14], $0x400  }
0x10c: {  	[sflag:s14] =	ssyncset.done @!p1 $0x0  }
0x10d: {  	[sflag:s14] =	ssyncadd.s32 @!p1 $0xFFFFFC00  }
0x10e: {  	_ =	swait.ge @!p1 [sflag:s14], $0x400  }
0x10f: {  	[sflag:s14] =	ssyncset.done @!p1 $0x0  }
0x110: {  	[sflag:s14] =	ssyncadd.s32 @!p1 $0xFFFFFC00  }
0x111: {  	_ =	swait.ge @!p1 [sflag:s14], $0x400  }
0x112: {  	s26 =	simm.s32 $0x0;
	[sflag:s14] =	ssyncset.done @!p1 $0x0  }
0x113: {  	v16 =	vadd.s32 s26, v0;
	[sflag:s14] =	ssyncadd.s32 @!p1 $0xFFFFFC00  }
0x114: {  	v17 =	vand.u32 $0xF, v16;
	_ =	swait.ge @!p1 [sflag:s14], $0x400  }
0x115: {  	v18 =	vor.u32 v2, v17;
	[sflag:s14] =	ssyncset.done @!p1 $0x0  }
0x116: {  	v19 =	vor.u32 v4, v17;
	[sflag:s14] =	ssyncadd.s32 @!p1 $0xFFFFFC00  }
0x117: {  	v20 =	vor.u32 v1, v17;
	_ =	swait.ge @!p1 [sflag:s14], $0x400  }
0x118: {  	v21 =	vor.u32 v3, v17;
	[sflag:s14] =	ssyncset.done @!p1 $0x0  }
0x119: {  	v22 =	vor.u32 v5, v17;
	[sflag:s14] =	ssyncadd.s32 @!p1 $0xFFFFFC00  }
0x11a: {  	v23 =	vor.u32 v6, v17;
	v18 =	vld.idx.msk [tilespmem:v18+s18+$0x0], $0xffff  }
0x11b: {  	v24 =	vor.u32 v7, v17;
	v25 =	vshll.u32 v17, $0x7;
	v19 =	vld.idx.msk [tilespmem:v19+s18+$0x0], $0xffff  }
0x11c: {  	v26 =	vor.u32 v8, v17;
	v27 =	vor.u32 v0, v25;
	v20 =	vld.idx.msk [tilespmem:v20+s18+$0x0], $0xffff  }
0x11d: {  	v28 =	vor.u32 v9, v25;
	v21 =	vld.idx.msk [tilespmem:v21+s18+$0x0], $0xffff  }
0x11e: {  	v29 =	vor.u32 v10, v25;
	v22 =	vld.idx.msk [tilespmem:v22+s18+$0x0], $0xffff  }
0x11f: {  	v30 =	vor.u32 v11, v25;
	v23 =	vld.idx.msk [tilespmem:v23+s18+$0x0], $0xffff  }
0x120: {  	v31 =	vor.u32 v12, v25;
	v24 =	vld.idx.msk [tilespmem:v24+s18+$0x0], $0xffff  }
0x121: {  	v26 =	vld.idx.msk [tilespmem:v26+s18+$0x0], $0xffff;
	[tilespmem:v27+s19+$0x0] =	vst.idx.msk $0xffff, v20;
	v20 =	vor.u32 v13, v25  }
0x122: {  	v27 =	vor.u32 $0x10, v16;
	[tilespmem:v28+s19+$0x0] =	vst.idx.msk $0xffff, v18;
	v18 =	vor.u32 v14, v25  }
0x123: {  	v28 =	vand.u32 $0x1F, v27;
	[tilespmem:v29+s19+$0x0] =	vst.idx.msk $0xffff, v21;
	v21 =	vor.u32 v15, v25  }
0x124: {  	[tilespmem:v30+s19+$0x0] =	vst.idx.msk $0xffff, v19;
	v19 =	vor.u32 v3, v28  }
0x125: {  	[tilespmem:v31+s19+$0x0] =	vst.idx.msk $0xffff, v22;
	v22 =	vor.u32 v2, v28  }
0x126: {  	[tilespmem:v20+s19+$0x0] =	vst.idx.msk $0xffff, v23;
	v20 =	vor.u32 v1, v28  }
0x127: {  	v23 =	vor.u32 v6, v28;
	[tilespmem:v18+s19+$0x0] =	vst.idx.msk $0xffff, v24  }
0x128: {  	v18 =	vor.u32 v4, v28;
	[tilespmem:v21+s19+$0x0] =	vst.idx.msk $0xffff, v26  }
0x129: {  	v24 =	vor.u32 v8, v28;
	v19 =	vld.idx.msk [tilespmem:v19+s18+$0x0], $0xffff  }
0x12a: {  	v25 =	vshll.u32 v27, $0x7;
	v21 =	vor.u32 v5, v28;
	v22 =	vld.idx.msk [tilespmem:v22+s18+$0x0], $0xffff  }
0x12b: {  	v27 =	vor.u32 v0, v25;
	v26 =	vor.u32 v7, v28;
	v20 =	vld.idx.msk [tilespmem:v20+s18+$0x0], $0xffff  }
0x12c: {  	v28 =	vor.u32 v9, v25;
	v23 =	vld.idx.msk [tilespmem:v23+s18+$0x0], $0xffff  }
0x12d: {  	v29 =	vor.u32 v10, v25;
	v18 =	vld.idx.msk [tilespmem:v18+s18+$0x0], $0xffff  }
0x12e: {  	v30 =	vor.u32 v11, v25;
	v24 =	vld.idx.msk [tilespmem:v24+s18+$0x0], $0xffff  }
0x12f: {  	v31 =	vor.u32 v12, v25;
	v21 =	vld.idx.msk [tilespmem:v21+s18+$0x0], $0xffff  }
0x130: {  	v17 =	vor.u32 $0x20, v17;
	v26 =	vld.idx.msk [tilespmem:v26+s18+$0x0], $0xffff;
	[tilespmem:v27+s19+$0x0] =	vst.idx.msk $0xffff, v20;
	v20 =	vor.u32 v13, v25  }
0x131: {  	v32 =	vand.u32 $0x7, v16;
	v27 =	vand.u32 $0x28, v17;
	[tilespmem:v28+s19+$0x0] =	vst.idx.msk $0xffff, v22;
	v22 =	vor.u32 v14, v25  }
0x132: {  	[tilespmem:v29+s19+$0x0] =	vst.idx.msk $0xffff, v19;
	v19 =	vor.u32 v15, v25;
	v25 =	vor.u32 v32, v27  }
0x133: {  	[tilespmem:v30+s19+$0x0] =	vst.idx.msk $0xffff, v18;
	v18 =	vor.u32 v3, v25  }
0x134: {  	[tilespmem:v31+s19+$0x0] =	vst.idx.msk $0xffff, v21;
	v21 =	vor.u32 v2, v25  }
0x135: {  	[tilespmem:v20+s19+$0x0] =	vst.idx.msk $0xffff, v23;
	v20 =	vor.u32 v1, v25  }
0x136: {  	v23 =	vor.u32 v6, v25;
	[tilespmem:v22+s19+$0x0] =	vst.idx.msk $0xffff, v26  }
0x137: {  	v22 =	vor.u32 v4, v25;
	[tilespmem:v19+s19+$0x0] =	vst.idx.msk $0xffff, v24  }
0x138: {  	v19 =	vor.u32 v5, v25;
	v18 =	vld.idx.msk [tilespmem:v18+s18+$0x0], $0xffff  }
0x139: {  	v17 =	vshll.u32 v17, $0x7;
	v24 =	vor.u32 v8, v25;
	v21 =	vld.idx.msk [tilespmem:v21+s18+$0x0], $0xffff  }
0x13a: {  	v26 =	vor.u32 v0, v17;
	v25 =	vor.u32 v7, v25;
	v20 =	vld.idx.msk [tilespmem:v20+s18+$0x0], $0xffff  }
0x13b: {  	v27 =	vor.u32 v9, v17;
	v23 =	vld.idx.msk [tilespmem:v23+s18+$0x0], $0xffff  }
0x13c: {  	v28 =	vor.u32 v10, v17;
	v22 =	vld.idx.msk [tilespmem:v22+s18+$0x0], $0xffff  }
0x13d: {  	v29 =	vor.u32 v11, v17;
	v19 =	vld.idx.msk [tilespmem:v19+s18+$0x0], $0xffff  }
0x13e: {  	v30 =	vor.u32 v12, v17;
	v24 =	vld.idx.msk [tilespmem:v24+s18+$0x0], $0xffff  }
0x13f: {  	v25 =	vld.idx.msk [tilespmem:v25+s18+$0x0], $0xffff;
	[tilespmem:v26+s19+$0x0] =	vst.idx.msk $0xffff, v20;
	v20 =	vor.u32 v13, v17  }
0x140: {  	v16 =	vor.u32 $0x30, v16;
	[tilespmem:v27+s19+$0x0] =	vst.idx.msk $0xffff, v21;
	v21 =	vor.u32 v14, v17  }
0x141: {  	v26 =	vand.u32 $0x3F, v16;
	v17 =	vor.u32 v15, v17;
	[tilespmem:v28+s19+$0x0] =	vst.idx.msk $0xffff, v18  }
0x142: {  	v18 =	vor.u32 v3, v26;
	[tilespmem:v29+s19+$0x0] =	vst.idx.msk $0xffff, v22  }
0x143: {  	v22 =	vor.u32 v2, v26;
	[tilespmem:v30+s19+$0x0] =	vst.idx.msk $0xffff, v19  }
0x144: {  	v27 =	vor.u32 v1, v26;
	[tilespmem:v20+s19+$0x0] =	vst.idx.msk $0xffff, v23  }
0x145: {  	v20 =	vor.u32 v4, v26;
	[tilespmem:v21+s19+$0x0] =	vst.idx.msk $0xffff, v25  }
0x146: {  	v31 =	vor.u32 v8, v26;
	[tilespmem:v17+s19+$0x0] =	vst.idx.msk $0xffff, v24  }
0x147: {  	v21 =	vor.u32 v5, v26;
	v19 =	vld.idx.msk [tilespmem:v18+s18+$0x0], $0xffff  }
0x148: {  	v25 =	vor.u32 v6, v26;
	v23 =	vld.idx.msk [tilespmem:v22+s18+$0x0], $0xffff  }
0x149: {  	v30 =	vor.u32 v7, v26;
	v17 =	vshll.u32 v16, $0x7;
	v24 =	vld.idx.msk [tilespmem:v27+s18+$0x0], $0xffff  }
0x14a: {  	v29 =	vor.u32 v0, v17;
	v22 =	vld.idx.msk [tilespmem:v20+s18+$0x0], $0xffff  }
0x14b: {  	v28 =	vor.u32 v9, v17;
	v20 =	vld.idx.msk [tilespmem:v31+s18+$0x0], $0xffff  }
0x14c: {  	s21 =	sadd.s32 s21, s5;
	v27 =	vor.u32 v10, v17;
	v18 =	vld.idx.msk [tilespmem:v21+s18+$0x0], $0xffff  }
0x14d: {  	s15 =	simm.s32 $0x1;
	s14 =	sadd.s32 $0x1, s21;
	v16 =	vor.u32 v13, v17;
	v26 =	vor.u32 v11, v17;
	v21 =	vld.idx.msk [tilespmem:v25+s18+$0x0], $0xffff;
	v25 =	vor.u32 v12, v17  }
.LBB2_5:
0x14e: {  	p1 =	sne.s32 s15, $0xF;
	v30 =	vld.idx.msk [tilespmem:v30+s18+$0x0], $0xffff;
	s16 =	smov.u32 s15;
	s15 =	sadd.s32 $0x1, s15  }
0x14f: {  	[tilespmem:v29+s19+$0x0] =	vst.idx.msk $0xffff, v24;
	v24 =	vor.u32 v14, v17  }
0x150: {  	v29 =	vadd.s32 s16, v0;
	[tilespmem:v28+s19+$0x0] =	vst.idx.msk $0xffff, v23;
	v23 =	vor.u32 v15, v17  }
0x151: {  	v28 =	vand.u32 $0xF, v29;
	v17 =	vor.u32 $0x10, v29;
	v31 =	vor.u32 $0x30, v29;
	[tilespmem:v27+s19+$0x0] =	vst.idx.msk $0xffff, v19  }
0x152: {  	v27 =	vor.u32 v1, v28;
	v32 =	vor.u32 v2, v28;
	v33 =	vshll.u32 v28, $0x7;
	[tilespmem:v26+s19+$0x0] =	vst.idx.msk $0xffff, v22  }
0x153: {  	v34 =	vand.u32 $0x1F, v17;
	v22 =	vor.u32 v4, v28;
	v26 =	vor.u32 v5, v28;
	[tilespmem:v25+s19+$0x0] =	vst.idx.msk $0xffff, v18  }
0x154: {  	v35 =	vor.u32 v7, v28;
	v36 =	vshll.u32 v17, $0x7;
	v25 =	vor.u32 v3, v28;
	[tilespmem:v16+s19+$0x0] =	vst.idx.msk $0xffff, v21  }
0x155: {  	v18 =	vand.u32 $0x3F, v31;
	v21 =	vor.u32 v8, v28;
	v16 =	vor.u32 $0x20, v28;
	[tilespmem:v24+s19+$0x0] =	vst.idx.msk $0xffff, v30  }
0x156: {  	v17 =	vshll.u32 v31, $0x7;
	v24 =	vand.u32 $0x28, v16;
	v19 =	vshll.u32 v16, $0x7;
	[tilespmem:v23+s19+$0x0] =	vst.idx.msk $0xffff, v20  }
0x157: {  	v16 =	vor.u32 v13, v17;
	v23 =	vor.u32 v6, v28;
	v20 =	vld.idx.msk [tilespmem:v32+s18+$0x0], $0xffff  }
0x158: {  	v28 =	vor.u32 v0, v33;
	v22 =	vld.idx.msk [tilespmem:v22+s18+$0x0], $0xffff  }
0x159: {  	v30 =	vor.u32 v9, v33;
	v27 =	vld.idx.msk [tilespmem:v27+s18+$0x0], $0xffff  }
0x15a: {  	v25 =	vld.idx.msk [tilespmem:v25+s18+$0x0], $0xffff  }
0x15b: {  	v26 =	vld.idx.msk [tilespmem:v26+s18+$0x0], $0xffff  }
0x15c: {  	v31 =	vor.u32 v10, v33;
	v23 =	vld.idx.msk [tilespmem:v23+s18+$0x0], $0xffff  }
0x15d: {  	v32 =	vld.idx.msk [tilespmem:v35+s18+$0x0], $0xffff;
	v35 =	vor.u32 v11, v33  }
0x15e: {  	v37 =	vor.u32 v12, v33;
	v21 =	vld.idx.msk [tilespmem:v21+s18+$0x0], $0xffff  }
0x15f: {  	[tilespmem:v28+s19+$0x0] =	vst.idx.msk $0xffff, v27;
	v27 =	vor.u32 v13, v33  }
0x160: {  	[tilespmem:v30+s19+$0x0] =	vst.idx.msk $0xffff, v20;
	v20 =	vor.u32 v14, v33  }
0x161: {  	[tilespmem:v31+s19+$0x0] =	vst.idx.msk $0xffff, v25;
	v25 =	vor.u32 v15, v33  }
0x162: {  	[tilespmem:v35+s19+$0x0] =	vst.idx.msk $0xffff, v22;
	v22 =	vor.u32 v3, v34  }
0x163: {  	[tilespmem:v37+s19+$0x0] =	vst.idx.msk $0xffff, v26;
	v26 =	vor.u32 v2, v34  }
0x164: {  	[tilespmem:v27+s19+$0x0] =	vst.idx.msk $0xffff, v23;
	v23 =	vor.u32 v1, v34  }
0x165: {  	[tilespmem:v20+s19+$0x0] =	vst.idx.msk $0xffff, v32;
	v20 =	vor.u32 v4, v34  }
0x166: {  	[tilespmem:v25+s19+$0x0] =	vst.idx.msk $0xffff, v21;
	v21 =	vor.u32 v5, v34  }
0x167: {  	v25 =	vor.u32 v6, v34;
	v22 =	vld.idx.msk [tilespmem:v22+s18+$0x0], $0xffff  }
0x168: {  	v27 =	vor.u32 v8, v34;
	v26 =	vld.idx.msk [tilespmem:v26+s18+$0x0], $0xffff  }
0x169: {  	v28 =	vor.u32 v7, v34;
	v23 =	vld.idx.msk [tilespmem:v23+s18+$0x0], $0xffff  }
0x16a: {  	v30 =	vor.u32 v0, v36;
	v20 =	vld.idx.msk [tilespmem:v20+s18+$0x0], $0xffff  }
0x16b: {  	v31 =	vor.u32 v9, v36;
	v21 =	vld.idx.msk [tilespmem:v21+s18+$0x0], $0xffff  }
0x16c: {  	v32 =	vor.u32 v10, v36;
	v25 =	vld.idx.msk [tilespmem:v25+s18+$0x0], $0xffff  }
0x16d: {  	v33 =	vor.u32 v11, v36;
	v27 =	vld.idx.msk [tilespmem:v27+s18+$0x0], $0xffff  }
0x16e: {  	v34 =	vor.u32 v12, v36;
	v28 =	vld.idx.msk [tilespmem:v28+s18+$0x0], $0xffff  }
0x16f: {  	[tilespmem:v30+s19+$0x0] =	vst.idx.msk $0xffff, v23;
	v23 =	vor.u32 v13, v36  }
0x170: {  	v29 =	vand.u32 $0x7, v29;
	[tilespmem:v31+s19+$0x0] =	vst.idx.msk $0xffff, v26;
	v26 =	vor.u32 v14, v36  }
0x171: {  	v24 =	vor.u32 v29, v24;
	[tilespmem:v32+s19+$0x0] =	vst.idx.msk $0xffff, v22;
	v22 =	vor.u32 v15, v36  }
0x172: {  	[tilespmem:v33+s19+$0x0] =	vst.idx.msk $0xffff, v20;
	v20 =	vor.u32 v3, v24  }
0x173: {  	[tilespmem:v34+s19+$0x0] =	vst.idx.msk $0xffff, v21;
	v21 =	vor.u32 v2, v24  }
0x174: {  	[tilespmem:v23+s19+$0x0] =	vst.idx.msk $0xffff, v25;
	v23 =	vor.u32 v1, v24  }
0x175: {  	v25 =	vor.u32 v4, v24;
	[tilespmem:v26+s19+$0x0] =	vst.idx.msk $0xffff, v28  }
0x176: {  	[tilespmem:v22+s19+$0x0] =	vst.idx.msk $0xffff, v27;
	v22 =	vor.u32 v5, v24  }
0x177: {  	v26 =	vor.u32 v6, v24;
	v20 =	vld.idx.msk [tilespmem:v20+s18+$0x0], $0xffff  }
0x178: {  	v27 =	vor.u32 v8, v24;
	v21 =	vld.idx.msk [tilespmem:v21+s18+$0x0], $0xffff  }
0x179: {  	v24 =	vor.u32 v7, v24;
	v23 =	vld.idx.msk [tilespmem:v23+s18+$0x0], $0xffff  }
0x17a: {  	v28 =	vor.u32 v0, v19;
	v25 =	vld.idx.msk [tilespmem:v25+s18+$0x0], $0xffff  }
0x17b: {  	v29 =	vor.u32 v9, v19;
	v22 =	vld.idx.msk [tilespmem:v22+s18+$0x0], $0xffff  }
0x17c: {  	v30 =	vor.u32 v10, v19;
	v26 =	vld.idx.msk [tilespmem:v26+s18+$0x0], $0xffff  }
0x17d: {  	v31 =	vor.u32 v11, v19;
	v27 =	vld.idx.msk [tilespmem:v27+s18+$0x0], $0xffff  }
0x17e: {  	v32 =	vor.u32 v12, v19;
	v24 =	vld.idx.msk [tilespmem:v24+s18+$0x0], $0xffff  }
0x17f: {  	[tilespmem:v28+s19+$0x0] =	vst.idx.msk $0xffff, v23;
	v23 =	vor.u32 v13, v19  }
0x180: {  	[tilespmem:v29+s19+$0x0] =	vst.idx.msk $0xffff, v21;
	v21 =	vor.u32 v14, v19  }
0x181: {  	v19 =	vor.u32 v15, v19;
	[tilespmem:v30+s19+$0x0] =	vst.idx.msk $0xffff, v20  }
0x182: {  	v20 =	vor.u32 v3, v18;
	[tilespmem:v31+s19+$0x0] =	vst.idx.msk $0xffff, v25  }
0x183: {  	v25 =	vor.u32 v2, v18;
	[tilespmem:v32+s19+$0x0] =	vst.idx.msk $0xffff, v22;
	v22 =	vor.u32 v1, v18  }
0x184: {  	[tilespmem:v23+s19+$0x0] =	vst.idx.msk $0xffff, v26  }
0x185: {  	[tilespmem:v21+s19+$0x0] =	vst.idx.msk $0xffff, v24;
	v21 =	vor.u32 v4, v18  }
0x186: {  	v26 =	vor.u32 v5, v18;
	[tilespmem:v19+s19+$0x0] =	vst.idx.msk $0xffff, v27  }
0x187: {  	v19 =	vld.idx.msk [tilespmem:v20+s18+$0x0], $0xffff;
	v20 =	vor.u32 v6, v18  }
0x188: {  	v23 =	vld.idx.msk [tilespmem:v25+s18+$0x0], $0xffff;
	v25 =	vor.u32 v8, v18  }
.Ltmp3:
0x189: {  	v29 =	vor.u32 v0, v17;
	v30 =	vor.u32 v7, v18;
	v24 =	vld.idx.msk [tilespmem:v22+s18+$0x0], $0xffff;
	(pc) =	sbr.rel @p1 .LBB2_5-.Ltmp3, $4  }
0x18a: {  	v28 =	vor.u32 v9, v17;
	v22 =	vld.idx.msk [tilespmem:v21+s18+$0x0], $0xffff  }
0x18b: {  	v27 =	vor.u32 v10, v17;
	v18 =	vld.idx.msk [tilespmem:v26+s18+$0x0], $0xffff  }
0x18c: {  	v26 =	vor.u32 v11, v17;
	v21 =	vld.idx.msk [tilespmem:v20+s18+$0x0], $0xffff  }
0x18d: {  	v20 =	vld.idx.msk [tilespmem:v25+s18+$0x0], $0xffff;
	v25 =	vor.u32 v12, v17  }
0x18e: {  	_ =	sdelay $0x3  }
0x18f: {  	v30 =	vld.idx.msk [tilespmem:v30+s18+$0x0], $0xffff;
	[tilespmem:v29+s19+$0x0] =	vst.idx.msk $0xffff, v24  }
0x190: {  	v24 =	vor.u32 v14, v17;
	[tilespmem:v28+s19+$0x0] =	vst.idx.msk $0xffff, v23  }
0x191: {  	v17 =	vor.u32 v15, v17;
	[tilespmem:v27+s19+$0x0] =	vst.idx.msk $0xffff, v19  }
0x192: {  	[tilespmem:v26+s19+$0x0] =	vst.idx.msk $0xffff, v22  }
0x193: {  	s15 =	sshll.u32 s14, $0xA;
	s25 =	sshll.u32 s14, $0x7;
	[tilespmem:v25+s19+$0x0] =	vst.idx.msk $0xffff, v18  }
0x194: {  	s15 =	sand.u32 $0xFFE0000, s15;
	s14 =	sand.u32 $0x3E80, s25;
	[tilespmem:v16+s19+$0x0] =	vst.idx.msk $0xffff, v21  }
0x195: {  	s14 =	sor.u32 s14, s15;
	[tilespmem:v24+s19+$0x0] =	vst.idx.msk $0xffff, v30  }
0x196: {  	s15 =	sadd.s32 s2, s14;
	[tilespmem:v17+s19+$0x0] =	vst.idx.msk $0xffff, v20  }
0x197: {  	[hbm4b:s15+s3] =	stream.linear.scatter [tilespmem:s19], [sflag:$0x6], $0x400, $0x38;
	[tilespmem:$0x12400] =	vst v63  }
0x198: {  	s16 =	simm.s32 $0x10800;
	s26 =	sadd.s32 s14, s7  }
0x199: {  	[hbm4b:s26+s3] =	stream.linear.scatter [tilespmem:s16], [sflag:$0x6], $0x400, $0x38;
	[tilespmem:$0x12400] =	vst v63  }
0x19a: {  	s23 =	simm.s32 $0x10C00;
	s16 =	sadd.s32 s14, s8  }
0x19b: {  	[hbm4b:s16+s3] =	stream.linear.scatter [tilespmem:s23], [sflag:$0x6], $0x400, $0x38;
	[tilespmem:$0x12400] =	vst v63  }
0x19c: {  	s25 =	sadd.s32 s14, s9;
	s26 =	simm.s32 $0x11000  }
0x19d: {  	[hbm4b:s25+s3] =	stream.linear.scatter [tilespmem:s26], [sflag:$0x6], $0x400, $0x38;
	[tilespmem:$0x12400] =	vst v63  }
0x19e: {  	s16 =	sadd.s32 s14, s10;
	s23 =	simm.s32 $0x11400  }
0x19f: {  	[hbm4b:s16+s3] =	stream.linear.scatter [tilespmem:s23], [sflag:$0x6], $0x400, $0x38;
	[tilespmem:$0x12400] =	vst v63  }
0x1a0: {  	s25 =	sadd.s32 s14, s11;
	s26 =	simm.s32 $0x11800  }
0x1a1: {  	[hbm4b:s25+s3] =	stream.linear.scatter [tilespmem:s26], [sflag:$0x6], $0x400, $0x38;
	[tilespmem:$0x12400] =	vst v63  }
0x1a2: {  	s16 =	sadd.s32 s14, s12;
	s23 =	simm.s32 $0x11C00  }
0x1a3: {  	[hbm4b:s16+s3] =	stream.linear.scatter [tilespmem:s23], [sflag:$0x6], $0x400, $0x38;
	[tilespmem:$0x12400] =	vst v63  }
0x1a4: {  	s14 =	sadd.s32 s14, s13;
	s25 =	simm.s32 $0x12000  }
0x1a5: {  	[hbm4b:s14+s3] =	stream.linear.scatter [tilespmem:s25], [sflag:$0x6], $0x400, $0x38;
	[tilespmem:$0x12400] =	vst v63  }
0x1a6: {  	s15 =	simm.s32 @!p0 $0x80;
	s16 =	simm.s32 @!p0 $0x8400;
	s14 =	sadd.s32 @!p0 $0x280, s6  }
0x1a7: {  	[tilespmem:s16], [sflag:$0x2] =	stream.indirect.gather @!p0 [hbm4b:s4+s15], $0x40, s14, s15, $0xb8;
	[tilespmem:$0x12400] =	vst v63  }
0x1a8: {  	_ =	swait.ge [sflag:s28], $0x2000  }
0x1a9: {  	[sflag:s28] =	ssyncset.done $0x0  }
0x1aa: {  	[sflag:s28] =	ssyncadd.s32 $0xFFFFE000  }
0x1ab: {  	_ =	swait.ge [sflag:s29], $0x400  }
0x1ac: {  	[sflag:s29] =	ssyncset.done $0x0  }
0x1ad: {  	[sflag:s29] =	ssyncadd.s32 $0xFFFFFC00  }
0x1ae: {  	_ =	swait.ge [sflag:s29], $0x400  }
0x1af: {  	[sflag:s29] =	ssyncset.done $0x0  }
0x1b0: {  	[sflag:s29] =	ssyncadd.s32 $0xFFFFFC00  }
0x1b1: {  	_ =	swait.ge [sflag:s29], $0x400  }
0x1b2: {  	[sflag:s29] =	ssyncset.done $0x0  }
0x1b3: {  	[sflag:s29] =	ssyncadd.s32 $0xFFFFFC00  }
0x1b4: {  	_ =	swait.ge [sflag:s29], $0x400  }
0x1b5: {  	[sflag:s29] =	ssyncset.done $0x0  }
0x1b6: {  	[sflag:s29] =	ssyncadd.s32 $0xFFFFFC00  }
0x1b7: {  	_ =	swait.ge [sflag:s29], $0x400  }
0x1b8: {  	[sflag:s29] =	ssyncset.done $0x0  }
0x1b9: {  	[sflag:s29] =	ssyncadd.s32 $0xFFFFFC00  }
0x1ba: {  	_ =	swait.ge [sflag:s29], $0x400  }
0x1bb: {  	s26 =	simm.s32 $0x0;
	[sflag:s29] =	ssyncset.done $0x0  }
0x1bc: {  	v16 =	vadd.s32 s26, v0;
	[sflag:s29] =	ssyncadd.s32 $0xFFFFFC00  }
0x1bd: {  	v17 =	vand.u32 $0xF, v16;
	_ =	swait.ge [sflag:s29], $0x400  }
0x1be: {  	v18 =	vor.u32 v2, v17;
	[sflag:s29] =	ssyncset.done $0x0  }
0x1bf: {  	v19 =	vor.u32 v4, v17;
	[sflag:s29] =	ssyncadd.s32 $0xFFFFFC00  }
0x1c0: {  	v20 =	vor.u32 v1, v17;
	_ =	swait.ge [sflag:s29], $0x400  }
0x1c1: {  	v21 =	vor.u32 v3, v17;
	[sflag:s29] =	ssyncset.done $0x0  }
0x1c2: {  	v22 =	vor.u32 v5, v17;
	[sflag:s29] =	ssyncadd.s32 $0xFFFFFC00  }
0x1c3: {  	v23 =	vor.u32 v6, v17;
	v18 =	vld.idx.msk [tilespmem:v18+s20+$0x0], $0xffff  }
0x1c4: {  	v24 =	vor.u32 v7, v17;
	v25 =	vshll.u32 v17, $0x7;
	v19 =	vld.idx.msk [tilespmem:v19+s20+$0x0], $0xffff  }
0x1c5: {  	v26 =	vor.u32 v8, v17;
	v27 =	vor.u32 v0, v25;
	v20 =	vld.idx.msk [tilespmem:v20+s20+$0x0], $0xffff  }
0x1c6: {  	v28 =	vor.u32 v9, v25;
	v21 =	vld.idx.msk [tilespmem:v21+s20+$0x0], $0xffff  }
0x1c7: {  	v29 =	vor.u32 v10, v25;
	v22 =	vld.idx.msk [tilespmem:v22+s20+$0x0], $0xffff  }
0x1c8: {  	v30 =	vor.u32 v11, v25;
	v23 =	vld.idx.msk [tilespmem:v23+s20+$0x0], $0xffff  }
0x1c9: {  	v31 =	vor.u32 v12, v25;
	v24 =	vld.idx.msk [tilespmem:v24+s20+$0x0], $0xffff  }
0x1ca: {  	v26 =	vld.idx.msk [tilespmem:v26+s20+$0x0], $0xffff;
	[tilespmem:v27+s24+$0x0] =	vst.idx.msk $0xffff, v20;
	v20 =	vor.u32 v13, v25  }
0x1cb: {  	v27 =	vor.u32 $0x10, v16;
	[tilespmem:v28+s24+$0x0] =	vst.idx.msk $0xffff, v18;
	v18 =	vor.u32 v14, v25  }
0x1cc: {  	v28 =	vand.u32 $0x1F, v27;
	[tilespmem:v29+s24+$0x0] =	vst.idx.msk $0xffff, v21;
	v21 =	vor.u32 v15, v25  }
0x1cd: {  	[tilespmem:v30+s24+$0x0] =	vst.idx.msk $0xffff, v19;
	v19 =	vor.u32 v3, v28  }
0x1ce: {  	[tilespmem:v31+s24+$0x0] =	vst.idx.msk $0xffff, v22;
	v22 =	vor.u32 v2, v28  }
0x1cf: {  	[tilespmem:v20+s24+$0x0] =	vst.idx.msk $0xffff, v23;
	v20 =	vor.u32 v1, v28  }
0x1d0: {  	v23 =	vor.u32 v6, v28;
	[tilespmem:v18+s24+$0x0] =	vst.idx.msk $0xffff, v24  }
0x1d1: {  	v18 =	vor.u32 v4, v28;
	[tilespmem:v21+s24+$0x0] =	vst.idx.msk $0xffff, v26  }
0x1d2: {  	v24 =	vor.u32 v8, v28;
	v19 =	vld.idx.msk [tilespmem:v19+s20+$0x0], $0xffff  }
0x1d3: {  	v25 =	vshll.u32 v27, $0x7;
	v21 =	vor.u32 v5, v28;
	v22 =	vld.idx.msk [tilespmem:v22+s20+$0x0], $0xffff  }
0x1d4: {  	v27 =	vor.u32 v0, v25;
	v26 =	vor.u32 v7, v28;
	v20 =	vld.idx.msk [tilespmem:v20+s20+$0x0], $0xffff  }
0x1d5: {  	v28 =	vor.u32 v9, v25;
	v23 =	vld.idx.msk [tilespmem:v23+s20+$0x0], $0xffff  }
0x1d6: {  	v29 =	vor.u32 v10, v25;
	v18 =	vld.idx.msk [tilespmem:v18+s20+$0x0], $0xffff  }
0x1d7: {  	v30 =	vor.u32 v11, v25;
	v24 =	vld.idx.msk [tilespmem:v24+s20+$0x0], $0xffff  }
0x1d8: {  	v31 =	vor.u32 v12, v25;
	v21 =	vld.idx.msk [tilespmem:v21+s20+$0x0], $0xffff  }
0x1d9: {  	v17 =	vor.u32 $0x20, v17;
	v26 =	vld.idx.msk [tilespmem:v26+s20+$0x0], $0xffff;
	[tilespmem:v27+s24+$0x0] =	vst.idx.msk $0xffff, v20;
	v20 =	vor.u32 v13, v25  }
0x1da: {  	v32 =	vand.u32 $0x7, v16;
	v27 =	vand.u32 $0x28, v17;
	[tilespmem:v28+s24+$0x0] =	vst.idx.msk $0xffff, v22;
	v22 =	vor.u32 v14, v25  }
0x1db: {  	[tilespmem:v29+s24+$0x0] =	vst.idx.msk $0xffff, v19;
	v19 =	vor.u32 v15, v25;
	v25 =	vor.u32 v32, v27  }
0x1dc: {  	[tilespmem:v30+s24+$0x0] =	vst.idx.msk $0xffff, v18;
	v18 =	vor.u32 v3, v25  }
0x1dd: {  	[tilespmem:v31+s24+$0x0] =	vst.idx.msk $0xffff, v21;
	v21 =	vor.u32 v2, v25  }
0x1de: {  	[tilespmem:v20+s24+$0x0] =	vst.idx.msk $0xffff, v23;
	v20 =	vor.u32 v1, v25  }
0x1df: {  	v23 =	vor.u32 v6, v25;
	[tilespmem:v22+s24+$0x0] =	vst.idx.msk $0xffff, v26  }
0x1e0: {  	v22 =	vor.u32 v4, v25;
	[tilespmem:v19+s24+$0x0] =	vst.idx.msk $0xffff, v24  }
0x1e1: {  	v19 =	vor.u32 v5, v25;
	v18 =	vld.idx.msk [tilespmem:v18+s20+$0x0], $0xffff  }
0x1e2: {  	v17 =	vshll.u32 v17, $0x7;
	v24 =	vor.u32 v8, v25;
	v21 =	vld.idx.msk [tilespmem:v21+s20+$0x0], $0xffff  }
0x1e3: {  	v26 =	vor.u32 v0, v17;
	v25 =	vor.u32 v7, v25;
	v20 =	vld.idx.msk [tilespmem:v20+s20+$0x0], $0xffff  }
0x1e4: {  	v27 =	vor.u32 v9, v17;
	v23 =	vld.idx.msk [tilespmem:v23+s20+$0x0], $0xffff  }
0x1e5: {  	v28 =	vor.u32 v10, v17;
	v22 =	vld.idx.msk [tilespmem:v22+s20+$0x0], $0xffff  }
0x1e6: {  	v29 =	vor.u32 v11, v17;
	v19 =	vld.idx.msk [tilespmem:v19+s20+$0x0], $0xffff  }
0x1e7: {  	v30 =	vor.u32 v12, v17;
	v24 =	vld.idx.msk [tilespmem:v24+s20+$0x0], $0xffff  }
0x1e8: {  	v25 =	vld.idx.msk [tilespmem:v25+s20+$0x0], $0xffff;
	[tilespmem:v26+s24+$0x0] =	vst.idx.msk $0xffff, v20;
	v20 =	vor.u32 v13, v17  }
0x1e9: {  	v16 =	vor.u32 $0x30, v16;
	[tilespmem:v27+s24+$0x0] =	vst.idx.msk $0xffff, v21;
	v21 =	vor.u32 v14, v17  }
0x1ea: {  	v26 =	vand.u32 $0x3F, v16;
	v17 =	vor.u32 v15, v17;
	[tilespmem:v28+s24+$0x0] =	vst.idx.msk $0xffff, v18  }
0x1eb: {  	v18 =	vor.u32 v3, v26;
	[tilespmem:v29+s24+$0x0] =	vst.idx.msk $0xffff, v22  }
0x1ec: {  	v22 =	vor.u32 v2, v26;
	[tilespmem:v30+s24+$0x0] =	vst.idx.msk $0xffff, v19  }
0x1ed: {  	v27 =	vor.u32 v1, v26;
	[tilespmem:v20+s24+$0x0] =	vst.idx.msk $0xffff, v23  }
0x1ee: {  	v20 =	vor.u32 v4, v26;
	[tilespmem:v21+s24+$0x0] =	vst.idx.msk $0xffff, v25  }
0x1ef: {  	v21 =	vor.u32 v5, v26;
	[tilespmem:v17+s24+$0x0] =	vst.idx.msk $0xffff, v24  }
0x1f0: {  	v25 =	vor.u32 v8, v26;
	v19 =	vld.idx.msk [tilespmem:v18+s20+$0x0], $0xffff  }
0x1f1: {  	v18 =	vor.u32 v6, v26;
	v23 =	vld.idx.msk [tilespmem:v22+s20+$0x0], $0xffff  }
0x1f2: {  	v30 =	vor.u32 v7, v26;
	v17 =	vshll.u32 v16, $0x7;
	v24 =	vld.idx.msk [tilespmem:v27+s20+$0x0], $0xffff  }
0x1f3: {  	v29 =	vor.u32 v0, v17;
	v22 =	vld.idx.msk [tilespmem:v20+s20+$0x0], $0xffff  }
0x1f4: {  	v28 =	vor.u32 v9, v17;
	v21 =	vld.idx.msk [tilespmem:v21+s20+$0x0], $0xffff  }
0x1f5: {  	v27 =	vor.u32 v10, v17;
	v20 =	vld.idx.msk [tilespmem:v25+s20+$0x0], $0xffff  }
0x1f6: {  	s14 =	simm.s32 $0x1;
	v16 =	vor.u32 v13, v17;
	v26 =	vor.u32 v11, v17;
	v25 =	vor.u32 v12, v17;
	v18 =	vld.idx.msk [tilespmem:v18+s20+$0x0], $0xffff  }
.LBB2_7:
0x1f7: {  	p1 =	sne.s32 s14, $0xF;
	v30 =	vld.idx.msk [tilespmem:v30+s20+$0x0], $0xffff;
	s15 =	smov.u32 s14;
	s14 =	sadd.s32 $0x1, s14  }
0x1f8: {  	[tilespmem:v29+s24+$0x0] =	vst.idx.msk $0xffff, v24;
	v24 =	vor.u32 v14, v17  }
0x1f9: {  	v29 =	vadd.s32 s15, v0;
	[tilespmem:v28+s24+$0x0] =	vst.idx.msk $0xffff, v23;
	v23 =	vor.u32 v15, v17  }
0x1fa: {  	v28 =	vand.u32 $0xF, v29;
	v17 =	vor.u32 $0x10, v29;
	v31 =	vor.u32 $0x30, v29;
	[tilespmem:v27+s24+$0x0] =	vst.idx.msk $0xffff, v19  }
0x1fb: {  	v27 =	vor.u32 v1, v28;
	v32 =	vor.u32 v2, v28;
	v33 =	vshll.u32 v28, $0x7;
	[tilespmem:v26+s24+$0x0] =	vst.idx.msk $0xffff, v22  }
0x1fc: {  	v34 =	vand.u32 $0x1F, v17;
	v22 =	vor.u32 v4, v28;
	v26 =	vor.u32 v5, v28;
	[tilespmem:v25+s24+$0x0] =	vst.idx.msk $0xffff, v21  }
0x1fd: {  	v35 =	vshll.u32 v17, $0x7;
	v21 =	vor.u32 v3, v28;
	v25 =	vor.u32 v7, v28;
	[tilespmem:v16+s24+$0x0] =	vst.idx.msk $0xffff, v18  }
0x1fe: {  	v36 =	vor.u32 v8, v28;
	v16 =	vor.u32 $0x20, v28;
	v18 =	vand.u32 $0x3F, v31;
	[tilespmem:v24+s24+$0x0] =	vst.idx.msk $0xffff, v30  }
0x1ff: {  	v17 =	vshll.u32 v31, $0x7;
	v24 =	vand.u32 $0x28, v16;
	v19 =	vshll.u32 v16, $0x7;
	[tilespmem:v23+s24+$0x0] =	vst.idx.msk $0xffff, v20  }
0x200: {  	v16 =	vor.u32 v13, v17;
	v23 =	vor.u32 v6, v28;
	v20 =	vld.idx.msk [tilespmem:v32+s20+$0x0], $0xffff  }
0x201: {  	v28 =	vor.u32 v0, v33;
	v22 =	vld.idx.msk [tilespmem:v22+s20+$0x0], $0xffff  }
0x202: {  	v30 =	vor.u32 v9, v33;
	v27 =	vld.idx.msk [tilespmem:v27+s20+$0x0], $0xffff  }
0x203: {  	v21 =	vld.idx.msk [tilespmem:v21+s20+$0x0], $0xffff  }
0x204: {  	v26 =	vld.idx.msk [tilespmem:v26+s20+$0x0], $0xffff  }
0x205: {  	v31 =	vor.u32 v10, v33;
	v23 =	vld.idx.msk [tilespmem:v23+s20+$0x0], $0xffff  }
0x206: {  	v32 =	vor.u32 v11, v33;
	v25 =	vld.idx.msk [tilespmem:v25+s20+$0x0], $0xffff  }
0x207: {  	v37 =	vor.u32 v12, v33;
	v36 =	vld.idx.msk [tilespmem:v36+s20+$0x0], $0xffff  }
0x208: {  	[tilespmem:v28+s24+$0x0] =	vst.idx.msk $0xffff, v27;
	v27 =	vor.u32 v13, v33  }
0x209: {  	[tilespmem:v30+s24+$0x0] =	vst.idx.msk $0xffff, v20;
	v20 =	vor.u32 v14, v33  }
0x20a: {  	[tilespmem:v31+s24+$0x0] =	vst.idx.msk $0xffff, v21;
	v21 =	vor.u32 v15, v33  }
0x20b: {  	[tilespmem:v32+s24+$0x0] =	vst.idx.msk $0xffff, v22;
	v22 =	vor.u32 v3, v34  }
0x20c: {  	[tilespmem:v37+s24+$0x0] =	vst.idx.msk $0xffff, v26;
	v26 =	vor.u32 v2, v34  }
0x20d: {  	[tilespmem:v27+s24+$0x0] =	vst.idx.msk $0xffff, v23;
	v23 =	vor.u32 v1, v34  }
0x20e: {  	[tilespmem:v20+s24+$0x0] =	vst.idx.msk $0xffff, v25;
	v20 =	vor.u32 v4, v34  }
0x20f: {  	[tilespmem:v21+s24+$0x0] =	vst.idx.msk $0xffff, v36;
	v21 =	vor.u32 v5, v34  }
0x210: {  	v25 =	vor.u32 v6, v34;
	v22 =	vld.idx.msk [tilespmem:v22+s20+$0x0], $0xffff  }
0x211: {  	v27 =	vor.u32 v8, v34;
	v26 =	vld.idx.msk [tilespmem:v26+s20+$0x0], $0xffff  }
0x212: {  	v28 =	vor.u32 v7, v34;
	v23 =	vld.idx.msk [tilespmem:v23+s20+$0x0], $0xffff  }
0x213: {  	v30 =	vor.u32 v0, v35;
	v20 =	vld.idx.msk [tilespmem:v20+s20+$0x0], $0xffff  }
0x214: {  	v31 =	vor.u32 v9, v35;
	v21 =	vld.idx.msk [tilespmem:v21+s20+$0x0], $0xffff  }
0x215: {  	v32 =	vor.u32 v10, v35;
	v25 =	vld.idx.msk [tilespmem:v25+s20+$0x0], $0xffff  }
0x216: {  	v33 =	vor.u32 v11, v35;
	v27 =	vld.idx.msk [tilespmem:v27+s20+$0x0], $0xffff  }
0x217: {  	v34 =	vor.u32 v12, v35;
	v28 =	vld.idx.msk [tilespmem:v28+s20+$0x0], $0xffff  }
0x218: {  	[tilespmem:v30+s24+$0x0] =	vst.idx.msk $0xffff, v23;
	v23 =	vor.u32 v13, v35  }
0x219: {  	v29 =	vand.u32 $0x7, v29;
	[tilespmem:v31+s24+$0x0] =	vst.idx.msk $0xffff, v26;
	v26 =	vor.u32 v14, v35  }
0x21a: {  	v24 =	vor.u32 v29, v24;
	[tilespmem:v32+s24+$0x0] =	vst.idx.msk $0xffff, v22;
	v22 =	vor.u32 v15, v35  }
0x21b: {  	[tilespmem:v33+s24+$0x0] =	vst.idx.msk $0xffff, v20;
	v20 =	vor.u32 v3, v24  }
0x21c: {  	[tilespmem:v34+s24+$0x0] =	vst.idx.msk $0xffff, v21;
	v21 =	vor.u32 v2, v24  }
0x21d: {  	[tilespmem:v23+s24+$0x0] =	vst.idx.msk $0xffff, v25;
	v23 =	vor.u32 v1, v24  }
0x21e: {  	v25 =	vor.u32 v4, v24;
	[tilespmem:v26+s24+$0x0] =	vst.idx.msk $0xffff, v28  }
0x21f: {  	[tilespmem:v22+s24+$0x0] =	vst.idx.msk $0xffff, v27;
	v22 =	vor.u32 v5, v24  }
0x220: {  	v26 =	vor.u32 v6, v24;
	v20 =	vld.idx.msk [tilespmem:v20+s20+$0x0], $0xffff  }
0x221: {  	v27 =	vor.u32 v8, v24;
	v21 =	vld.idx.msk [tilespmem:v21+s20+$0x0], $0xffff  }
0x222: {  	v24 =	vor.u32 v7, v24;
	v23 =	vld.idx.msk [tilespmem:v23+s20+$0x0], $0xffff  }
0x223: {  	v28 =	vor.u32 v0, v19;
	v25 =	vld.idx.msk [tilespmem:v25+s20+$0x0], $0xffff  }
0x224: {  	v29 =	vor.u32 v9, v19;
	v22 =	vld.idx.msk [tilespmem:v22+s20+$0x0], $0xffff  }
0x225: {  	v30 =	vor.u32 v10, v19;
	v26 =	vld.idx.msk [tilespmem:v26+s20+$0x0], $0xffff  }
0x226: {  	v31 =	vor.u32 v11, v19;
	v27 =	vld.idx.msk [tilespmem:v27+s20+$0x0], $0xffff  }
0x227: {  	v32 =	vor.u32 v12, v19;
	v24 =	vld.idx.msk [tilespmem:v24+s20+$0x0], $0xffff  }
0x228: {  	[tilespmem:v28+s24+$0x0] =	vst.idx.msk $0xffff, v23;
	v23 =	vor.u32 v13, v19  }
0x229: {  	[tilespmem:v29+s24+$0x0] =	vst.idx.msk $0xffff, v21;
	v21 =	vor.u32 v14, v19  }
0x22a: {  	v19 =	vor.u32 v15, v19;
	[tilespmem:v30+s24+$0x0] =	vst.idx.msk $0xffff, v20  }
0x22b: {  	v20 =	vor.u32 v3, v18;
	[tilespmem:v31+s24+$0x0] =	vst.idx.msk $0xffff, v25  }
0x22c: {  	v25 =	vor.u32 v2, v18;
	[tilespmem:v32+s24+$0x0] =	vst.idx.msk $0xffff, v22;
	v22 =	vor.u32 v1, v18  }
0x22d: {  	[tilespmem:v23+s24+$0x0] =	vst.idx.msk $0xffff, v26  }
0x22e: {  	[tilespmem:v21+s24+$0x0] =	vst.idx.msk $0xffff, v24;
	v21 =	vor.u32 v4, v18  }
0x22f: {  	v26 =	vor.u32 v5, v18;
	[tilespmem:v19+s24+$0x0] =	vst.idx.msk $0xffff, v27  }
0x230: {  	v19 =	vld.idx.msk [tilespmem:v20+s20+$0x0], $0xffff;
	v20 =	vor.u32 v6, v18  }
0x231: {  	v23 =	vld.idx.msk [tilespmem:v25+s20+$0x0], $0xffff;
	v25 =	vor.u32 v8, v18  }
.Ltmp4:
0x232: {  	v29 =	vor.u32 v0, v17;
	v30 =	vor.u32 v7, v18;
	v24 =	vld.idx.msk [tilespmem:v22+s20+$0x0], $0xffff;
	(pc) =	sbr.rel @p1 .LBB2_7-.Ltmp4, $4  }
0x233: {  	v28 =	vor.u32 v9, v17;
	v22 =	vld.idx.msk [tilespmem:v21+s20+$0x0], $0xffff  }
0x234: {  	v27 =	vor.u32 v10, v17;
	v21 =	vld.idx.msk [tilespmem:v26+s20+$0x0], $0xffff  }
0x235: {  	v26 =	vor.u32 v11, v17;
	v18 =	vld.idx.msk [tilespmem:v20+s20+$0x0], $0xffff  }
0x236: {  	v20 =	vld.idx.msk [tilespmem:v25+s20+$0x0], $0xffff;
	v25 =	vor.u32 v12, v17  }
0x237: {  	_ =	sdelay $0x3  }
0x238: {  	v30 =	vld.idx.msk [tilespmem:v30+s20+$0x0], $0xffff;
	[tilespmem:v29+s24+$0x0] =	vst.idx.msk $0xffff, v24  }
0x239: {  	v24 =	vor.u32 v14, v17;
	[tilespmem:v28+s24+$0x0] =	vst.idx.msk $0xffff, v23  }
0x23a: {  	v17 =	vor.u32 v15, v17;
	[tilespmem:v27+s24+$0x0] =	vst.idx.msk $0xffff, v19  }
0x23b: {  	s14 =	sadd.s32 $0x2, s21;
	[tilespmem:v26+s24+$0x0] =	vst.idx.msk $0xffff, v22  }
0x23c: {  	s15 =	sshll.u32 s14, $0xA;
	s14 =	sshll.u32 s14, $0x7;
	[tilespmem:v25+s24+$0x0] =	vst.idx.msk $0xffff, v21  }
0x23d: {  	s15 =	sand.u32 $0xFFE0000, s15;
	s14 =	sand.u32 $0x3F00, s14;
	[tilespmem:v16+s24+$0x0] =	vst.idx.msk $0xffff, v18  }
0x23e: {  	s14 =	sor.u32 s14, s15;
	[tilespmem:v24+s24+$0x0] =	vst.idx.msk $0xffff, v30  }
0x23f: {  	s15 =	sadd.s32 s2, s14;
	[tilespmem:v17+s24+$0x0] =	vst.idx.msk $0xffff, v20  }
0x240: {  	[hbm4b:s15+s3] =	stream.linear.scatter [tilespmem:s24], [sflag:$0x5], $0x400, $0x38;
	[tilespmem:$0x12400] =	vst v63  }
0x241: {  	s16 =	simm.s32 $0xE800;
	s26 =	sadd.s32 s14, s7  }
0x242: {  	[hbm4b:s26+s3] =	stream.linear.scatter [tilespmem:s16], [sflag:$0x5], $0x400, $0x38;
	[tilespmem:$0x12400] =	vst v63  }
0x243: {  	s25 =	simm.s32 $0xEC00;
	s23 =	sadd.s32 s14, s8  }
0x244: {  	[hbm4b:s23+s3] =	stream.linear.scatter [tilespmem:s25], [sflag:$0x5], $0x400, $0x38;
	[tilespmem:$0x12400] =	vst v63  }
0x245: {  	s26 =	sadd.s32 s14, s9;
	s25 =	simm.s32 $0xF000  }
0x246: {  	[hbm4b:s26+s3] =	stream.linear.scatter [tilespmem:s25], [sflag:$0x5], $0x400, $0x38;
	[tilespmem:$0x12400] =	vst v63  }
0x247: {  	s23 =	sadd.s32 s14, s10;
	s26 =	simm.s32 $0xF400  }
0x248: {  	[hbm4b:s23+s3] =	stream.linear.scatter [tilespmem:s26], [sflag:$0x5], $0x400, $0x38;
	[tilespmem:$0x12400] =	vst v63  }
0x249: {  	s23 =	sadd.s32 s14, s11;
	s26 =	simm.s32 $0xF800  }
0x24a: {  	[hbm4b:s23+s3] =	stream.linear.scatter [tilespmem:s26], [sflag:$0x5], $0x400, $0x38;
	[tilespmem:$0x12400] =	vst v63  }
0x24b: {  	s15 =	sadd.s32 s14, s12;
	s23 =	simm.s32 $0xFC00  }
0x24c: {  	[hbm4b:s15+s3] =	stream.linear.scatter [tilespmem:s23], [sflag:$0x5], $0x400, $0x38;
	[tilespmem:$0x12400] =	vst v63  }
0x24d: {  	s14 =	sadd.s32 s14, s13;
	s23 =	simm.s32 $0x10000  }
0x24e: {  	[hbm4b:s14+s3] =	stream.linear.scatter [tilespmem:s23], [sflag:$0x5], $0x400, $0x38;
	[tilespmem:$0x12400] =	vst v63  }
0x24f: {  	s6 =	sadd.s32 @!p0 $0x300, s6;
	s15 =	simm.s32 @!p0 $0xA400;
	s14 =	simm.s32 @!p0 $0x80  }
0x250: {  	[tilespmem:s15], [sflag:$0x3] =	stream.indirect.gather @!p0 [hbm4b:s4+s14], $0x40, s6, s14, $0xb8;
	[tilespmem:$0x12400] =	vst v63  }
0x251: {  	_ =	swait.ge [sflag:s30], $0x2000  }
0x252: {  	[sflag:s30] =	ssyncset.done $0x0  }
0x253: {  	[sflag:s30] =	ssyncadd.s32 $0xFFFFE000  }
0x254: {  	_ =	swait.ge [sflag:s31], $0x400  }
0x255: {  	[sflag:s31] =	ssyncset.done $0x0  }
0x256: {  	[sflag:s31] =	ssyncadd.s32 $0xFFFFFC00  }
0x257: {  	_ =	swait.ge [sflag:s31], $0x400  }
0x258: {  	[sflag:s31] =	ssyncset.done $0x0  }
0x259: {  	[sflag:s31] =	ssyncadd.s32 $0xFFFFFC00  }
0x25a: {  	_ =	swait.ge [sflag:s31], $0x400  }
0x25b: {  	[sflag:s31] =	ssyncset.done $0x0  }
0x25c: {  	[sflag:s31] =	ssyncadd.s32 $0xFFFFFC00  }
0x25d: {  	_ =	swait.ge [sflag:s31], $0x400  }
0x25e: {  	[sflag:s31] =	ssyncset.done $0x0  }
0x25f: {  	[sflag:s31] =	ssyncadd.s32 $0xFFFFFC00  }
0x260: {  	_ =	swait.ge [sflag:s31], $0x400  }
0x261: {  	[sflag:s31] =	ssyncset.done $0x0  }
0x262: {  	[sflag:s31] =	ssyncadd.s32 $0xFFFFFC00  }
0x263: {  	_ =	swait.ge [sflag:s31], $0x400  }
0x264: {  	s15 =	simm.s32 $0x0;
	[sflag:s31] =	ssyncset.done $0x0  }
0x265: {  	v16 =	vadd.s32 s15, v0;
	[sflag:s31] =	ssyncadd.s32 $0xFFFFFC00  }
0x266: {  	v17 =	vand.u32 $0xF, v16;
	_ =	swait.ge [sflag:s31], $0x400  }
0x267: {  	v18 =	vor.u32 v2, v17;
	[sflag:s31] =	ssyncset.done $0x0  }
0x268: {  	v19 =	vor.u32 v4, v17;
	[sflag:s31] =	ssyncadd.s32 $0xFFFFFC00  }
0x269: {  	v20 =	vor.u32 v1, v17;
	_ =	swait.ge [sflag:s31], $0x400  }
0x26a: {  	v21 =	vor.u32 v3, v17;
	[sflag:s31] =	ssyncset.done $0x0  }
0x26b: {  	v22 =	vor.u32 v5, v17;
	[sflag:s31] =	ssyncadd.s32 $0xFFFFFC00  }
0x26c: {  	v23 =	vor.u32 v6, v17;
	v18 =	vld.idx.msk [tilespmem:v18+s22+$0x0], $0xffff  }
0x26d: {  	v24 =	vor.u32 v7, v17;
	v25 =	vshll.u32 v17, $0x7;
	v19 =	vld.idx.msk [tilespmem:v19+s22+$0x0], $0xffff  }
0x26e: {  	v26 =	vor.u32 v8, v17;
	v27 =	vor.u32 v0, v25;
	v20 =	vld.idx.msk [tilespmem:v20+s22+$0x0], $0xffff  }
0x26f: {  	v28 =	vor.u32 v9, v25;
	v21 =	vld.idx.msk [tilespmem:v21+s22+$0x0], $0xffff  }
0x270: {  	v29 =	vor.u32 v10, v25;
	v22 =	vld.idx.msk [tilespmem:v22+s22+$0x0], $0xffff  }
0x271: {  	v30 =	vor.u32 v11, v25;
	v23 =	vld.idx.msk [tilespmem:v23+s22+$0x0], $0xffff  }
0x272: {  	v31 =	vor.u32 v12, v25;
	v24 =	vld.idx.msk [tilespmem:v24+s22+$0x0], $0xffff  }
0x273: {  	v26 =	vld.idx.msk [tilespmem:v26+s22+$0x0], $0xffff;
	[tilespmem:v27+s19+$0x0] =	vst.idx.msk $0xffff, v20;
	v20 =	vor.u32 v13, v25  }
0x274: {  	v27 =	vor.u32 $0x10, v16;
	[tilespmem:v28+s19+$0x0] =	vst.idx.msk $0xffff, v18;
	v18 =	vor.u32 v14, v25  }
0x275: {  	v28 =	vand.u32 $0x1F, v27;
	[tilespmem:v29+s19+$0x0] =	vst.idx.msk $0xffff, v21;
	v21 =	vor.u32 v15, v25  }
0x276: {  	[tilespmem:v30+s19+$0x0] =	vst.idx.msk $0xffff, v19;
	v19 =	vor.u32 v3, v28  }
0x277: {  	[tilespmem:v31+s19+$0x0] =	vst.idx.msk $0xffff, v22;
	v22 =	vor.u32 v2, v28  }
0x278: {  	[tilespmem:v20+s19+$0x0] =	vst.idx.msk $0xffff, v23;
	v20 =	vor.u32 v1, v28  }
0x279: {  	v23 =	vor.u32 v6, v28;
	[tilespmem:v18+s19+$0x0] =	vst.idx.msk $0xffff, v24  }
0x27a: {  	v18 =	vor.u32 v4, v28;
	[tilespmem:v21+s19+$0x0] =	vst.idx.msk $0xffff, v26  }
0x27b: {  	v24 =	vor.u32 v8, v28;
	v19 =	vld.idx.msk [tilespmem:v19+s22+$0x0], $0xffff  }
0x27c: {  	v25 =	vshll.u32 v27, $0x7;
	v21 =	vor.u32 v5, v28;
	v22 =	vld.idx.msk [tilespmem:v22+s22+$0x0], $0xffff  }
0x27d: {  	v27 =	vor.u32 v0, v25;
	v26 =	vor.u32 v7, v28;
	v20 =	vld.idx.msk [tilespmem:v20+s22+$0x0], $0xffff  }
0x27e: {  	v28 =	vor.u32 v9, v25;
	v23 =	vld.idx.msk [tilespmem:v23+s22+$0x0], $0xffff  }
0x27f: {  	v29 =	vor.u32 v10, v25;
	v18 =	vld.idx.msk [tilespmem:v18+s22+$0x0], $0xffff  }
0x280: {  	v30 =	vor.u32 v11, v25;
	v24 =	vld.idx.msk [tilespmem:v24+s22+$0x0], $0xffff  }
0x281: {  	v31 =	vor.u32 v12, v25;
	v21 =	vld.idx.msk [tilespmem:v21+s22+$0x0], $0xffff  }
0x282: {  	v17 =	vor.u32 $0x20, v17;
	v26 =	vld.idx.msk [tilespmem:v26+s22+$0x0], $0xffff;
	[tilespmem:v27+s19+$0x0] =	vst.idx.msk $0xffff, v20;
	v20 =	vor.u32 v13, v25  }
0x283: {  	v32 =	vand.u32 $0x7, v16;
	v27 =	vand.u32 $0x28, v17;
	[tilespmem:v28+s19+$0x0] =	vst.idx.msk $0xffff, v22;
	v22 =	vor.u32 v14, v25  }
0x284: {  	[tilespmem:v29+s19+$0x0] =	vst.idx.msk $0xffff, v19;
	v19 =	vor.u32 v15, v25;
	v25 =	vor.u32 v32, v27  }
0x285: {  	[tilespmem:v30+s19+$0x0] =	vst.idx.msk $0xffff, v18;
	v18 =	vor.u32 v3, v25  }
0x286: {  	[tilespmem:v31+s19+$0x0] =	vst.idx.msk $0xffff, v21;
	v21 =	vor.u32 v2, v25  }
0x287: {  	[tilespmem:v20+s19+$0x0] =	vst.idx.msk $0xffff, v23;
	v20 =	vor.u32 v1, v25  }
0x288: {  	v23 =	vor.u32 v6, v25;
	[tilespmem:v22+s19+$0x0] =	vst.idx.msk $0xffff, v26  }
0x289: {  	v22 =	vor.u32 v4, v25;
	[tilespmem:v19+s19+$0x0] =	vst.idx.msk $0xffff, v24  }
0x28a: {  	v19 =	vor.u32 v5, v25;
	v18 =	vld.idx.msk [tilespmem:v18+s22+$0x0], $0xffff  }
0x28b: {  	v17 =	vshll.u32 v17, $0x7;
	v24 =	vor.u32 v8, v25;
	v21 =	vld.idx.msk [tilespmem:v21+s22+$0x0], $0xffff  }
0x28c: {  	v26 =	vor.u32 v0, v17;
	v25 =	vor.u32 v7, v25;
	v20 =	vld.idx.msk [tilespmem:v20+s22+$0x0], $0xffff  }
0x28d: {  	v27 =	vor.u32 v9, v17;
	v23 =	vld.idx.msk [tilespmem:v23+s22+$0x0], $0xffff  }
0x28e: {  	v28 =	vor.u32 v10, v17;
	v22 =	vld.idx.msk [tilespmem:v22+s22+$0x0], $0xffff  }
0x28f: {  	v29 =	vor.u32 v11, v17;
	v19 =	vld.idx.msk [tilespmem:v19+s22+$0x0], $0xffff  }
0x290: {  	v30 =	vor.u32 v12, v17;
	v24 =	vld.idx.msk [tilespmem:v24+s22+$0x0], $0xffff  }
0x291: {  	v25 =	vld.idx.msk [tilespmem:v25+s22+$0x0], $0xffff;
	[tilespmem:v26+s19+$0x0] =	vst.idx.msk $0xffff, v20;
	v20 =	vor.u32 v13, v17  }
0x292: {  	v16 =	vor.u32 $0x30, v16;
	[tilespmem:v27+s19+$0x0] =	vst.idx.msk $0xffff, v21;
	v21 =	vor.u32 v14, v17  }
0x293: {  	v26 =	vand.u32 $0x3F, v16;
	v17 =	vor.u32 v15, v17;
	[tilespmem:v28+s19+$0x0] =	vst.idx.msk $0xffff, v18  }
0x294: {  	v18 =	vor.u32 v3, v26;
	[tilespmem:v29+s19+$0x0] =	vst.idx.msk $0xffff, v22  }
0x295: {  	v22 =	vor.u32 v2, v26;
	[tilespmem:v30+s19+$0x0] =	vst.idx.msk $0xffff, v19  }
0x296: {  	v27 =	vor.u32 v1, v26;
	[tilespmem:v20+s19+$0x0] =	vst.idx.msk $0xffff, v23  }
0x297: {  	v20 =	vor.u32 v4, v26;
	[tilespmem:v21+s19+$0x0] =	vst.idx.msk $0xffff, v25  }
0x298: {  	v21 =	vor.u32 v5, v26;
	[tilespmem:v17+s19+$0x0] =	vst.idx.msk $0xffff, v24  }
0x299: {  	v25 =	vor.u32 v8, v26;
	v19 =	vld.idx.msk [tilespmem:v18+s22+$0x0], $0xffff  }
0x29a: {  	v18 =	vor.u32 v6, v26;
	v23 =	vld.idx.msk [tilespmem:v22+s22+$0x0], $0xffff  }
0x29b: {  	v30 =	vor.u32 v7, v26;
	v17 =	vshll.u32 v16, $0x7;
	v24 =	vld.idx.msk [tilespmem:v27+s22+$0x0], $0xffff  }
0x29c: {  	v29 =	vor.u32 v0, v17;
	v22 =	vld.idx.msk [tilespmem:v20+s22+$0x0], $0xffff  }
0x29d: {  	v28 =	vor.u32 v9, v17;
	v21 =	vld.idx.msk [tilespmem:v21+s22+$0x0], $0xffff  }
0x29e: {  	v27 =	vor.u32 v10, v17;
	v20 =	vld.idx.msk [tilespmem:v25+s22+$0x0], $0xffff  }
0x29f: {  	s6 =	simm.s32 $0x1;
	v16 =	vor.u32 v13, v17;
	v26 =	vor.u32 v11, v17;
	v25 =	vor.u32 v12, v17;
	v18 =	vld.idx.msk [tilespmem:v18+s22+$0x0], $0xffff  }
.LBB2_9:
0x2a0: {  	p1 =	sne.s32 s6, $0xF;
	v30 =	vld.idx.msk [tilespmem:v30+s22+$0x0], $0xffff;
	s14 =	smov.u32 s6;
	s6 =	sadd.s32 $0x1, s6  }
0x2a1: {  	[tilespmem:v29+s19+$0x0] =	vst.idx.msk $0xffff, v24;
	v24 =	vor.u32 v14, v17  }
0x2a2: {  	v29 =	vadd.s32 s14, v0;
	[tilespmem:v28+s19+$0x0] =	vst.idx.msk $0xffff, v23;
	v23 =	vor.u32 v15, v17  }
0x2a3: {  	v28 =	vand.u32 $0xF, v29;
	v17 =	vor.u32 $0x10, v29;
	v31 =	vor.u32 $0x30, v29;
	[tilespmem:v27+s19+$0x0] =	vst.idx.msk $0xffff, v19  }
0x2a4: {  	v27 =	vor.u32 v1, v28;
	v32 =	vor.u32 v2, v28;
	v33 =	vshll.u32 v28, $0x7;
	[tilespmem:v26+s19+$0x0] =	vst.idx.msk $0xffff, v22  }
0x2a5: {  	v34 =	vand.u32 $0x1F, v17;
	v22 =	vor.u32 v4, v28;
	v26 =	vor.u32 v5, v28;
	[tilespmem:v25+s19+$0x0] =	vst.idx.msk $0xffff, v21  }
0x2a6: {  	v35 =	vshll.u32 v17, $0x7;
	v21 =	vor.u32 v3, v28;
	v25 =	vor.u32 v7, v28;
	[tilespmem:v16+s19+$0x0] =	vst.idx.msk $0xffff, v18  }
0x2a7: {  	v36 =	vor.u32 v8, v28;
	v16 =	vor.u32 $0x20, v28;
	v18 =	vand.u32 $0x3F, v31;
	[tilespmem:v24+s19+$0x0] =	vst.idx.msk $0xffff, v30  }
0x2a8: {  	v17 =	vshll.u32 v31, $0x7;
	v24 =	vand.u32 $0x28, v16;
	v19 =	vshll.u32 v16, $0x7;
	[tilespmem:v23+s19+$0x0] =	vst.idx.msk $0xffff, v20  }
0x2a9: {  	v16 =	vor.u32 v13, v17;
	v23 =	vor.u32 v6, v28;
	v20 =	vld.idx.msk [tilespmem:v32+s22+$0x0], $0xffff  }
0x2aa: {  	v28 =	vor.u32 v0, v33;
	v22 =	vld.idx.msk [tilespmem:v22+s22+$0x0], $0xffff  }
0x2ab: {  	v30 =	vor.u32 v9, v33;
	v27 =	vld.idx.msk [tilespmem:v27+s22+$0x0], $0xffff  }
0x2ac: {  	v21 =	vld.idx.msk [tilespmem:v21+s22+$0x0], $0xffff  }
0x2ad: {  	v26 =	vld.idx.msk [tilespmem:v26+s22+$0x0], $0xffff  }
0x2ae: {  	v31 =	vor.u32 v10, v33;
	v23 =	vld.idx.msk [tilespmem:v23+s22+$0x0], $0xffff  }
0x2af: {  	v32 =	vor.u32 v11, v33;
	v25 =	vld.idx.msk [tilespmem:v25+s22+$0x0], $0xffff  }
0x2b0: {  	v37 =	vor.u32 v12, v33;
	v36 =	vld.idx.msk [tilespmem:v36+s22+$0x0], $0xffff  }
0x2b1: {  	[tilespmem:v28+s19+$0x0] =	vst.idx.msk $0xffff, v27;
	v27 =	vor.u32 v13, v33  }
0x2b2: {  	[tilespmem:v30+s19+$0x0] =	vst.idx.msk $0xffff, v20;
	v20 =	vor.u32 v14, v33  }
0x2b3: {  	[tilespmem:v31+s19+$0x0] =	vst.idx.msk $0xffff, v21;
	v21 =	vor.u32 v15, v33  }
0x2b4: {  	[tilespmem:v32+s19+$0x0] =	vst.idx.msk $0xffff, v22;
	v22 =	vor.u32 v3, v34  }
0x2b5: {  	[tilespmem:v37+s19+$0x0] =	vst.idx.msk $0xffff, v26;
	v26 =	vor.u32 v2, v34  }
0x2b6: {  	[tilespmem:v27+s19+$0x0] =	vst.idx.msk $0xffff, v23;
	v23 =	vor.u32 v1, v34  }
0x2b7: {  	[tilespmem:v20+s19+$0x0] =	vst.idx.msk $0xffff, v25;
	v20 =	vor.u32 v4, v34  }
0x2b8: {  	[tilespmem:v21+s19+$0x0] =	vst.idx.msk $0xffff, v36;
	v21 =	vor.u32 v5, v34  }
0x2b9: {  	v25 =	vor.u32 v6, v34;
	v22 =	vld.idx.msk [tilespmem:v22+s22+$0x0], $0xffff  }
0x2ba: {  	v27 =	vor.u32 v8, v34;
	v26 =	vld.idx.msk [tilespmem:v26+s22+$0x0], $0xffff  }
0x2bb: {  	v28 =	vor.u32 v7, v34;
	v23 =	vld.idx.msk [tilespmem:v23+s22+$0x0], $0xffff  }
0x2bc: {  	v30 =	vor.u32 v0, v35;
	v20 =	vld.idx.msk [tilespmem:v20+s22+$0x0], $0xffff  }
0x2bd: {  	v31 =	vor.u32 v9, v35;
	v21 =	vld.idx.msk [tilespmem:v21+s22+$0x0], $0xffff  }
0x2be: {  	v32 =	vor.u32 v10, v35;
	v25 =	vld.idx.msk [tilespmem:v25+s22+$0x0], $0xffff  }
0x2bf: {  	v33 =	vor.u32 v11, v35;
	v27 =	vld.idx.msk [tilespmem:v27+s22+$0x0], $0xffff  }
0x2c0: {  	v34 =	vor.u32 v12, v35;
	v28 =	vld.idx.msk [tilespmem:v28+s22+$0x0], $0xffff  }
0x2c1: {  	[tilespmem:v30+s19+$0x0] =	vst.idx.msk $0xffff, v23;
	v23 =	vor.u32 v13, v35  }
0x2c2: {  	v29 =	vand.u32 $0x7, v29;
	[tilespmem:v31+s19+$0x0] =	vst.idx.msk $0xffff, v26;
	v26 =	vor.u32 v14, v35  }
0x2c3: {  	v24 =	vor.u32 v29, v24;
	[tilespmem:v32+s19+$0x0] =	vst.idx.msk $0xffff, v22;
	v22 =	vor.u32 v15, v35  }
0x2c4: {  	[tilespmem:v33+s19+$0x0] =	vst.idx.msk $0xffff, v20;
	v20 =	vor.u32 v3, v24  }
0x2c5: {  	[tilespmem:v34+s19+$0x0] =	vst.idx.msk $0xffff, v21;
	v21 =	vor.u32 v2, v24  }
0x2c6: {  	[tilespmem:v23+s19+$0x0] =	vst.idx.msk $0xffff, v25;
	v23 =	vor.u32 v1, v24  }
0x2c7: {  	v25 =	vor.u32 v4, v24;
	[tilespmem:v26+s19+$0x0] =	vst.idx.msk $0xffff, v28  }
0x2c8: {  	[tilespmem:v22+s19+$0x0] =	vst.idx.msk $0xffff, v27;
	v22 =	vor.u32 v5, v24  }
0x2c9: {  	v26 =	vor.u32 v6, v24;
	v20 =	vld.idx.msk [tilespmem:v20+s22+$0x0], $0xffff  }
0x2ca: {  	v27 =	vor.u32 v8, v24;
	v21 =	vld.idx.msk [tilespmem:v21+s22+$0x0], $0xffff  }
0x2cb: {  	v24 =	vor.u32 v7, v24;
	v23 =	vld.idx.msk [tilespmem:v23+s22+$0x0], $0xffff  }
0x2cc: {  	v28 =	vor.u32 v0, v19;
	v25 =	vld.idx.msk [tilespmem:v25+s22+$0x0], $0xffff  }
0x2cd: {  	v29 =	vor.u32 v9, v19;
	v22 =	vld.idx.msk [tilespmem:v22+s22+$0x0], $0xffff  }
0x2ce: {  	v30 =	vor.u32 v10, v19;
	v26 =	vld.idx.msk [tilespmem:v26+s22+$0x0], $0xffff  }
0x2cf: {  	v31 =	vor.u32 v11, v19;
	v27 =	vld.idx.msk [tilespmem:v27+s22+$0x0], $0xffff  }
0x2d0: {  	v32 =	vor.u32 v12, v19;
	v24 =	vld.idx.msk [tilespmem:v24+s22+$0x0], $0xffff  }
0x2d1: {  	[tilespmem:v28+s19+$0x0] =	vst.idx.msk $0xffff, v23;
	v23 =	vor.u32 v13, v19  }
0x2d2: {  	[tilespmem:v29+s19+$0x0] =	vst.idx.msk $0xffff, v21;
	v21 =	vor.u32 v14, v19  }
0x2d3: {  	v19 =	vor.u32 v15, v19;
	[tilespmem:v30+s19+$0x0] =	vst.idx.msk $0xffff, v20  }
0x2d4: {  	v20 =	vor.u32 v3, v18;
	[tilespmem:v31+s19+$0x0] =	vst.idx.msk $0xffff, v25  }
0x2d5: {  	v25 =	vor.u32 v2, v18;
	[tilespmem:v32+s19+$0x0] =	vst.idx.msk $0xffff, v22;
	v22 =	vor.u32 v1, v18  }
0x2d6: {  	[tilespmem:v23+s19+$0x0] =	vst.idx.msk $0xffff, v26  }
0x2d7: {  	[tilespmem:v21+s19+$0x0] =	vst.idx.msk $0xffff, v24;
	v21 =	vor.u32 v4, v18  }
0x2d8: {  	v26 =	vor.u32 v5, v18;
	[tilespmem:v19+s19+$0x0] =	vst.idx.msk $0xffff, v27  }
0x2d9: {  	v19 =	vld.idx.msk [tilespmem:v20+s22+$0x0], $0xffff;
	v20 =	vor.u32 v6, v18  }
0x2da: {  	v23 =	vld.idx.msk [tilespmem:v25+s22+$0x0], $0xffff;
	v25 =	vor.u32 v8, v18  }
.Ltmp5:
0x2db: {  	v29 =	vor.u32 v0, v17;
	v30 =	vor.u32 v7, v18;
	v24 =	vld.idx.msk [tilespmem:v22+s22+$0x0], $0xffff;
	(pc) =	sbr.rel @p1 .LBB2_9-.Ltmp5, $4  }
0x2dc: {  	v28 =	vor.u32 v9, v17;
	v22 =	vld.idx.msk [tilespmem:v21+s22+$0x0], $0xffff  }
0x2dd: {  	v27 =	vor.u32 v10, v17;
	v21 =	vld.idx.msk [tilespmem:v26+s22+$0x0], $0xffff  }
0x2de: {  	v26 =	vor.u32 v11, v17;
	v18 =	vld.idx.msk [tilespmem:v20+s22+$0x0], $0xffff  }
0x2df: {  	v20 =	vld.idx.msk [tilespmem:v25+s22+$0x0], $0xffff;
	v25 =	vor.u32 v12, v17  }
0x2e0: {  	_ =	sdelay $0x3  }
0x2e1: {  	v30 =	vld.idx.msk [tilespmem:v30+s22+$0x0], $0xffff;
	[tilespmem:v29+s19+$0x0] =	vst.idx.msk $0xffff, v24  }
0x2e2: {  	v63 =	vor.u32 v14, v17;
	[tilespmem:v28+s19+$0x0] =	vst.idx.msk $0xffff, v23  }
0x2e3: {  	v17 =	vor.u32 v15, v17;
	[tilespmem:v27+s19+$0x0] =	vst.idx.msk $0xffff, v19  }
0x2e4: {  	s6 =	sadd.s32 $0x3, s21;
	[tilespmem:v26+s19+$0x0] =	vst.idx.msk $0xffff, v22  }
0x2e5: {  	s14 =	sshll.u32 s6, $0xA;
	s6 =	sshll.u32 s6, $0x7;
	[tilespmem:v25+s19+$0x0] =	vst.idx.msk $0xffff, v21  }
0x2e6: {  	s14 =	sand.u32 $0xFFE0000, s14;
	s6 =	sand.u32 $0x3F80, s6;
	[tilespmem:v16+s19+$0x0] =	vst.idx.msk $0xffff, v18  }
0x2e7: {  	s6 =	sor.u32 s6, s14;
	[tilespmem:v63+s19+$0x0] =	vst.idx.msk $0xffff, v30  }
0x2e8: {  	s14 =	sadd.s32 s2, s6;
	[tilespmem:v17+s19+$0x0] =	vst.idx.msk $0xffff, v20  }
0x2e9: {  	[hbm4b:s14+s3] =	stream.linear.scatter [tilespmem:s19], [sflag:$0x6], $0x400, $0x38;
	[tilespmem:$0x12400] =	vst v63  }
0x2ea: {  	s15 =	simm.s32 $0x10800;
	s21 =	sadd.s32 s6, s7  }
0x2eb: {  	[hbm4b:s21+s3] =	stream.linear.scatter [tilespmem:s15], [sflag:$0x6], $0x400, $0x38;
	[tilespmem:$0x12400] =	vst v63  }
0x2ec: {  	s15 =	sadd.s32 s6, s8;
	s21 =	simm.s32 $0x10C00  }
0x2ed: {  	[hbm4b:s15+s3] =	stream.linear.scatter [tilespmem:s21], [sflag:$0x6], $0x400, $0x38;
	[tilespmem:$0x12400] =	vst v63  }
0x2ee: {  	s15 =	sadd.s32 s6, s9;
	s21 =	simm.s32 $0x11000  }
0x2ef: {  	[hbm4b:s15+s3] =	stream.linear.scatter [tilespmem:s21], [sflag:$0x6], $0x400, $0x38;
	[tilespmem:$0x12400] =	vst v63  }
0x2f0: {  	s15 =	sadd.s32 s6, s10;
	s21 =	simm.s32 $0x11400  }
0x2f1: {  	[hbm4b:s15+s3] =	stream.linear.scatter [tilespmem:s21], [sflag:$0x6], $0x400, $0x38;
	[tilespmem:$0x12400] =	vst v63  }
0x2f2: {  	s15 =	sadd.s32 s6, s11;
	s21 =	simm.s32 $0x11800  }
0x2f3: {  	[hbm4b:s15+s3] =	stream.linear.scatter [tilespmem:s21], [sflag:$0x6], $0x400, $0x38;
	[tilespmem:$0x12400] =	vst v63  }
.Ltmp6:
0x2f4: {  	_ = 	snop;
	(pc) =	sbr.rel @p0 .LBB2_12-.Ltmp6, $4  }
0x2f5: {  	s15 =	sadd.s32 s6, s12;
	s21 =	simm.s32 $0x11C00  }
0x2f6: {  	[hbm4b:s15+s3] =	stream.linear.scatter [tilespmem:s21], [sflag:$0x6], $0x400, $0x38;
	[tilespmem:$0x12400] =	vst v63  }
0x2f7: {  	s6 =	sadd.s32 s6, s13;
	s21 =	simm.s32 $0x12000  }
0x2f8: {  	[hbm4b:s6+s3] =	stream.linear.scatter [tilespmem:s21], [sflag:$0x6], $0x400, $0x38;
	[tilespmem:$0x12400] =	vst v63  }
.Ltmp7:
0x2f9: {  	(pc) =	sbr.rel .LBB2_2-.Ltmp7, $4  }
0x2fa: {  	s6 =	sshll.u32 s0, $0x9  }
0x2fb: {  	s6 =	sand.u32 $0x3FFFFE00, s6  }
0x2fc: {  	s14 =	simm.s32 $0x80;
	s0 =	sadd.s32 $0x1, s0;
	s6 =	sadd.s32 $0x380, s6  }
0x2fd: {  	[tilespmem:s22], [sflag:$0x4] =	stream.indirect.gather [hbm4b:s4+s14], $0x40, s6, s14, $0xb8;
	[tilespmem:$0x12400] =	vst v63  }
.LBB2_13:
0x2fe: {  	_ =	sfence.sel $0x180000  }
0x2ff: {  	[bflag:$0x0] =	sbarrier.arrive $0xFFFF  }
0x300: {  	_ =	strace $0x90000047  }
0x301: {  	s0 =	stileid.u32;
	[bflag:$0x2] =	sbarrier.arrive $0xFFFF  }
0x302: {  	p0 =	sne.s32 s0, $0x0;
	s0 =	rddreg [dreg:$0x3]  }
0x303: {  	s0 =	sadd.s32 @!p0 $0x100000, s0  }
0x304: {  	[sflag:s0] =	ssyncadd.tile.s32 @!p0 $0x1;
	_ =	shalt  }
.Lfunc_end2:
_tile_overlayer_lowered:
.L_overlay_start_2:
0x305: {  	(tag) =	ssettag $0x2  }
0x306: {  	s0 =	rddreg [dreg:$0x0];
	s2 =	stileid.u32  }
0x307: {  	s1 =	rddreg [dreg:$0x1];
	p0 =	sne.s32 s2, $0x0  }
0x308: {  	s3 =	rddreg [dreg:$0x2];
	[bflag:$0x3] =	sbarrier.arrive $0xFFFF;
	s2 =	simm.s32 @!p0 $0x1C07  }
0x309: {  	[timem:s3], [sflag:s2] =	dma.local @!p0 [hbm:s0], s1  }
0x30a: {  	s0 =	simm.s32 @!p0 $0x7  }
0x30b: {  	_ =	swait.ge @!p0 [sflag:s0], s1  }
0x30c: {  	s1 =	ssub.s32 @!p0 $0x0, s1;
	[sflag:s0] =	ssyncset.done @!p0 $0x0  }
0x30d: {  	[sflag:s0] =	ssyncadd.s32 @!p0 s1  }
0x30e: {  	[bflag:$0x3] =	sbarrier.arrive $0xFFFF  }
0x30f: {  	_ =	shalt  }

</sc_bundles>
